<compile_context>
chip_gen: v7x
topology: tpu7x:2x2x1
jax: 0.10.2.dev20260603
libtpu: 0.0.44.dev20260713+nightly
codegen_flags: <defaults>
</compile_context>

<pallas_src>
import functools

import jax
import jax.numpy as jnp
from jax import lax
from jax.experimental import pallas as pl
from jax.experimental.pallas import tpu as pltpu
from jax.experimental.pallas import tpu_sc as plsc

_HI = lax.Precision.HIGHEST


def _dot(a, b):
    return jnp.dot(a, b, precision=_HI, preferred_element_type=jnp.float32)


def _layer_norm(xb, g, b):
    mu = jnp.mean(xb, axis=1, keepdims=True)
    xc = xb - mu
    var = jnp.mean(xc * xc, axis=1, keepdims=True)
    return xc * lax.rsqrt(var + 1e-5) * g + b


def _proj_body(x_ref, g_ref, b_ref, wq_ref, bq_ref, wk_ref, bk_ref,
               wv_ref, bv_ref, ws_ref, bs_ref,
               q_ref, k_ref, v_ref, s_ref, *, c_dim):
    y = _layer_norm(x_ref[...], g_ref[...], b_ref[...])
    q_ref[...] = (_dot(y, wq_ref[...]) + bq_ref[...]) * (c_dim ** -0.5)
    k_ref[...] = _dot(y, wk_ref[...]) + bk_ref[...]
    v_ref[...] = _dot(y, wv_ref[...]) + bv_ref[...]
    s_ref[...] = _dot(y, ws_ref[...]) + bs_ref[...]


def _edge_mm_body(a_ref, we_ref, e_ref):
    e_ref[...] = _dot(a_ref[...], we_ref[...])


def _mlp_body(x_ref, m_ref, sk_ref, sel_ref, g_ref, b_ref,
              w1_ref, b1_ref, w2_ref, b2_ref, o_ref, *, d_dim):
    acc = m_ref[0] + m_ref[1]
    den_exp = _dot(acc[:, d_dim:], sel_ref[...])
    conv = acc[:, :d_dim] / (den_exp + 1e-16)
    x2 = x_ref[...] + conv + sk_ref[...]
    y = _layer_norm(x2, g_ref[...], b_ref[...])
    hmid = _dot(y, w1_ref[...]) + b1_ref[...]
    gel = 0.5 * hmid * (1.0 + lax.erf(hmid * (2.0 ** -0.5)))
    o_ref[...] = x2 + _dot(gel, w2_ref[...]) + b2_ref[...]


def kernel(x, edge_index, edge_attr, ln1_g, ln1_b, ln2_g, ln2_b,
           Wq, bq, Wk, bk, Wv, bv, We, Wskip, bskip, W1, b1, W2, b2):
    N, D = x.shape
    E = edge_index.shape[1]
    EDIM = edge_attr.shape[1]
    HID = W1.shape[1]
    H = 8
    C = D // H

    src = edge_index[0]
    dst = edge_index[1]

    g1 = ln1_g.reshape(1, D)
    b1n = ln1_b.reshape(1, D)
    g2 = ln2_g.reshape(1, D)
    b2n = ln2_b.reshape(1, D)
    bqr = bq.reshape(1, D)
    bkr = bk.reshape(1, D)
    bvr = bv.reshape(1, D)
    bsr = bskip.reshape(1, D)
    b1r = b1.reshape(1, HID)
    b2r = b2.reshape(1, D)

    BN = 1000
    grid_n = N // BN
    row_spec = pl.BlockSpec((BN, D), lambda i: (i, 0))
    vec_spec = pl.BlockSpec((1, D), lambda i: (0, 0))
    mat_spec = pl.BlockSpec((D, D), lambda i: (0, 0))
    f32 = jnp.float32

    qs, kk, vv, sk = pl.pallas_call(
        functools.partial(_proj_body, c_dim=C),
        grid=(grid_n,),
        in_specs=[row_spec, vec_spec, vec_spec,
                  mat_spec, vec_spec, mat_spec, vec_spec,
                  mat_spec, vec_spec, mat_spec, vec_spec],
        out_specs=[row_spec] * 4,
        out_shape=[jax.ShapeDtypeStruct((N, D), f32)] * 4,
    )(x, g1, b1n, Wq, bqr, Wk, bkr, Wv, bvr, Wskip, bsr)

    BE = 2000
    grid_e = E // BE
    e_arr = pl.pallas_call(
        _edge_mm_body,
        grid=(grid_e,),
        in_specs=[pl.BlockSpec((BE, EDIM), lambda i: (i, 0)),
                  pl.BlockSpec((EDIM, D), lambda i: (0, 0))],
        out_specs=pl.BlockSpec((BE, D), lambda i: (i, 0)),
        out_shape=jax.ShapeDtypeStruct((E, D), f32),
    )(edge_attr, We)

    NC, NS = 2, 16
    NW = NC * NS
    EPW = E // NW
    B = 80
    HB = B // 2
    NBLK = EPW // B
    ZR = 32
    NP = ((N + NS * ZR - 1) // (NS * ZR)) * NS * ZR
    RPT = NP // NS
    NZ = RPT // ZR

    mesh = plsc.VectorSubcoreMesh(core_axis_name="c", subcore_axis_name="s",
                                  num_cores=NC, num_subcores=NS)

    DW = D + C

    @functools.partial(
        pl.kernel,
        out_type=jax.ShapeDtypeStruct((NC, NP, DW), f32),
        mesh=mesh,
        compiler_params=pltpu.CompilerParams(needs_layout_passes=False,
                                             use_tc_tiling_on_sc=False),
        scratch_types=[
            pltpu.VMEM((B,), jnp.int32),
            pltpu.VMEM((B,), jnp.int32),
            pltpu.VMEM((HB, D), f32),
            pltpu.VMEM((HB, D), f32),
            pltpu.VMEM((HB, D), f32),
            pltpu.VMEM((HB, D), f32),
            pltpu.VMEM((B, DW), f32),
            pltpu.VMEM((ZR,), jnp.int32),
            pltpu.VMEM_SHARED((NP, DW), f32),
            pltpu.SemaphoreType.DMA,
            pltpu.SemaphoreType.DMA,
            pltpu.SemaphoreType.DMA,
        ],
    )
    def _conv(q_hbm, k_hbm, v_hbm, e_hbm, src_hbm, dst_hbm, rows_hbm,
              msg_out,
              src_v, dst_v, k_v, q_v, v_v, e_v, msg_v, idx_v,
              acc_msg, sem0, sem1, sem2):
        cid = lax.axis_index("c")
        sid = lax.axis_index("s")
        wid = cid * NS + sid
        lane = lax.iota(jnp.int32, 16)
        fifteen = jnp.full((16, 1), 15, jnp.int32)
        gdn = lax.GatherDimensionNumbers(
            offset_dims=(), collapsed_slice_dims=(0,), start_index_map=(0,))
        zeros16 = jnp.zeros((16,), f32)

        def _bcast_last(vec):
            return lax.gather(vec, fifteen, gdn, (1,),
                              mode=lax.GatherScatterMode.PROMISE_IN_BOUNDS)

        def _zrow(i, carry):
            for j in range(DW // 16):
                msg_v[i, pl.ds(j * 16, 16)] = zeros16
            return carry
        lax.fori_loop(0, ZR, _zrow, 0)

        r0 = sid * RPT

        def _zacc(t, carry):
            rr = r0 + t * ZR
            pltpu.sync_copy(rows_hbm.at[pl.ds(rr, ZR)], idx_v)
            pltpu.sync_copy(msg_v.at[pl.ds(0, ZR)], acc_msg.at[idx_v])
            return carry
        lax.fori_loop(0, NZ, _zacc, 0)
        plsc.subcore_barrier()

        base0 = wid * EPW

        Q = 16
        NQ = B // Q
        sems = (sem0, sem1)

        def _blk(blk, carry):
            base = base0 + blk * B
            pltpu.sync_copy(src_hbm.at[pl.ds(base, B)], src_v)
            pltpu.sync_copy(dst_hbm.at[pl.ds(base, B)], dst_v)

            def _issue(j):
                o, s = j * Q, (j % 2) * Q
                sem = sems[j % 2]
                return (
                    pltpu.async_copy(
                        k_hbm.at[src_v.at[pl.ds(o, Q)]],
                        k_v.at[pl.ds(s, Q)], sem),
                    pltpu.async_copy(
                        q_hbm.at[dst_v.at[pl.ds(o, Q)]],
                        q_v.at[pl.ds(s, Q)], sem),
                    pltpu.async_copy(
                        v_hbm.at[src_v.at[pl.ds(o, Q)]],
                        v_v.at[pl.ds(s, Q)], sem),
                    pltpu.async_copy(
                        e_hbm.at[pl.ds(base + o, Q)],
                        e_v.at[pl.ds(s, Q)], sem),
                )

            cps = _issue(0)
            for j in range(NQ):
                nxt = _issue(j + 1) if j + 1 < NQ else None
                for cp in cps:
                    cp.wait()
                off, s0 = j * Q, (j % 2) * Q

                def _edge(i, icarry, off=off, s0=s0):
                    sls = [pl.ds(h * 16, 16) for h in range(H)]
                    eh = [e_v[s0 + i, sls[h]] for h in range(H)]
                    prod = [q_v[s0 + i, sls[h]] * (k_v[s0 + i, sls[h]]
                                                   + eh[h]) for h in range(H)]
                    cs = [plsc.cumsum(prod[h]) for h in range(H)]
                    ex = [jnp.exp(_bcast_last(cs[h])) for h in range(H)]
                    vpe = [v_v[s0 + i, sls[h]] + eh[h] for h in range(H)]
                    dacc = zeros16
                    for h in range(H):
                        msg_v[off + i, sls[h]] = vpe[h] * ex[h]
                        dacc = dacc + jnp.where(lane == h, ex[h], 0.0)
                    msg_v[off + i, pl.ds(D, 16)] = dacc
                    return icarry
                lax.fori_loop(0, Q, _edge, 0)
                cps = nxt

            pltpu.sync_copy(msg_v, acc_msg.at[dst_v], add=True)
            return carry
        lax.fori_loop(0, NBLK, _blk, 0)
        plsc.subcore_barrier()

        def _drain(t, carry):
            rr = r0 + t * ZR
            pltpu.sync_copy(rows_hbm.at[pl.ds(rr, ZR)], idx_v)
            pltpu.async_copy(acc_msg.at[idx_v], msg_v.at[pl.ds(0, ZR)],
                             sem0).wait()
            pltpu.sync_copy(msg_v.at[pl.ds(0, ZR)],
                            msg_out.at[cid, pl.ds(rr, ZR)])
            return carry
        lax.fori_loop(0, NZ, _drain, 0)

    row_ids = jnp.arange(NP, dtype=jnp.int32)
    msg_p = _conv(qs, kk, vv, e_arr, src, dst, row_ids)

    cols = jnp.arange(D, dtype=jnp.int32)
    heads = jnp.arange(C, dtype=jnp.int32)
    sel = ((cols[None, :] // C) == heads[:, None]).astype(f32)

    out = pl.pallas_call(
        functools.partial(_mlp_body, d_dim=D),
        grid=(grid_n,),
        in_specs=[row_spec,
                  pl.BlockSpec((2, BN, DW), lambda i: (0, i, 0)),
                  row_spec,
                  pl.BlockSpec((C, D), lambda i: (0, 0)),
                  vec_spec, vec_spec,
                  pl.BlockSpec((D, HID), lambda i: (0, 0)),
                  pl.BlockSpec((1, HID), lambda i: (0, 0)),
                  pl.BlockSpec((HID, D), lambda i: (0, 0)),
                  vec_spec],
        out_specs=row_spec,
        out_shape=jax.ShapeDtypeStruct((N, D), f32),
    )(x, msg_p, sk, sel, g2, b2n, W1, b1r, W2, b2r)
    return out

# --- scband reference (transcript-rebuilt; emitter-appended) ---
"""Pipeline reference for scband-encoder-block-19275813224451 (READ-ONLY COPY).

The authoritative reference and input builder live on the scoring server;
editing this copy changes nothing except your own understanding.
"""

import jax, jax.numpy as jnp
import numpy as np
import math

N = 10000
E = 320000
D = 128
H = 8
C = D // H
EDGE_DIM = 16
HIDDEN = int(D * 2.0)


def setup_inputs(seed: int = 0) -> dict:
    key = jax.random.key(seed)
    ks = jax.random.split(key, 24)
    inp = {}
    inp['x'] = jax.random.normal(ks[0], (N, D), dtype=jnp.float32)
    inp['edge_index'] = jax.random.randint(ks[1], (2, E), 0, N, dtype=jnp.int64 if jax.config.jax_enable_x64 else jnp.int32).astype(jnp.int32)
    inp['edge_attr'] = jax.random.normal(ks[2], (E, EDGE_DIM), dtype=jnp.float32)
    s = 0.05
    inp['ln1_g'] = jnp.ones((D,), jnp.float32)
    inp['ln1_b'] = jnp.zeros((D,), jnp.float32)
    inp['ln2_g'] = jnp.ones((D,), jnp.float32)
    inp['ln2_b'] = jnp.zeros((D,), jnp.float32)
    inp['Wq'] = jax.random.normal(ks[3], (D, D), jnp.float32) * s
    inp['bq'] = jnp.zeros((D,), jnp.float32)
    inp['Wk'] = jax.random.normal(ks[4], (D, D), jnp.float32) * s
    inp['bk'] = jnp.zeros((D,), jnp.float32)
    inp['Wv'] = jax.random.normal(ks[5], (D, D), jnp.float32) * s
    inp['bv'] = jnp.zeros((D,), jnp.float32)
    inp['We'] = jax.random.normal(ks[6], (EDGE_DIM, D), jnp.float32) * s
    inp['Wskip'] = jax.random.normal(ks[7], (D, D), jnp.float32) * s
    inp['bskip'] = jnp.zeros((D,), jnp.float32)
    inp['W1'] = jax.random.normal(ks[8], (D, HIDDEN), jnp.float32) * s
    inp['b1'] = jnp.zeros((HIDDEN,), jnp.float32)
    inp['W2'] = jax.random.normal(ks[9], (HIDDEN, D), jnp.float32) * s
    inp['b2'] = jnp.zeros((D,), jnp.float32)
    return inp


def _layer_norm(x, g, b, eps=1e-5):
    mu = jnp.mean(x, axis=-1, keepdims=True)
    var = jnp.mean((x - mu) ** 2, axis=-1, keepdims=True)
    return (x - mu) / jnp.sqrt(var + eps) * g + b


def _transformer_conv(y, src, dst, edge_attr, Wq, bq, Wk, bk, Wv, bv, We, Wskip, bskip):
    n = y.shape[0]
    q = (y @ Wq + bq).reshape(n, H, C)
    k = (y @ Wk + bk).reshape(n, H, C)
    v = (y @ Wv + bv).reshape(n, H, C)
    e = (edge_attr @ We).reshape(-1, H, C)
    key_j = k[src] + e
    query_i = q[dst]
    alpha = jnp.sum(query_i * key_j, axis=-1) / math.sqrt(C)  # [E, H]
    m = jax.ops.segment_max(alpha, dst, num_segments=n)
    m = jnp.where(jnp.isfinite(m), m, 0.0)
    ex = jnp.exp(alpha - m[dst])
    denom = jax.ops.segment_sum(ex, dst, num_segments=n)
    a = ex / (denom[dst] + 1e-16)
    msg = (v[src] + e) * a[..., None]
    out = jax.ops.segment_sum(msg, dst, num_segments=n).reshape(n, H * C)
    out = out + (y @ Wskip + bskip)
    return out


def reference(x, edge_index, edge_attr, ln1_g, ln1_b, ln2_g, ln2_b, Wq, bq, Wk, bk, Wv, bv, We, Wskip, bskip, W1, b1, W2, b2):
    src = edge_index[0]
    dst = edge_index[1]
    y = _layer_norm(x, ln1_g, ln1_b)
    y = _transformer_conv(y, src, dst, edge_attr, Wq, bq, Wk, bk, Wv, bv, We, Wskip, bskip)
    x = x + y
    y = _layer_norm(x, ln2_g, ln2_b)
    h = jax.nn.gelu(y @ W1 + b1, approximate=False)
    y = h @ W2 + b2
    return x + y

if __name__ == "__main__":
    import jax
    _d = setup_inputs()
    print(jax.jit(kernel)(*tuple(_d.values())))

</pallas_src>

<mosaic_0001>
#map = affine_map<(d0, d1) -> (0, 0)>
#map1 = affine_map<(d0, d1) -> (0)>
#map2 = affine_map<(d0, d1) -> (0, 0, 0)>
module attributes {stable_mosaic.version = 14 : i64} {
  func.func @_conv(%arg0: i32, %arg1: i32, %arg2: memref<10000x128xf32, #tpu.memory_space<hbm>>, %arg3: memref<10000x128xf32, #tpu.memory_space<hbm>>, %arg4: memref<10000x128xf32, #tpu.memory_space<hbm>>, %arg5: memref<320000x128xf32, #tpu.memory_space<hbm>>, %arg6: memref<320000xi32, #tpu.memory_space<hbm>>, %arg7: memref<320000xi32, #tpu.memory_space<hbm>>, %arg8: memref<10240xi32, #tpu.memory_space<hbm>>, %arg9: memref<2x10240x144xf32, #tpu.memory_space<hbm>>, %arg10: memref<80xi32, #tpu.memory_space<vmem>>, %arg11: memref<80xi32, #tpu.memory_space<vmem>>, %arg12: memref<40x128xf32, #tpu.memory_space<vmem>>, %arg13: memref<40x128xf32, #tpu.memory_space<vmem>>, %arg14: memref<40x128xf32, #tpu.memory_space<vmem>>, %arg15: memref<40x128xf32, #tpu.memory_space<vmem>>, %arg16: memref<80x144xf32, #tpu.memory_space<vmem>>, %arg17: memref<32xi32, #tpu.memory_space<vmem>>, %arg18: memref<10240x144xf32, #tpu.memory_space<vmem_shared>>, %arg19: memref<!tpu.dma_semaphore, #tpu.memory_space<semaphore_mem>>, %arg20: memref<!tpu.dma_semaphore, #tpu.memory_space<semaphore_mem>>, %arg21: memref<!tpu.dma_semaphore, #tpu.memory_space<semaphore_mem>>) attributes {dimension_semantics = [#tpu.dimension_semantics<core_parallel>, #tpu.dimension_semantics<subcore_parallel>], iteration_bounds = array<i64: 2, 16>, scalar_prefetch = 0 : i64, scratch_operands = 12 : i64, tpu.core_type = #tpu.core_type<sc_vector_subcore>, window_params = [{transform_indices = #map}, {transform_indices = #map}, {transform_indices = #map}, {transform_indices = #map}, {transform_indices = #map1}, {transform_indices = #map1}, {transform_indices = #map1}, {transform_indices = #map2}]} {
    %mul3A = arith.constant 16 : i32
    %mul3A_0 = arith.muli %arg0, %mul3A : i32
    %add3A = arith.addi %mul3A_0, %arg1 : i32
    %iota3A = tpu.iota {dimensions = array<i32: 0>} : vector<16xi32>
    %broadcast_in_dim3A = arith.constant 15 : i32
    %broadcast_in_dim3A_1 = vector.broadcast %broadcast_in_dim3A : i32 to vector<16x1xi32>
    %broadcast_in_dim3A_2 = arith.constant 0.000000e+00 : f32
    %broadcast_in_dim3A_3 = vector.broadcast %broadcast_in_dim3A_2 : f32 to vector<16xf32>
    %scan3A = arith.constant 0 : i32
    %scan3A_4 = arith.constant 0 : i32
    %scan3A_5 = arith.constant 32 : i32
    %scan3A_6 = arith.addi %scan3A_4, %scan3A_5 : i32
    %scan3A_7 = arith.constant 1 : i32
    scf.for %scan3A_32 = %scan3A_4 to %scan3A_6 step %scan3A_7  : i32 {
      %swap3A = arith.index_cast %scan3A_32 : i32 to index
      %swap3A_33 = arith.constant 0 : index
      %swap3A_34 = tpu.vector_load %arg16[%swap3A, %swap3A_33] {strides = array<i32>} : memref<80x144xf32, #tpu.memory_space<vmem>>, vector<16xf32>,
      tpu.vector_store %arg16[%swap3A, %swap3A_33], %broadcast_in_dim3A_3 {strides = array<i32>} : memref<80x144xf32, #tpu.memory_space<vmem>>, vector<16xf32>,
      %swap3A_35 = arith.index_cast %scan3A_32 : i32 to index
      %swap3A_36 = arith.constant 16 : index
      %swap3A_37 = tpu.vector_load %arg16[%swap3A_35, %swap3A_36] {strides = array<i32>} : memref<80x144xf32, #tpu.memory_space<vmem>>, vector<16xf32>,
      tpu.vector_store %arg16[%swap3A_35, %swap3A_36], %broadcast_in_dim3A_3 {strides = array<i32>} : memref<80x144xf32, #tpu.memory_space<vmem>>, vector<16xf32>,
      %swap3A_38 = arith.index_cast %scan3A_32 : i32 to index
      %swap3A_39 = arith.constant 32 : index
      %swap3A_40 = tpu.vector_load %arg16[%swap3A_38, %swap3A_39] {strides = array<i32>} : memref<80x144xf32, #tpu.memory_space<vmem>>, vector<16xf32>,
      tpu.vector_store %arg16[%swap3A_38, %swap3A_39], %broadcast_in_dim3A_3 {strides = array<i32>} : memref<80x144xf32, #tpu.memory_space<vmem>>, vector<16xf32>,
      %swap3A_41 = arith.index_cast %scan3A_32 : i32 to index
      %swap3A_42 = arith.constant 48 : index
      %swap3A_43 = tpu.vector_load %arg16[%swap3A_41, %swap3A_42] {strides = array<i32>} : memref<80x144xf32, #tpu.memory_space<vmem>>, vector<16xf32>,
      tpu.vector_store %arg16[%swap3A_41, %swap3A_42], %broadcast_in_dim3A_3 {strides = array<i32>} : memref<80x144xf32, #tpu.memory_space<vmem>>, vector<16xf32>,
      %swap3A_44 = arith.index_cast %scan3A_32 : i32 to index
      %swap3A_45 = arith.constant 64 : index
      %swap3A_46 = tpu.vector_load %arg16[%swap3A_44, %swap3A_45] {strides = array<i32>} : memref<80x144xf32, #tpu.memory_space<vmem>>, vector<16xf32>,
      tpu.vector_store %arg16[%swap3A_44, %swap3A_45], %broadcast_in_dim3A_3 {strides = array<i32>} : memref<80x144xf32, #tpu.memory_space<vmem>>, vector<16xf32>,
      %swap3A_47 = arith.index_cast %scan3A_32 : i32 to index
      %swap3A_48 = arith.constant 80 : index
      %swap3A_49 = tpu.vector_load %arg16[%swap3A_47, %swap3A_48] {strides = array<i32>} : memref<80x144xf32, #tpu.memory_space<vmem>>, vector<16xf32>,
      tpu.vector_store %arg16[%swap3A_47, %swap3A_48], %broadcast_in_dim3A_3 {strides = array<i32>} : memref<80x144xf32, #tpu.memory_space<vmem>>, vector<16xf32>,
      %swap3A_50 = arith.index_cast %scan3A_32 : i32 to index
      %swap3A_51 = arith.constant 96 : index
      %swap3A_52 = tpu.vector_load %arg16[%swap3A_50, %swap3A_51] {strides = array<i32>} : memref<80x144xf32, #tpu.memory_space<vmem>>, vector<16xf32>,
      tpu.vector_store %arg16[%swap3A_50, %swap3A_51], %broadcast_in_dim3A_3 {strides = array<i32>} : memref<80x144xf32, #tpu.memory_space<vmem>>, vector<16xf32>,
      %swap3A_53 = arith.index_cast %scan3A_32 : i32 to index
      %swap3A_54 = arith.constant 112 : index
      %swap3A_55 = tpu.vector_load %arg16[%swap3A_53, %swap3A_54] {strides = array<i32>} : memref<80x144xf32, #tpu.memory_space<vmem>>, vector<16xf32>,
      tpu.vector_store %arg16[%swap3A_53, %swap3A_54], %broadcast_in_dim3A_3 {strides = array<i32>} : memref<80x144xf32, #tpu.memory_space<vmem>>, vector<16xf32>,
      %swap3A_56 = arith.index_cast %scan3A_32 : i32 to index
      %swap3A_57 = arith.constant 128 : index
      %swap3A_58 = tpu.vector_load %arg16[%swap3A_56, %swap3A_57] {strides = array<i32>} : memref<80x144xf32, #tpu.memory_space<vmem>>, vector<16xf32>,
      tpu.vector_store %arg16[%swap3A_56, %swap3A_57], %broadcast_in_dim3A_3 {strides = array<i32>} : memref<80x144xf32, #tpu.memory_space<vmem>>, vector<16xf32>,
    }
    %scan3A_8 = arith.constant 32 : i32
    %mul3A_9 = arith.constant 640 : i32
    %mul3A_10 = arith.muli %arg1, %mul3A_9 : i32
    %scan3A_11 = arith.constant 0 : i32
    %scan3A_12 = arith.constant 0 : i32
    %scan3A_13 = arith.constant 20 : i32
    %scan3A_14 = arith.addi %scan3A_12, %scan3A_13 : i32
    %scan3A_15 = arith.constant 1 : i32
    scf.for %scan3A_32 = %scan3A_12 to %scan3A_14 step %scan3A_15  : i32 {
      %mul3A_33 = arith.constant 32 : i32
      %mul3A_34 = arith.muli %scan3A_32, %mul3A_33 : i32
      %add3A_35 = arith.addi %mul3A_10, %mul3A_34 : i32
      "tpu.region"() ({
        %run_scoped3A = tpu.sem_alloc : memref<!tpu.dma_semaphore, #tpu.memory_space<semaphore_mem>>
        %dma_start3A = tpu.memref_slice %arg8[%add3A_35] : memref<10240xi32, #tpu.memory_space<hbm>> -> memref<32xi32, #tpu.memory_space<hbm>>
        %dma_start3A_36 = tpu.memref_slice %arg8[%add3A_35] : memref<10240xi32, #tpu.memory_space<hbm>> -> memref<32xi32, #tpu.memory_space<hbm>>
        tpu.enqueue_dma source(%dma_start3A_36 : memref<32xi32, #tpu.memory_space<hbm>>) target(%arg17 : memref<32xi32, #tpu.memory_space<vmem>>) target_semaphore(%run_scoped3A : memref<!tpu.dma_semaphore, #tpu.memory_space<semaphore_mem>>)
        %dma_wait3A = tpu.memref_slice %arg8[%add3A_35] : memref<10240xi32, #tpu.memory_space<hbm>> -> memref<32xi32, #tpu.memory_space<hbm>>
        %dma_wait3A_37 = tpu.memref_slice %arg8[%add3A_35] : memref<10240xi32, #tpu.memory_space<hbm>> -> memref<32xi32, #tpu.memory_space<hbm>>
        tpu.wait_dma2 semaphore(%run_scoped3A : memref<!tpu.dma_semaphore, #tpu.memory_space<semaphore_mem>>) src(%dma_wait3A_37 : memref<32xi32, #tpu.memory_space<hbm>>) dst(%arg17 : memref<32xi32, #tpu.memory_space<vmem>>)
        tpu.yield
      }) : () -> ()
      "tpu.region"() ({
        %run_scoped3A = tpu.sem_alloc : memref<!tpu.dma_semaphore, #tpu.memory_space<semaphore_mem>>
        %dma_start3A = arith.constant 0 : i32
        %dma_start3A_36 = arith.constant 0 : i32
        %dma_start3A_37 = tpu.memref_slice %arg16[%dma_start3A, %dma_start3A_36] : memref<80x144xf32, #tpu.memory_space<vmem>> -> memref<32x144xf32, #tpu.memory_space<vmem>>
        %dma_start3A_38 = arith.constant 0 : i32
        %dma_start3A_39 = arith.constant 0 : i32
        %dma_start3A_40 = tpu.memref_slice %arg18[%dma_start3A_38, %dma_start3A_39] : memref<10240x144xf32, #tpu.memory_space<vmem_shared>> -> memref<10240x144xf32, #tpu.memory_space<vmem_shared>>
        tpu.enqueue_indirect_dma source(%dma_start3A_37 : memref<32x144xf32, #tpu.memory_space<vmem>>) target(%dma_start3A_40 : memref<10240x144xf32, #tpu.memory_space<vmem_shared>>) offsets(%arg17 : memref<32xi32, #tpu.memory_space<vmem>>) semaphore(%run_scoped3A : memref<!tpu.dma_semaphore, #tpu.memory_space<semaphore_mem>>)
        %dma_wait3A = arith.constant 0 : i32
        %dma_wait3A_41 = arith.constant 0 : i32
        %dma_wait3A_42 = tpu.memref_slice %arg16[%dma_wait3A, %dma_wait3A_41] : memref<80x144xf32, #tpu.memory_space<vmem>> -> memref<32x144xf32, #tpu.memory_space<vmem>>
        %dma_wait3A_43 = arith.constant 0 : i32
        %dma_wait3A_44 = arith.constant 0 : i32
        %dma_wait3A_45 = tpu.memref_slice %arg18[%dma_wait3A_43, %dma_wait3A_44] : memref<10240x144xf32, #tpu.memory_space<vmem_shared>> -> memref<10240x144xf32, #tpu.memory_space<vmem_shared>>
        tpu.wait_indirect_dma semaphore(%run_scoped3A : memref<!tpu.dma_semaphore, #tpu.memory_space<semaphore_mem>>) src(%dma_wait3A_42 : memref<32x144xf32, #tpu.memory_space<vmem>>) dst(%dma_wait3A_45 : memref<10240x144xf32, #tpu.memory_space<vmem_shared>>)
        tpu.yield
      }) : () -> ()
    }
    %scan3A_16 = arith.constant 20 : i32
    %barrier3A = arith.constant 0 : index
    tpu.barrier barrier_id(%barrier3A)
    %mul3A_17 = arith.constant 10000 : i32
    %mul3A_18 = arith.muli %add3A, %mul3A_17 : i32
    %scan3A_19 = arith.constant 0 : i32
    %scan3A_20 = arith.constant 0 : i32
    %scan3A_21 = arith.constant 125 : i32
    %scan3A_22 = arith.addi %scan3A_20, %scan3A_21 : i32
    %scan3A_23 = arith.constant 1 : i32
    scf.for %scan3A_32 = %scan3A_20 to %scan3A_22 step %scan3A_23  : i32 {
      %mul3A_33 = arith.constant 80 : i32
      %mul3A_34 = arith.muli %scan3A_32, %mul3A_33 : i32
      %add3A_35 = arith.addi %mul3A_18, %mul3A_34 : i32
      "tpu.region"() ({
        %run_scoped3A = tpu.sem_alloc : memref<!tpu.dma_semaphore, #tpu.memory_space<semaphore_mem>>
        %dma_start3A_414 = tpu.memref_slice %arg6[%add3A_35] : memref<320000xi32, #tpu.memory_space<hbm>> -> memref<80xi32, #tpu.memory_space<hbm>>
        %dma_start3A_415 = tpu.memref_slice %arg6[%add3A_35] : memref<320000xi32, #tpu.memory_space<hbm>> -> memref<80xi32, #tpu.memory_space<hbm>>
        tpu.enqueue_dma source(%dma_start3A_415 : memref<80xi32, #tpu.memory_space<hbm>>) target(%arg10 : memref<80xi32, #tpu.memory_space<vmem>>) target_semaphore(%run_scoped3A : memref<!tpu.dma_semaphore, #tpu.memory_space<semaphore_mem>>)
        %dma_wait3A_416 = tpu.memref_slice %arg6[%add3A_35] : memref<320000xi32, #tpu.memory_space<hbm>> -> memref<80xi32, #tpu.memory_space<hbm>>
        %dma_wait3A_417 = tpu.memref_slice %arg6[%add3A_35] : memref<320000xi32, #tpu.memory_space<hbm>> -> memref<80xi32, #tpu.memory_space<hbm>>
        tpu.wait_dma2 semaphore(%run_scoped3A : memref<!tpu.dma_semaphore, #tpu.memory_space<semaphore_mem>>) src(%dma_wait3A_417 : memref<80xi32, #tpu.memory_space<hbm>>) dst(%arg10 : memref<80xi32, #tpu.memory_space<vmem>>)
        tpu.yield
      }) : () -> ()
      "tpu.region"() ({
        %run_scoped3A = tpu.sem_alloc : memref<!tpu.dma_semaphore, #tpu.memory_space<semaphore_mem>>
        %dma_start3A_414 = tpu.memref_slice %arg7[%add3A_35] : memref<320000xi32, #tpu.memory_space<hbm>> -> memref<80xi32, #tpu.memory_space<hbm>>
        %dma_start3A_415 = tpu.memref_slice %arg7[%add3A_35] : memref<320000xi32, #tpu.memory_space<hbm>> -> memref<80xi32, #tpu.memory_space<hbm>>
        tpu.enqueue_dma source(%dma_start3A_415 : memref<80xi32, #tpu.memory_space<hbm>>) target(%arg11 : memref<80xi32, #tpu.memory_space<vmem>>) target_semaphore(%run_scoped3A : memref<!tpu.dma_semaphore, #tpu.memory_space<semaphore_mem>>)
        %dma_wait3A_416 = tpu.memref_slice %arg7[%add3A_35] : memref<320000xi32, #tpu.memory_space<hbm>> -> memref<80xi32, #tpu.memory_space<hbm>>
        %dma_wait3A_417 = tpu.memref_slice %arg7[%add3A_35] : memref<320000xi32, #tpu.memory_space<hbm>> -> memref<80xi32, #tpu.memory_space<hbm>>
        tpu.wait_dma2 semaphore(%run_scoped3A : memref<!tpu.dma_semaphore, #tpu.memory_space<semaphore_mem>>) src(%dma_wait3A_417 : memref<80xi32, #tpu.memory_space<hbm>>) dst(%arg11 : memref<80xi32, #tpu.memory_space<vmem>>)
        tpu.yield
      }) : () -> ()
      %dma_start3A = arith.constant 0 : i32
      %dma_start3A_36 = arith.constant 0 : i32
      %dma_start3A_37 = tpu.memref_slice %arg12[%dma_start3A, %dma_start3A_36] : memref<40x128xf32, #tpu.memory_space<vmem>> -> memref<16x128xf32, #tpu.memory_space<vmem>>
      %dma_start3A_38 = arith.constant 0 : i32
      %dma_start3A_39 = tpu.memref_slice %arg10[%dma_start3A_38] : memref<80xi32, #tpu.memory_space<vmem>> -> memref<16xi32, #tpu.memory_space<vmem>>
      %dma_start3A_40 = arith.constant 0 : i32
      %dma_start3A_41 = arith.constant 0 : i32
      %dma_start3A_42 = tpu.memref_slice %arg3[%dma_start3A_40, %dma_start3A_41] : memref<10000x128xf32, #tpu.memory_space<hbm>> -> memref<10000x128xf32, #tpu.memory_space<hbm>>
      tpu.enqueue_indirect_dma source(%dma_start3A_42 : memref<10000x128xf32, #tpu.memory_space<hbm>>) target(%dma_start3A_37 : memref<16x128xf32, #tpu.memory_space<vmem>>) offsets(%dma_start3A_39 : memref<16xi32, #tpu.memory_space<vmem>>) semaphore(%arg19 : memref<!tpu.dma_semaphore, #tpu.memory_space<semaphore_mem>>)
      %dma_start3A_43 = arith.constant 0 : i32
      %dma_start3A_44 = arith.constant 0 : i32
      %dma_start3A_45 = tpu.memref_slice %arg13[%dma_start3A_43, %dma_start3A_44] : memref<40x128xf32, #tpu.memory_space<vmem>> -> memref<16x128xf32, #tpu.memory_space<vmem>>
      %dma_start3A_46 = arith.constant 0 : i32
      %dma_start3A_47 = tpu.memref_slice %arg11[%dma_start3A_46] : memref<80xi32, #tpu.memory_space<vmem>> -> memref<16xi32, #tpu.memory_space<vmem>>
      %dma_start3A_48 = arith.constant 0 : i32
      %dma_start3A_49 = arith.constant 0 : i32
      %dma_start3A_50 = tpu.memref_slice %arg2[%dma_start3A_48, %dma_start3A_49] : memref<10000x128xf32, #tpu.memory_space<hbm>> -> memref<10000x128xf32, #tpu.memory_space<hbm>>
      tpu.enqueue_indirect_dma source(%dma_start3A_50 : memref<10000x128xf32, #tpu.memory_space<hbm>>) target(%dma_start3A_45 : memref<16x128xf32, #tpu.memory_space<vmem>>) offsets(%dma_start3A_47 : memref<16xi32, #tpu.memory_space<vmem>>) semaphore(%arg19 : memref<!tpu.dma_semaphore, #tpu.memory_space<semaphore_mem>>)
      %dma_start3A_51 = arith.constant 0 : i32
      %dma_start3A_52 = arith.constant 0 : i32
      %dma_start3A_53 = tpu.memref_slice %arg14[%dma_start3A_51, %dma_start3A_52] : memref<40x128xf32, #tpu.memory_space<vmem>> -> memref<16x128xf32, #tpu.memory_space<vmem>>
      %dma_start3A_54 = arith.constant 0 : i32
      %dma_start3A_55 = tpu.memref_slice %arg10[%dma_start3A_54] : memref<80xi32, #tpu.memory_space<vmem>> -> memref<16xi32, #tpu.memory_space<vmem>>
      %dma_start3A_56 = arith.constant 0 : i32
      %dma_start3A_57 = arith.constant 0 : i32
      %dma_start3A_58 = tpu.memref_slice %arg4[%dma_start3A_56, %dma_start3A_57] : memref<10000x128xf32, #tpu.memory_space<hbm>> -> memref<10000x128xf32, #tpu.memory_space<hbm>>
      tpu.enqueue_indirect_dma source(%dma_start3A_58 : memref<10000x128xf32, #tpu.memory_space<hbm>>) target(%dma_start3A_53 : memref<16x128xf32, #tpu.memory_space<vmem>>) offsets(%dma_start3A_55 : memref<16xi32, #tpu.memory_space<vmem>>) semaphore(%arg19 : memref<!tpu.dma_semaphore, #tpu.memory_space<semaphore_mem>>)
      %add3A_59 = arith.constant 0 : i32
      %add3A_60 = arith.addi %add3A_35, %add3A_59 : i32
      %dma_start3A_61 = arith.constant 0 : i32
      %dma_start3A_62 = arith.constant 0 : i32
      %dma_start3A_63 = tpu.memref_slice %arg15[%dma_start3A_61, %dma_start3A_62] : memref<40x128xf32, #tpu.memory_space<vmem>> -> memref<16x128xf32, #tpu.memory_space<vmem>>
      %dma_start3A_64 = arith.constant 0 : i32
      %dma_start3A_65 = tpu.memref_slice %arg5[%add3A_60, %dma_start3A_64] : memref<320000x128xf32, #tpu.memory_space<hbm>> -> memref<16x128xf32, #tpu.memory_space<hbm>>
      %dma_start3A_66 = arith.constant 0 : i32
      %dma_start3A_67 = arith.constant 0 : i32
      %dma_start3A_68 = tpu.memref_slice %arg15[%dma_start3A_66, %dma_start3A_67] : memref<40x128xf32, #tpu.memory_space<vmem>> -> memref<16x128xf32, #tpu.memory_space<vmem>>
      %dma_start3A_69 = arith.constant 0 : i32
      %dma_start3A_70 = tpu.memref_slice %arg5[%add3A_60, %dma_start3A_69] : memref<320000x128xf32, #tpu.memory_space<hbm>> -> memref<16x128xf32, #tpu.memory_space<hbm>>
      tpu.enqueue_dma source(%dma_start3A_70 : memref<16x128xf32, #tpu.memory_space<hbm>>) target(%dma_start3A_68 : memref<16x128xf32, #tpu.memory_space<vmem>>) target_semaphore(%arg19 : memref<!tpu.dma_semaphore, #tpu.memory_space<semaphore_mem>>)
      %dma_start3A_71 = arith.constant 16 : i32
      %dma_start3A_72 = arith.constant 0 : i32
      %dma_start3A_73 = tpu.memref_slice %arg12[%dma_start3A_71, %dma_start3A_72] : memref<40x128xf32, #tpu.memory_space<vmem>> -> memref<16x128xf32, #tpu.memory_space<vmem>>
      %dma_start3A_74 = arith.constant 16 : i32
      %dma_start3A_75 = tpu.memref_slice %arg10[%dma_start3A_74] : memref<80xi32, #tpu.memory_space<vmem>> -> memref<16xi32, #tpu.memory_space<vmem>>
      %dma_start3A_76 = arith.constant 0 : i32
      %dma_start3A_77 = arith.constant 0 : i32
      %dma_start3A_78 = tpu.memref_slice %arg3[%dma_start3A_76, %dma_start3A_77] : memref<10000x128xf32, #tpu.memory_space<hbm>> -> memref<10000x128xf32, #tpu.memory_space<hbm>>
      tpu.enqueue_indirect_dma source(%dma_start3A_78 : memref<10000x128xf32, #tpu.memory_space<hbm>>) target(%dma_start3A_73 : memref<16x128xf32, #tpu.memory_space<vmem>>) offsets(%dma_start3A_75 : memref<16xi32, #tpu.memory_space<vmem>>) semaphore(%arg20 : memref<!tpu.dma_semaphore, #tpu.memory_space<semaphore_mem>>)
      %dma_start3A_79 = arith.constant 16 : i32
      %dma_start3A_80 = arith.constant 0 : i32
      %dma_start3A_81 = tpu.memref_slice %arg13[%dma_start3A_79, %dma_start3A_80] : memref<40x128xf32, #tpu.memory_space<vmem>> -> memref<16x128xf32, #tpu.memory_space<vmem>>
      %dma_start3A_82 = arith.constant 16 : i32
      %dma_start3A_83 = tpu.memref_slice %arg11[%dma_start3A_82] : memref<80xi32, #tpu.memory_space<vmem>> -> memref<16xi32, #tpu.memory_space<vmem>>
      %dma_start3A_84 = arith.constant 0 : i32
      %dma_start3A_85 = arith.constant 0 : i32
      %dma_start3A_86 = tpu.memref_slice %arg2[%dma_start3A_84, %dma_start3A_85] : memref<10000x128xf32, #tpu.memory_space<hbm>> -> memref<10000x128xf32, #tpu.memory_space<hbm>>
      tpu.enqueue_indirect_dma source(%dma_start3A_86 : memref<10000x128xf32, #tpu.memory_space<hbm>>) target(%dma_start3A_81 : memref<16x128xf32, #tpu.memory_space<vmem>>) offsets(%dma_start3A_83 : memref<16xi32, #tpu.memory_space<vmem>>) semaphore(%arg20 : memref<!tpu.dma_semaphore, #tpu.memory_space<semaphore_mem>>)
      %dma_start3A_87 = arith.constant 16 : i32
      %dma_start3A_88 = arith.constant 0 : i32
      %dma_start3A_89 = tpu.memref_slice %arg14[%dma_start3A_87, %dma_start3A_88] : memref<40x128xf32, #tpu.memory_space<vmem>> -> memref<16x128xf32, #tpu.memory_space<vmem>>
      %dma_start3A_90 = arith.constant 16 : i32
      %dma_start3A_91 = tpu.memref_slice %arg10[%dma_start3A_90] : memref<80xi32, #tpu.memory_space<vmem>> -> memref<16xi32, #tpu.memory_space<vmem>>
      %dma_start3A_92 = arith.constant 0 : i32
      %dma_start3A_93 = arith.constant 0 : i32
      %dma_start3A_94 = tpu.memref_slice %arg4[%dma_start3A_92, %dma_start3A_93] : memref<10000x128xf32, #tpu.memory_space<hbm>> -> memref<10000x128xf32, #tpu.memory_space<hbm>>
      tpu.enqueue_indirect_dma source(%dma_start3A_94 : memref<10000x128xf32, #tpu.memory_space<hbm>>) target(%dma_start3A_89 : memref<16x128xf32, #tpu.memory_space<vmem>>) offsets(%dma_start3A_91 : memref<16xi32, #tpu.memory_space<vmem>>) semaphore(%arg20 : memref<!tpu.dma_semaphore, #tpu.memory_space<semaphore_mem>>)
      %add3A_95 = arith.constant 16 : i32
      %add3A_96 = arith.addi %add3A_35, %add3A_95 : i32
      %dma_start3A_97 = arith.constant 16 : i32
      %dma_start3A_98 = arith.constant 0 : i32
      %dma_start3A_99 = tpu.memref_slice %arg15[%dma_start3A_97, %dma_start3A_98] : memref<40x128xf32, #tpu.memory_space<vmem>> -> memref<16x128xf32, #tpu.memory_space<vmem>>
      %dma_start3A_100 = arith.constant 0 : i32
      %dma_start3A_101 = tpu.memref_slice %arg5[%add3A_96, %dma_start3A_100] : memref<320000x128xf32, #tpu.memory_space<hbm>> -> memref<16x128xf32, #tpu.memory_space<hbm>>
      %dma_start3A_102 = arith.constant 16 : i32
      %dma_start3A_103 = arith.constant 0 : i32
      %dma_start3A_104 = tpu.memref_slice %arg15[%dma_start3A_102, %dma_start3A_103] : memref<40x128xf32, #tpu.memory_space<vmem>> -> memref<16x128xf32, #tpu.memory_space<vmem>>
      %dma_start3A_105 = arith.constant 0 : i32
      %dma_start3A_106 = tpu.memref_slice %arg5[%add3A_96, %dma_start3A_105] : memref<320000x128xf32, #tpu.memory_space<hbm>> -> memref<16x128xf32, #tpu.memory_space<hbm>>
      tpu.enqueue_dma source(%dma_start3A_106 : memref<16x128xf32, #tpu.memory_space<hbm>>) target(%dma_start3A_104 : memref<16x128xf32, #tpu.memory_space<vmem>>) target_semaphore(%arg20 : memref<!tpu.dma_semaphore, #tpu.memory_space<semaphore_mem>>)
      %dma_wait3A = arith.constant 0 : i32
      %dma_wait3A_107 = arith.constant 0 : i32
      %dma_wait3A_108 = tpu.memref_slice %arg12[%dma_wait3A, %dma_wait3A_107] : memref<40x128xf32, #tpu.memory_space<vmem>> -> memref<16x128xf32, #tpu.memory_space<vmem>>
      %dma_wait3A_109 = arith.constant 0 : i32
      %dma_wait3A_110 = tpu.memref_slice %arg10[%dma_wait3A_109] : memref<80xi32, #tpu.memory_space<vmem>> -> memref<16xi32, #tpu.memory_space<vmem>>
      %dma_wait3A_111 = arith.constant 0 : i32
      %dma_wait3A_112 = arith.constant 0 : i32
      %dma_wait3A_113 = tpu.memref_slice %arg3[%dma_wait3A_111, %dma_wait3A_112] : memref<10000x128xf32, #tpu.memory_space<hbm>> -> memref<10000x128xf32, #tpu.memory_space<hbm>>
      tpu.wait_indirect_dma semaphore(%arg19 : memref<!tpu.dma_semaphore, #tpu.memory_space<semaphore_mem>>) src(%dma_wait3A_113 : memref<10000x128xf32, #tpu.memory_space<hbm>>) dst(%dma_wait3A_108 : memref<16x128xf32, #tpu.memory_space<vmem>>)
      %dma_wait3A_114 = arith.constant 0 : i32
      %dma_wait3A_115 = arith.constant 0 : i32
      %dma_wait3A_116 = tpu.memref_slice %arg13[%dma_wait3A_114, %dma_wait3A_115] : memref<40x128xf32, #tpu.memory_space<vmem>> -> memref<16x128xf32, #tpu.memory_space<vmem>>
      %dma_wait3A_117 = arith.constant 0 : i32
      %dma_wait3A_118 = tpu.memref_slice %arg11[%dma_wait3A_117] : memref<80xi32, #tpu.memory_space<vmem>> -> memref<16xi32, #tpu.memory_space<vmem>>
      %dma_wait3A_119 = arith.constant 0 : i32
      %dma_wait3A_120 = arith.constant 0 : i32
      %dma_wait3A_121 = tpu.memref_slice %arg2[%dma_wait3A_119, %dma_wait3A_120] : memref<10000x128xf32, #tpu.memory_space<hbm>> -> memref<10000x128xf32, #tpu.memory_space<hbm>>
      tpu.wait_indirect_dma semaphore(%arg19 : memref<!tpu.dma_semaphore, #tpu.memory_space<semaphore_mem>>) src(%dma_wait3A_121 : memref<10000x128xf32, #tpu.memory_space<hbm>>) dst(%dma_wait3A_116 : memref<16x128xf32, #tpu.memory_space<vmem>>)
      %dma_wait3A_122 = arith.constant 0 : i32
      %dma_wait3A_123 = arith.constant 0 : i32
      %dma_wait3A_124 = tpu.memref_slice %arg14[%dma_wait3A_122, %dma_wait3A_123] : memref<40x128xf32, #tpu.memory_space<vmem>> -> memref<16x128xf32, #tpu.memory_space<vmem>>
      %dma_wait3A_125 = arith.constant 0 : i32
      %dma_wait3A_126 = tpu.memref_slice %arg10[%dma_wait3A_125] : memref<80xi32, #tpu.memory_space<vmem>> -> memref<16xi32, #tpu.memory_space<vmem>>
      %dma_wait3A_127 = arith.constant 0 : i32
      %dma_wait3A_128 = arith.constant 0 : i32
      %dma_wait3A_129 = tpu.memref_slice %arg4[%dma_wait3A_127, %dma_wait3A_128] : memref<10000x128xf32, #tpu.memory_space<hbm>> -> memref<10000x128xf32, #tpu.memory_space<hbm>>
      tpu.wait_indirect_dma semaphore(%arg19 : memref<!tpu.dma_semaphore, #tpu.memory_space<semaphore_mem>>) src(%dma_wait3A_129 : memref<10000x128xf32, #tpu.memory_space<hbm>>) dst(%dma_wait3A_124 : memref<16x128xf32, #tpu.memory_space<vmem>>)
      %dma_wait3A_130 = arith.constant 0 : i32
      %dma_wait3A_131 = arith.constant 0 : i32
      %dma_wait3A_132 = tpu.memref_slice %arg15[%dma_wait3A_130, %dma_wait3A_131] : memref<40x128xf32, #tpu.memory_space<vmem>> -> memref<16x128xf32, #tpu.memory_space<vmem>>
      %dma_wait3A_133 = arith.constant 0 : i32
      %dma_wait3A_134 = tpu.memref_slice %arg5[%add3A_60, %dma_wait3A_133] : memref<320000x128xf32, #tpu.memory_space<hbm>> -> memref<16x128xf32, #tpu.memory_space<hbm>>
      %dma_wait3A_135 = arith.constant 0 : i32
      %dma_wait3A_136 = arith.constant 0 : i32
      %dma_wait3A_137 = tpu.memref_slice %arg15[%dma_wait3A_135, %dma_wait3A_136] : memref<40x128xf32, #tpu.memory_space<vmem>> -> memref<16x128xf32, #tpu.memory_space<vmem>>
      %dma_wait3A_138 = arith.constant 0 : i32
      %dma_wait3A_139 = tpu.memref_slice %arg5[%add3A_60, %dma_wait3A_138] : memref<320000x128xf32, #tpu.memory_space<hbm>> -> memref<16x128xf32, #tpu.memory_space<hbm>>
      tpu.wait_dma2 semaphore(%arg19 : memref<!tpu.dma_semaphore, #tpu.memory_space<semaphore_mem>>) src(%dma_wait3A_139 : memref<16x128xf32, #tpu.memory_space<hbm>>) dst(%dma_wait3A_137 : memref<16x128xf32, #tpu.memory_space<vmem>>)
      %scan3A_140 = arith.constant 0 : i32
      %scan3A_141 = arith.constant 0 : i32
      %scan3A_142 = arith.constant 16 : i32
      %scan3A_143 = arith.addi %scan3A_141, %scan3A_142 : i32
      %scan3A_144 = arith.constant 1 : i32
      scf.for %scan3A_414 = %scan3A_141 to %scan3A_143 step %scan3A_144  : i32 {
        %add3A_415 = arith.constant 0 : i32
        %add3A_416 = arith.addi %add3A_415, %scan3A_414 : i32
        %get3A = arith.index_cast %add3A_416 : i32 to index
        %get3A_417 = arith.constant 0 : index
        %get3A_418 = tpu.vector_load %arg15[%get3A, %get3A_417] {strides = array<i32>} : memref<40x128xf32, #tpu.memory_space<vmem>>, vector<16xf32>,
        %add3A_419 = arith.constant 0 : i32
        %add3A_420 = arith.addi %add3A_419, %scan3A_414 : i32
        %get3A_421 = arith.index_cast %add3A_420 : i32 to index
        %get3A_422 = arith.constant 16 : index
        %get3A_423 = tpu.vector_load %arg15[%get3A_421, %get3A_422] {strides = array<i32>} : memref<40x128xf32, #tpu.memory_space<vmem>>, vector<16xf32>,
        %add3A_424 = arith.constant 0 : i32
        %add3A_425 = arith.addi %add3A_424, %scan3A_414 : i32
        %get3A_426 = arith.index_cast %add3A_425 : i32 to index
        %get3A_427 = arith.constant 32 : index
        %get3A_428 = tpu.vector_load %arg15[%get3A_426, %get3A_427] {strides = array<i32>} : memref<40x128xf32, #tpu.memory_space<vmem>>, vector<16xf32>,
        %add3A_429 = arith.constant 0 : i32
        %add3A_430 = arith.addi %add3A_429, %scan3A_414 : i32
        %get3A_431 = arith.index_cast %add3A_430 : i32 to index
        %get3A_432 = arith.constant 48 : index
        %get3A_433 = tpu.vector_load %arg15[%get3A_431, %get3A_432] {strides = array<i32>} : memref<40x128xf32, #tpu.memory_space<vmem>>, vector<16xf32>,
        %add3A_434 = arith.constant 0 : i32
        %add3A_435 = arith.addi %add3A_434, %scan3A_414 : i32
        %get3A_436 = arith.index_cast %add3A_435 : i32 to index
        %get3A_437 = arith.constant 64 : index
        %get3A_438 = tpu.vector_load %arg15[%get3A_436, %get3A_437] {strides = array<i32>} : memref<40x128xf32, #tpu.memory_space<vmem>>, vector<16xf32>,
        %add3A_439 = arith.constant 0 : i32
        %add3A_440 = arith.addi %add3A_439, %scan3A_414 : i32
        %get3A_441 = arith.index_cast %add3A_440 : i32 to index
        %get3A_442 = arith.constant 80 : index
        %get3A_443 = tpu.vector_load %arg15[%get3A_441, %get3A_442] {strides = array<i32>} : memref<40x128xf32, #tpu.memory_space<vmem>>, vector<16xf32>,
        %add3A_444 = arith.constant 0 : i32
        %add3A_445 = arith.addi %add3A_444, %scan3A_414 : i32
        %get3A_446 = arith.index_cast %add3A_445 : i32 to index
        %get3A_447 = arith.constant 96 : index
        %get3A_448 = tpu.vector_load %arg15[%get3A_446, %get3A_447] {strides = array<i32>} : memref<40x128xf32, #tpu.memory_space<vmem>>, vector<16xf32>,
        %add3A_449 = arith.constant 0 : i32
        %add3A_450 = arith.addi %add3A_449, %scan3A_414 : i32
        %get3A_451 = arith.index_cast %add3A_450 : i32 to index
        %get3A_452 = arith.constant 112 : index
        %get3A_453 = tpu.vector_load %arg15[%get3A_451, %get3A_452] {strides = array<i32>} : memref<40x128xf32, #tpu.memory_space<vmem>>, vector<16xf32>,
        %add3A_454 = arith.constant 0 : i32
        %add3A_455 = arith.addi %add3A_454, %scan3A_414 : i32
        %get3A_456 = arith.index_cast %add3A_455 : i32 to index
        %get3A_457 = arith.constant 0 : index
        %get3A_458 = tpu.vector_load %arg13[%get3A_456, %get3A_457] {strides = array<i32>} : memref<40x128xf32, #tpu.memory_space<vmem>>, vector<16xf32>,
        %add3A_459 = arith.constant 0 : i32
        %add3A_460 = arith.addi %add3A_459, %scan3A_414 : i32
        %get3A_461 = arith.index_cast %add3A_460 : i32 to index
        %get3A_462 = arith.constant 0 : index
        %get3A_463 = tpu.vector_load %arg12[%get3A_461, %get3A_462] {strides = array<i32>} : memref<40x128xf32, #tpu.memory_space<vmem>>, vector<16xf32>,
        %add3A_464 = arith.addf %get3A_463, %get3A_418 : vector<16xf32>
        %mul3A_465 = arith.mulf %get3A_458, %add3A_464 : vector<16xf32>
        %add3A_466 = arith.constant 0 : i32
        %add3A_467 = arith.addi %add3A_466, %scan3A_414 : i32
        %get3A_468 = arith.index_cast %add3A_467 : i32 to index
        %get3A_469 = arith.constant 16 : index
        %get3A_470 = tpu.vector_load %arg13[%get3A_468, %get3A_469] {strides = array<i32>} : memref<40x128xf32, #tpu.memory_space<vmem>>, vector<16xf32>,
        %add3A_471 = arith.constant 0 : i32
        %add3A_472 = arith.addi %add3A_471, %scan3A_414 : i32
        %get3A_473 = arith.index_cast %add3A_472 : i32 to index
        %get3A_474 = arith.constant 16 : index
        %get3A_475 = tpu.vector_load %arg12[%get3A_473, %get3A_474] {strides = array<i32>} : memref<40x128xf32, #tpu.memory_space<vmem>>, vector<16xf32>,
        %add3A_476 = arith.addf %get3A_475, %get3A_423 : vector<16xf32>
        %mul3A_477 = arith.mulf %get3A_470, %add3A_476 : vector<16xf32>
        %add3A_478 = arith.constant 0 : i32
        %add3A_479 = arith.addi %add3A_478, %scan3A_414 : i32
        %get3A_480 = arith.index_cast %add3A_479 : i32 to index
        %get3A_481 = arith.constant 32 : index
        %get3A_482 = tpu.vector_load %arg13[%get3A_480, %get3A_481] {strides = array<i32>} : memref<40x128xf32, #tpu.memory_space<vmem>>, vector<16xf32>,
        %add3A_483 = arith.constant 0 : i32
        %add3A_484 = arith.addi %add3A_483, %scan3A_414 : i32
        %get3A_485 = arith.index_cast %add3A_484 : i32 to index
        %get3A_486 = arith.constant 32 : index
        %get3A_487 = tpu.vector_load %arg12[%get3A_485, %get3A_486] {strides = array<i32>} : memref<40x128xf32, #tpu.memory_space<vmem>>, vector<16xf32>,
        %add3A_488 = arith.addf %get3A_487, %get3A_428 : vector<16xf32>
        %mul3A_489 = arith.mulf %get3A_482, %add3A_488 : vector<16xf32>
        %add3A_490 = arith.constant 0 : i32
        %add3A_491 = arith.addi %add3A_490, %scan3A_414 : i32
        %get3A_492 = arith.index_cast %add3A_491 : i32 to index
        %get3A_493 = arith.constant 48 : index
        %get3A_494 = tpu.vector_load %arg13[%get3A_492, %get3A_493] {strides = array<i32>} : memref<40x128xf32, #tpu.memory_space<vmem>>, vector<16xf32>,
        %add3A_495 = arith.constant 0 : i32
        %add3A_496 = arith.addi %add3A_495, %scan3A_414 : i32
        %get3A_497 = arith.index_cast %add3A_496 : i32 to index
        %get3A_498 = arith.constant 48 : index
        %get3A_499 = tpu.vector_load %arg12[%get3A_497, %get3A_498] {strides = array<i32>} : memref<40x128xf32, #tpu.memory_space<vmem>>, vector<16xf32>,
        %add3A_500 = arith.addf %get3A_499, %get3A_433 : vector<16xf32>
        %mul3A_501 = arith.mulf %get3A_494, %add3A_500 : vector<16xf32>
        %add3A_502 = arith.constant 0 : i32
        %add3A_503 = arith.addi %add3A_502, %scan3A_414 : i32
        %get3A_504 = arith.index_cast %add3A_503 : i32 to index
        %get3A_505 = arith.constant 64 : index
        %get3A_506 = tpu.vector_load %arg13[%get3A_504, %get3A_505] {strides = array<i32>} : memref<40x128xf32, #tpu.memory_space<vmem>>, vector<16xf32>,
        %add3A_507 = arith.constant 0 : i32
        %add3A_508 = arith.addi %add3A_507, %scan3A_414 : i32
        %get3A_509 = arith.index_cast %add3A_508 : i32 to index
        %get3A_510 = arith.constant 64 : index
        %get3A_511 = tpu.vector_load %arg12[%get3A_509, %get3A_510] {strides = array<i32>} : memref<40x128xf32, #tpu.memory_space<vmem>>, vector<16xf32>,
        %add3A_512 = arith.addf %get3A_511, %get3A_438 : vector<16xf32>
        %mul3A_513 = arith.mulf %get3A_506, %add3A_512 : vector<16xf32>
        %add3A_514 = arith.constant 0 : i32
        %add3A_515 = arith.addi %add3A_514, %scan3A_414 : i32
        %get3A_516 = arith.index_cast %add3A_515 : i32 to index
        %get3A_517 = arith.constant 80 : index
        %get3A_518 = tpu.vector_load %arg13[%get3A_516, %get3A_517] {strides = array<i32>} : memref<40x128xf32, #tpu.memory_space<vmem>>, vector<16xf32>,
        %add3A_519 = arith.constant 0 : i32
        %add3A_520 = arith.addi %add3A_519, %scan3A_414 : i32
        %get3A_521 = arith.index_cast %add3A_520 : i32 to index
        %get3A_522 = arith.constant 80 : index
        %get3A_523 = tpu.vector_load %arg12[%get3A_521, %get3A_522] {strides = array<i32>} : memref<40x128xf32, #tpu.memory_space<vmem>>, vector<16xf32>,
        %add3A_524 = arith.addf %get3A_523, %get3A_443 : vector<16xf32>
        %mul3A_525 = arith.mulf %get3A_518, %add3A_524 : vector<16xf32>
        %add3A_526 = arith.constant 0 : i32
        %add3A_527 = arith.addi %add3A_526, %scan3A_414 : i32
        %get3A_528 = arith.index_cast %add3A_527 : i32 to index
        %get3A_529 = arith.constant 96 : index
        %get3A_530 = tpu.vector_load %arg13[%get3A_528, %get3A_529] {strides = array<i32>} : memref<40x128xf32, #tpu.memory_space<vmem>>, vector<16xf32>,
        %add3A_531 = arith.constant 0 : i32
        %add3A_532 = arith.addi %add3A_531, %scan3A_414 : i32
        %get3A_533 = arith.index_cast %add3A_532 : i32 to index
        %get3A_534 = arith.constant 96 : index
        %get3A_535 = tpu.vector_load %arg12[%get3A_533, %get3A_534] {strides = array<i32>} : memref<40x128xf32, #tpu.memory_space<vmem>>, vector<16xf32>,
        %add3A_536 = arith.addf %get3A_535, %get3A_448 : vector<16xf32>
        %mul3A_537 = arith.mulf %get3A_530, %add3A_536 : vector<16xf32>
        %add3A_538 = arith.constant 0 : i32
        %add3A_539 = arith.addi %add3A_538, %scan3A_414 : i32
        %get3A_540 = arith.index_cast %add3A_539 : i32 to index
        %get3A_541 = arith.constant 112 : index
        %get3A_542 = tpu.vector_load %arg13[%get3A_540, %get3A_541] {strides = array<i32>} : memref<40x128xf32, #tpu.memory_space<vmem>>, vector<16xf32>,
        %add3A_543 = arith.constant 0 : i32
        %add3A_544 = arith.addi %add3A_543, %scan3A_414 : i32
        %get3A_545 = arith.index_cast %add3A_544 : i32 to index
        %get3A_546 = arith.constant 112 : index
        %get3A_547 = tpu.vector_load %arg12[%get3A_545, %get3A_546] {strides = array<i32>} : memref<40x128xf32, #tpu.memory_space<vmem>>, vector<16xf32>,
        %add3A_548 = arith.addf %get3A_547, %get3A_453 : vector<16xf32>
        %mul3A_549 = arith.mulf %get3A_542, %add3A_548 : vector<16xf32>
        %broadcast_in_dim3A_550 = arith.constant true
        %broadcast_in_dim3A_551 = vector.broadcast %broadcast_in_dim3A_550 : i1 to vector<16xi1>
        %masked_cumsum3A = tpu.scan <sum>, %mul3A_465 masked %broadcast_in_dim3A_551 : vector<16xf32>, vector<16xi1> -> vector<16xf32>
        %broadcast_in_dim3A_552 = arith.constant true
        %broadcast_in_dim3A_553 = vector.broadcast %broadcast_in_dim3A_552 : i1 to vector<16xi1>
        %masked_cumsum3A_554 = tpu.scan <sum>, %mul3A_477 masked %broadcast_in_dim3A_553 : vector<16xf32>, vector<16xi1> -> vector<16xf32>
        %broadcast_in_dim3A_555 = arith.constant true
        %broadcast_in_dim3A_556 = vector.broadcast %broadcast_in_dim3A_555 : i1 to vector<16xi1>
        %masked_cumsum3A_557 = tpu.scan <sum>, %mul3A_489 masked %broadcast_in_dim3A_556 : vector<16xf32>, vector<16xi1> -> vector<16xf32>
        %broadcast_in_dim3A_558 = arith.constant true
        %broadcast_in_dim3A_559 = vector.broadcast %broadcast_in_dim3A_558 : i1 to vector<16xi1>
        %masked_cumsum3A_560 = tpu.scan <sum>, %mul3A_501 masked %broadcast_in_dim3A_559 : vector<16xf32>, vector<16xi1> -> vector<16xf32>
        %broadcast_in_dim3A_561 = arith.constant true
        %broadcast_in_dim3A_562 = vector.broadcast %broadcast_in_dim3A_561 : i1 to vector<16xi1>
        %masked_cumsum3A_563 = tpu.scan <sum>, %mul3A_513 masked %broadcast_in_dim3A_562 : vector<16xf32>, vector<16xi1> -> vector<16xf32>
        %broadcast_in_dim3A_564 = arith.constant true
        %broadcast_in_dim3A_565 = vector.broadcast %broadcast_in_dim3A_564 : i1 to vector<16xi1>
        %masked_cumsum3A_566 = tpu.scan <sum>, %mul3A_525 masked %broadcast_in_dim3A_565 : vector<16xf32>, vector<16xi1> -> vector<16xf32>
        %broadcast_in_dim3A_567 = arith.constant true
        %broadcast_in_dim3A_568 = vector.broadcast %broadcast_in_dim3A_567 : i1 to vector<16xi1>
        %masked_cumsum3A_569 = tpu.scan <sum>, %mul3A_537 masked %broadcast_in_dim3A_568 : vector<16xf32>, vector<16xi1> -> vector<16xf32>
        %broadcast_in_dim3A_570 = arith.constant true
        %broadcast_in_dim3A_571 = vector.broadcast %broadcast_in_dim3A_570 : i1 to vector<16xi1>
        %masked_cumsum3A_572 = tpu.scan <sum>, %mul3A_549 masked %broadcast_in_dim3A_571 : vector<16xf32>, vector<16xi1> -> vector<16xf32>
        %gather3A = vector.shape_cast %broadcast_in_dim3A_1 : vector<16x1xi32> to vector<16xi32>
        %gather3A_573 = tpu.dynamic_gather %masked_cumsum3A[%gather3A] in [0] : vector<16xf32>, vector<16xi32> -> vector<16xf32>
        %exp3A = math.exp %gather3A_573 : vector<16xf32>
        %gather3A_574 = vector.shape_cast %broadcast_in_dim3A_1 : vector<16x1xi32> to vector<16xi32>
        %gather3A_575 = tpu.dynamic_gather %masked_cumsum3A_554[%gather3A_574] in [0] : vector<16xf32>, vector<16xi32> -> vector<16xf32>
        %exp3A_576 = math.exp %gather3A_575 : vector<16xf32>
        %gather3A_577 = vector.shape_cast %broadcast_in_dim3A_1 : vector<16x1xi32> to vector<16xi32>
        %gather3A_578 = tpu.dynamic_gather %masked_cumsum3A_557[%gather3A_577] in [0] : vector<16xf32>, vector<16xi32> -> vector<16xf32>
        %exp3A_579 = math.exp %gather3A_578 : vector<16xf32>
        %gather3A_580 = vector.shape_cast %broadcast_in_dim3A_1 : vector<16x1xi32> to vector<16xi32>
        %gather3A_581 = tpu.dynamic_gather %masked_cumsum3A_560[%gather3A_580] in [0] : vector<16xf32>, vector<16xi32> -> vector<16xf32>
        %exp3A_582 = math.exp %gather3A_581 : vector<16xf32>
        %gather3A_583 = vector.shape_cast %broadcast_in_dim3A_1 : vector<16x1xi32> to vector<16xi32>
        %gather3A_584 = tpu.dynamic_gather %masked_cumsum3A_563[%gather3A_583] in [0] : vector<16xf32>, vector<16xi32> -> vector<16xf32>
        %exp3A_585 = math.exp %gather3A_584 : vector<16xf32>
        %gather3A_586 = vector.shape_cast %broadcast_in_dim3A_1 : vector<16x1xi32> to vector<16xi32>
        %gather3A_587 = tpu.dynamic_gather %masked_cumsum3A_566[%gather3A_586] in [0] : vector<16xf32>, vector<16xi32> -> vector<16xf32>
        %exp3A_588 = math.exp %gather3A_587 : vector<16xf32>
        %gather3A_589 = vector.shape_cast %broadcast_in_dim3A_1 : vector<16x1xi32> to vector<16xi32>
        %gather3A_590 = tpu.dynamic_gather %masked_cumsum3A_569[%gather3A_589] in [0] : vector<16xf32>, vector<16xi32> -> vector<16xf32>
        %exp3A_591 = math.exp %gather3A_590 : vector<16xf32>
        %gather3A_592 = vector.shape_cast %broadcast_in_dim3A_1 : vector<16x1xi32> to vector<16xi32>
        %gather3A_593 = tpu.dynamic_gather %masked_cumsum3A_572[%gather3A_592] in [0] : vector<16xf32>, vector<16xi32> -> vector<16xf32>
        %exp3A_594 = math.exp %gather3A_593 : vector<16xf32>
        %add3A_595 = arith.constant 0 : i32
        %add3A_596 = arith.addi %add3A_595, %scan3A_414 : i32
        %get3A_597 = arith.index_cast %add3A_596 : i32 to index
        %get3A_598 = arith.constant 0 : index
        %get3A_599 = tpu.vector_load %arg14[%get3A_597, %get3A_598] {strides = array<i32>} : memref<40x128xf32, #tpu.memory_space<vmem>>, vector<16xf32>,
        %add3A_600 = arith.addf %get3A_599, %get3A_418 : vector<16xf32>
        %add3A_601 = arith.constant 0 : i32
        %add3A_602 = arith.addi %add3A_601, %scan3A_414 : i32
        %get3A_603 = arith.index_cast %add3A_602 : i32 to index
        %get3A_604 = arith.constant 16 : index
        %get3A_605 = tpu.vector_load %arg14[%get3A_603, %get3A_604] {strides = array<i32>} : memref<40x128xf32, #tpu.memory_space<vmem>>, vector<16xf32>,
        %add3A_606 = arith.addf %get3A_605, %get3A_423 : vector<16xf32>
        %add3A_607 = arith.constant 0 : i32
        %add3A_608 = arith.addi %add3A_607, %scan3A_414 : i32
        %get3A_609 = arith.index_cast %add3A_608 : i32 to index
        %get3A_610 = arith.constant 32 : index
        %get3A_611 = tpu.vector_load %arg14[%get3A_609, %get3A_610] {strides = array<i32>} : memref<40x128xf32, #tpu.memory_space<vmem>>, vector<16xf32>,
        %add3A_612 = arith.addf %get3A_611, %get3A_428 : vector<16xf32>
        %add3A_613 = arith.constant 0 : i32
        %add3A_614 = arith.addi %add3A_613, %scan3A_414 : i32
        %get3A_615 = arith.index_cast %add3A_614 : i32 to index
        %get3A_616 = arith.constant 48 : index
        %get3A_617 = tpu.vector_load %arg14[%get3A_615, %get3A_616] {strides = array<i32>} : memref<40x128xf32, #tpu.memory_space<vmem>>, vector<16xf32>,
        %add3A_618 = arith.addf %get3A_617, %get3A_433 : vector<16xf32>
        %add3A_619 = arith.constant 0 : i32
        %add3A_620 = arith.addi %add3A_619, %scan3A_414 : i32
        %get3A_621 = arith.index_cast %add3A_620 : i32 to index
        %get3A_622 = arith.constant 64 : index
        %get3A_623 = tpu.vector_load %arg14[%get3A_621, %get3A_622] {strides = array<i32>} : memref<40x128xf32, #tpu.memory_space<vmem>>, vector<16xf32>,
        %add3A_624 = arith.addf %get3A_623, %get3A_438 : vector<16xf32>
        %add3A_625 = arith.constant 0 : i32
        %add3A_626 = arith.addi %add3A_625, %scan3A_414 : i32
        %get3A_627 = arith.index_cast %add3A_626 : i32 to index
        %get3A_628 = arith.constant 80 : index
        %get3A_629 = tpu.vector_load %arg14[%get3A_627, %get3A_628] {strides = array<i32>} : memref<40x128xf32, #tpu.memory_space<vmem>>, vector<16xf32>,
        %add3A_630 = arith.addf %get3A_629, %get3A_443 : vector<16xf32>
        %add3A_631 = arith.constant 0 : i32
        %add3A_632 = arith.addi %add3A_631, %scan3A_414 : i32
        %get3A_633 = arith.index_cast %add3A_632 : i32 to index
        %get3A_634 = arith.constant 96 : index
        %get3A_635 = tpu.vector_load %arg14[%get3A_633, %get3A_634] {strides = array<i32>} : memref<40x128xf32, #tpu.memory_space<vmem>>, vector<16xf32>,
        %add3A_636 = arith.addf %get3A_635, %get3A_448 : vector<16xf32>
        %add3A_637 = arith.constant 0 : i32
        %add3A_638 = arith.addi %add3A_637, %scan3A_414 : i32
        %get3A_639 = arith.index_cast %add3A_638 : i32 to index
        %get3A_640 = arith.constant 112 : index
        %get3A_641 = tpu.vector_load %arg14[%get3A_639, %get3A_640] {strides = array<i32>} : memref<40x128xf32, #tpu.memory_space<vmem>>, vector<16xf32>,
        %add3A_642 = arith.addf %get3A_641, %get3A_453 : vector<16xf32>
        %mul3A_643 = arith.mulf %add3A_600, %exp3A : vector<16xf32>
        %add3A_644 = arith.constant 0 : i32
        %add3A_645 = arith.addi %add3A_644, %scan3A_414 : i32
        %swap3A = arith.index_cast %add3A_645 : i32 to index
        %swap3A_646 = arith.constant 0 : index
        %swap3A_647 = tpu.vector_load %arg16[%swap3A, %swap3A_646] {strides = array<i32>} : memref<80x144xf32, #tpu.memory_space<vmem>>, vector<16xf32>,
        tpu.vector_store %arg16[%swap3A, %swap3A_646], %mul3A_643 {strides = array<i32>} : memref<80x144xf32, #tpu.memory_space<vmem>>, vector<16xf32>,
        %eq3A = arith.constant 0 : i32
        %eq3A_648 = vector.broadcast %eq3A : i32 to vector<16xi32>
        %eq3A_649 = arith.cmpi eq, %iota3A, %eq3A_648 : vector<16xi32>
        %jit3A = arith.constant 0.000000e+00 : f32
        %broadcast_in_dim3A_650 = vector.broadcast %jit3A : f32 to vector<16xf32>
        %select_n3A = arith.select %eq3A_649, %exp3A, %broadcast_in_dim3A_650 : vector<16xi1>, vector<16xf32>
        %add3A_651 = arith.addf %broadcast_in_dim3A_3, %select_n3A : vector<16xf32>
        %mul3A_652 = arith.mulf %add3A_606, %exp3A_576 : vector<16xf32>
        %add3A_653 = arith.constant 0 : i32
        %add3A_654 = arith.addi %add3A_653, %scan3A_414 : i32
        %swap3A_655 = arith.index_cast %add3A_654 : i32 to index
        %swap3A_656 = arith.constant 16 : index
        %swap3A_657 = tpu.vector_load %arg16[%swap3A_655, %swap3A_656] {strides = array<i32>} : memref<80x144xf32, #tpu.memory_space<vmem>>, vector<16xf32>,
        tpu.vector_store %arg16[%swap3A_655, %swap3A_656], %mul3A_652 {strides = array<i32>} : memref<80x144xf32, #tpu.memory_space<vmem>>, vector<16xf32>,
        %eq3A_658 = arith.constant 1 : i32
        %eq3A_659 = vector.broadcast %eq3A_658 : i32 to vector<16xi32>
        %eq3A_660 = arith.cmpi eq, %iota3A, %eq3A_659 : vector<16xi32>
        %jit3A_661 = arith.constant 0.000000e+00 : f32
        %broadcast_in_dim3A_662 = vector.broadcast %jit3A_661 : f32 to vector<16xf32>
        %select_n3A_663 = arith.select %eq3A_660, %exp3A_576, %broadcast_in_dim3A_662 : vector<16xi1>, vector<16xf32>
        %add3A_664 = arith.addf %add3A_651, %select_n3A_663 : vector<16xf32>
        %mul3A_665 = arith.mulf %add3A_612, %exp3A_579 : vector<16xf32>
        %add3A_666 = arith.constant 0 : i32
        %add3A_667 = arith.addi %add3A_666, %scan3A_414 : i32
        %swap3A_668 = arith.index_cast %add3A_667 : i32 to index
        %swap3A_669 = arith.constant 32 : index
        %swap3A_670 = tpu.vector_load %arg16[%swap3A_668, %swap3A_669] {strides = array<i32>} : memref<80x144xf32, #tpu.memory_space<vmem>>, vector<16xf32>,
        tpu.vector_store %arg16[%swap3A_668, %swap3A_669], %mul3A_665 {strides = array<i32>} : memref<80x144xf32, #tpu.memory_space<vmem>>, vector<16xf32>,
        %eq3A_671 = arith.constant 2 : i32
        %eq3A_672 = vector.broadcast %eq3A_671 : i32 to vector<16xi32>
        %eq3A_673 = arith.cmpi eq, %iota3A, %eq3A_672 : vector<16xi32>
        %jit3A_674 = arith.constant 0.000000e+00 : f32
        %broadcast_in_dim3A_675 = vector.broadcast %jit3A_674 : f32 to vector<16xf32>
        %select_n3A_676 = arith.select %eq3A_673, %exp3A_579, %broadcast_in_dim3A_675 : vector<16xi1>, vector<16xf32>
        %add3A_677 = arith.addf %add3A_664, %select_n3A_676 : vector<16xf32>
        %mul3A_678 = arith.mulf %add3A_618, %exp3A_582 : vector<16xf32>
        %add3A_679 = arith.constant 0 : i32
        %add3A_680 = arith.addi %add3A_679, %scan3A_414 : i32
        %swap3A_681 = arith.index_cast %add3A_680 : i32 to index
        %swap3A_682 = arith.constant 48 : index
        %swap3A_683 = tpu.vector_load %arg16[%swap3A_681, %swap3A_682] {strides = array<i32>} : memref<80x144xf32, #tpu.memory_space<vmem>>, vector<16xf32>,
        tpu.vector_store %arg16[%swap3A_681, %swap3A_682], %mul3A_678 {strides = array<i32>} : memref<80x144xf32, #tpu.memory_space<vmem>>, vector<16xf32>,
        %eq3A_684 = arith.constant 3 : i32
        %eq3A_685 = vector.broadcast %eq3A_684 : i32 to vector<16xi32>
        %eq3A_686 = arith.cmpi eq, %iota3A, %eq3A_685 : vector<16xi32>
        %jit3A_687 = arith.constant 0.000000e+00 : f32
        %broadcast_in_dim3A_688 = vector.broadcast %jit3A_687 : f32 to vector<16xf32>
        %select_n3A_689 = arith.select %eq3A_686, %exp3A_582, %broadcast_in_dim3A_688 : vector<16xi1>, vector<16xf32>
        %add3A_690 = arith.addf %add3A_677, %select_n3A_689 : vector<16xf32>
        %mul3A_691 = arith.mulf %add3A_624, %exp3A_585 : vector<16xf32>
        %add3A_692 = arith.constant 0 : i32
        %add3A_693 = arith.addi %add3A_692, %scan3A_414 : i32
        %swap3A_694 = arith.index_cast %add3A_693 : i32 to index
        %swap3A_695 = arith.constant 64 : index
        %swap3A_696 = tpu.vector_load %arg16[%swap3A_694, %swap3A_695] {strides = array<i32>} : memref<80x144xf32, #tpu.memory_space<vmem>>, vector<16xf32>,
        tpu.vector_store %arg16[%swap3A_694, %swap3A_695], %mul3A_691 {strides = array<i32>} : memref<80x144xf32, #tpu.memory_space<vmem>>, vector<16xf32>,
        %eq3A_697 = arith.constant 4 : i32
        %eq3A_698 = vector.broadcast %eq3A_697 : i32 to vector<16xi32>
        %eq3A_699 = arith.cmpi eq, %iota3A, %eq3A_698 : vector<16xi32>
        %jit3A_700 = arith.constant 0.000000e+00 : f32
        %broadcast_in_dim3A_701 = vector.broadcast %jit3A_700 : f32 to vector<16xf32>
        %select_n3A_702 = arith.select %eq3A_699, %exp3A_585, %broadcast_in_dim3A_701 : vector<16xi1>, vector<16xf32>
        %add3A_703 = arith.addf %add3A_690, %select_n3A_702 : vector<16xf32>
        %mul3A_704 = arith.mulf %add3A_630, %exp3A_588 : vector<16xf32>
        %add3A_705 = arith.constant 0 : i32
        %add3A_706 = arith.addi %add3A_705, %scan3A_414 : i32
        %swap3A_707 = arith.index_cast %add3A_706 : i32 to index
        %swap3A_708 = arith.constant 80 : index
        %swap3A_709 = tpu.vector_load %arg16[%swap3A_707, %swap3A_708] {strides = array<i32>} : memref<80x144xf32, #tpu.memory_space<vmem>>, vector<16xf32>,
        tpu.vector_store %arg16[%swap3A_707, %swap3A_708], %mul3A_704 {strides = array<i32>} : memref<80x144xf32, #tpu.memory_space<vmem>>, vector<16xf32>,
        %eq3A_710 = arith.constant 5 : i32
        %eq3A_711 = vector.broadcast %eq3A_710 : i32 to vector<16xi32>
        %eq3A_712 = arith.cmpi eq, %iota3A, %eq3A_711 : vector<16xi32>
        %jit3A_713 = arith.constant 0.000000e+00 : f32
        %broadcast_in_dim3A_714 = vector.broadcast %jit3A_713 : f32 to vector<16xf32>
        %select_n3A_715 = arith.select %eq3A_712, %exp3A_588, %broadcast_in_dim3A_714 : vector<16xi1>, vector<16xf32>
        %add3A_716 = arith.addf %add3A_703, %select_n3A_715 : vector<16xf32>
        %mul3A_717 = arith.mulf %add3A_636, %exp3A_591 : vector<16xf32>
        %add3A_718 = arith.constant 0 : i32
        %add3A_719 = arith.addi %add3A_718, %scan3A_414 : i32
        %swap3A_720 = arith.index_cast %add3A_719 : i32 to index
        %swap3A_721 = arith.constant 96 : index
        %swap3A_722 = tpu.vector_load %arg16[%swap3A_720, %swap3A_721] {strides = array<i32>} : memref<80x144xf32, #tpu.memory_space<vmem>>, vector<16xf32>,
        tpu.vector_store %arg16[%swap3A_720, %swap3A_721], %mul3A_717 {strides = array<i32>} : memref<80x144xf32, #tpu.memory_space<vmem>>, vector<16xf32>,
        %eq3A_723 = arith.constant 6 : i32
        %eq3A_724 = vector.broadcast %eq3A_723 : i32 to vector<16xi32>
        %eq3A_725 = arith.cmpi eq, %iota3A, %eq3A_724 : vector<16xi32>
        %jit3A_726 = arith.constant 0.000000e+00 : f32
        %broadcast_in_dim3A_727 = vector.broadcast %jit3A_726 : f32 to vector<16xf32>
        %select_n3A_728 = arith.select %eq3A_725, %exp3A_591, %broadcast_in_dim3A_727 : vector<16xi1>, vector<16xf32>
        %add3A_729 = arith.addf %add3A_716, %select_n3A_728 : vector<16xf32>
        %mul3A_730 = arith.mulf %add3A_642, %exp3A_594 : vector<16xf32>
        %add3A_731 = arith.constant 0 : i32
        %add3A_732 = arith.addi %add3A_731, %scan3A_414 : i32
        %swap3A_733 = arith.index_cast %add3A_732 : i32 to index
        %swap3A_734 = arith.constant 112 : index
        %swap3A_735 = tpu.vector_load %arg16[%swap3A_733, %swap3A_734] {strides = array<i32>} : memref<80x144xf32, #tpu.memory_space<vmem>>, vector<16xf32>,
        tpu.vector_store %arg16[%swap3A_733, %swap3A_734], %mul3A_730 {strides = array<i32>} : memref<80x144xf32, #tpu.memory_space<vmem>>, vector<16xf32>,
        %eq3A_736 = arith.constant 7 : i32
        %eq3A_737 = vector.broadcast %eq3A_736 : i32 to vector<16xi32>
        %eq3A_738 = arith.cmpi eq, %iota3A, %eq3A_737 : vector<16xi32>
        %jit3A_739 = arith.constant 0.000000e+00 : f32
        %broadcast_in_dim3A_740 = vector.broadcast %jit3A_739 : f32 to vector<16xf32>
        %select_n3A_741 = arith.select %eq3A_738, %exp3A_594, %broadcast_in_dim3A_740 : vector<16xi1>, vector<16xf32>
        %add3A_742 = arith.addf %add3A_729, %select_n3A_741 : vector<16xf32>
        %add3A_743 = arith.constant 0 : i32
        %add3A_744 = arith.addi %add3A_743, %scan3A_414 : i32
        %swap3A_745 = arith.index_cast %add3A_744 : i32 to index
        %swap3A_746 = arith.constant 128 : index
        %swap3A_747 = tpu.vector_load %arg16[%swap3A_745, %swap3A_746] {strides = array<i32>} : memref<80x144xf32, #tpu.memory_space<vmem>>, vector<16xf32>,
        tpu.vector_store %arg16[%swap3A_745, %swap3A_746], %add3A_742 {strides = array<i32>} : memref<80x144xf32, #tpu.memory_space<vmem>>, vector<16xf32>,
      }
      %scan3A_145 = arith.constant 16 : i32
      %dma_start3A_146 = arith.constant 0 : i32
      %dma_start3A_147 = arith.constant 0 : i32
      %dma_start3A_148 = tpu.memref_slice %arg12[%dma_start3A_146, %dma_start3A_147] : memref<40x128xf32, #tpu.memory_space<vmem>> -> memref<16x128xf32, #tpu.memory_space<vmem>>
      %dma_start3A_149 = arith.constant 32 : i32
      %dma_start3A_150 = tpu.memref_slice %arg10[%dma_start3A_149] : memref<80xi32, #tpu.memory_space<vmem>> -> memref<16xi32, #tpu.memory_space<vmem>>
      %dma_start3A_151 = arith.constant 0 : i32
      %dma_start3A_152 = arith.constant 0 : i32
      %dma_start3A_153 = tpu.memref_slice %arg3[%dma_start3A_151, %dma_start3A_152] : memref<10000x128xf32, #tpu.memory_space<hbm>> -> memref<10000x128xf32, #tpu.memory_space<hbm>>
      tpu.enqueue_indirect_dma source(%dma_start3A_153 : memref<10000x128xf32, #tpu.memory_space<hbm>>) target(%dma_start3A_148 : memref<16x128xf32, #tpu.memory_space<vmem>>) offsets(%dma_start3A_150 : memref<16xi32, #tpu.memory_space<vmem>>) semaphore(%arg19 : memref<!tpu.dma_semaphore, #tpu.memory_space<semaphore_mem>>)
      %dma_start3A_154 = arith.constant 0 : i32
      %dma_start3A_155 = arith.constant 0 : i32
      %dma_start3A_156 = tpu.memref_slice %arg13[%dma_start3A_154, %dma_start3A_155] : memref<40x128xf32, #tpu.memory_space<vmem>> -> memref<16x128xf32, #tpu.memory_space<vmem>>
      %dma_start3A_157 = arith.constant 32 : i32
      %dma_start3A_158 = tpu.memref_slice %arg11[%dma_start3A_157] : memref<80xi32, #tpu.memory_space<vmem>> -> memref<16xi32, #tpu.memory_space<vmem>>
      %dma_start3A_159 = arith.constant 0 : i32
      %dma_start3A_160 = arith.constant 0 : i32
      %dma_start3A_161 = tpu.memref_slice %arg2[%dma_start3A_159, %dma_start3A_160] : memref<10000x128xf32, #tpu.memory_space<hbm>> -> memref<10000x128xf32, #tpu.memory_space<hbm>>
      tpu.enqueue_indirect_dma source(%dma_start3A_161 : memref<10000x128xf32, #tpu.memory_space<hbm>>) target(%dma_start3A_156 : memref<16x128xf32, #tpu.memory_space<vmem>>) offsets(%dma_start3A_158 : memref<16xi32, #tpu.memory_space<vmem>>) semaphore(%arg19 : memref<!tpu.dma_semaphore, #tpu.memory_space<semaphore_mem>>)
      %dma_start3A_162 = arith.constant 0 : i32
      %dma_start3A_163 = arith.constant 0 : i32
      %dma_start3A_164 = tpu.memref_slice %arg14[%dma_start3A_162, %dma_start3A_163] : memref<40x128xf32, #tpu.memory_space<vmem>> -> memref<16x128xf32, #tpu.memory_space<vmem>>
      %dma_start3A_165 = arith.constant 32 : i32
      %dma_start3A_166 = tpu.memref_slice %arg10[%dma_start3A_165] : memref<80xi32, #tpu.memory_space<vmem>> -> memref<16xi32, #tpu.memory_space<vmem>>
      %dma_start3A_167 = arith.constant 0 : i32
      %dma_start3A_168 = arith.constant 0 : i32
      %dma_start3A_169 = tpu.memref_slice %arg4[%dma_start3A_167, %dma_start3A_168] : memref<10000x128xf32, #tpu.memory_space<hbm>> -> memref<10000x128xf32, #tpu.memory_space<hbm>>
      tpu.enqueue_indirect_dma source(%dma_start3A_169 : memref<10000x128xf32, #tpu.memory_space<hbm>>) target(%dma_start3A_164 : memref<16x128xf32, #tpu.memory_space<vmem>>) offsets(%dma_start3A_166 : memref<16xi32, #tpu.memory_space<vmem>>) semaphore(%arg19 : memref<!tpu.dma_semaphore, #tpu.memory_space<semaphore_mem>>)
      %add3A_170 = arith.constant 32 : i32
      %add3A_171 = arith.addi %add3A_35, %add3A_170 : i32
      %dma_start3A_172 = arith.constant 0 : i32
      %dma_start3A_173 = arith.constant 0 : i32
      %dma_start3A_174 = tpu.memref_slice %arg15[%dma_start3A_172, %dma_start3A_173] : memref<40x128xf32, #tpu.memory_space<vmem>> -> memref<16x128xf32, #tpu.memory_space<vmem>>
      %dma_start3A_175 = arith.constant 0 : i32
      %dma_start3A_176 = tpu.memref_slice %arg5[%add3A_171, %dma_start3A_175] : memref<320000x128xf32, #tpu.memory_space<hbm>> -> memref<16x128xf32, #tpu.memory_space<hbm>>
      %dma_start3A_177 = arith.constant 0 : i32
      %dma_start3A_178 = arith.constant 0 : i32
      %dma_start3A_179 = tpu.memref_slice %arg15[%dma_start3A_177, %dma_start3A_178] : memref<40x128xf32, #tpu.memory_space<vmem>> -> memref<16x128xf32, #tpu.memory_space<vmem>>
      %dma_start3A_180 = arith.constant 0 : i32
      %dma_start3A_181 = tpu.memref_slice %arg5[%add3A_171, %dma_start3A_180] : memref<320000x128xf32, #tpu.memory_space<hbm>> -> memref<16x128xf32, #tpu.memory_space<hbm>>
      tpu.enqueue_dma source(%dma_start3A_181 : memref<16x128xf32, #tpu.memory_space<hbm>>) target(%dma_start3A_179 : memref<16x128xf32, #tpu.memory_space<vmem>>) target_semaphore(%arg19 : memref<!tpu.dma_semaphore, #tpu.memory_space<semaphore_mem>>)
      %dma_wait3A_182 = arith.constant 16 : i32
      %dma_wait3A_183 = arith.constant 0 : i32
      %dma_wait3A_184 = tpu.memref_slice %arg12[%dma_wait3A_182, %dma_wait3A_183] : memref<40x128xf32, #tpu.memory_space<vmem>> -> memref<16x128xf32, #tpu.memory_space<vmem>>
      %dma_wait3A_185 = arith.constant 16 : i32
      %dma_wait3A_186 = tpu.memref_slice %arg10[%dma_wait3A_185] : memref<80xi32, #tpu.memory_space<vmem>> -> memref<16xi32, #tpu.memory_space<vmem>>
      %dma_wait3A_187 = arith.constant 0 : i32
      %dma_wait3A_188 = arith.constant 0 : i32
      %dma_wait3A_189 = tpu.memref_slice %arg3[%dma_wait3A_187, %dma_wait3A_188] : memref<10000x128xf32, #tpu.memory_space<hbm>> -> memref<10000x128xf32, #tpu.memory_space<hbm>>
      tpu.wait_indirect_dma semaphore(%arg20 : memref<!tpu.dma_semaphore, #tpu.memory_space<semaphore_mem>>) src(%dma_wait3A_189 : memref<10000x128xf32, #tpu.memory_space<hbm>>) dst(%dma_wait3A_184 : memref<16x128xf32, #tpu.memory_space<vmem>>)
      %dma_wait3A_190 = arith.constant 16 : i32
      %dma_wait3A_191 = arith.constant 0 : i32
      %dma_wait3A_192 = tpu.memref_slice %arg13[%dma_wait3A_190, %dma_wait3A_191] : memref<40x128xf32, #tpu.memory_space<vmem>> -> memref<16x128xf32, #tpu.memory_space<vmem>>
      %dma_wait3A_193 = arith.constant 16 : i32
      %dma_wait3A_194 = tpu.memref_slice %arg11[%dma_wait3A_193] : memref<80xi32, #tpu.memory_space<vmem>> -> memref<16xi32, #tpu.memory_space<vmem>>
      %dma_wait3A_195 = arith.constant 0 : i32
      %dma_wait3A_196 = arith.constant 0 : i32
      %dma_wait3A_197 = tpu.memref_slice %arg2[%dma_wait3A_195, %dma_wait3A_196] : memref<10000x128xf32, #tpu.memory_space<hbm>> -> memref<10000x128xf32, #tpu.memory_space<hbm>>
      tpu.wait_indirect_dma semaphore(%arg20 : memref<!tpu.dma_semaphore, #tpu.memory_space<semaphore_mem>>) src(%dma_wait3A_197 : memref<10000x128xf32, #tpu.memory_space<hbm>>) dst(%dma_wait3A_192 : memref<16x128xf32, #tpu.memory_space<vmem>>)
      %dma_wait3A_198 = arith.constant 16 : i32
      %dma_wait3A_199 = arith.constant 0 : i32
      %dma_wait3A_200 = tpu.memref_slice %arg14[%dma_wait3A_198, %dma_wait3A_199] : memref<40x128xf32, #tpu.memory_space<vmem>> -> memref<16x128xf32, #tpu.memory_space<vmem>>
      %dma_wait3A_201 = arith.constant 16 : i32
      %dma_wait3A_202 = tpu.memref_slice %arg10[%dma_wait3A_201] : memref<80xi32, #tpu.memory_space<vmem>> -> memref<16xi32, #tpu.memory_space<vmem>>
      %dma_wait3A_203 = arith.constant 0 : i32
      %dma_wait3A_204 = arith.constant 0 : i32
      %dma_wait3A_205 = tpu.memref_slice %arg4[%dma_wait3A_203, %dma_wait3A_204] : memref<10000x128xf32, #tpu.memory_space<hbm>> -> memref<10000x128xf32, #tpu.memory_space<hbm>>
      tpu.wait_indirect_dma semaphore(%arg20 : memref<!tpu.dma_semaphore, #tpu.memory_space<semaphore_mem>>) src(%dma_wait3A_205 : memref<10000x128xf32, #tpu.memory_space<hbm>>) dst(%dma_wait3A_200 : memref<16x128xf32, #tpu.memory_space<vmem>>)
      %dma_wait3A_206 = arith.constant 16 : i32
      %dma_wait3A_207 = arith.constant 0 : i32
      %dma_wait3A_208 = tpu.memref_slice %arg15[%dma_wait3A_206, %dma_wait3A_207] : memref<40x128xf32, #tpu.memory_space<vmem>> -> memref<16x128xf32, #tpu.memory_space<vmem>>
      %dma_wait3A_209 = arith.constant 0 : i32
      %dma_wait3A_210 = tpu.memref_slice %arg5[%add3A_96, %dma_wait3A_209] : memref<320000x128xf32, #tpu.memory_space<hbm>> -> memref<16x128xf32, #tpu.memory_space<hbm>>
      %dma_wait3A_211 = arith.constant 16 : i32
      %dma_wait3A_212 = arith.constant 0 : i32
      %dma_wait3A_213 = tpu.memref_slice %arg15[%dma_wait3A_211, %dma_wait3A_212] : memref<40x128xf32, #tpu.memory_space<vmem>> -> memref<16x128xf32, #tpu.memory_space<vmem>>
      %dma_wait3A_214 = arith.constant 0 : i32
      %dma_wait3A_215 = tpu.memref_slice %arg5[%add3A_96, %dma_wait3A_214] : memref<320000x128xf32, #tpu.memory_space<hbm>> -> memref<16x128xf32, #tpu.memory_space<hbm>>
      tpu.wait_dma2 semaphore(%arg20 : memref<!tpu.dma_semaphore, #tpu.memory_space<semaphore_mem>>) src(%dma_wait3A_215 : memref<16x128xf32, #tpu.memory_space<hbm>>) dst(%dma_wait3A_213 : memref<16x128xf32, #tpu.memory_space<vmem>>)
      %scan3A_216 = arith.constant 0 : i32
      %scan3A_217 = arith.constant 0 : i32
      %scan3A_218 = arith.constant 16 : i32
      %scan3A_219 = arith.addi %scan3A_217, %scan3A_218 : i32
      %scan3A_220 = arith.constant 1 : i32
      scf.for %scan3A_414 = %scan3A_217 to %scan3A_219 step %scan3A_220  : i32 {
        %add3A_415 = arith.constant 16 : i32
        %add3A_416 = arith.addi %add3A_415, %scan3A_414 : i32
        %get3A = arith.index_cast %add3A_416 : i32 to index
        %get3A_417 = arith.constant 0 : index
        %get3A_418 = tpu.vector_load %arg15[%get3A, %get3A_417] {strides = array<i32>} : memref<40x128xf32, #tpu.memory_space<vmem>>, vector<16xf32>,
        %add3A_419 = arith.constant 16 : i32
        %add3A_420 = arith.addi %add3A_419, %scan3A_414 : i32
        %get3A_421 = arith.index_cast %add3A_420 : i32 to index
        %get3A_422 = arith.constant 16 : index
        %get3A_423 = tpu.vector_load %arg15[%get3A_421, %get3A_422] {strides = array<i32>} : memref<40x128xf32, #tpu.memory_space<vmem>>, vector<16xf32>,
        %add3A_424 = arith.constant 16 : i32
        %add3A_425 = arith.addi %add3A_424, %scan3A_414 : i32
        %get3A_426 = arith.index_cast %add3A_425 : i32 to index
        %get3A_427 = arith.constant 32 : index
        %get3A_428 = tpu.vector_load %arg15[%get3A_426, %get3A_427] {strides = array<i32>} : memref<40x128xf32, #tpu.memory_space<vmem>>, vector<16xf32>,
        %add3A_429 = arith.constant 16 : i32
        %add3A_430 = arith.addi %add3A_429, %scan3A_414 : i32
        %get3A_431 = arith.index_cast %add3A_430 : i32 to index
        %get3A_432 = arith.constant 48 : index
        %get3A_433 = tpu.vector_load %arg15[%get3A_431, %get3A_432] {strides = array<i32>} : memref<40x128xf32, #tpu.memory_space<vmem>>, vector<16xf32>,
        %add3A_434 = arith.constant 16 : i32
        %add3A_435 = arith.addi %add3A_434, %scan3A_414 : i32
        %get3A_436 = arith.index_cast %add3A_435 : i32 to index
        %get3A_437 = arith.constant 64 : index
        %get3A_438 = tpu.vector_load %arg15[%get3A_436, %get3A_437] {strides = array<i32>} : memref<40x128xf32, #tpu.memory_space<vmem>>, vector<16xf32>,
        %add3A_439 = arith.constant 16 : i32
        %add3A_440 = arith.addi %add3A_439, %scan3A_414 : i32
        %get3A_441 = arith.index_cast %add3A_440 : i32 to index
        %get3A_442 = arith.constant 80 : index
        %get3A_443 = tpu.vector_load %arg15[%get3A_441, %get3A_442] {strides = array<i32>} : memref<40x128xf32, #tpu.memory_space<vmem>>, vector<16xf32>,
        %add3A_444 = arith.constant 16 : i32
        %add3A_445 = arith.addi %add3A_444, %scan3A_414 : i32
        %get3A_446 = arith.index_cast %add3A_445 : i32 to index
        %get3A_447 = arith.constant 96 : index
        %get3A_448 = tpu.vector_load %arg15[%get3A_446, %get3A_447] {strides = array<i32>} : memref<40x128xf32, #tpu.memory_space<vmem>>, vector<16xf32>,
        %add3A_449 = arith.constant 16 : i32
        %add3A_450 = arith.addi %add3A_449, %scan3A_414 : i32
        %get3A_451 = arith.index_cast %add3A_450 : i32 to index
        %get3A_452 = arith.constant 112 : index
        %get3A_453 = tpu.vector_load %arg15[%get3A_451, %get3A_452] {strides = array<i32>} : memref<40x128xf32, #tpu.memory_space<vmem>>, vector<16xf32>,
        %add3A_454 = arith.constant 16 : i32
        %add3A_455 = arith.addi %add3A_454, %scan3A_414 : i32
        %get3A_456 = arith.index_cast %add3A_455 : i32 to index
        %get3A_457 = arith.constant 0 : index
        %get3A_458 = tpu.vector_load %arg13[%get3A_456, %get3A_457] {strides = array<i32>} : memref<40x128xf32, #tpu.memory_space<vmem>>, vector<16xf32>,
        %add3A_459 = arith.constant 16 : i32
        %add3A_460 = arith.addi %add3A_459, %scan3A_414 : i32
        %get3A_461 = arith.index_cast %add3A_460 : i32 to index
        %get3A_462 = arith.constant 0 : index
        %get3A_463 = tpu.vector_load %arg12[%get3A_461, %get3A_462] {strides = array<i32>} : memref<40x128xf32, #tpu.memory_space<vmem>>, vector<16xf32>,
        %add3A_464 = arith.addf %get3A_463, %get3A_418 : vector<16xf32>
        %mul3A_465 = arith.mulf %get3A_458, %add3A_464 : vector<16xf32>
        %add3A_466 = arith.constant 16 : i32
        %add3A_467 = arith.addi %add3A_466, %scan3A_414 : i32
        %get3A_468 = arith.index_cast %add3A_467 : i32 to index
        %get3A_469 = arith.constant 16 : index
        %get3A_470 = tpu.vector_load %arg13[%get3A_468, %get3A_469] {strides = array<i32>} : memref<40x128xf32, #tpu.memory_space<vmem>>, vector<16xf32>,
        %add3A_471 = arith.constant 16 : i32
        %add3A_472 = arith.addi %add3A_471, %scan3A_414 : i32
        %get3A_473 = arith.index_cast %add3A_472 : i32 to index
        %get3A_474 = arith.constant 16 : index
        %get3A_475 = tpu.vector_load %arg12[%get3A_473, %get3A_474] {strides = array<i32>} : memref<40x128xf32, #tpu.memory_space<vmem>>, vector<16xf32>,
        %add3A_476 = arith.addf %get3A_475, %get3A_423 : vector<16xf32>
        %mul3A_477 = arith.mulf %get3A_470, %add3A_476 : vector<16xf32>
        %add3A_478 = arith.constant 16 : i32
        %add3A_479 = arith.addi %add3A_478, %scan3A_414 : i32
        %get3A_480 = arith.index_cast %add3A_479 : i32 to index
        %get3A_481 = arith.constant 32 : index
        %get3A_482 = tpu.vector_load %arg13[%get3A_480, %get3A_481] {strides = array<i32>} : memref<40x128xf32, #tpu.memory_space<vmem>>, vector<16xf32>,
        %add3A_483 = arith.constant 16 : i32
        %add3A_484 = arith.addi %add3A_483, %scan3A_414 : i32
        %get3A_485 = arith.index_cast %add3A_484 : i32 to index
        %get3A_486 = arith.constant 32 : index
        %get3A_487 = tpu.vector_load %arg12[%get3A_485, %get3A_486] {strides = array<i32>} : memref<40x128xf32, #tpu.memory_space<vmem>>, vector<16xf32>,
        %add3A_488 = arith.addf %get3A_487, %get3A_428 : vector<16xf32>
        %mul3A_489 = arith.mulf %get3A_482, %add3A_488 : vector<16xf32>
        %add3A_490 = arith.constant 16 : i32
        %add3A_491 = arith.addi %add3A_490, %scan3A_414 : i32
        %get3A_492 = arith.index_cast %add3A_491 : i32 to index
        %get3A_493 = arith.constant 48 : index
        %get3A_494 = tpu.vector_load %arg13[%get3A_492, %get3A_493] {strides = array<i32>} : memref<40x128xf32, #tpu.memory_space<vmem>>, vector<16xf32>,
        %add3A_495 = arith.constant 16 : i32
        %add3A_496 = arith.addi %add3A_495, %scan3A_414 : i32
        %get3A_497 = arith.index_cast %add3A_496 : i32 to index
        %get3A_498 = arith.constant 48 : index
        %get3A_499 = tpu.vector_load %arg12[%get3A_497, %get3A_498] {strides = array<i32>} : memref<40x128xf32, #tpu.memory_space<vmem>>, vector<16xf32>,
        %add3A_500 = arith.addf %get3A_499, %get3A_433 : vector<16xf32>
        %mul3A_501 = arith.mulf %get3A_494, %add3A_500 : vector<16xf32>
        %add3A_502 = arith.constant 16 : i32
        %add3A_503 = arith.addi %add3A_502, %scan3A_414 : i32
        %get3A_504 = arith.index_cast %add3A_503 : i32 to index
        %get3A_505 = arith.constant 64 : index
        %get3A_506 = tpu.vector_load %arg13[%get3A_504, %get3A_505] {strides = array<i32>} : memref<40x128xf32, #tpu.memory_space<vmem>>, vector<16xf32>,
        %add3A_507 = arith.constant 16 : i32
        %add3A_508 = arith.addi %add3A_507, %scan3A_414 : i32
        %get3A_509 = arith.index_cast %add3A_508 : i32 to index
        %get3A_510 = arith.constant 64 : index
        %get3A_511 = tpu.vector_load %arg12[%get3A_509, %get3A_510] {strides = array<i32>} : memref<40x128xf32, #tpu.memory_space<vmem>>, vector<16xf32>,
        %add3A_512 = arith.addf %get3A_511, %get3A_438 : vector<16xf32>
        %mul3A_513 = arith.mulf %get3A_506, %add3A_512 : vector<16xf32>
        %add3A_514 = arith.constant 16 : i32
        %add3A_515 = arith.addi %add3A_514, %scan3A_414 : i32
        %get3A_516 = arith.index_cast %add3A_515 : i32 to index
        %get3A_517 = arith.constant 80 : index
        %get3A_518 = tpu.vector_load %arg13[%get3A_516, %get3A_517] {strides = array<i32>} : memref<40x128xf32, #tpu.memory_space<vmem>>, vector<16xf32>,
        %add3A_519 = arith.constant 16 : i32
        %add3A_520 = arith.addi %add3A_519, %scan3A_414 : i32
        %get3A_521 = arith.index_cast %add3A_520 : i32 to index
        %get3A_522 = arith.constant 80 : index
        %get3A_523 = tpu.vector_load %arg12[%get3A_521, %get3A_522] {strides = array<i32>} : memref<40x128xf32, #tpu.memory_space<vmem>>, vector<16xf32>,
        %add3A_524 = arith.addf %get3A_523, %get3A_443 : vector<16xf32>
        %mul3A_525 = arith.mulf %get3A_518, %add3A_524 : vector<16xf32>
        %add3A_526 = arith.constant 16 : i32
        %add3A_527 = arith.addi %add3A_526, %scan3A_414 : i32
        %get3A_528 = arith.index_cast %add3A_527 : i32 to index
        %get3A_529 = arith.constant 96 : index
        %get3A_530 = tpu.vector_load %arg13[%get3A_528, %get3A_529] {strides = array<i32>} : memref<40x128xf32, #tpu.memory_space<vmem>>, vector<16xf32>,
        %add3A_531 = arith.constant 16 : i32
        %add3A_532 = arith.addi %add3A_531, %scan3A_414 : i32
        %get3A_533 = arith.index_cast %add3A_532 : i32 to index
        %get3A_534 = arith.constant 96 : index
        %get3A_535 = tpu.vector_load %arg12[%get3A_533, %get3A_534] {strides = array<i32>} : memref<40x128xf32, #tpu.memory_space<vmem>>, vector<16xf32>,
        %add3A_536 = arith.addf %get3A_535, %get3A_448 : vector<16xf32>
        %mul3A_537 = arith.mulf %get3A_530, %add3A_536 : vector<16xf32>
        %add3A_538 = arith.constant 16 : i32
        %add3A_539 = arith.addi %add3A_538, %scan3A_414 : i32
        %get3A_540 = arith.index_cast %add3A_539 : i32 to index
        %get3A_541 = arith.constant 112 : index
        %get3A_542 = tpu.vector_load %arg13[%get3A_540, %get3A_541] {strides = array<i32>} : memref<40x128xf32, #tpu.memory_space<vmem>>, vector<16xf32>,
        %add3A_543 = arith.constant 16 : i32
        %add3A_544 = arith.addi %add3A_543, %scan3A_414 : i32
        %get3A_545 = arith.index_cast %add3A_544 : i32 to index
        %get3A_546 = arith.constant 112 : index
        %get3A_547 = tpu.vector_load %arg12[%get3A_545, %get3A_546] {strides = array<i32>} : memref<40x128xf32, #tpu.memory_space<vmem>>, vector<16xf32>,
        %add3A_548 = arith.addf %get3A_547, %get3A_453 : vector<16xf32>
        %mul3A_549 = arith.mulf %get3A_542, %add3A_548 : vector<16xf32>
        %broadcast_in_dim3A_550 = arith.constant true
        %broadcast_in_dim3A_551 = vector.broadcast %broadcast_in_dim3A_550 : i1 to vector<16xi1>
        %masked_cumsum3A = tpu.scan <sum>, %mul3A_465 masked %broadcast_in_dim3A_551 : vector<16xf32>, vector<16xi1> -> vector<16xf32>
        %broadcast_in_dim3A_552 = arith.constant true
        %broadcast_in_dim3A_553 = vector.broadcast %broadcast_in_dim3A_552 : i1 to vector<16xi1>
        %masked_cumsum3A_554 = tpu.scan <sum>, %mul3A_477 masked %broadcast_in_dim3A_553 : vector<16xf32>, vector<16xi1> -> vector<16xf32>
        %broadcast_in_dim3A_555 = arith.constant true
        %broadcast_in_dim3A_556 = vector.broadcast %broadcast_in_dim3A_555 : i1 to vector<16xi1>
        %masked_cumsum3A_557 = tpu.scan <sum>, %mul3A_489 masked %broadcast_in_dim3A_556 : vector<16xf32>, vector<16xi1> -> vector<16xf32>
        %broadcast_in_dim3A_558 = arith.constant true
        %broadcast_in_dim3A_559 = vector.broadcast %broadcast_in_dim3A_558 : i1 to vector<16xi1>
        %masked_cumsum3A_560 = tpu.scan <sum>, %mul3A_501 masked %broadcast_in_dim3A_559 : vector<16xf32>, vector<16xi1> -> vector<16xf32>
        %broadcast_in_dim3A_561 = arith.constant true
        %broadcast_in_dim3A_562 = vector.broadcast %broadcast_in_dim3A_561 : i1 to vector<16xi1>
        %masked_cumsum3A_563 = tpu.scan <sum>, %mul3A_513 masked %broadcast_in_dim3A_562 : vector<16xf32>, vector<16xi1> -> vector<16xf32>
        %broadcast_in_dim3A_564 = arith.constant true
        %broadcast_in_dim3A_565 = vector.broadcast %broadcast_in_dim3A_564 : i1 to vector<16xi1>
        %masked_cumsum3A_566 = tpu.scan <sum>, %mul3A_525 masked %broadcast_in_dim3A_565 : vector<16xf32>, vector<16xi1> -> vector<16xf32>
        %broadcast_in_dim3A_567 = arith.constant true
        %broadcast_in_dim3A_568 = vector.broadcast %broadcast_in_dim3A_567 : i1 to vector<16xi1>
        %masked_cumsum3A_569 = tpu.scan <sum>, %mul3A_537 masked %broadcast_in_dim3A_568 : vector<16xf32>, vector<16xi1> -> vector<16xf32>
        %broadcast_in_dim3A_570 = arith.constant true
        %broadcast_in_dim3A_571 = vector.broadcast %broadcast_in_dim3A_570 : i1 to vector<16xi1>
        %masked_cumsum3A_572 = tpu.scan <sum>, %mul3A_549 masked %broadcast_in_dim3A_571 : vector<16xf32>, vector<16xi1> -> vector<16xf32>
        %gather3A = vector.shape_cast %broadcast_in_dim3A_1 : vector<16x1xi32> to vector<16xi32>
        %gather3A_573 = tpu.dynamic_gather %masked_cumsum3A[%gather3A] in [0] : vector<16xf32>, vector<16xi32> -> vector<16xf32>
        %exp3A = math.exp %gather3A_573 : vector<16xf32>
        %gather3A_574 = vector.shape_cast %broadcast_in_dim3A_1 : vector<16x1xi32> to vector<16xi32>
        %gather3A_575 = tpu.dynamic_gather %masked_cumsum3A_554[%gather3A_574] in [0] : vector<16xf32>, vector<16xi32> -> vector<16xf32>
        %exp3A_576 = math.exp %gather3A_575 : vector<16xf32>
        %gather3A_577 = vector.shape_cast %broadcast_in_dim3A_1 : vector<16x1xi32> to vector<16xi32>
        %gather3A_578 = tpu.dynamic_gather %masked_cumsum3A_557[%gather3A_577] in [0] : vector<16xf32>, vector<16xi32> -> vector<16xf32>
        %exp3A_579 = math.exp %gather3A_578 : vector<16xf32>
        %gather3A_580 = vector.shape_cast %broadcast_in_dim3A_1 : vector<16x1xi32> to vector<16xi32>
        %gather3A_581 = tpu.dynamic_gather %masked_cumsum3A_560[%gather3A_580] in [0] : vector<16xf32>, vector<16xi32> -> vector<16xf32>
        %exp3A_582 = math.exp %gather3A_581 : vector<16xf32>
        %gather3A_583 = vector.shape_cast %broadcast_in_dim3A_1 : vector<16x1xi32> to vector<16xi32>
        %gather3A_584 = tpu.dynamic_gather %masked_cumsum3A_563[%gather3A_583] in [0] : vector<16xf32>, vector<16xi32> -> vector<16xf32>
        %exp3A_585 = math.exp %gather3A_584 : vector<16xf32>
        %gather3A_586 = vector.shape_cast %broadcast_in_dim3A_1 : vector<16x1xi32> to vector<16xi32>
        %gather3A_587 = tpu.dynamic_gather %masked_cumsum3A_566[%gather3A_586] in [0] : vector<16xf32>, vector<16xi32> -> vector<16xf32>
        %exp3A_588 = math.exp %gather3A_587 : vector<16xf32>
        %gather3A_589 = vector.shape_cast %broadcast_in_dim3A_1 : vector<16x1xi32> to vector<16xi32>
        %gather3A_590 = tpu.dynamic_gather %masked_cumsum3A_569[%gather3A_589] in [0] : vector<16xf32>, vector<16xi32> -> vector<16xf32>
        %exp3A_591 = math.exp %gather3A_590 : vector<16xf32>
        %gather3A_592 = vector.shape_cast %broadcast_in_dim3A_1 : vector<16x1xi32> to vector<16xi32>
        %gather3A_593 = tpu.dynamic_gather %masked_cumsum3A_572[%gather3A_592] in [0] : vector<16xf32>, vector<16xi32> -> vector<16xf32>
        %exp3A_594 = math.exp %gather3A_593 : vector<16xf32>
        %add3A_595 = arith.constant 16 : i32
        %add3A_596 = arith.addi %add3A_595, %scan3A_414 : i32
        %get3A_597 = arith.index_cast %add3A_596 : i32 to index
        %get3A_598 = arith.constant 0 : index
        %get3A_599 = tpu.vector_load %arg14[%get3A_597, %get3A_598] {strides = array<i32>} : memref<40x128xf32, #tpu.memory_space<vmem>>, vector<16xf32>,
        %add3A_600 = arith.addf %get3A_599, %get3A_418 : vector<16xf32>
        %add3A_601 = arith.constant 16 : i32
        %add3A_602 = arith.addi %add3A_601, %scan3A_414 : i32
        %get3A_603 = arith.index_cast %add3A_602 : i32 to index
        %get3A_604 = arith.constant 16 : index
        %get3A_605 = tpu.vector_load %arg14[%get3A_603, %get3A_604] {strides = array<i32>} : memref<40x128xf32, #tpu.memory_space<vmem>>, vector<16xf32>,
        %add3A_606 = arith.addf %get3A_605, %get3A_423 : vector<16xf32>
        %add3A_607 = arith.constant 16 : i32
        %add3A_608 = arith.addi %add3A_607, %scan3A_414 : i32
        %get3A_609 = arith.index_cast %add3A_608 : i32 to index
        %get3A_610 = arith.constant 32 : index
        %get3A_611 = tpu.vector_load %arg14[%get3A_609, %get3A_610] {strides = array<i32>} : memref<40x128xf32, #tpu.memory_space<vmem>>, vector<16xf32>,
        %add3A_612 = arith.addf %get3A_611, %get3A_428 : vector<16xf32>
        %add3A_613 = arith.constant 16 : i32
        %add3A_614 = arith.addi %add3A_613, %scan3A_414 : i32
        %get3A_615 = arith.index_cast %add3A_614 : i32 to index
        %get3A_616 = arith.constant 48 : index
        %get3A_617 = tpu.vector_load %arg14[%get3A_615, %get3A_616] {strides = array<i32>} : memref<40x128xf32, #tpu.memory_space<vmem>>, vector<16xf32>,
        %add3A_618 = arith.addf %get3A_617, %get3A_433 : vector<16xf32>
        %add3A_619 = arith.constant 16 : i32
        %add3A_620 = arith.addi %add3A_619, %scan3A_414 : i32
        %get3A_621 = arith.index_cast %add3A_620 : i32 to index
        %get3A_622 = arith.constant 64 : index
        %get3A_623 = tpu.vector_load %arg14[%get3A_621, %get3A_622] {strides = array<i32>} : memref<40x128xf32, #tpu.memory_space<vmem>>, vector<16xf32>,
        %add3A_624 = arith.addf %get3A_623, %get3A_438 : vector<16xf32>
        %add3A_625 = arith.constant 16 : i32
        %add3A_626 = arith.addi %add3A_625, %scan3A_414 : i32
        %get3A_627 = arith.index_cast %add3A_626 : i32 to index
        %get3A_628 = arith.constant 80 : index
        %get3A_629 = tpu.vector_load %arg14[%get3A_627, %get3A_628] {strides = array<i32>} : memref<40x128xf32, #tpu.memory_space<vmem>>, vector<16xf32>,
        %add3A_630 = arith.addf %get3A_629, %get3A_443 : vector<16xf32>
        %add3A_631 = arith.constant 16 : i32
        %add3A_632 = arith.addi %add3A_631, %scan3A_414 : i32
        %get3A_633 = arith.index_cast %add3A_632 : i32 to index
        %get3A_634 = arith.constant 96 : index
        %get3A_635 = tpu.vector_load %arg14[%get3A_633, %get3A_634] {strides = array<i32>} : memref<40x128xf32, #tpu.memory_space<vmem>>, vector<16xf32>,
        %add3A_636 = arith.addf %get3A_635, %get3A_448 : vector<16xf32>
        %add3A_637 = arith.constant 16 : i32
        %add3A_638 = arith.addi %add3A_637, %scan3A_414 : i32
        %get3A_639 = arith.index_cast %add3A_638 : i32 to index
        %get3A_640 = arith.constant 112 : index
        %get3A_641 = tpu.vector_load %arg14[%get3A_639, %get3A_640] {strides = array<i32>} : memref<40x128xf32, #tpu.memory_space<vmem>>, vector<16xf32>,
        %add3A_642 = arith.addf %get3A_641, %get3A_453 : vector<16xf32>
        %mul3A_643 = arith.mulf %add3A_600, %exp3A : vector<16xf32>
        %add3A_644 = arith.constant 16 : i32
        %add3A_645 = arith.addi %add3A_644, %scan3A_414 : i32
        %swap3A = arith.index_cast %add3A_645 : i32 to index
        %swap3A_646 = arith.constant 0 : index
        %swap3A_647 = tpu.vector_load %arg16[%swap3A, %swap3A_646] {strides = array<i32>} : memref<80x144xf32, #tpu.memory_space<vmem>>, vector<16xf32>,
        tpu.vector_store %arg16[%swap3A, %swap3A_646], %mul3A_643 {strides = array<i32>} : memref<80x144xf32, #tpu.memory_space<vmem>>, vector<16xf32>,
        %eq3A = arith.constant 0 : i32
        %eq3A_648 = vector.broadcast %eq3A : i32 to vector<16xi32>
        %eq3A_649 = arith.cmpi eq, %iota3A, %eq3A_648 : vector<16xi32>
        %jit3A = arith.constant 0.000000e+00 : f32
        %broadcast_in_dim3A_650 = vector.broadcast %jit3A : f32 to vector<16xf32>
        %select_n3A = arith.select %eq3A_649, %exp3A, %broadcast_in_dim3A_650 : vector<16xi1>, vector<16xf32>
        %add3A_651 = arith.addf %broadcast_in_dim3A_3, %select_n3A : vector<16xf32>
        %mul3A_652 = arith.mulf %add3A_606, %exp3A_576 : vector<16xf32>
        %add3A_653 = arith.constant 16 : i32
        %add3A_654 = arith.addi %add3A_653, %scan3A_414 : i32
        %swap3A_655 = arith.index_cast %add3A_654 : i32 to index
        %swap3A_656 = arith.constant 16 : index
        %swap3A_657 = tpu.vector_load %arg16[%swap3A_655, %swap3A_656] {strides = array<i32>} : memref<80x144xf32, #tpu.memory_space<vmem>>, vector<16xf32>,
        tpu.vector_store %arg16[%swap3A_655, %swap3A_656], %mul3A_652 {strides = array<i32>} : memref<80x144xf32, #tpu.memory_space<vmem>>, vector<16xf32>,
        %eq3A_658 = arith.constant 1 : i32
        %eq3A_659 = vector.broadcast %eq3A_658 : i32 to vector<16xi32>
        %eq3A_660 = arith.cmpi eq, %iota3A, %eq3A_659 : vector<16xi32>
        %jit3A_661 = arith.constant 0.000000e+00 : f32
        %broadcast_in_dim3A_662 = vector.broadcast %jit3A_661 : f32 to vector<16xf32>
        %select_n3A_663 = arith.select %eq3A_660, %exp3A_576, %broadcast_in_dim3A_662 : vector<16xi1>, vector<16xf32>
        %add3A_664 = arith.addf %add3A_651, %select_n3A_663 : vector<16xf32>
        %mul3A_665 = arith.mulf %add3A_612, %exp3A_579 : vector<16xf32>
        %add3A_666 = arith.constant 16 : i32
        %add3A_667 = arith.addi %add3A_666, %scan3A_414 : i32
        %swap3A_668 = arith.index_cast %add3A_667 : i32 to index
        %swap3A_669 = arith.constant 32 : index
        %swap3A_670 = tpu.vector_load %arg16[%swap3A_668, %swap3A_669] {strides = array<i32>} : memref<80x144xf32, #tpu.memory_space<vmem>>, vector<16xf32>,
        tpu.vector_store %arg16[%swap3A_668, %swap3A_669], %mul3A_665 {strides = array<i32>} : memref<80x144xf32, #tpu.memory_space<vmem>>, vector<16xf32>,
        %eq3A_671 = arith.constant 2 : i32
        %eq3A_672 = vector.broadcast %eq3A_671 : i32 to vector<16xi32>
        %eq3A_673 = arith.cmpi eq, %iota3A, %eq3A_672 : vector<16xi32>
        %jit3A_674 = arith.constant 0.000000e+00 : f32
        %broadcast_in_dim3A_675 = vector.broadcast %jit3A_674 : f32 to vector<16xf32>
        %select_n3A_676 = arith.select %eq3A_673, %exp3A_579, %broadcast_in_dim3A_675 : vector<16xi1>, vector<16xf32>
        %add3A_677 = arith.addf %add3A_664, %select_n3A_676 : vector<16xf32>
        %mul3A_678 = arith.mulf %add3A_618, %exp3A_582 : vector<16xf32>
        %add3A_679 = arith.constant 16 : i32
        %add3A_680 = arith.addi %add3A_679, %scan3A_414 : i32
        %swap3A_681 = arith.index_cast %add3A_680 : i32 to index
        %swap3A_682 = arith.constant 48 : index
        %swap3A_683 = tpu.vector_load %arg16[%swap3A_681, %swap3A_682] {strides = array<i32>} : memref<80x144xf32, #tpu.memory_space<vmem>>, vector<16xf32>,
        tpu.vector_store %arg16[%swap3A_681, %swap3A_682], %mul3A_678 {strides = array<i32>} : memref<80x144xf32, #tpu.memory_space<vmem>>, vector<16xf32>,
        %eq3A_684 = arith.constant 3 : i32
        %eq3A_685 = vector.broadcast %eq3A_684 : i32 to vector<16xi32>
        %eq3A_686 = arith.cmpi eq, %iota3A, %eq3A_685 : vector<16xi32>
        %jit3A_687 = arith.constant 0.000000e+00 : f32
        %broadcast_in_dim3A_688 = vector.broadcast %jit3A_687 : f32 to vector<16xf32>
        %select_n3A_689 = arith.select %eq3A_686, %exp3A_582, %broadcast_in_dim3A_688 : vector<16xi1>, vector<16xf32>
        %add3A_690 = arith.addf %add3A_677, %select_n3A_689 : vector<16xf32>
        %mul3A_691 = arith.mulf %add3A_624, %exp3A_585 : vector<16xf32>
        %add3A_692 = arith.constant 16 : i32
        %add3A_693 = arith.addi %add3A_692, %scan3A_414 : i32
        %swap3A_694 = arith.index_cast %add3A_693 : i32 to index
        %swap3A_695 = arith.constant 64 : index
        %swap3A_696 = tpu.vector_load %arg16[%swap3A_694, %swap3A_695] {strides = array<i32>} : memref<80x144xf32, #tpu.memory_space<vmem>>, vector<16xf32>,
        tpu.vector_store %arg16[%swap3A_694, %swap3A_695], %mul3A_691 {strides = array<i32>} : memref<80x144xf32, #tpu.memory_space<vmem>>, vector<16xf32>,
        %eq3A_697 = arith.constant 4 : i32
        %eq3A_698 = vector.broadcast %eq3A_697 : i32 to vector<16xi32>
        %eq3A_699 = arith.cmpi eq, %iota3A, %eq3A_698 : vector<16xi32>
        %jit3A_700 = arith.constant 0.000000e+00 : f32
        %broadcast_in_dim3A_701 = vector.broadcast %jit3A_700 : f32 to vector<16xf32>
        %select_n3A_702 = arith.select %eq3A_699, %exp3A_585, %broadcast_in_dim3A_701 : vector<16xi1>, vector<16xf32>
        %add3A_703 = arith.addf %add3A_690, %select_n3A_702 : vector<16xf32>
        %mul3A_704 = arith.mulf %add3A_630, %exp3A_588 : vector<16xf32>
        %add3A_705 = arith.constant 16 : i32
        %add3A_706 = arith.addi %add3A_705, %scan3A_414 : i32
        %swap3A_707 = arith.index_cast %add3A_706 : i32 to index
        %swap3A_708 = arith.constant 80 : index
        %swap3A_709 = tpu.vector_load %arg16[%swap3A_707, %swap3A_708] {strides = array<i32>} : memref<80x144xf32, #tpu.memory_space<vmem>>, vector<16xf32>,
        tpu.vector_store %arg16[%swap3A_707, %swap3A_708], %mul3A_704 {strides = array<i32>} : memref<80x144xf32, #tpu.memory_space<vmem>>, vector<16xf32>,
        %eq3A_710 = arith.constant 5 : i32
        %eq3A_711 = vector.broadcast %eq3A_710 : i32 to vector<16xi32>
        %eq3A_712 = arith.cmpi eq, %iota3A, %eq3A_711 : vector<16xi32>
        %jit3A_713 = arith.constant 0.000000e+00 : f32
        %broadcast_in_dim3A_714 = vector.broadcast %jit3A_713 : f32 to vector<16xf32>
        %select_n3A_715 = arith.select %eq3A_712, %exp3A_588, %broadcast_in_dim3A_714 : vector<16xi1>, vector<16xf32>
        %add3A_716 = arith.addf %add3A_703, %select_n3A_715 : vector<16xf32>
        %mul3A_717 = arith.mulf %add3A_636, %exp3A_591 : vector<16xf32>
        %add3A_718 = arith.constant 16 : i32
        %add3A_719 = arith.addi %add3A_718, %scan3A_414 : i32
        %swap3A_720 = arith.index_cast %add3A_719 : i32 to index
        %swap3A_721 = arith.constant 96 : index
        %swap3A_722 = tpu.vector_load %arg16[%swap3A_720, %swap3A_721] {strides = array<i32>} : memref<80x144xf32, #tpu.memory_space<vmem>>, vector<16xf32>,
        tpu.vector_store %arg16[%swap3A_720, %swap3A_721], %mul3A_717 {strides = array<i32>} : memref<80x144xf32, #tpu.memory_space<vmem>>, vector<16xf32>,
        %eq3A_723 = arith.constant 6 : i32
        %eq3A_724 = vector.broadcast %eq3A_723 : i32 to vector<16xi32>
        %eq3A_725 = arith.cmpi eq, %iota3A, %eq3A_724 : vector<16xi32>
        %jit3A_726 = arith.constant 0.000000e+00 : f32
        %broadcast_in_dim3A_727 = vector.broadcast %jit3A_726 : f32 to vector<16xf32>
        %select_n3A_728 = arith.select %eq3A_725, %exp3A_591, %broadcast_in_dim3A_727 : vector<16xi1>, vector<16xf32>
        %add3A_729 = arith.addf %add3A_716, %select_n3A_728 : vector<16xf32>
        %mul3A_730 = arith.mulf %add3A_642, %exp3A_594 : vector<16xf32>
        %add3A_731 = arith.constant 16 : i32
        %add3A_732 = arith.addi %add3A_731, %scan3A_414 : i32
        %swap3A_733 = arith.index_cast %add3A_732 : i32 to index
        %swap3A_734 = arith.constant 112 : index
        %swap3A_735 = tpu.vector_load %arg16[%swap3A_733, %swap3A_734] {strides = array<i32>} : memref<80x144xf32, #tpu.memory_space<vmem>>, vector<16xf32>,
        tpu.vector_store %arg16[%swap3A_733, %swap3A_734], %mul3A_730 {strides = array<i32>} : memref<80x144xf32, #tpu.memory_space<vmem>>, vector<16xf32>,
        %eq3A_736 = arith.constant 7 : i32
        %eq3A_737 = vector.broadcast %eq3A_736 : i32 to vector<16xi32>
        %eq3A_738 = arith.cmpi eq, %iota3A, %eq3A_737 : vector<16xi32>
        %jit3A_739 = arith.constant 0.000000e+00 : f32
        %broadcast_in_dim3A_740 = vector.broadcast %jit3A_739 : f32 to vector<16xf32>
        %select_n3A_741 = arith.select %eq3A_738, %exp3A_594, %broadcast_in_dim3A_740 : vector<16xi1>, vector<16xf32>
        %add3A_742 = arith.addf %add3A_729, %select_n3A_741 : vector<16xf32>
        %add3A_743 = arith.constant 16 : i32
        %add3A_744 = arith.addi %add3A_743, %scan3A_414 : i32
        %swap3A_745 = arith.index_cast %add3A_744 : i32 to index
        %swap3A_746 = arith.constant 128 : index
        %swap3A_747 = tpu.vector_load %arg16[%swap3A_745, %swap3A_746] {strides = array<i32>} : memref<80x144xf32, #tpu.memory_space<vmem>>, vector<16xf32>,
        tpu.vector_store %arg16[%swap3A_745, %swap3A_746], %add3A_742 {strides = array<i32>} : memref<80x144xf32, #tpu.memory_space<vmem>>, vector<16xf32>,
      }
      %scan3A_221 = arith.constant 16 : i32
      %dma_start3A_222 = arith.constant 16 : i32
      %dma_start3A_223 = arith.constant 0 : i32
      %dma_start3A_224 = tpu.memref_slice %arg12[%dma_start3A_222, %dma_start3A_223] : memref<40x128xf32, #tpu.memory_space<vmem>> -> memref<16x128xf32, #tpu.memory_space<vmem>>
      %dma_start3A_225 = arith.constant 48 : i32
      %dma_start3A_226 = tpu.memref_slice %arg10[%dma_start3A_225] : memref<80xi32, #tpu.memory_space<vmem>> -> memref<16xi32, #tpu.memory_space<vmem>>
      %dma_start3A_227 = arith.constant 0 : i32
      %dma_start3A_228 = arith.constant 0 : i32
      %dma_start3A_229 = tpu.memref_slice %arg3[%dma_start3A_227, %dma_start3A_228] : memref<10000x128xf32, #tpu.memory_space<hbm>> -> memref<10000x128xf32, #tpu.memory_space<hbm>>
      tpu.enqueue_indirect_dma source(%dma_start3A_229 : memref<10000x128xf32, #tpu.memory_space<hbm>>) target(%dma_start3A_224 : memref<16x128xf32, #tpu.memory_space<vmem>>) offsets(%dma_start3A_226 : memref<16xi32, #tpu.memory_space<vmem>>) semaphore(%arg20 : memref<!tpu.dma_semaphore, #tpu.memory_space<semaphore_mem>>)
      %dma_start3A_230 = arith.constant 16 : i32
      %dma_start3A_231 = arith.constant 0 : i32
      %dma_start3A_232 = tpu.memref_slice %arg13[%dma_start3A_230, %dma_start3A_231] : memref<40x128xf32, #tpu.memory_space<vmem>> -> memref<16x128xf32, #tpu.memory_space<vmem>>
      %dma_start3A_233 = arith.constant 48 : i32
      %dma_start3A_234 = tpu.memref_slice %arg11[%dma_start3A_233] : memref<80xi32, #tpu.memory_space<vmem>> -> memref<16xi32, #tpu.memory_space<vmem>>
      %dma_start3A_235 = arith.constant 0 : i32
      %dma_start3A_236 = arith.constant 0 : i32
      %dma_start3A_237 = tpu.memref_slice %arg2[%dma_start3A_235, %dma_start3A_236] : memref<10000x128xf32, #tpu.memory_space<hbm>> -> memref<10000x128xf32, #tpu.memory_space<hbm>>
      tpu.enqueue_indirect_dma source(%dma_start3A_237 : memref<10000x128xf32, #tpu.memory_space<hbm>>) target(%dma_start3A_232 : memref<16x128xf32, #tpu.memory_space<vmem>>) offsets(%dma_start3A_234 : memref<16xi32, #tpu.memory_space<vmem>>) semaphore(%arg20 : memref<!tpu.dma_semaphore, #tpu.memory_space<semaphore_mem>>)
      %dma_start3A_238 = arith.constant 16 : i32
      %dma_start3A_239 = arith.constant 0 : i32
      %dma_start3A_240 = tpu.memref_slice %arg14[%dma_start3A_238, %dma_start3A_239] : memref<40x128xf32, #tpu.memory_space<vmem>> -> memref<16x128xf32, #tpu.memory_space<vmem>>
      %dma_start3A_241 = arith.constant 48 : i32
      %dma_start3A_242 = tpu.memref_slice %arg10[%dma_start3A_241] : memref<80xi32, #tpu.memory_space<vmem>> -> memref<16xi32, #tpu.memory_space<vmem>>
      %dma_start3A_243 = arith.constant 0 : i32
      %dma_start3A_244 = arith.constant 0 : i32
      %dma_start3A_245 = tpu.memref_slice %arg4[%dma_start3A_243, %dma_start3A_244] : memref<10000x128xf32, #tpu.memory_space<hbm>> -> memref<10000x128xf32, #tpu.memory_space<hbm>>
      tpu.enqueue_indirect_dma source(%dma_start3A_245 : memref<10000x128xf32, #tpu.memory_space<hbm>>) target(%dma_start3A_240 : memref<16x128xf32, #tpu.memory_space<vmem>>) offsets(%dma_start3A_242 : memref<16xi32, #tpu.memory_space<vmem>>) semaphore(%arg20 : memref<!tpu.dma_semaphore, #tpu.memory_space<semaphore_mem>>)
      %add3A_246 = arith.constant 48 : i32
      %add3A_247 = arith.addi %add3A_35, %add3A_246 : i32
      %dma_start3A_248 = arith.constant 16 : i32
      %dma_start3A_249 = arith.constant 0 : i32
      %dma_start3A_250 = tpu.memref_slice %arg15[%dma_start3A_248, %dma_start3A_249] : memref<40x128xf32, #tpu.memory_space<vmem>> -> memref<16x128xf32, #tpu.memory_space<vmem>>
      %dma_start3A_251 = arith.constant 0 : i32
      %dma_start3A_252 = tpu.memref_slice %arg5[%add3A_247, %dma_start3A_251] : memref<320000x128xf32, #tpu.memory_space<hbm>> -> memref<16x128xf32, #tpu.memory_space<hbm>>
      %dma_start3A_253 = arith.constant 16 : i32
      %dma_start3A_254 = arith.constant 0 : i32
      %dma_start3A_255 = tpu.memref_slice %arg15[%dma_start3A_253, %dma_start3A_254] : memref<40x128xf32, #tpu.memory_space<vmem>> -> memref<16x128xf32, #tpu.memory_space<vmem>>
      %dma_start3A_256 = arith.constant 0 : i32
      %dma_start3A_257 = tpu.memref_slice %arg5[%add3A_247, %dma_start3A_256] : memref<320000x128xf32, #tpu.memory_space<hbm>> -> memref<16x128xf32, #tpu.memory_space<hbm>>
      tpu.enqueue_dma source(%dma_start3A_257 : memref<16x128xf32, #tpu.memory_space<hbm>>) target(%dma_start3A_255 : memref<16x128xf32, #tpu.memory_space<vmem>>) target_semaphore(%arg20 : memref<!tpu.dma_semaphore, #tpu.memory_space<semaphore_mem>>)
      %dma_wait3A_258 = arith.constant 0 : i32
      %dma_wait3A_259 = arith.constant 0 : i32
      %dma_wait3A_260 = tpu.memref_slice %arg12[%dma_wait3A_258, %dma_wait3A_259] : memref<40x128xf32, #tpu.memory_space<vmem>> -> memref<16x128xf32, #tpu.memory_space<vmem>>
      %dma_wait3A_261 = arith.constant 32 : i32
      %dma_wait3A_262 = tpu.memref_slice %arg10[%dma_wait3A_261] : memref<80xi32, #tpu.memory_space<vmem>> -> memref<16xi32, #tpu.memory_space<vmem>>
      %dma_wait3A_263 = arith.constant 0 : i32
      %dma_wait3A_264 = arith.constant 0 : i32
      %dma_wait3A_265 = tpu.memref_slice %arg3[%dma_wait3A_263, %dma_wait3A_264] : memref<10000x128xf32, #tpu.memory_space<hbm>> -> memref<10000x128xf32, #tpu.memory_space<hbm>>
      tpu.wait_indirect_dma semaphore(%arg19 : memref<!tpu.dma_semaphore, #tpu.memory_space<semaphore_mem>>) src(%dma_wait3A_265 : memref<10000x128xf32, #tpu.memory_space<hbm>>) dst(%dma_wait3A_260 : memref<16x128xf32, #tpu.memory_space<vmem>>)
      %dma_wait3A_266 = arith.constant 0 : i32
      %dma_wait3A_267 = arith.constant 0 : i32
      %dma_wait3A_268 = tpu.memref_slice %arg13[%dma_wait3A_266, %dma_wait3A_267] : memref<40x128xf32, #tpu.memory_space<vmem>> -> memref<16x128xf32, #tpu.memory_space<vmem>>
      %dma_wait3A_269 = arith.constant 32 : i32
      %dma_wait3A_270 = tpu.memref_slice %arg11[%dma_wait3A_269] : memref<80xi32, #tpu.memory_space<vmem>> -> memref<16xi32, #tpu.memory_space<vmem>>
      %dma_wait3A_271 = arith.constant 0 : i32
      %dma_wait3A_272 = arith.constant 0 : i32
      %dma_wait3A_273 = tpu.memref_slice %arg2[%dma_wait3A_271, %dma_wait3A_272] : memref<10000x128xf32, #tpu.memory_space<hbm>> -> memref<10000x128xf32, #tpu.memory_space<hbm>>
      tpu.wait_indirect_dma semaphore(%arg19 : memref<!tpu.dma_semaphore, #tpu.memory_space<semaphore_mem>>) src(%dma_wait3A_273 : memref<10000x128xf32, #tpu.memory_space<hbm>>) dst(%dma_wait3A_268 : memref<16x128xf32, #tpu.memory_space<vmem>>)
      %dma_wait3A_274 = arith.constant 0 : i32
      %dma_wait3A_275 = arith.constant 0 : i32
      %dma_wait3A_276 = tpu.memref_slice %arg14[%dma_wait3A_274, %dma_wait3A_275] : memref<40x128xf32, #tpu.memory_space<vmem>> -> memref<16x128xf32, #tpu.memory_space<vmem>>
      %dma_wait3A_277 = arith.constant 32 : i32
      %dma_wait3A_278 = tpu.memref_slice %arg10[%dma_wait3A_277] : memref<80xi32, #tpu.memory_space<vmem>> -> memref<16xi32, #tpu.memory_space<vmem>>
      %dma_wait3A_279 = arith.constant 0 : i32
      %dma_wait3A_280 = arith.constant 0 : i32
      %dma_wait3A_281 = tpu.memref_slice %arg4[%dma_wait3A_279, %dma_wait3A_280] : memref<10000x128xf32, #tpu.memory_space<hbm>> -> memref<10000x128xf32, #tpu.memory_space<hbm>>
      tpu.wait_indirect_dma semaphore(%arg19 : memref<!tpu.dma_semaphore, #tpu.memory_space<semaphore_mem>>) src(%dma_wait3A_281 : memref<10000x128xf32, #tpu.memory_space<hbm>>) dst(%dma_wait3A_276 : memref<16x128xf32, #tpu.memory_space<vmem>>)
      %dma_wait3A_282 = arith.constant 0 : i32
      %dma_wait3A_283 = arith.constant 0 : i32
      %dma_wait3A_284 = tpu.memref_slice %arg15[%dma_wait3A_282, %dma_wait3A_283] : memref<40x128xf32, #tpu.memory_space<vmem>> -> memref<16x128xf32, #tpu.memory_space<vmem>>
      %dma_wait3A_285 = arith.constant 0 : i32
      %dma_wait3A_286 = tpu.memref_slice %arg5[%add3A_171, %dma_wait3A_285] : memref<320000x128xf32, #tpu.memory_space<hbm>> -> memref<16x128xf32, #tpu.memory_space<hbm>>
      %dma_wait3A_287 = arith.constant 0 : i32
      %dma_wait3A_288 = arith.constant 0 : i32
      %dma_wait3A_289 = tpu.memref_slice %arg15[%dma_wait3A_287, %dma_wait3A_288] : memref<40x128xf32, #tpu.memory_space<vmem>> -> memref<16x128xf32, #tpu.memory_space<vmem>>
      %dma_wait3A_290 = arith.constant 0 : i32
      %dma_wait3A_291 = tpu.memref_slice %arg5[%add3A_171, %dma_wait3A_290] : memref<320000x128xf32, #tpu.memory_space<hbm>> -> memref<16x128xf32, #tpu.memory_space<hbm>>
      tpu.wait_dma2 semaphore(%arg19 : memref<!tpu.dma_semaphore, #tpu.memory_space<semaphore_mem>>) src(%dma_wait3A_291 : memref<16x128xf32, #tpu.memory_space<hbm>>) dst(%dma_wait3A_289 : memref<16x128xf32, #tpu.memory_space<vmem>>)
      %scan3A_292 = arith.constant 0 : i32
      %scan3A_293 = arith.constant 0 : i32
      %scan3A_294 = arith.constant 16 : i32
      %scan3A_295 = arith.addi %scan3A_293, %scan3A_294 : i32
      %scan3A_296 = arith.constant 1 : i32
      scf.for %scan3A_414 = %scan3A_293 to %scan3A_295 step %scan3A_296  : i32 {
        %add3A_415 = arith.constant 0 : i32
        %add3A_416 = arith.addi %add3A_415, %scan3A_414 : i32
        %get3A = arith.index_cast %add3A_416 : i32 to index
        %get3A_417 = arith.constant 0 : index
        %get3A_418 = tpu.vector_load %arg15[%get3A, %get3A_417] {strides = array<i32>} : memref<40x128xf32, #tpu.memory_space<vmem>>, vector<16xf32>,
        %add3A_419 = arith.constant 0 : i32
        %add3A_420 = arith.addi %add3A_419, %scan3A_414 : i32
        %get3A_421 = arith.index_cast %add3A_420 : i32 to index
        %get3A_422 = arith.constant 16 : index
        %get3A_423 = tpu.vector_load %arg15[%get3A_421, %get3A_422] {strides = array<i32>} : memref<40x128xf32, #tpu.memory_space<vmem>>, vector<16xf32>,
        %add3A_424 = arith.constant 0 : i32
        %add3A_425 = arith.addi %add3A_424, %scan3A_414 : i32
        %get3A_426 = arith.index_cast %add3A_425 : i32 to index
        %get3A_427 = arith.constant 32 : index
        %get3A_428 = tpu.vector_load %arg15[%get3A_426, %get3A_427] {strides = array<i32>} : memref<40x128xf32, #tpu.memory_space<vmem>>, vector<16xf32>,
        %add3A_429 = arith.constant 0 : i32
        %add3A_430 = arith.addi %add3A_429, %scan3A_414 : i32
        %get3A_431 = arith.index_cast %add3A_430 : i32 to index
        %get3A_432 = arith.constant 48 : index
        %get3A_433 = tpu.vector_load %arg15[%get3A_431, %get3A_432] {strides = array<i32>} : memref<40x128xf32, #tpu.memory_space<vmem>>, vector<16xf32>,
        %add3A_434 = arith.constant 0 : i32
        %add3A_435 = arith.addi %add3A_434, %scan3A_414 : i32
        %get3A_436 = arith.index_cast %add3A_435 : i32 to index
        %get3A_437 = arith.constant 64 : index
        %get3A_438 = tpu.vector_load %arg15[%get3A_436, %get3A_437] {strides = array<i32>} : memref<40x128xf32, #tpu.memory_space<vmem>>, vector<16xf32>,
        %add3A_439 = arith.constant 0 : i32
        %add3A_440 = arith.addi %add3A_439, %scan3A_414 : i32
        %get3A_441 = arith.index_cast %add3A_440 : i32 to index
        %get3A_442 = arith.constant 80 : index
        %get3A_443 = tpu.vector_load %arg15[%get3A_441, %get3A_442] {strides = array<i32>} : memref<40x128xf32, #tpu.memory_space<vmem>>, vector<16xf32>,
        %add3A_444 = arith.constant 0 : i32
        %add3A_445 = arith.addi %add3A_444, %scan3A_414 : i32
        %get3A_446 = arith.index_cast %add3A_445 : i32 to index
        %get3A_447 = arith.constant 96 : index
        %get3A_448 = tpu.vector_load %arg15[%get3A_446, %get3A_447] {strides = array<i32>} : memref<40x128xf32, #tpu.memory_space<vmem>>, vector<16xf32>,
        %add3A_449 = arith.constant 0 : i32
        %add3A_450 = arith.addi %add3A_449, %scan3A_414 : i32
        %get3A_451 = arith.index_cast %add3A_450 : i32 to index
        %get3A_452 = arith.constant 112 : index
        %get3A_453 = tpu.vector_load %arg15[%get3A_451, %get3A_452] {strides = array<i32>} : memref<40x128xf32, #tpu.memory_space<vmem>>, vector<16xf32>,
        %add3A_454 = arith.constant 0 : i32
        %add3A_455 = arith.addi %add3A_454, %scan3A_414 : i32
        %get3A_456 = arith.index_cast %add3A_455 : i32 to index
        %get3A_457 = arith.constant 0 : index
        %get3A_458 = tpu.vector_load %arg13[%get3A_456, %get3A_457] {strides = array<i32>} : memref<40x128xf32, #tpu.memory_space<vmem>>, vector<16xf32>,
        %add3A_459 = arith.constant 0 : i32
        %add3A_460 = arith.addi %add3A_459, %scan3A_414 : i32
        %get3A_461 = arith.index_cast %add3A_460 : i32 to index
        %get3A_462 = arith.constant 0 : index
        %get3A_463 = tpu.vector_load %arg12[%get3A_461, %get3A_462] {strides = array<i32>} : memref<40x128xf32, #tpu.memory_space<vmem>>, vector<16xf32>,
        %add3A_464 = arith.addf %get3A_463, %get3A_418 : vector<16xf32>
        %mul3A_465 = arith.mulf %get3A_458, %add3A_464 : vector<16xf32>
        %add3A_466 = arith.constant 0 : i32
        %add3A_467 = arith.addi %add3A_466, %scan3A_414 : i32
        %get3A_468 = arith.index_cast %add3A_467 : i32 to index
        %get3A_469 = arith.constant 16 : index
        %get3A_470 = tpu.vector_load %arg13[%get3A_468, %get3A_469] {strides = array<i32>} : memref<40x128xf32, #tpu.memory_space<vmem>>, vector<16xf32>,
        %add3A_471 = arith.constant 0 : i32
        %add3A_472 = arith.addi %add3A_471, %scan3A_414 : i32
        %get3A_473 = arith.index_cast %add3A_472 : i32 to index
        %get3A_474 = arith.constant 16 : index
        %get3A_475 = tpu.vector_load %arg12[%get3A_473, %get3A_474] {strides = array<i32>} : memref<40x128xf32, #tpu.memory_space<vmem>>, vector<16xf32>,
        %add3A_476 = arith.addf %get3A_475, %get3A_423 : vector<16xf32>
        %mul3A_477 = arith.mulf %get3A_470, %add3A_476 : vector<16xf32>
        %add3A_478 = arith.constant 0 : i32
        %add3A_479 = arith.addi %add3A_478, %scan3A_414 : i32
        %get3A_480 = arith.index_cast %add3A_479 : i32 to index
        %get3A_481 = arith.constant 32 : index
        %get3A_482 = tpu.vector_load %arg13[%get3A_480, %get3A_481] {strides = array<i32>} : memref<40x128xf32, #tpu.memory_space<vmem>>, vector<16xf32>,
        %add3A_483 = arith.constant 0 : i32
        %add3A_484 = arith.addi %add3A_483, %scan3A_414 : i32
        %get3A_485 = arith.index_cast %add3A_484 : i32 to index
        %get3A_486 = arith.constant 32 : index
        %get3A_487 = tpu.vector_load %arg12[%get3A_485, %get3A_486] {strides = array<i32>} : memref<40x128xf32, #tpu.memory_space<vmem>>, vector<16xf32>,
        %add3A_488 = arith.addf %get3A_487, %get3A_428 : vector<16xf32>
        %mul3A_489 = arith.mulf %get3A_482, %add3A_488 : vector<16xf32>
        %add3A_490 = arith.constant 0 : i32
        %add3A_491 = arith.addi %add3A_490, %scan3A_414 : i32
        %get3A_492 = arith.index_cast %add3A_491 : i32 to index
        %get3A_493 = arith.constant 48 : index
        %get3A_494 = tpu.vector_load %arg13[%get3A_492, %get3A_493] {strides = array<i32>} : memref<40x128xf32, #tpu.memory_space<vmem>>, vector<16xf32>,
        %add3A_495 = arith.constant 0 : i32
        %add3A_496 = arith.addi %add3A_495, %scan3A_414 : i32
        %get3A_497 = arith.index_cast %add3A_496 : i32 to index
        %get3A_498 = arith.constant 48 : index
        %get3A_499 = tpu.vector_load %arg12[%get3A_497, %get3A_498] {strides = array<i32>} : memref<40x128xf32, #tpu.memory_space<vmem>>, vector<16xf32>,
        %add3A_500 = arith.addf %get3A_499, %get3A_433 : vector<16xf32>
        %mul3A_501 = arith.mulf %get3A_494, %add3A_500 : vector<16xf32>
        %add3A_502 = arith.constant 0 : i32
        %add3A_503 = arith.addi %add3A_502, %scan3A_414 : i32
        %get3A_504 = arith.index_cast %add3A_503 : i32 to index
        %get3A_505 = arith.constant 64 : index
        %get3A_506 = tpu.vector_load %arg13[%get3A_504, %get3A_505] {strides = array<i32>} : memref<40x128xf32, #tpu.memory_space<vmem>>, vector<16xf32>,
        %add3A_507 = arith.constant 0 : i32
        %add3A_508 = arith.addi %add3A_507, %scan3A_414 : i32
        %get3A_509 = arith.index_cast %add3A_508 : i32 to index
        %get3A_510 = arith.constant 64 : index
        %get3A_511 = tpu.vector_load %arg12[%get3A_509, %get3A_510] {strides = array<i32>} : memref<40x128xf32, #tpu.memory_space<vmem>>, vector<16xf32>,
        %add3A_512 = arith.addf %get3A_511, %get3A_438 : vector<16xf32>
        %mul3A_513 = arith.mulf %get3A_506, %add3A_512 : vector<16xf32>
        %add3A_514 = arith.constant 0 : i32
        %add3A_515 = arith.addi %add3A_514, %scan3A_414 : i32
        %get3A_516 = arith.index_cast %add3A_515 : i32 to index
        %get3A_517 = arith.constant 80 : index
        %get3A_518 = tpu.vector_load %arg13[%get3A_516, %get3A_517] {strides = array<i32>} : memref<40x128xf32, #tpu.memory_space<vmem>>, vector<16xf32>,
        %add3A_519 = arith.constant 0 : i32
        %add3A_520 = arith.addi %add3A_519, %scan3A_414 : i32
        %get3A_521 = arith.index_cast %add3A_520 : i32 to index
        %get3A_522 = arith.constant 80 : index
        %get3A_523 = tpu.vector_load %arg12[%get3A_521, %get3A_522] {strides = array<i32>} : memref<40x128xf32, #tpu.memory_space<vmem>>, vector<16xf32>,
        %add3A_524 = arith.addf %get3A_523, %get3A_443 : vector<16xf32>
        %mul3A_525 = arith.mulf %get3A_518, %add3A_524 : vector<16xf32>
        %add3A_526 = arith.constant 0 : i32
        %add3A_527 = arith.addi %add3A_526, %scan3A_414 : i32
        %get3A_528 = arith.index_cast %add3A_527 : i32 to index
        %get3A_529 = arith.constant 96 : index
        %get3A_530 = tpu.vector_load %arg13[%get3A_528, %get3A_529] {strides = array<i32>} : memref<40x128xf32, #tpu.memory_space<vmem>>, vector<16xf32>,
        %add3A_531 = arith.constant 0 : i32
        %add3A_532 = arith.addi %add3A_531, %scan3A_414 : i32
        %get3A_533 = arith.index_cast %add3A_532 : i32 to index
        %get3A_534 = arith.constant 96 : index
        %get3A_535 = tpu.vector_load %arg12[%get3A_533, %get3A_534] {strides = array<i32>} : memref<40x128xf32, #tpu.memory_space<vmem>>, vector<16xf32>,
        %add3A_536 = arith.addf %get3A_535, %get3A_448 : vector<16xf32>
        %mul3A_537 = arith.mulf %get3A_530, %add3A_536 : vector<16xf32>
        %add3A_538 = arith.constant 0 : i32
        %add3A_539 = arith.addi %add3A_538, %scan3A_414 : i32
        %get3A_540 = arith.index_cast %add3A_539 : i32 to index
        %get3A_541 = arith.constant 112 : index
        %get3A_542 = tpu.vector_load %arg13[%get3A_540, %get3A_541] {strides = array<i32>} : memref<40x128xf32, #tpu.memory_space<vmem>>, vector<16xf32>,
        %add3A_543 = arith.constant 0 : i32
        %add3A_544 = arith.addi %add3A_543, %scan3A_414 : i32
        %get3A_545 = arith.index_cast %add3A_544 : i32 to index
        %get3A_546 = arith.constant 112 : index
        %get3A_547 = tpu.vector_load %arg12[%get3A_545, %get3A_546] {strides = array<i32>} : memref<40x128xf32, #tpu.memory_space<vmem>>, vector<16xf32>,
        %add3A_548 = arith.addf %get3A_547, %get3A_453 : vector<16xf32>
        %mul3A_549 = arith.mulf %get3A_542, %add3A_548 : vector<16xf32>
        %broadcast_in_dim3A_550 = arith.constant true
        %broadcast_in_dim3A_551 = vector.broadcast %broadcast_in_dim3A_550 : i1 to vector<16xi1>
        %masked_cumsum3A = tpu.scan <sum>, %mul3A_465 masked %broadcast_in_dim3A_551 : vector<16xf32>, vector<16xi1> -> vector<16xf32>
        %broadcast_in_dim3A_552 = arith.constant true
        %broadcast_in_dim3A_553 = vector.broadcast %broadcast_in_dim3A_552 : i1 to vector<16xi1>
        %masked_cumsum3A_554 = tpu.scan <sum>, %mul3A_477 masked %broadcast_in_dim3A_553 : vector<16xf32>, vector<16xi1> -> vector<16xf32>
        %broadcast_in_dim3A_555 = arith.constant true
        %broadcast_in_dim3A_556 = vector.broadcast %broadcast_in_dim3A_555 : i1 to vector<16xi1>
        %masked_cumsum3A_557 = tpu.scan <sum>, %mul3A_489 masked %broadcast_in_dim3A_556 : vector<16xf32>, vector<16xi1> -> vector<16xf32>
        %broadcast_in_dim3A_558 = arith.constant true
        %broadcast_in_dim3A_559 = vector.broadcast %broadcast_in_dim3A_558 : i1 to vector<16xi1>
        %masked_cumsum3A_560 = tpu.scan <sum>, %mul3A_501 masked %broadcast_in_dim3A_559 : vector<16xf32>, vector<16xi1> -> vector<16xf32>
        %broadcast_in_dim3A_561 = arith.constant true
        %broadcast_in_dim3A_562 = vector.broadcast %broadcast_in_dim3A_561 : i1 to vector<16xi1>
        %masked_cumsum3A_563 = tpu.scan <sum>, %mul3A_513 masked %broadcast_in_dim3A_562 : vector<16xf32>, vector<16xi1> -> vector<16xf32>
        %broadcast_in_dim3A_564 = arith.constant true
        %broadcast_in_dim3A_565 = vector.broadcast %broadcast_in_dim3A_564 : i1 to vector<16xi1>
        %masked_cumsum3A_566 = tpu.scan <sum>, %mul3A_525 masked %broadcast_in_dim3A_565 : vector<16xf32>, vector<16xi1> -> vector<16xf32>
        %broadcast_in_dim3A_567 = arith.constant true
        %broadcast_in_dim3A_568 = vector.broadcast %broadcast_in_dim3A_567 : i1 to vector<16xi1>
        %masked_cumsum3A_569 = tpu.scan <sum>, %mul3A_537 masked %broadcast_in_dim3A_568 : vector<16xf32>, vector<16xi1> -> vector<16xf32>
        %broadcast_in_dim3A_570 = arith.constant true
        %broadcast_in_dim3A_571 = vector.broadcast %broadcast_in_dim3A_570 : i1 to vector<16xi1>
        %masked_cumsum3A_572 = tpu.scan <sum>, %mul3A_549 masked %broadcast_in_dim3A_571 : vector<16xf32>, vector<16xi1> -> vector<16xf32>
        %gather3A = vector.shape_cast %broadcast_in_dim3A_1 : vector<16x1xi32> to vector<16xi32>
        %gather3A_573 = tpu.dynamic_gather %masked_cumsum3A[%gather3A] in [0] : vector<16xf32>, vector<16xi32> -> vector<16xf32>
        %exp3A = math.exp %gather3A_573 : vector<16xf32>
        %gather3A_574 = vector.shape_cast %broadcast_in_dim3A_1 : vector<16x1xi32> to vector<16xi32>
        %gather3A_575 = tpu.dynamic_gather %masked_cumsum3A_554[%gather3A_574] in [0] : vector<16xf32>, vector<16xi32> -> vector<16xf32>
        %exp3A_576 = math.exp %gather3A_575 : vector<16xf32>
        %gather3A_577 = vector.shape_cast %broadcast_in_dim3A_1 : vector<16x1xi32> to vector<16xi32>
        %gather3A_578 = tpu.dynamic_gather %masked_cumsum3A_557[%gather3A_577] in [0] : vector<16xf32>, vector<16xi32> -> vector<16xf32>
        %exp3A_579 = math.exp %gather3A_578 : vector<16xf32>
        %gather3A_580 = vector.shape_cast %broadcast_in_dim3A_1 : vector<16x1xi32> to vector<16xi32>
        %gather3A_581 = tpu.dynamic_gather %masked_cumsum3A_560[%gather3A_580] in [0] : vector<16xf32>, vector<16xi32> -> vector<16xf32>
        %exp3A_582 = math.exp %gather3A_581 : vector<16xf32>
        %gather3A_583 = vector.shape_cast %broadcast_in_dim3A_1 : vector<16x1xi32> to vector<16xi32>
        %gather3A_584 = tpu.dynamic_gather %masked_cumsum3A_563[%gather3A_583] in [0] : vector<16xf32>, vector<16xi32> -> vector<16xf32>
        %exp3A_585 = math.exp %gather3A_584 : vector<16xf32>
        %gather3A_586 = vector.shape_cast %broadcast_in_dim3A_1 : vector<16x1xi32> to vector<16xi32>
        %gather3A_587 = tpu.dynamic_gather %masked_cumsum3A_566[%gather3A_586] in [0] : vector<16xf32>, vector<16xi32> -> vector<16xf32>
        %exp3A_588 = math.exp %gather3A_587 : vector<16xf32>
        %gather3A_589 = vector.shape_cast %broadcast_in_dim3A_1 : vector<16x1xi32> to vector<16xi32>
        %gather3A_590 = tpu.dynamic_gather %masked_cumsum3A_569[%gather3A_589] in [0] : vector<16xf32>, vector<16xi32> -> vector<16xf32>
        %exp3A_591 = math.exp %gather3A_590 : vector<16xf32>
        %gather3A_592 = vector.shape_cast %broadcast_in_dim3A_1 : vector<16x1xi32> to vector<16xi32>
        %gather3A_593 = tpu.dynamic_gather %masked_cumsum3A_572[%gather3A_592] in [0] : vector<16xf32>, vector<16xi32> -> vector<16xf32>
        %exp3A_594 = math.exp %gather3A_593 : vector<16xf32>
        %add3A_595 = arith.constant 0 : i32
        %add3A_596 = arith.addi %add3A_595, %scan3A_414 : i32
        %get3A_597 = arith.index_cast %add3A_596 : i32 to index
        %get3A_598 = arith.constant 0 : index
        %get3A_599 = tpu.vector_load %arg14[%get3A_597, %get3A_598] {strides = array<i32>} : memref<40x128xf32, #tpu.memory_space<vmem>>, vector<16xf32>,
        %add3A_600 = arith.addf %get3A_599, %get3A_418 : vector<16xf32>
        %add3A_601 = arith.constant 0 : i32
        %add3A_602 = arith.addi %add3A_601, %scan3A_414 : i32
        %get3A_603 = arith.index_cast %add3A_602 : i32 to index
        %get3A_604 = arith.constant 16 : index
        %get3A_605 = tpu.vector_load %arg14[%get3A_603, %get3A_604] {strides = array<i32>} : memref<40x128xf32, #tpu.memory_space<vmem>>, vector<16xf32>,
        %add3A_606 = arith.addf %get3A_605, %get3A_423 : vector<16xf32>
        %add3A_607 = arith.constant 0 : i32
        %add3A_608 = arith.addi %add3A_607, %scan3A_414 : i32
        %get3A_609 = arith.index_cast %add3A_608 : i32 to index
        %get3A_610 = arith.constant 32 : index
        %get3A_611 = tpu.vector_load %arg14[%get3A_609, %get3A_610] {strides = array<i32>} : memref<40x128xf32, #tpu.memory_space<vmem>>, vector<16xf32>,
        %add3A_612 = arith.addf %get3A_611, %get3A_428 : vector<16xf32>
        %add3A_613 = arith.constant 0 : i32
        %add3A_614 = arith.addi %add3A_613, %scan3A_414 : i32
        %get3A_615 = arith.index_cast %add3A_614 : i32 to index
        %get3A_616 = arith.constant 48 : index
        %get3A_617 = tpu.vector_load %arg14[%get3A_615, %get3A_616] {strides = array<i32>} : memref<40x128xf32, #tpu.memory_space<vmem>>, vector<16xf32>,
        %add3A_618 = arith.addf %get3A_617, %get3A_433 : vector<16xf32>
        %add3A_619 = arith.constant 0 : i32
        %add3A_620 = arith.addi %add3A_619, %scan3A_414 : i32
        %get3A_621 = arith.index_cast %add3A_620 : i32 to index
        %get3A_622 = arith.constant 64 : index
        %get3A_623 = tpu.vector_load %arg14[%get3A_621, %get3A_622] {strides = array<i32>} : memref<40x128xf32, #tpu.memory_space<vmem>>, vector<16xf32>,
        %add3A_624 = arith.addf %get3A_623, %get3A_438 : vector<16xf32>
        %add3A_625 = arith.constant 0 : i32
        %add3A_626 = arith.addi %add3A_625, %scan3A_414 : i32
        %get3A_627 = arith.index_cast %add3A_626 : i32 to index
        %get3A_628 = arith.constant 80 : index
        %get3A_629 = tpu.vector_load %arg14[%get3A_627, %get3A_628] {strides = array<i32>} : memref<40x128xf32, #tpu.memory_space<vmem>>, vector<16xf32>,
        %add3A_630 = arith.addf %get3A_629, %get3A_443 : vector<16xf32>
        %add3A_631 = arith.constant 0 : i32
        %add3A_632 = arith.addi %add3A_631, %scan3A_414 : i32
        %get3A_633 = arith.index_cast %add3A_632 : i32 to index
        %get3A_634 = arith.constant 96 : index
        %get3A_635 = tpu.vector_load %arg14[%get3A_633, %get3A_634] {strides = array<i32>} : memref<40x128xf32, #tpu.memory_space<vmem>>, vector<16xf32>,
        %add3A_636 = arith.addf %get3A_635, %get3A_448 : vector<16xf32>
        %add3A_637 = arith.constant 0 : i32
        %add3A_638 = arith.addi %add3A_637, %scan3A_414 : i32
        %get3A_639 = arith.index_cast %add3A_638 : i32 to index
        %get3A_640 = arith.constant 112 : index
        %get3A_641 = tpu.vector_load %arg14[%get3A_639, %get3A_640] {strides = array<i32>} : memref<40x128xf32, #tpu.memory_space<vmem>>, vector<16xf32>,
        %add3A_642 = arith.addf %get3A_641, %get3A_453 : vector<16xf32>
        %mul3A_643 = arith.mulf %add3A_600, %exp3A : vector<16xf32>
        %add3A_644 = arith.constant 32 : i32
        %add3A_645 = arith.addi %add3A_644, %scan3A_414 : i32
        %swap3A = arith.index_cast %add3A_645 : i32 to index
        %swap3A_646 = arith.constant 0 : index
        %swap3A_647 = tpu.vector_load %arg16[%swap3A, %swap3A_646] {strides = array<i32>} : memref<80x144xf32, #tpu.memory_space<vmem>>, vector<16xf32>,
        tpu.vector_store %arg16[%swap3A, %swap3A_646], %mul3A_643 {strides = array<i32>} : memref<80x144xf32, #tpu.memory_space<vmem>>, vector<16xf32>,
        %eq3A = arith.constant 0 : i32
        %eq3A_648 = vector.broadcast %eq3A : i32 to vector<16xi32>
        %eq3A_649 = arith.cmpi eq, %iota3A, %eq3A_648 : vector<16xi32>
        %jit3A = arith.constant 0.000000e+00 : f32
        %broadcast_in_dim3A_650 = vector.broadcast %jit3A : f32 to vector<16xf32>
        %select_n3A = arith.select %eq3A_649, %exp3A, %broadcast_in_dim3A_650 : vector<16xi1>, vector<16xf32>
        %add3A_651 = arith.addf %broadcast_in_dim3A_3, %select_n3A : vector<16xf32>
        %mul3A_652 = arith.mulf %add3A_606, %exp3A_576 : vector<16xf32>
        %add3A_653 = arith.constant 32 : i32
        %add3A_654 = arith.addi %add3A_653, %scan3A_414 : i32
        %swap3A_655 = arith.index_cast %add3A_654 : i32 to index
        %swap3A_656 = arith.constant 16 : index
        %swap3A_657 = tpu.vector_load %arg16[%swap3A_655, %swap3A_656] {strides = array<i32>} : memref<80x144xf32, #tpu.memory_space<vmem>>, vector<16xf32>,
        tpu.vector_store %arg16[%swap3A_655, %swap3A_656], %mul3A_652 {strides = array<i32>} : memref<80x144xf32, #tpu.memory_space<vmem>>, vector<16xf32>,
        %eq3A_658 = arith.constant 1 : i32
        %eq3A_659 = vector.broadcast %eq3A_658 : i32 to vector<16xi32>
        %eq3A_660 = arith.cmpi eq, %iota3A, %eq3A_659 : vector<16xi32>
        %jit3A_661 = arith.constant 0.000000e+00 : f32
        %broadcast_in_dim3A_662 = vector.broadcast %jit3A_661 : f32 to vector<16xf32>
        %select_n3A_663 = arith.select %eq3A_660, %exp3A_576, %broadcast_in_dim3A_662 : vector<16xi1>, vector<16xf32>
        %add3A_664 = arith.addf %add3A_651, %select_n3A_663 : vector<16xf32>
        %mul3A_665 = arith.mulf %add3A_612, %exp3A_579 : vector<16xf32>
        %add3A_666 = arith.constant 32 : i32
        %add3A_667 = arith.addi %add3A_666, %scan3A_414 : i32
        %swap3A_668 = arith.index_cast %add3A_667 : i32 to index
        %swap3A_669 = arith.constant 32 : index
        %swap3A_670 = tpu.vector_load %arg16[%swap3A_668, %swap3A_669] {strides = array<i32>} : memref<80x144xf32, #tpu.memory_space<vmem>>, vector<16xf32>,
        tpu.vector_store %arg16[%swap3A_668, %swap3A_669], %mul3A_665 {strides = array<i32>} : memref<80x144xf32, #tpu.memory_space<vmem>>, vector<16xf32>,
        %eq3A_671 = arith.constant 2 : i32
        %eq3A_672 = vector.broadcast %eq3A_671 : i32 to vector<16xi32>
        %eq3A_673 = arith.cmpi eq, %iota3A, %eq3A_672 : vector<16xi32>
        %jit3A_674 = arith.constant 0.000000e+00 : f32
        %broadcast_in_dim3A_675 = vector.broadcast %jit3A_674 : f32 to vector<16xf32>
        %select_n3A_676 = arith.select %eq3A_673, %exp3A_579, %broadcast_in_dim3A_675 : vector<16xi1>, vector<16xf32>
        %add3A_677 = arith.addf %add3A_664, %select_n3A_676 : vector<16xf32>
        %mul3A_678 = arith.mulf %add3A_618, %exp3A_582 : vector<16xf32>
        %add3A_679 = arith.constant 32 : i32
        %add3A_680 = arith.addi %add3A_679, %scan3A_414 : i32
        %swap3A_681 = arith.index_cast %add3A_680 : i32 to index
        %swap3A_682 = arith.constant 48 : index
        %swap3A_683 = tpu.vector_load %arg16[%swap3A_681, %swap3A_682] {strides = array<i32>} : memref<80x144xf32, #tpu.memory_space<vmem>>, vector<16xf32>,
        tpu.vector_store %arg16[%swap3A_681, %swap3A_682], %mul3A_678 {strides = array<i32>} : memref<80x144xf32, #tpu.memory_space<vmem>>, vector<16xf32>,
        %eq3A_684 = arith.constant 3 : i32
        %eq3A_685 = vector.broadcast %eq3A_684 : i32 to vector<16xi32>
        %eq3A_686 = arith.cmpi eq, %iota3A, %eq3A_685 : vector<16xi32>
        %jit3A_687 = arith.constant 0.000000e+00 : f32
        %broadcast_in_dim3A_688 = vector.broadcast %jit3A_687 : f32 to vector<16xf32>
        %select_n3A_689 = arith.select %eq3A_686, %exp3A_582, %broadcast_in_dim3A_688 : vector<16xi1>, vector<16xf32>
        %add3A_690 = arith.addf %add3A_677, %select_n3A_689 : vector<16xf32>
        %mul3A_691 = arith.mulf %add3A_624, %exp3A_585 : vector<16xf32>
        %add3A_692 = arith.constant 32 : i32
        %add3A_693 = arith.addi %add3A_692, %scan3A_414 : i32
        %swap3A_694 = arith.index_cast %add3A_693 : i32 to index
        %swap3A_695 = arith.constant 64 : index
        %swap3A_696 = tpu.vector_load %arg16[%swap3A_694, %swap3A_695] {strides = array<i32>} : memref<80x144xf32, #tpu.memory_space<vmem>>, vector<16xf32>,
        tpu.vector_store %arg16[%swap3A_694, %swap3A_695], %mul3A_691 {strides = array<i32>} : memref<80x144xf32, #tpu.memory_space<vmem>>, vector<16xf32>,
        %eq3A_697 = arith.constant 4 : i32
        %eq3A_698 = vector.broadcast %eq3A_697 : i32 to vector<16xi32>
        %eq3A_699 = arith.cmpi eq, %iota3A, %eq3A_698 : vector<16xi32>
        %jit3A_700 = arith.constant 0.000000e+00 : f32
        %broadcast_in_dim3A_701 = vector.broadcast %jit3A_700 : f32 to vector<16xf32>
        %select_n3A_702 = arith.select %eq3A_699, %exp3A_585, %broadcast_in_dim3A_701 : vector<16xi1>, vector<16xf32>
        %add3A_703 = arith.addf %add3A_690, %select_n3A_702 : vector<16xf32>
        %mul3A_704 = arith.mulf %add3A_630, %exp3A_588 : vector<16xf32>
        %add3A_705 = arith.constant 32 : i32
        %add3A_706 = arith.addi %add3A_705, %scan3A_414 : i32
        %swap3A_707 = arith.index_cast %add3A_706 : i32 to index
        %swap3A_708 = arith.constant 80 : index
        %swap3A_709 = tpu.vector_load %arg16[%swap3A_707, %swap3A_708] {strides = array<i32>} : memref<80x144xf32, #tpu.memory_space<vmem>>, vector<16xf32>,
        tpu.vector_store %arg16[%swap3A_707, %swap3A_708], %mul3A_704 {strides = array<i32>} : memref<80x144xf32, #tpu.memory_space<vmem>>, vector<16xf32>,
        %eq3A_710 = arith.constant 5 : i32
        %eq3A_711 = vector.broadcast %eq3A_710 : i32 to vector<16xi32>
        %eq3A_712 = arith.cmpi eq, %iota3A, %eq3A_711 : vector<16xi32>
        %jit3A_713 = arith.constant 0.000000e+00 : f32
        %broadcast_in_dim3A_714 = vector.broadcast %jit3A_713 : f32 to vector<16xf32>
        %select_n3A_715 = arith.select %eq3A_712, %exp3A_588, %broadcast_in_dim3A_714 : vector<16xi1>, vector<16xf32>
        %add3A_716 = arith.addf %add3A_703, %select_n3A_715 : vector<16xf32>
        %mul3A_717 = arith.mulf %add3A_636, %exp3A_591 : vector<16xf32>
        %add3A_718 = arith.constant 32 : i32
        %add3A_719 = arith.addi %add3A_718, %scan3A_414 : i32
        %swap3A_720 = arith.index_cast %add3A_719 : i32 to index
        %swap3A_721 = arith.constant 96 : index
        %swap3A_722 = tpu.vector_load %arg16[%swap3A_720, %swap3A_721] {strides = array<i32>} : memref<80x144xf32, #tpu.memory_space<vmem>>, vector<16xf32>,
        tpu.vector_store %arg16[%swap3A_720, %swap3A_721], %mul3A_717 {strides = array<i32>} : memref<80x144xf32, #tpu.memory_space<vmem>>, vector<16xf32>,
        %eq3A_723 = arith.constant 6 : i32
        %eq3A_724 = vector.broadcast %eq3A_723 : i32 to vector<16xi32>
        %eq3A_725 = arith.cmpi eq, %iota3A, %eq3A_724 : vector<16xi32>
        %jit3A_726 = arith.constant 0.000000e+00 : f32
        %broadcast_in_dim3A_727 = vector.broadcast %jit3A_726 : f32 to vector<16xf32>
        %select_n3A_728 = arith.select %eq3A_725, %exp3A_591, %broadcast_in_dim3A_727 : vector<16xi1>, vector<16xf32>
        %add3A_729 = arith.addf %add3A_716, %select_n3A_728 : vector<16xf32>
        %mul3A_730 = arith.mulf %add3A_642, %exp3A_594 : vector<16xf32>
        %add3A_731 = arith.constant 32 : i32
        %add3A_732 = arith.addi %add3A_731, %scan3A_414 : i32
        %swap3A_733 = arith.index_cast %add3A_732 : i32 to index
        %swap3A_734 = arith.constant 112 : index
        %swap3A_735 = tpu.vector_load %arg16[%swap3A_733, %swap3A_734] {strides = array<i32>} : memref<80x144xf32, #tpu.memory_space<vmem>>, vector<16xf32>,
        tpu.vector_store %arg16[%swap3A_733, %swap3A_734], %mul3A_730 {strides = array<i32>} : memref<80x144xf32, #tpu.memory_space<vmem>>, vector<16xf32>,
        %eq3A_736 = arith.constant 7 : i32
        %eq3A_737 = vector.broadcast %eq3A_736 : i32 to vector<16xi32>
        %eq3A_738 = arith.cmpi eq, %iota3A, %eq3A_737 : vector<16xi32>
        %jit3A_739 = arith.constant 0.000000e+00 : f32
        %broadcast_in_dim3A_740 = vector.broadcast %jit3A_739 : f32 to vector<16xf32>
        %select_n3A_741 = arith.select %eq3A_738, %exp3A_594, %broadcast_in_dim3A_740 : vector<16xi1>, vector<16xf32>
        %add3A_742 = arith.addf %add3A_729, %select_n3A_741 : vector<16xf32>
        %add3A_743 = arith.constant 32 : i32
        %add3A_744 = arith.addi %add3A_743, %scan3A_414 : i32
        %swap3A_745 = arith.index_cast %add3A_744 : i32 to index
        %swap3A_746 = arith.constant 128 : index
        %swap3A_747 = tpu.vector_load %arg16[%swap3A_745, %swap3A_746] {strides = array<i32>} : memref<80x144xf32, #tpu.memory_space<vmem>>, vector<16xf32>,
        tpu.vector_store %arg16[%swap3A_745, %swap3A_746], %add3A_742 {strides = array<i32>} : memref<80x144xf32, #tpu.memory_space<vmem>>, vector<16xf32>,
      }
      %scan3A_297 = arith.constant 16 : i32
      %dma_start3A_298 = arith.constant 0 : i32
      %dma_start3A_299 = arith.constant 0 : i32
      %dma_start3A_300 = tpu.memref_slice %arg12[%dma_start3A_298, %dma_start3A_299] : memref<40x128xf32, #tpu.memory_space<vmem>> -> memref<16x128xf32, #tpu.memory_space<vmem>>
      %dma_start3A_301 = arith.constant 64 : i32
      %dma_start3A_302 = tpu.memref_slice %arg10[%dma_start3A_301] : memref<80xi32, #tpu.memory_space<vmem>> -> memref<16xi32, #tpu.memory_space<vmem>>
      %dma_start3A_303 = arith.constant 0 : i32
      %dma_start3A_304 = arith.constant 0 : i32
      %dma_start3A_305 = tpu.memref_slice %arg3[%dma_start3A_303, %dma_start3A_304] : memref<10000x128xf32, #tpu.memory_space<hbm>> -> memref<10000x128xf32, #tpu.memory_space<hbm>>
      tpu.enqueue_indirect_dma source(%dma_start3A_305 : memref<10000x128xf32, #tpu.memory_space<hbm>>) target(%dma_start3A_300 : memref<16x128xf32, #tpu.memory_space<vmem>>) offsets(%dma_start3A_302 : memref<16xi32, #tpu.memory_space<vmem>>) semaphore(%arg19 : memref<!tpu.dma_semaphore, #tpu.memory_space<semaphore_mem>>)
      %dma_start3A_306 = arith.constant 0 : i32
      %dma_start3A_307 = arith.constant 0 : i32
      %dma_start3A_308 = tpu.memref_slice %arg13[%dma_start3A_306, %dma_start3A_307] : memref<40x128xf32, #tpu.memory_space<vmem>> -> memref<16x128xf32, #tpu.memory_space<vmem>>
      %dma_start3A_309 = arith.constant 64 : i32
      %dma_start3A_310 = tpu.memref_slice %arg11[%dma_start3A_309] : memref<80xi32, #tpu.memory_space<vmem>> -> memref<16xi32, #tpu.memory_space<vmem>>
      %dma_start3A_311 = arith.constant 0 : i32
      %dma_start3A_312 = arith.constant 0 : i32
      %dma_start3A_313 = tpu.memref_slice %arg2[%dma_start3A_311, %dma_start3A_312] : memref<10000x128xf32, #tpu.memory_space<hbm>> -> memref<10000x128xf32, #tpu.memory_space<hbm>>
      tpu.enqueue_indirect_dma source(%dma_start3A_313 : memref<10000x128xf32, #tpu.memory_space<hbm>>) target(%dma_start3A_308 : memref<16x128xf32, #tpu.memory_space<vmem>>) offsets(%dma_start3A_310 : memref<16xi32, #tpu.memory_space<vmem>>) semaphore(%arg19 : memref<!tpu.dma_semaphore, #tpu.memory_space<semaphore_mem>>)
      %dma_start3A_314 = arith.constant 0 : i32
      %dma_start3A_315 = arith.constant 0 : i32
      %dma_start3A_316 = tpu.memref_slice %arg14[%dma_start3A_314, %dma_start3A_315] : memref<40x128xf32, #tpu.memory_space<vmem>> -> memref<16x128xf32, #tpu.memory_space<vmem>>
      %dma_start3A_317 = arith.constant 64 : i32
      %dma_start3A_318 = tpu.memref_slice %arg10[%dma_start3A_317] : memref<80xi32, #tpu.memory_space<vmem>> -> memref<16xi32, #tpu.memory_space<vmem>>
      %dma_start3A_319 = arith.constant 0 : i32
      %dma_start3A_320 = arith.constant 0 : i32
      %dma_start3A_321 = tpu.memref_slice %arg4[%dma_start3A_319, %dma_start3A_320] : memref<10000x128xf32, #tpu.memory_space<hbm>> -> memref<10000x128xf32, #tpu.memory_space<hbm>>
      tpu.enqueue_indirect_dma source(%dma_start3A_321 : memref<10000x128xf32, #tpu.memory_space<hbm>>) target(%dma_start3A_316 : memref<16x128xf32, #tpu.memory_space<vmem>>) offsets(%dma_start3A_318 : memref<16xi32, #tpu.memory_space<vmem>>) semaphore(%arg19 : memref<!tpu.dma_semaphore, #tpu.memory_space<semaphore_mem>>)
      %add3A_322 = arith.constant 64 : i32
      %add3A_323 = arith.addi %add3A_35, %add3A_322 : i32
      %dma_start3A_324 = arith.constant 0 : i32
      %dma_start3A_325 = arith.constant 0 : i32
      %dma_start3A_326 = tpu.memref_slice %arg15[%dma_start3A_324, %dma_start3A_325] : memref<40x128xf32, #tpu.memory_space<vmem>> -> memref<16x128xf32, #tpu.memory_space<vmem>>
      %dma_start3A_327 = arith.constant 0 : i32
      %dma_start3A_328 = tpu.memref_slice %arg5[%add3A_323, %dma_start3A_327] : memref<320000x128xf32, #tpu.memory_space<hbm>> -> memref<16x128xf32, #tpu.memory_space<hbm>>
      %dma_start3A_329 = arith.constant 0 : i32
      %dma_start3A_330 = arith.constant 0 : i32
      %dma_start3A_331 = tpu.memref_slice %arg15[%dma_start3A_329, %dma_start3A_330] : memref<40x128xf32, #tpu.memory_space<vmem>> -> memref<16x128xf32, #tpu.memory_space<vmem>>
      %dma_start3A_332 = arith.constant 0 : i32
      %dma_start3A_333 = tpu.memref_slice %arg5[%add3A_323, %dma_start3A_332] : memref<320000x128xf32, #tpu.memory_space<hbm>> -> memref<16x128xf32, #tpu.memory_space<hbm>>
      tpu.enqueue_dma source(%dma_start3A_333 : memref<16x128xf32, #tpu.memory_space<hbm>>) target(%dma_start3A_331 : memref<16x128xf32, #tpu.memory_space<vmem>>) target_semaphore(%arg19 : memref<!tpu.dma_semaphore, #tpu.memory_space<semaphore_mem>>)
      %dma_wait3A_334 = arith.constant 16 : i32
      %dma_wait3A_335 = arith.constant 0 : i32
      %dma_wait3A_336 = tpu.memref_slice %arg12[%dma_wait3A_334, %dma_wait3A_335] : memref<40x128xf32, #tpu.memory_space<vmem>> -> memref<16x128xf32, #tpu.memory_space<vmem>>
      %dma_wait3A_337 = arith.constant 48 : i32
      %dma_wait3A_338 = tpu.memref_slice %arg10[%dma_wait3A_337] : memref<80xi32, #tpu.memory_space<vmem>> -> memref<16xi32, #tpu.memory_space<vmem>>
      %dma_wait3A_339 = arith.constant 0 : i32
      %dma_wait3A_340 = arith.constant 0 : i32
      %dma_wait3A_341 = tpu.memref_slice %arg3[%dma_wait3A_339, %dma_wait3A_340] : memref<10000x128xf32, #tpu.memory_space<hbm>> -> memref<10000x128xf32, #tpu.memory_space<hbm>>
      tpu.wait_indirect_dma semaphore(%arg20 : memref<!tpu.dma_semaphore, #tpu.memory_space<semaphore_mem>>) src(%dma_wait3A_341 : memref<10000x128xf32, #tpu.memory_space<hbm>>) dst(%dma_wait3A_336 : memref<16x128xf32, #tpu.memory_space<vmem>>)
      %dma_wait3A_342 = arith.constant 16 : i32
      %dma_wait3A_343 = arith.constant 0 : i32
      %dma_wait3A_344 = tpu.memref_slice %arg13[%dma_wait3A_342, %dma_wait3A_343] : memref<40x128xf32, #tpu.memory_space<vmem>> -> memref<16x128xf32, #tpu.memory_space<vmem>>
      %dma_wait3A_345 = arith.constant 48 : i32
      %dma_wait3A_346 = tpu.memref_slice %arg11[%dma_wait3A_345] : memref<80xi32, #tpu.memory_space<vmem>> -> memref<16xi32, #tpu.memory_space<vmem>>
      %dma_wait3A_347 = arith.constant 0 : i32
      %dma_wait3A_348 = arith.constant 0 : i32
      %dma_wait3A_349 = tpu.memref_slice %arg2[%dma_wait3A_347, %dma_wait3A_348] : memref<10000x128xf32, #tpu.memory_space<hbm>> -> memref<10000x128xf32, #tpu.memory_space<hbm>>
      tpu.wait_indirect_dma semaphore(%arg20 : memref<!tpu.dma_semaphore, #tpu.memory_space<semaphore_mem>>) src(%dma_wait3A_349 : memref<10000x128xf32, #tpu.memory_space<hbm>>) dst(%dma_wait3A_344 : memref<16x128xf32, #tpu.memory_space<vmem>>)
      %dma_wait3A_350 = arith.constant 16 : i32
      %dma_wait3A_351 = arith.constant 0 : i32
      %dma_wait3A_352 = tpu.memref_slice %arg14[%dma_wait3A_350, %dma_wait3A_351] : memref<40x128xf32, #tpu.memory_space<vmem>> -> memref<16x128xf32, #tpu.memory_space<vmem>>
      %dma_wait3A_353 = arith.constant 48 : i32
      %dma_wait3A_354 = tpu.memref_slice %arg10[%dma_wait3A_353] : memref<80xi32, #tpu.memory_space<vmem>> -> memref<16xi32, #tpu.memory_space<vmem>>
      %dma_wait3A_355 = arith.constant 0 : i32
      %dma_wait3A_356 = arith.constant 0 : i32
      %dma_wait3A_357 = tpu.memref_slice %arg4[%dma_wait3A_355, %dma_wait3A_356] : memref<10000x128xf32, #tpu.memory_space<hbm>> -> memref<10000x128xf32, #tpu.memory_space<hbm>>
      tpu.wait_indirect_dma semaphore(%arg20 : memref<!tpu.dma_semaphore, #tpu.memory_space<semaphore_mem>>) src(%dma_wait3A_357 : memref<10000x128xf32, #tpu.memory_space<hbm>>) dst(%dma_wait3A_352 : memref<16x128xf32, #tpu.memory_space<vmem>>)
      %dma_wait3A_358 = arith.constant 16 : i32
      %dma_wait3A_359 = arith.constant 0 : i32
      %dma_wait3A_360 = tpu.memref_slice %arg15[%dma_wait3A_358, %dma_wait3A_359] : memref<40x128xf32, #tpu.memory_space<vmem>> -> memref<16x128xf32, #tpu.memory_space<vmem>>
      %dma_wait3A_361 = arith.constant 0 : i32
      %dma_wait3A_362 = tpu.memref_slice %arg5[%add3A_247, %dma_wait3A_361] : memref<320000x128xf32, #tpu.memory_space<hbm>> -> memref<16x128xf32, #tpu.memory_space<hbm>>
      %dma_wait3A_363 = arith.constant 16 : i32
      %dma_wait3A_364 = arith.constant 0 : i32
      %dma_wait3A_365 = tpu.memref_slice %arg15[%dma_wait3A_363, %dma_wait3A_364] : memref<40x128xf32, #tpu.memory_space<vmem>> -> memref<16x128xf32, #tpu.memory_space<vmem>>
      %dma_wait3A_366 = arith.constant 0 : i32
      %dma_wait3A_367 = tpu.memref_slice %arg5[%add3A_247, %dma_wait3A_366] : memref<320000x128xf32, #tpu.memory_space<hbm>> -> memref<16x128xf32, #tpu.memory_space<hbm>>
      tpu.wait_dma2 semaphore(%arg20 : memref<!tpu.dma_semaphore, #tpu.memory_space<semaphore_mem>>) src(%dma_wait3A_367 : memref<16x128xf32, #tpu.memory_space<hbm>>) dst(%dma_wait3A_365 : memref<16x128xf32, #tpu.memory_space<vmem>>)
      %scan3A_368 = arith.constant 0 : i32
      %scan3A_369 = arith.constant 0 : i32
      %scan3A_370 = arith.constant 16 : i32
      %scan3A_371 = arith.addi %scan3A_369, %scan3A_370 : i32
      %scan3A_372 = arith.constant 1 : i32
      scf.for %scan3A_414 = %scan3A_369 to %scan3A_371 step %scan3A_372  : i32 {
        %add3A_415 = arith.constant 16 : i32
        %add3A_416 = arith.addi %add3A_415, %scan3A_414 : i32
        %get3A = arith.index_cast %add3A_416 : i32 to index
        %get3A_417 = arith.constant 0 : index
        %get3A_418 = tpu.vector_load %arg15[%get3A, %get3A_417] {strides = array<i32>} : memref<40x128xf32, #tpu.memory_space<vmem>>, vector<16xf32>,
        %add3A_419 = arith.constant 16 : i32
        %add3A_420 = arith.addi %add3A_419, %scan3A_414 : i32
        %get3A_421 = arith.index_cast %add3A_420 : i32 to index
        %get3A_422 = arith.constant 16 : index
        %get3A_423 = tpu.vector_load %arg15[%get3A_421, %get3A_422] {strides = array<i32>} : memref<40x128xf32, #tpu.memory_space<vmem>>, vector<16xf32>,
        %add3A_424 = arith.constant 16 : i32
        %add3A_425 = arith.addi %add3A_424, %scan3A_414 : i32
        %get3A_426 = arith.index_cast %add3A_425 : i32 to index
        %get3A_427 = arith.constant 32 : index
        %get3A_428 = tpu.vector_load %arg15[%get3A_426, %get3A_427] {strides = array<i32>} : memref<40x128xf32, #tpu.memory_space<vmem>>, vector<16xf32>,
        %add3A_429 = arith.constant 16 : i32
        %add3A_430 = arith.addi %add3A_429, %scan3A_414 : i32
        %get3A_431 = arith.index_cast %add3A_430 : i32 to index
        %get3A_432 = arith.constant 48 : index
        %get3A_433 = tpu.vector_load %arg15[%get3A_431, %get3A_432] {strides = array<i32>} : memref<40x128xf32, #tpu.memory_space<vmem>>, vector<16xf32>,
        %add3A_434 = arith.constant 16 : i32
        %add3A_435 = arith.addi %add3A_434, %scan3A_414 : i32
        %get3A_436 = arith.index_cast %add3A_435 : i32 to index
        %get3A_437 = arith.constant 64 : index
        %get3A_438 = tpu.vector_load %arg15[%get3A_436, %get3A_437] {strides = array<i32>} : memref<40x128xf32, #tpu.memory_space<vmem>>, vector<16xf32>,
        %add3A_439 = arith.constant 16 : i32
        %add3A_440 = arith.addi %add3A_439, %scan3A_414 : i32
        %get3A_441 = arith.index_cast %add3A_440 : i32 to index
        %get3A_442 = arith.constant 80 : index
        %get3A_443 = tpu.vector_load %arg15[%get3A_441, %get3A_442] {strides = array<i32>} : memref<40x128xf32, #tpu.memory_space<vmem>>, vector<16xf32>,
        %add3A_444 = arith.constant 16 : i32
        %add3A_445 = arith.addi %add3A_444, %scan3A_414 : i32
        %get3A_446 = arith.index_cast %add3A_445 : i32 to index
        %get3A_447 = arith.constant 96 : index
        %get3A_448 = tpu.vector_load %arg15[%get3A_446, %get3A_447] {strides = array<i32>} : memref<40x128xf32, #tpu.memory_space<vmem>>, vector<16xf32>,
        %add3A_449 = arith.constant 16 : i32
        %add3A_450 = arith.addi %add3A_449, %scan3A_414 : i32
        %get3A_451 = arith.index_cast %add3A_450 : i32 to index
        %get3A_452 = arith.constant 112 : index
        %get3A_453 = tpu.vector_load %arg15[%get3A_451, %get3A_452] {strides = array<i32>} : memref<40x128xf32, #tpu.memory_space<vmem>>, vector<16xf32>,
        %add3A_454 = arith.constant 16 : i32
        %add3A_455 = arith.addi %add3A_454, %scan3A_414 : i32
        %get3A_456 = arith.index_cast %add3A_455 : i32 to index
        %get3A_457 = arith.constant 0 : index
        %get3A_458 = tpu.vector_load %arg13[%get3A_456, %get3A_457] {strides = array<i32>} : memref<40x128xf32, #tpu.memory_space<vmem>>, vector<16xf32>,
        %add3A_459 = arith.constant 16 : i32
        %add3A_460 = arith.addi %add3A_459, %scan3A_414 : i32
        %get3A_461 = arith.index_cast %add3A_460 : i32 to index
        %get3A_462 = arith.constant 0 : index
        %get3A_463 = tpu.vector_load %arg12[%get3A_461, %get3A_462] {strides = array<i32>} : memref<40x128xf32, #tpu.memory_space<vmem>>, vector<16xf32>,
        %add3A_464 = arith.addf %get3A_463, %get3A_418 : vector<16xf32>
        %mul3A_465 = arith.mulf %get3A_458, %add3A_464 : vector<16xf32>
        %add3A_466 = arith.constant 16 : i32
        %add3A_467 = arith.addi %add3A_466, %scan3A_414 : i32
        %get3A_468 = arith.index_cast %add3A_467 : i32 to index
        %get3A_469 = arith.constant 16 : index
        %get3A_470 = tpu.vector_load %arg13[%get3A_468, %get3A_469] {strides = array<i32>} : memref<40x128xf32, #tpu.memory_space<vmem>>, vector<16xf32>,
        %add3A_471 = arith.constant 16 : i32
        %add3A_472 = arith.addi %add3A_471, %scan3A_414 : i32
        %get3A_473 = arith.index_cast %add3A_472 : i32 to index
        %get3A_474 = arith.constant 16 : index
        %get3A_475 = tpu.vector_load %arg12[%get3A_473, %get3A_474] {strides = array<i32>} : memref<40x128xf32, #tpu.memory_space<vmem>>, vector<16xf32>,
        %add3A_476 = arith.addf %get3A_475, %get3A_423 : vector<16xf32>
        %mul3A_477 = arith.mulf %get3A_470, %add3A_476 : vector<16xf32>
        %add3A_478 = arith.constant 16 : i32
        %add3A_479 = arith.addi %add3A_478, %scan3A_414 : i32
        %get3A_480 = arith.index_cast %add3A_479 : i32 to index
        %get3A_481 = arith.constant 32 : index
        %get3A_482 = tpu.vector_load %arg13[%get3A_480, %get3A_481] {strides = array<i32>} : memref<40x128xf32, #tpu.memory_space<vmem>>, vector<16xf32>,
        %add3A_483 = arith.constant 16 : i32
        %add3A_484 = arith.addi %add3A_483, %scan3A_414 : i32
        %get3A_485 = arith.index_cast %add3A_484 : i32 to index
        %get3A_486 = arith.constant 32 : index
        %get3A_487 = tpu.vector_load %arg12[%get3A_485, %get3A_486] {strides = array<i32>} : memref<40x128xf32, #tpu.memory_space<vmem>>, vector<16xf32>,
        %add3A_488 = arith.addf %get3A_487, %get3A_428 : vector<16xf32>
        %mul3A_489 = arith.mulf %get3A_482, %add3A_488 : vector<16xf32>
        %add3A_490 = arith.constant 16 : i32
        %add3A_491 = arith.addi %add3A_490, %scan3A_414 : i32
        %get3A_492 = arith.index_cast %add3A_491 : i32 to index
        %get3A_493 = arith.constant 48 : index
        %get3A_494 = tpu.vector_load %arg13[%get3A_492, %get3A_493] {strides = array<i32>} : memref<40x128xf32, #tpu.memory_space<vmem>>, vector<16xf32>,
        %add3A_495 = arith.constant 16 : i32
        %add3A_496 = arith.addi %add3A_495, %scan3A_414 : i32
        %get3A_497 = arith.index_cast %add3A_496 : i32 to index
        %get3A_498 = arith.constant 48 : index
        %get3A_499 = tpu.vector_load %arg12[%get3A_497, %get3A_498] {strides = array<i32>} : memref<40x128xf32, #tpu.memory_space<vmem>>, vector<16xf32>,
        %add3A_500 = arith.addf %get3A_499, %get3A_433 : vector<16xf32>
        %mul3A_501 = arith.mulf %get3A_494, %add3A_500 : vector<16xf32>
        %add3A_502 = arith.constant 16 : i32
        %add3A_503 = arith.addi %add3A_502, %scan3A_414 : i32
        %get3A_504 = arith.index_cast %add3A_503 : i32 to index
        %get3A_505 = arith.constant 64 : index
        %get3A_506 = tpu.vector_load %arg13[%get3A_504, %get3A_505] {strides = array<i32>} : memref<40x128xf32, #tpu.memory_space<vmem>>, vector<16xf32>,
        %add3A_507 = arith.constant 16 : i32
        %add3A_508 = arith.addi %add3A_507, %scan3A_414 : i32
        %get3A_509 = arith.index_cast %add3A_508 : i32 to index
        %get3A_510 = arith.constant 64 : index
        %get3A_511 = tpu.vector_load %arg12[%get3A_509, %get3A_510] {strides = array<i32>} : memref<40x128xf32, #tpu.memory_space<vmem>>, vector<16xf32>,
        %add3A_512 = arith.addf %get3A_511, %get3A_438 : vector<16xf32>
        %mul3A_513 = arith.mulf %get3A_506, %add3A_512 : vector<16xf32>
        %add3A_514 = arith.constant 16 : i32
        %add3A_515 = arith.addi %add3A_514, %scan3A_414 : i32
        %get3A_516 = arith.index_cast %add3A_515 : i32 to index
        %get3A_517 = arith.constant 80 : index
        %get3A_518 = tpu.vector_load %arg13[%get3A_516, %get3A_517] {strides = array<i32>} : memref<40x128xf32, #tpu.memory_space<vmem>>, vector<16xf32>,
        %add3A_519 = arith.constant 16 : i32
        %add3A_520 = arith.addi %add3A_519, %scan3A_414 : i32
        %get3A_521 = arith.index_cast %add3A_520 : i32 to index
        %get3A_522 = arith.constant 80 : index
        %get3A_523 = tpu.vector_load %arg12[%get3A_521, %get3A_522] {strides = array<i32>} : memref<40x128xf32, #tpu.memory_space<vmem>>, vector<16xf32>,
        %add3A_524 = arith.addf %get3A_523, %get3A_443 : vector<16xf32>
        %mul3A_525 = arith.mulf %get3A_518, %add3A_524 : vector<16xf32>
        %add3A_526 = arith.constant 16 : i32
        %add3A_527 = arith.addi %add3A_526, %scan3A_414 : i32
        %get3A_528 = arith.index_cast %add3A_527 : i32 to index
        %get3A_529 = arith.constant 96 : index
        %get3A_530 = tpu.vector_load %arg13[%get3A_528, %get3A_529] {strides = array<i32>} : memref<40x128xf32, #tpu.memory_space<vmem>>, vector<16xf32>,
        %add3A_531 = arith.constant 16 : i32
        %add3A_532 = arith.addi %add3A_531, %scan3A_414 : i32
        %get3A_533 = arith.index_cast %add3A_532 : i32 to index
        %get3A_534 = arith.constant 96 : index
        %get3A_535 = tpu.vector_load %arg12[%get3A_533, %get3A_534] {strides = array<i32>} : memref<40x128xf32, #tpu.memory_space<vmem>>, vector<16xf32>,
        %add3A_536 = arith.addf %get3A_535, %get3A_448 : vector<16xf32>
        %mul3A_537 = arith.mulf %get3A_530, %add3A_536 : vector<16xf32>
        %add3A_538 = arith.constant 16 : i32
        %add3A_539 = arith.addi %add3A_538, %scan3A_414 : i32
        %get3A_540 = arith.index_cast %add3A_539 : i32 to index
        %get3A_541 = arith.constant 112 : index
        %get3A_542 = tpu.vector_load %arg13[%get3A_540, %get3A_541] {strides = array<i32>} : memref<40x128xf32, #tpu.memory_space<vmem>>, vector<16xf32>,
        %add3A_543 = arith.constant 16 : i32
        %add3A_544 = arith.addi %add3A_543, %scan3A_414 : i32
        %get3A_545 = arith.index_cast %add3A_544 : i32 to index
        %get3A_546 = arith.constant 112 : index
        %get3A_547 = tpu.vector_load %arg12[%get3A_545, %get3A_546] {strides = array<i32>} : memref<40x128xf32, #tpu.memory_space<vmem>>, vector<16xf32>,
        %add3A_548 = arith.addf %get3A_547, %get3A_453 : vector<16xf32>
        %mul3A_549 = arith.mulf %get3A_542, %add3A_548 : vector<16xf32>
        %broadcast_in_dim3A_550 = arith.constant true
        %broadcast_in_dim3A_551 = vector.broadcast %broadcast_in_dim3A_550 : i1 to vector<16xi1>
        %masked_cumsum3A = tpu.scan <sum>, %mul3A_465 masked %broadcast_in_dim3A_551 : vector<16xf32>, vector<16xi1> -> vector<16xf32>
        %broadcast_in_dim3A_552 = arith.constant true
        %broadcast_in_dim3A_553 = vector.broadcast %broadcast_in_dim3A_552 : i1 to vector<16xi1>
        %masked_cumsum3A_554 = tpu.scan <sum>, %mul3A_477 masked %broadcast_in_dim3A_553 : vector<16xf32>, vector<16xi1> -> vector<16xf32>
        %broadcast_in_dim3A_555 = arith.constant true
        %broadcast_in_dim3A_556 = vector.broadcast %broadcast_in_dim3A_555 : i1 to vector<16xi1>
        %masked_cumsum3A_557 = tpu.scan <sum>, %mul3A_489 masked %broadcast_in_dim3A_556 : vector<16xf32>, vector<16xi1> -> vector<16xf32>
        %broadcast_in_dim3A_558 = arith.constant true
        %broadcast_in_dim3A_559 = vector.broadcast %broadcast_in_dim3A_558 : i1 to vector<16xi1>
        %masked_cumsum3A_560 = tpu.scan <sum>, %mul3A_501 masked %broadcast_in_dim3A_559 : vector<16xf32>, vector<16xi1> -> vector<16xf32>
        %broadcast_in_dim3A_561 = arith.constant true
        %broadcast_in_dim3A_562 = vector.broadcast %broadcast_in_dim3A_561 : i1 to vector<16xi1>
        %masked_cumsum3A_563 = tpu.scan <sum>, %mul3A_513 masked %broadcast_in_dim3A_562 : vector<16xf32>, vector<16xi1> -> vector<16xf32>
        %broadcast_in_dim3A_564 = arith.constant true
        %broadcast_in_dim3A_565 = vector.broadcast %broadcast_in_dim3A_564 : i1 to vector<16xi1>
        %masked_cumsum3A_566 = tpu.scan <sum>, %mul3A_525 masked %broadcast_in_dim3A_565 : vector<16xf32>, vector<16xi1> -> vector<16xf32>
        %broadcast_in_dim3A_567 = arith.constant true
        %broadcast_in_dim3A_568 = vector.broadcast %broadcast_in_dim3A_567 : i1 to vector<16xi1>
        %masked_cumsum3A_569 = tpu.scan <sum>, %mul3A_537 masked %broadcast_in_dim3A_568 : vector<16xf32>, vector<16xi1> -> vector<16xf32>
        %broadcast_in_dim3A_570 = arith.constant true
        %broadcast_in_dim3A_571 = vector.broadcast %broadcast_in_dim3A_570 : i1 to vector<16xi1>
        %masked_cumsum3A_572 = tpu.scan <sum>, %mul3A_549 masked %broadcast_in_dim3A_571 : vector<16xf32>, vector<16xi1> -> vector<16xf32>
        %gather3A = vector.shape_cast %broadcast_in_dim3A_1 : vector<16x1xi32> to vector<16xi32>
        %gather3A_573 = tpu.dynamic_gather %masked_cumsum3A[%gather3A] in [0] : vector<16xf32>, vector<16xi32> -> vector<16xf32>
        %exp3A = math.exp %gather3A_573 : vector<16xf32>
        %gather3A_574 = vector.shape_cast %broadcast_in_dim3A_1 : vector<16x1xi32> to vector<16xi32>
        %gather3A_575 = tpu.dynamic_gather %masked_cumsum3A_554[%gather3A_574] in [0] : vector<16xf32>, vector<16xi32> -> vector<16xf32>
        %exp3A_576 = math.exp %gather3A_575 : vector<16xf32>
        %gather3A_577 = vector.shape_cast %broadcast_in_dim3A_1 : vector<16x1xi32> to vector<16xi32>
        %gather3A_578 = tpu.dynamic_gather %masked_cumsum3A_557[%gather3A_577] in [0] : vector<16xf32>, vector<16xi32> -> vector<16xf32>
        %exp3A_579 = math.exp %gather3A_578 : vector<16xf32>
        %gather3A_580 = vector.shape_cast %broadcast_in_dim3A_1 : vector<16x1xi32> to vector<16xi32>
        %gather3A_581 = tpu.dynamic_gather %masked_cumsum3A_560[%gather3A_580] in [0] : vector<16xf32>, vector<16xi32> -> vector<16xf32>
        %exp3A_582 = math.exp %gather3A_581 : vector<16xf32>
        %gather3A_583 = vector.shape_cast %broadcast_in_dim3A_1 : vector<16x1xi32> to vector<16xi32>
        %gather3A_584 = tpu.dynamic_gather %masked_cumsum3A_563[%gather3A_583] in [0] : vector<16xf32>, vector<16xi32> -> vector<16xf32>
        %exp3A_585 = math.exp %gather3A_584 : vector<16xf32>
        %gather3A_586 = vector.shape_cast %broadcast_in_dim3A_1 : vector<16x1xi32> to vector<16xi32>
        %gather3A_587 = tpu.dynamic_gather %masked_cumsum3A_566[%gather3A_586] in [0] : vector<16xf32>, vector<16xi32> -> vector<16xf32>
        %exp3A_588 = math.exp %gather3A_587 : vector<16xf32>
        %gather3A_589 = vector.shape_cast %broadcast_in_dim3A_1 : vector<16x1xi32> to vector<16xi32>
        %gather3A_590 = tpu.dynamic_gather %masked_cumsum3A_569[%gather3A_589] in [0] : vector<16xf32>, vector<16xi32> -> vector<16xf32>
        %exp3A_591 = math.exp %gather3A_590 : vector<16xf32>
        %gather3A_592 = vector.shape_cast %broadcast_in_dim3A_1 : vector<16x1xi32> to vector<16xi32>
        %gather3A_593 = tpu.dynamic_gather %masked_cumsum3A_572[%gather3A_592] in [0] : vector<16xf32>, vector<16xi32> -> vector<16xf32>
        %exp3A_594 = math.exp %gather3A_593 : vector<16xf32>
        %add3A_595 = arith.constant 16 : i32
        %add3A_596 = arith.addi %add3A_595, %scan3A_414 : i32
        %get3A_597 = arith.index_cast %add3A_596 : i32 to index
        %get3A_598 = arith.constant 0 : index
        %get3A_599 = tpu.vector_load %arg14[%get3A_597, %get3A_598] {strides = array<i32>} : memref<40x128xf32, #tpu.memory_space<vmem>>, vector<16xf32>,
        %add3A_600 = arith.addf %get3A_599, %get3A_418 : vector<16xf32>
        %add3A_601 = arith.constant 16 : i32
        %add3A_602 = arith.addi %add3A_601, %scan3A_414 : i32
        %get3A_603 = arith.index_cast %add3A_602 : i32 to index
        %get3A_604 = arith.constant 16 : index
        %get3A_605 = tpu.vector_load %arg14[%get3A_603, %get3A_604] {strides = array<i32>} : memref<40x128xf32, #tpu.memory_space<vmem>>, vector<16xf32>,
        %add3A_606 = arith.addf %get3A_605, %get3A_423 : vector<16xf32>
        %add3A_607 = arith.constant 16 : i32
        %add3A_608 = arith.addi %add3A_607, %scan3A_414 : i32
        %get3A_609 = arith.index_cast %add3A_608 : i32 to index
        %get3A_610 = arith.constant 32 : index
        %get3A_611 = tpu.vector_load %arg14[%get3A_609, %get3A_610] {strides = array<i32>} : memref<40x128xf32, #tpu.memory_space<vmem>>, vector<16xf32>,
        %add3A_612 = arith.addf %get3A_611, %get3A_428 : vector<16xf32>
        %add3A_613 = arith.constant 16 : i32
        %add3A_614 = arith.addi %add3A_613, %scan3A_414 : i32
        %get3A_615 = arith.index_cast %add3A_614 : i32 to index
        %get3A_616 = arith.constant 48 : index
        %get3A_617 = tpu.vector_load %arg14[%get3A_615, %get3A_616] {strides = array<i32>} : memref<40x128xf32, #tpu.memory_space<vmem>>, vector<16xf32>,
        %add3A_618 = arith.addf %get3A_617, %get3A_433 : vector<16xf32>
        %add3A_619 = arith.constant 16 : i32
        %add3A_620 = arith.addi %add3A_619, %scan3A_414 : i32
        %get3A_621 = arith.index_cast %add3A_620 : i32 to index
        %get3A_622 = arith.constant 64 : index
        %get3A_623 = tpu.vector_load %arg14[%get3A_621, %get3A_622] {strides = array<i32>} : memref<40x128xf32, #tpu.memory_space<vmem>>, vector<16xf32>,
        %add3A_624 = arith.addf %get3A_623, %get3A_438 : vector<16xf32>
        %add3A_625 = arith.constant 16 : i32
        %add3A_626 = arith.addi %add3A_625, %scan3A_414 : i32
        %get3A_627 = arith.index_cast %add3A_626 : i32 to index
        %get3A_628 = arith.constant 80 : index
        %get3A_629 = tpu.vector_load %arg14[%get3A_627, %get3A_628] {strides = array<i32>} : memref<40x128xf32, #tpu.memory_space<vmem>>, vector<16xf32>,
        %add3A_630 = arith.addf %get3A_629, %get3A_443 : vector<16xf32>
        %add3A_631 = arith.constant 16 : i32
        %add3A_632 = arith.addi %add3A_631, %scan3A_414 : i32
        %get3A_633 = arith.index_cast %add3A_632 : i32 to index
        %get3A_634 = arith.constant 96 : index
        %get3A_635 = tpu.vector_load %arg14[%get3A_633, %get3A_634] {strides = array<i32>} : memref<40x128xf32, #tpu.memory_space<vmem>>, vector<16xf32>,
        %add3A_636 = arith.addf %get3A_635, %get3A_448 : vector<16xf32>
        %add3A_637 = arith.constant 16 : i32
        %add3A_638 = arith.addi %add3A_637, %scan3A_414 : i32
        %get3A_639 = arith.index_cast %add3A_638 : i32 to index
        %get3A_640 = arith.constant 112 : index
        %get3A_641 = tpu.vector_load %arg14[%get3A_639, %get3A_640] {strides = array<i32>} : memref<40x128xf32, #tpu.memory_space<vmem>>, vector<16xf32>,
        %add3A_642 = arith.addf %get3A_641, %get3A_453 : vector<16xf32>
        %mul3A_643 = arith.mulf %add3A_600, %exp3A : vector<16xf32>
        %add3A_644 = arith.constant 48 : i32
        %add3A_645 = arith.addi %add3A_644, %scan3A_414 : i32
        %swap3A = arith.index_cast %add3A_645 : i32 to index
        %swap3A_646 = arith.constant 0 : index
        %swap3A_647 = tpu.vector_load %arg16[%swap3A, %swap3A_646] {strides = array<i32>} : memref<80x144xf32, #tpu.memory_space<vmem>>, vector<16xf32>,
        tpu.vector_store %arg16[%swap3A, %swap3A_646], %mul3A_643 {strides = array<i32>} : memref<80x144xf32, #tpu.memory_space<vmem>>, vector<16xf32>,
        %eq3A = arith.constant 0 : i32
        %eq3A_648 = vector.broadcast %eq3A : i32 to vector<16xi32>
        %eq3A_649 = arith.cmpi eq, %iota3A, %eq3A_648 : vector<16xi32>
        %jit3A = arith.constant 0.000000e+00 : f32
        %broadcast_in_dim3A_650 = vector.broadcast %jit3A : f32 to vector<16xf32>
        %select_n3A = arith.select %eq3A_649, %exp3A, %broadcast_in_dim3A_650 : vector<16xi1>, vector<16xf32>
        %add3A_651 = arith.addf %broadcast_in_dim3A_3, %select_n3A : vector<16xf32>
        %mul3A_652 = arith.mulf %add3A_606, %exp3A_576 : vector<16xf32>
        %add3A_653 = arith.constant 48 : i32
        %add3A_654 = arith.addi %add3A_653, %scan3A_414 : i32
        %swap3A_655 = arith.index_cast %add3A_654 : i32 to index
        %swap3A_656 = arith.constant 16 : index
        %swap3A_657 = tpu.vector_load %arg16[%swap3A_655, %swap3A_656] {strides = array<i32>} : memref<80x144xf32, #tpu.memory_space<vmem>>, vector<16xf32>,
        tpu.vector_store %arg16[%swap3A_655, %swap3A_656], %mul3A_652 {strides = array<i32>} : memref<80x144xf32, #tpu.memory_space<vmem>>, vector<16xf32>,
        %eq3A_658 = arith.constant 1 : i32
        %eq3A_659 = vector.broadcast %eq3A_658 : i32 to vector<16xi32>
        %eq3A_660 = arith.cmpi eq, %iota3A, %eq3A_659 : vector<16xi32>
        %jit3A_661 = arith.constant 0.000000e+00 : f32
        %broadcast_in_dim3A_662 = vector.broadcast %jit3A_661 : f32 to vector<16xf32>
        %select_n3A_663 = arith.select %eq3A_660, %exp3A_576, %broadcast_in_dim3A_662 : vector<16xi1>, vector<16xf32>
        %add3A_664 = arith.addf %add3A_651, %select_n3A_663 : vector<16xf32>
        %mul3A_665 = arith.mulf %add3A_612, %exp3A_579 : vector<16xf32>
        %add3A_666 = arith.constant 48 : i32
        %add3A_667 = arith.addi %add3A_666, %scan3A_414 : i32
        %swap3A_668 = arith.index_cast %add3A_667 : i32 to index
        %swap3A_669 = arith.constant 32 : index
        %swap3A_670 = tpu.vector_load %arg16[%swap3A_668, %swap3A_669] {strides = array<i32>} : memref<80x144xf32, #tpu.memory_space<vmem>>, vector<16xf32>,
        tpu.vector_store %arg16[%swap3A_668, %swap3A_669], %mul3A_665 {strides = array<i32>} : memref<80x144xf32, #tpu.memory_space<vmem>>, vector<16xf32>,
        %eq3A_671 = arith.constant 2 : i32
        %eq3A_672 = vector.broadcast %eq3A_671 : i32 to vector<16xi32>
        %eq3A_673 = arith.cmpi eq, %iota3A, %eq3A_672 : vector<16xi32>
        %jit3A_674 = arith.constant 0.000000e+00 : f32
        %broadcast_in_dim3A_675 = vector.broadcast %jit3A_674 : f32 to vector<16xf32>
        %select_n3A_676 = arith.select %eq3A_673, %exp3A_579, %broadcast_in_dim3A_675 : vector<16xi1>, vector<16xf32>
        %add3A_677 = arith.addf %add3A_664, %select_n3A_676 : vector<16xf32>
        %mul3A_678 = arith.mulf %add3A_618, %exp3A_582 : vector<16xf32>
        %add3A_679 = arith.constant 48 : i32
        %add3A_680 = arith.addi %add3A_679, %scan3A_414 : i32
        %swap3A_681 = arith.index_cast %add3A_680 : i32 to index
        %swap3A_682 = arith.constant 48 : index
        %swap3A_683 = tpu.vector_load %arg16[%swap3A_681, %swap3A_682] {strides = array<i32>} : memref<80x144xf32, #tpu.memory_space<vmem>>, vector<16xf32>,
        tpu.vector_store %arg16[%swap3A_681, %swap3A_682], %mul3A_678 {strides = array<i32>} : memref<80x144xf32, #tpu.memory_space<vmem>>, vector<16xf32>,
        %eq3A_684 = arith.constant 3 : i32
        %eq3A_685 = vector.broadcast %eq3A_684 : i32 to vector<16xi32>
        %eq3A_686 = arith.cmpi eq, %iota3A, %eq3A_685 : vector<16xi32>
        %jit3A_687 = arith.constant 0.000000e+00 : f32
        %broadcast_in_dim3A_688 = vector.broadcast %jit3A_687 : f32 to vector<16xf32>
        %select_n3A_689 = arith.select %eq3A_686, %exp3A_582, %broadcast_in_dim3A_688 : vector<16xi1>, vector<16xf32>
        %add3A_690 = arith.addf %add3A_677, %select_n3A_689 : vector<16xf32>
        %mul3A_691 = arith.mulf %add3A_624, %exp3A_585 : vector<16xf32>
        %add3A_692 = arith.constant 48 : i32
        %add3A_693 = arith.addi %add3A_692, %scan3A_414 : i32
        %swap3A_694 = arith.index_cast %add3A_693 : i32 to index
        %swap3A_695 = arith.constant 64 : index
        %swap3A_696 = tpu.vector_load %arg16[%swap3A_694, %swap3A_695] {strides = array<i32>} : memref<80x144xf32, #tpu.memory_space<vmem>>, vector<16xf32>,
        tpu.vector_store %arg16[%swap3A_694, %swap3A_695], %mul3A_691 {strides = array<i32>} : memref<80x144xf32, #tpu.memory_space<vmem>>, vector<16xf32>,
        %eq3A_697 = arith.constant 4 : i32
        %eq3A_698 = vector.broadcast %eq3A_697 : i32 to vector<16xi32>
        %eq3A_699 = arith.cmpi eq, %iota3A, %eq3A_698 : vector<16xi32>
        %jit3A_700 = arith.constant 0.000000e+00 : f32
        %broadcast_in_dim3A_701 = vector.broadcast %jit3A_700 : f32 to vector<16xf32>
        %select_n3A_702 = arith.select %eq3A_699, %exp3A_585, %broadcast_in_dim3A_701 : vector<16xi1>, vector<16xf32>
        %add3A_703 = arith.addf %add3A_690, %select_n3A_702 : vector<16xf32>
        %mul3A_704 = arith.mulf %add3A_630, %exp3A_588 : vector<16xf32>
        %add3A_705 = arith.constant 48 : i32
        %add3A_706 = arith.addi %add3A_705, %scan3A_414 : i32
        %swap3A_707 = arith.index_cast %add3A_706 : i32 to index
        %swap3A_708 = arith.constant 80 : index
        %swap3A_709 = tpu.vector_load %arg16[%swap3A_707, %swap3A_708] {strides = array<i32>} : memref<80x144xf32, #tpu.memory_space<vmem>>, vector<16xf32>,
        tpu.vector_store %arg16[%swap3A_707, %swap3A_708], %mul3A_704 {strides = array<i32>} : memref<80x144xf32, #tpu.memory_space<vmem>>, vector<16xf32>,
        %eq3A_710 = arith.constant 5 : i32
        %eq3A_711 = vector.broadcast %eq3A_710 : i32 to vector<16xi32>
        %eq3A_712 = arith.cmpi eq, %iota3A, %eq3A_711 : vector<16xi32>
        %jit3A_713 = arith.constant 0.000000e+00 : f32
        %broadcast_in_dim3A_714 = vector.broadcast %jit3A_713 : f32 to vector<16xf32>
        %select_n3A_715 = arith.select %eq3A_712, %exp3A_588, %broadcast_in_dim3A_714 : vector<16xi1>, vector<16xf32>
        %add3A_716 = arith.addf %add3A_703, %select_n3A_715 : vector<16xf32>
        %mul3A_717 = arith.mulf %add3A_636, %exp3A_591 : vector<16xf32>
        %add3A_718 = arith.constant 48 : i32
        %add3A_719 = arith.addi %add3A_718, %scan3A_414 : i32
        %swap3A_720 = arith.index_cast %add3A_719 : i32 to index
        %swap3A_721 = arith.constant 96 : index
        %swap3A_722 = tpu.vector_load %arg16[%swap3A_720, %swap3A_721] {strides = array<i32>} : memref<80x144xf32, #tpu.memory_space<vmem>>, vector<16xf32>,
        tpu.vector_store %arg16[%swap3A_720, %swap3A_721], %mul3A_717 {strides = array<i32>} : memref<80x144xf32, #tpu.memory_space<vmem>>, vector<16xf32>,
        %eq3A_723 = arith.constant 6 : i32
        %eq3A_724 = vector.broadcast %eq3A_723 : i32 to vector<16xi32>
        %eq3A_725 = arith.cmpi eq, %iota3A, %eq3A_724 : vector<16xi32>
        %jit3A_726 = arith.constant 0.000000e+00 : f32
        %broadcast_in_dim3A_727 = vector.broadcast %jit3A_726 : f32 to vector<16xf32>
        %select_n3A_728 = arith.select %eq3A_725, %exp3A_591, %broadcast_in_dim3A_727 : vector<16xi1>, vector<16xf32>
        %add3A_729 = arith.addf %add3A_716, %select_n3A_728 : vector<16xf32>
        %mul3A_730 = arith.mulf %add3A_642, %exp3A_594 : vector<16xf32>
        %add3A_731 = arith.constant 48 : i32
        %add3A_732 = arith.addi %add3A_731, %scan3A_414 : i32
        %swap3A_733 = arith.index_cast %add3A_732 : i32 to index
        %swap3A_734 = arith.constant 112 : index
        %swap3A_735 = tpu.vector_load %arg16[%swap3A_733, %swap3A_734] {strides = array<i32>} : memref<80x144xf32, #tpu.memory_space<vmem>>, vector<16xf32>,
        tpu.vector_store %arg16[%swap3A_733, %swap3A_734], %mul3A_730 {strides = array<i32>} : memref<80x144xf32, #tpu.memory_space<vmem>>, vector<16xf32>,
        %eq3A_736 = arith.constant 7 : i32
        %eq3A_737 = vector.broadcast %eq3A_736 : i32 to vector<16xi32>
        %eq3A_738 = arith.cmpi eq, %iota3A, %eq3A_737 : vector<16xi32>
        %jit3A_739 = arith.constant 0.000000e+00 : f32
        %broadcast_in_dim3A_740 = vector.broadcast %jit3A_739 : f32 to vector<16xf32>
        %select_n3A_741 = arith.select %eq3A_738, %exp3A_594, %broadcast_in_dim3A_740 : vector<16xi1>, vector<16xf32>
        %add3A_742 = arith.addf %add3A_729, %select_n3A_741 : vector<16xf32>
        %add3A_743 = arith.constant 48 : i32
        %add3A_744 = arith.addi %add3A_743, %scan3A_414 : i32
        %swap3A_745 = arith.index_cast %add3A_744 : i32 to index
        %swap3A_746 = arith.constant 128 : index
        %swap3A_747 = tpu.vector_load %arg16[%swap3A_745, %swap3A_746] {strides = array<i32>} : memref<80x144xf32, #tpu.memory_space<vmem>>, vector<16xf32>,
        tpu.vector_store %arg16[%swap3A_745, %swap3A_746], %add3A_742 {strides = array<i32>} : memref<80x144xf32, #tpu.memory_space<vmem>>, vector<16xf32>,
      }
      %scan3A_373 = arith.constant 16 : i32
      %dma_wait3A_374 = arith.constant 0 : i32
      %dma_wait3A_375 = arith.constant 0 : i32
      %dma_wait3A_376 = tpu.memref_slice %arg12[%dma_wait3A_374, %dma_wait3A_375] : memref<40x128xf32, #tpu.memory_space<vmem>> -> memref<16x128xf32, #tpu.memory_space<vmem>>
      %dma_wait3A_377 = arith.constant 64 : i32
      %dma_wait3A_378 = tpu.memref_slice %arg10[%dma_wait3A_377] : memref<80xi32, #tpu.memory_space<vmem>> -> memref<16xi32, #tpu.memory_space<vmem>>
      %dma_wait3A_379 = arith.constant 0 : i32
      %dma_wait3A_380 = arith.constant 0 : i32
      %dma_wait3A_381 = tpu.memref_slice %arg3[%dma_wait3A_379, %dma_wait3A_380] : memref<10000x128xf32, #tpu.memory_space<hbm>> -> memref<10000x128xf32, #tpu.memory_space<hbm>>
      tpu.wait_indirect_dma semaphore(%arg19 : memref<!tpu.dma_semaphore, #tpu.memory_space<semaphore_mem>>) src(%dma_wait3A_381 : memref<10000x128xf32, #tpu.memory_space<hbm>>) dst(%dma_wait3A_376 : memref<16x128xf32, #tpu.memory_space<vmem>>)
      %dma_wait3A_382 = arith.constant 0 : i32
      %dma_wait3A_383 = arith.constant 0 : i32
      %dma_wait3A_384 = tpu.memref_slice %arg13[%dma_wait3A_382, %dma_wait3A_383] : memref<40x128xf32, #tpu.memory_space<vmem>> -> memref<16x128xf32, #tpu.memory_space<vmem>>
      %dma_wait3A_385 = arith.constant 64 : i32
      %dma_wait3A_386 = tpu.memref_slice %arg11[%dma_wait3A_385] : memref<80xi32, #tpu.memory_space<vmem>> -> memref<16xi32, #tpu.memory_space<vmem>>
      %dma_wait3A_387 = arith.constant 0 : i32
      %dma_wait3A_388 = arith.constant 0 : i32
      %dma_wait3A_389 = tpu.memref_slice %arg2[%dma_wait3A_387, %dma_wait3A_388] : memref<10000x128xf32, #tpu.memory_space<hbm>> -> memref<10000x128xf32, #tpu.memory_space<hbm>>
      tpu.wait_indirect_dma semaphore(%arg19 : memref<!tpu.dma_semaphore, #tpu.memory_space<semaphore_mem>>) src(%dma_wait3A_389 : memref<10000x128xf32, #tpu.memory_space<hbm>>) dst(%dma_wait3A_384 : memref<16x128xf32, #tpu.memory_space<vmem>>)
      %dma_wait3A_390 = arith.constant 0 : i32
      %dma_wait3A_391 = arith.constant 0 : i32
      %dma_wait3A_392 = tpu.memref_slice %arg14[%dma_wait3A_390, %dma_wait3A_391] : memref<40x128xf32, #tpu.memory_space<vmem>> -> memref<16x128xf32, #tpu.memory_space<vmem>>
      %dma_wait3A_393 = arith.constant 64 : i32
      %dma_wait3A_394 = tpu.memref_slice %arg10[%dma_wait3A_393] : memref<80xi32, #tpu.memory_space<vmem>> -> memref<16xi32, #tpu.memory_space<vmem>>
      %dma_wait3A_395 = arith.constant 0 : i32
      %dma_wait3A_396 = arith.constant 0 : i32
      %dma_wait3A_397 = tpu.memref_slice %arg4[%dma_wait3A_395, %dma_wait3A_396] : memref<10000x128xf32, #tpu.memory_space<hbm>> -> memref<10000x128xf32, #tpu.memory_space<hbm>>
      tpu.wait_indirect_dma semaphore(%arg19 : memref<!tpu.dma_semaphore, #tpu.memory_space<semaphore_mem>>) src(%dma_wait3A_397 : memref<10000x128xf32, #tpu.memory_space<hbm>>) dst(%dma_wait3A_392 : memref<16x128xf32, #tpu.memory_space<vmem>>)
      %dma_wait3A_398 = arith.constant 0 : i32
      %dma_wait3A_399 = arith.constant 0 : i32
      %dma_wait3A_400 = tpu.memref_slice %arg15[%dma_wait3A_398, %dma_wait3A_399] : memref<40x128xf32, #tpu.memory_space<vmem>> -> memref<16x128xf32, #tpu.memory_space<vmem>>
      %dma_wait3A_401 = arith.constant 0 : i32
      %dma_wait3A_402 = tpu.memref_slice %arg5[%add3A_323, %dma_wait3A_401] : memref<320000x128xf32, #tpu.memory_space<hbm>> -> memref<16x128xf32, #tpu.memory_space<hbm>>
      %dma_wait3A_403 = arith.constant 0 : i32
      %dma_wait3A_404 = arith.constant 0 : i32
      %dma_wait3A_405 = tpu.memref_slice %arg15[%dma_wait3A_403, %dma_wait3A_404] : memref<40x128xf32, #tpu.memory_space<vmem>> -> memref<16x128xf32, #tpu.memory_space<vmem>>
      %dma_wait3A_406 = arith.constant 0 : i32
      %dma_wait3A_407 = tpu.memref_slice %arg5[%add3A_323, %dma_wait3A_406] : memref<320000x128xf32, #tpu.memory_space<hbm>> -> memref<16x128xf32, #tpu.memory_space<hbm>>
      tpu.wait_dma2 semaphore(%arg19 : memref<!tpu.dma_semaphore, #tpu.memory_space<semaphore_mem>>) src(%dma_wait3A_407 : memref<16x128xf32, #tpu.memory_space<hbm>>) dst(%dma_wait3A_405 : memref<16x128xf32, #tpu.memory_space<vmem>>)
      %scan3A_408 = arith.constant 0 : i32
      %scan3A_409 = arith.constant 0 : i32
      %scan3A_410 = arith.constant 16 : i32
      %scan3A_411 = arith.addi %scan3A_409, %scan3A_410 : i32
      %scan3A_412 = arith.constant 1 : i32
      scf.for %scan3A_414 = %scan3A_409 to %scan3A_411 step %scan3A_412  : i32 {
        %add3A_415 = arith.constant 0 : i32
        %add3A_416 = arith.addi %add3A_415, %scan3A_414 : i32
        %get3A = arith.index_cast %add3A_416 : i32 to index
        %get3A_417 = arith.constant 0 : index
        %get3A_418 = tpu.vector_load %arg15[%get3A, %get3A_417] {strides = array<i32>} : memref<40x128xf32, #tpu.memory_space<vmem>>, vector<16xf32>,
        %add3A_419 = arith.constant 0 : i32
        %add3A_420 = arith.addi %add3A_419, %scan3A_414 : i32
        %get3A_421 = arith.index_cast %add3A_420 : i32 to index
        %get3A_422 = arith.constant 16 : index
        %get3A_423 = tpu.vector_load %arg15[%get3A_421, %get3A_422] {strides = array<i32>} : memref<40x128xf32, #tpu.memory_space<vmem>>, vector<16xf32>,
        %add3A_424 = arith.constant 0 : i32
        %add3A_425 = arith.addi %add3A_424, %scan3A_414 : i32
        %get3A_426 = arith.index_cast %add3A_425 : i32 to index
        %get3A_427 = arith.constant 32 : index
        %get3A_428 = tpu.vector_load %arg15[%get3A_426, %get3A_427] {strides = array<i32>} : memref<40x128xf32, #tpu.memory_space<vmem>>, vector<16xf32>,
        %add3A_429 = arith.constant 0 : i32
        %add3A_430 = arith.addi %add3A_429, %scan3A_414 : i32
        %get3A_431 = arith.index_cast %add3A_430 : i32 to index
        %get3A_432 = arith.constant 48 : index
        %get3A_433 = tpu.vector_load %arg15[%get3A_431, %get3A_432] {strides = array<i32>} : memref<40x128xf32, #tpu.memory_space<vmem>>, vector<16xf32>,
        %add3A_434 = arith.constant 0 : i32
        %add3A_435 = arith.addi %add3A_434, %scan3A_414 : i32
        %get3A_436 = arith.index_cast %add3A_435 : i32 to index
        %get3A_437 = arith.constant 64 : index
        %get3A_438 = tpu.vector_load %arg15[%get3A_436, %get3A_437] {strides = array<i32>} : memref<40x128xf32, #tpu.memory_space<vmem>>, vector<16xf32>,
        %add3A_439 = arith.constant 0 : i32
        %add3A_440 = arith.addi %add3A_439, %scan3A_414 : i32
        %get3A_441 = arith.index_cast %add3A_440 : i32 to index
        %get3A_442 = arith.constant 80 : index
        %get3A_443 = tpu.vector_load %arg15[%get3A_441, %get3A_442] {strides = array<i32>} : memref<40x128xf32, #tpu.memory_space<vmem>>, vector<16xf32>,
        %add3A_444 = arith.constant 0 : i32
        %add3A_445 = arith.addi %add3A_444, %scan3A_414 : i32
        %get3A_446 = arith.index_cast %add3A_445 : i32 to index
        %get3A_447 = arith.constant 96 : index
        %get3A_448 = tpu.vector_load %arg15[%get3A_446, %get3A_447] {strides = array<i32>} : memref<40x128xf32, #tpu.memory_space<vmem>>, vector<16xf32>,
        %add3A_449 = arith.constant 0 : i32
        %add3A_450 = arith.addi %add3A_449, %scan3A_414 : i32
        %get3A_451 = arith.index_cast %add3A_450 : i32 to index
        %get3A_452 = arith.constant 112 : index
        %get3A_453 = tpu.vector_load %arg15[%get3A_451, %get3A_452] {strides = array<i32>} : memref<40x128xf32, #tpu.memory_space<vmem>>, vector<16xf32>,
        %add3A_454 = arith.constant 0 : i32
        %add3A_455 = arith.addi %add3A_454, %scan3A_414 : i32
        %get3A_456 = arith.index_cast %add3A_455 : i32 to index
        %get3A_457 = arith.constant 0 : index
        %get3A_458 = tpu.vector_load %arg13[%get3A_456, %get3A_457] {strides = array<i32>} : memref<40x128xf32, #tpu.memory_space<vmem>>, vector<16xf32>,
        %add3A_459 = arith.constant 0 : i32
        %add3A_460 = arith.addi %add3A_459, %scan3A_414 : i32
        %get3A_461 = arith.index_cast %add3A_460 : i32 to index
        %get3A_462 = arith.constant 0 : index
        %get3A_463 = tpu.vector_load %arg12[%get3A_461, %get3A_462] {strides = array<i32>} : memref<40x128xf32, #tpu.memory_space<vmem>>, vector<16xf32>,
        %add3A_464 = arith.addf %get3A_463, %get3A_418 : vector<16xf32>
        %mul3A_465 = arith.mulf %get3A_458, %add3A_464 : vector<16xf32>
        %add3A_466 = arith.constant 0 : i32
        %add3A_467 = arith.addi %add3A_466, %scan3A_414 : i32
        %get3A_468 = arith.index_cast %add3A_467 : i32 to index
        %get3A_469 = arith.constant 16 : index
        %get3A_470 = tpu.vector_load %arg13[%get3A_468, %get3A_469] {strides = array<i32>} : memref<40x128xf32, #tpu.memory_space<vmem>>, vector<16xf32>,
        %add3A_471 = arith.constant 0 : i32
        %add3A_472 = arith.addi %add3A_471, %scan3A_414 : i32
        %get3A_473 = arith.index_cast %add3A_472 : i32 to index
        %get3A_474 = arith.constant 16 : index
        %get3A_475 = tpu.vector_load %arg12[%get3A_473, %get3A_474] {strides = array<i32>} : memref<40x128xf32, #tpu.memory_space<vmem>>, vector<16xf32>,
        %add3A_476 = arith.addf %get3A_475, %get3A_423 : vector<16xf32>
        %mul3A_477 = arith.mulf %get3A_470, %add3A_476 : vector<16xf32>
        %add3A_478 = arith.constant 0 : i32
        %add3A_479 = arith.addi %add3A_478, %scan3A_414 : i32
        %get3A_480 = arith.index_cast %add3A_479 : i32 to index
        %get3A_481 = arith.constant 32 : index
        %get3A_482 = tpu.vector_load %arg13[%get3A_480, %get3A_481] {strides = array<i32>} : memref<40x128xf32, #tpu.memory_space<vmem>>, vector<16xf32>,
        %add3A_483 = arith.constant 0 : i32
        %add3A_484 = arith.addi %add3A_483, %scan3A_414 : i32
        %get3A_485 = arith.index_cast %add3A_484 : i32 to index
        %get3A_486 = arith.constant 32 : index
        %get3A_487 = tpu.vector_load %arg12[%get3A_485, %get3A_486] {strides = array<i32>} : memref<40x128xf32, #tpu.memory_space<vmem>>, vector<16xf32>,
        %add3A_488 = arith.addf %get3A_487, %get3A_428 : vector<16xf32>
        %mul3A_489 = arith.mulf %get3A_482, %add3A_488 : vector<16xf32>
        %add3A_490 = arith.constant 0 : i32
        %add3A_491 = arith.addi %add3A_490, %scan3A_414 : i32
        %get3A_492 = arith.index_cast %add3A_491 : i32 to index
        %get3A_493 = arith.constant 48 : index
        %get3A_494 = tpu.vector_load %arg13[%get3A_492, %get3A_493] {strides = array<i32>} : memref<40x128xf32, #tpu.memory_space<vmem>>, vector<16xf32>,
        %add3A_495 = arith.constant 0 : i32
        %add3A_496 = arith.addi %add3A_495, %scan3A_414 : i32
        %get3A_497 = arith.index_cast %add3A_496 : i32 to index
        %get3A_498 = arith.constant 48 : index
        %get3A_499 = tpu.vector_load %arg12[%get3A_497, %get3A_498] {strides = array<i32>} : memref<40x128xf32, #tpu.memory_space<vmem>>, vector<16xf32>,
        %add3A_500 = arith.addf %get3A_499, %get3A_433 : vector<16xf32>
        %mul3A_501 = arith.mulf %get3A_494, %add3A_500 : vector<16xf32>
        %add3A_502 = arith.constant 0 : i32
        %add3A_503 = arith.addi %add3A_502, %scan3A_414 : i32
        %get3A_504 = arith.index_cast %add3A_503 : i32 to index
        %get3A_505 = arith.constant 64 : index
        %get3A_506 = tpu.vector_load %arg13[%get3A_504, %get3A_505] {strides = array<i32>} : memref<40x128xf32, #tpu.memory_space<vmem>>, vector<16xf32>,
        %add3A_507 = arith.constant 0 : i32
        %add3A_508 = arith.addi %add3A_507, %scan3A_414 : i32
        %get3A_509 = arith.index_cast %add3A_508 : i32 to index
        %get3A_510 = arith.constant 64 : index
        %get3A_511 = tpu.vector_load %arg12[%get3A_509, %get3A_510] {strides = array<i32>} : memref<40x128xf32, #tpu.memory_space<vmem>>, vector<16xf32>,
        %add3A_512 = arith.addf %get3A_511, %get3A_438 : vector<16xf32>
        %mul3A_513 = arith.mulf %get3A_506, %add3A_512 : vector<16xf32>
        %add3A_514 = arith.constant 0 : i32
        %add3A_515 = arith.addi %add3A_514, %scan3A_414 : i32
        %get3A_516 = arith.index_cast %add3A_515 : i32 to index
        %get3A_517 = arith.constant 80 : index
        %get3A_518 = tpu.vector_load %arg13[%get3A_516, %get3A_517] {strides = array<i32>} : memref<40x128xf32, #tpu.memory_space<vmem>>, vector<16xf32>,
        %add3A_519 = arith.constant 0 : i32
        %add3A_520 = arith.addi %add3A_519, %scan3A_414 : i32
        %get3A_521 = arith.index_cast %add3A_520 : i32 to index
        %get3A_522 = arith.constant 80 : index
        %get3A_523 = tpu.vector_load %arg12[%get3A_521, %get3A_522] {strides = array<i32>} : memref<40x128xf32, #tpu.memory_space<vmem>>, vector<16xf32>,
        %add3A_524 = arith.addf %get3A_523, %get3A_443 : vector<16xf32>
        %mul3A_525 = arith.mulf %get3A_518, %add3A_524 : vector<16xf32>
        %add3A_526 = arith.constant 0 : i32
        %add3A_527 = arith.addi %add3A_526, %scan3A_414 : i32
        %get3A_528 = arith.index_cast %add3A_527 : i32 to index
        %get3A_529 = arith.constant 96 : index
        %get3A_530 = tpu.vector_load %arg13[%get3A_528, %get3A_529] {strides = array<i32>} : memref<40x128xf32, #tpu.memory_space<vmem>>, vector<16xf32>,
        %add3A_531 = arith.constant 0 : i32
        %add3A_532 = arith.addi %add3A_531, %scan3A_414 : i32
        %get3A_533 = arith.index_cast %add3A_532 : i32 to index
        %get3A_534 = arith.constant 96 : index
        %get3A_535 = tpu.vector_load %arg12[%get3A_533, %get3A_534] {strides = array<i32>} : memref<40x128xf32, #tpu.memory_space<vmem>>, vector<16xf32>,
        %add3A_536 = arith.addf %get3A_535, %get3A_448 : vector<16xf32>
        %mul3A_537 = arith.mulf %get3A_530, %add3A_536 : vector<16xf32>
        %add3A_538 = arith.constant 0 : i32
        %add3A_539 = arith.addi %add3A_538, %scan3A_414 : i32
        %get3A_540 = arith.index_cast %add3A_539 : i32 to index
        %get3A_541 = arith.constant 112 : index
        %get3A_542 = tpu.vector_load %arg13[%get3A_540, %get3A_541] {strides = array<i32>} : memref<40x128xf32, #tpu.memory_space<vmem>>, vector<16xf32>,
        %add3A_543 = arith.constant 0 : i32
        %add3A_544 = arith.addi %add3A_543, %scan3A_414 : i32
        %get3A_545 = arith.index_cast %add3A_544 : i32 to index
        %get3A_546 = arith.constant 112 : index
        %get3A_547 = tpu.vector_load %arg12[%get3A_545, %get3A_546] {strides = array<i32>} : memref<40x128xf32, #tpu.memory_space<vmem>>, vector<16xf32>,
        %add3A_548 = arith.addf %get3A_547, %get3A_453 : vector<16xf32>
        %mul3A_549 = arith.mulf %get3A_542, %add3A_548 : vector<16xf32>
        %broadcast_in_dim3A_550 = arith.constant true
        %broadcast_in_dim3A_551 = vector.broadcast %broadcast_in_dim3A_550 : i1 to vector<16xi1>
        %masked_cumsum3A = tpu.scan <sum>, %mul3A_465 masked %broadcast_in_dim3A_551 : vector<16xf32>, vector<16xi1> -> vector<16xf32>
        %broadcast_in_dim3A_552 = arith.constant true
        %broadcast_in_dim3A_553 = vector.broadcast %broadcast_in_dim3A_552 : i1 to vector<16xi1>
        %masked_cumsum3A_554 = tpu.scan <sum>, %mul3A_477 masked %broadcast_in_dim3A_553 : vector<16xf32>, vector<16xi1> -> vector<16xf32>
        %broadcast_in_dim3A_555 = arith.constant true
        %broadcast_in_dim3A_556 = vector.broadcast %broadcast_in_dim3A_555 : i1 to vector<16xi1>
        %masked_cumsum3A_557 = tpu.scan <sum>, %mul3A_489 masked %broadcast_in_dim3A_556 : vector<16xf32>, vector<16xi1> -> vector<16xf32>
        %broadcast_in_dim3A_558 = arith.constant true
        %broadcast_in_dim3A_559 = vector.broadcast %broadcast_in_dim3A_558 : i1 to vector<16xi1>
        %masked_cumsum3A_560 = tpu.scan <sum>, %mul3A_501 masked %broadcast_in_dim3A_559 : vector<16xf32>, vector<16xi1> -> vector<16xf32>
        %broadcast_in_dim3A_561 = arith.constant true
        %broadcast_in_dim3A_562 = vector.broadcast %broadcast_in_dim3A_561 : i1 to vector<16xi1>
        %masked_cumsum3A_563 = tpu.scan <sum>, %mul3A_513 masked %broadcast_in_dim3A_562 : vector<16xf32>, vector<16xi1> -> vector<16xf32>
        %broadcast_in_dim3A_564 = arith.constant true
        %broadcast_in_dim3A_565 = vector.broadcast %broadcast_in_dim3A_564 : i1 to vector<16xi1>
        %masked_cumsum3A_566 = tpu.scan <sum>, %mul3A_525 masked %broadcast_in_dim3A_565 : vector<16xf32>, vector<16xi1> -> vector<16xf32>
        %broadcast_in_dim3A_567 = arith.constant true
        %broadcast_in_dim3A_568 = vector.broadcast %broadcast_in_dim3A_567 : i1 to vector<16xi1>
        %masked_cumsum3A_569 = tpu.scan <sum>, %mul3A_537 masked %broadcast_in_dim3A_568 : vector<16xf32>, vector<16xi1> -> vector<16xf32>
        %broadcast_in_dim3A_570 = arith.constant true
        %broadcast_in_dim3A_571 = vector.broadcast %broadcast_in_dim3A_570 : i1 to vector<16xi1>
        %masked_cumsum3A_572 = tpu.scan <sum>, %mul3A_549 masked %broadcast_in_dim3A_571 : vector<16xf32>, vector<16xi1> -> vector<16xf32>
        %gather3A = vector.shape_cast %broadcast_in_dim3A_1 : vector<16x1xi32> to vector<16xi32>
        %gather3A_573 = tpu.dynamic_gather %masked_cumsum3A[%gather3A] in [0] : vector<16xf32>, vector<16xi32> -> vector<16xf32>
        %exp3A = math.exp %gather3A_573 : vector<16xf32>
        %gather3A_574 = vector.shape_cast %broadcast_in_dim3A_1 : vector<16x1xi32> to vector<16xi32>
        %gather3A_575 = tpu.dynamic_gather %masked_cumsum3A_554[%gather3A_574] in [0] : vector<16xf32>, vector<16xi32> -> vector<16xf32>
        %exp3A_576 = math.exp %gather3A_575 : vector<16xf32>
        %gather3A_577 = vector.shape_cast %broadcast_in_dim3A_1 : vector<16x1xi32> to vector<16xi32>
        %gather3A_578 = tpu.dynamic_gather %masked_cumsum3A_557[%gather3A_577] in [0] : vector<16xf32>, vector<16xi32> -> vector<16xf32>
        %exp3A_579 = math.exp %gather3A_578 : vector<16xf32>
        %gather3A_580 = vector.shape_cast %broadcast_in_dim3A_1 : vector<16x1xi32> to vector<16xi32>
        %gather3A_581 = tpu.dynamic_gather %masked_cumsum3A_560[%gather3A_580] in [0] : vector<16xf32>, vector<16xi32> -> vector<16xf32>
        %exp3A_582 = math.exp %gather3A_581 : vector<16xf32>
        %gather3A_583 = vector.shape_cast %broadcast_in_dim3A_1 : vector<16x1xi32> to vector<16xi32>
        %gather3A_584 = tpu.dynamic_gather %masked_cumsum3A_563[%gather3A_583] in [0] : vector<16xf32>, vector<16xi32> -> vector<16xf32>
        %exp3A_585 = math.exp %gather3A_584 : vector<16xf32>
        %gather3A_586 = vector.shape_cast %broadcast_in_dim3A_1 : vector<16x1xi32> to vector<16xi32>
        %gather3A_587 = tpu.dynamic_gather %masked_cumsum3A_566[%gather3A_586] in [0] : vector<16xf32>, vector<16xi32> -> vector<16xf32>
        %exp3A_588 = math.exp %gather3A_587 : vector<16xf32>
        %gather3A_589 = vector.shape_cast %broadcast_in_dim3A_1 : vector<16x1xi32> to vector<16xi32>
        %gather3A_590 = tpu.dynamic_gather %masked_cumsum3A_569[%gather3A_589] in [0] : vector<16xf32>, vector<16xi32> -> vector<16xf32>
        %exp3A_591 = math.exp %gather3A_590 : vector<16xf32>
        %gather3A_592 = vector.shape_cast %broadcast_in_dim3A_1 : vector<16x1xi32> to vector<16xi32>
        %gather3A_593 = tpu.dynamic_gather %masked_cumsum3A_572[%gather3A_592] in [0] : vector<16xf32>, vector<16xi32> -> vector<16xf32>
        %exp3A_594 = math.exp %gather3A_593 : vector<16xf32>
        %add3A_595 = arith.constant 0 : i32
        %add3A_596 = arith.addi %add3A_595, %scan3A_414 : i32
        %get3A_597 = arith.index_cast %add3A_596 : i32 to index
        %get3A_598 = arith.constant 0 : index
        %get3A_599 = tpu.vector_load %arg14[%get3A_597, %get3A_598] {strides = array<i32>} : memref<40x128xf32, #tpu.memory_space<vmem>>, vector<16xf32>,
        %add3A_600 = arith.addf %get3A_599, %get3A_418 : vector<16xf32>
        %add3A_601 = arith.constant 0 : i32
        %add3A_602 = arith.addi %add3A_601, %scan3A_414 : i32
        %get3A_603 = arith.index_cast %add3A_602 : i32 to index
        %get3A_604 = arith.constant 16 : index
        %get3A_605 = tpu.vector_load %arg14[%get3A_603, %get3A_604] {strides = array<i32>} : memref<40x128xf32, #tpu.memory_space<vmem>>, vector<16xf32>,
        %add3A_606 = arith.addf %get3A_605, %get3A_423 : vector<16xf32>
        %add3A_607 = arith.constant 0 : i32
        %add3A_608 = arith.addi %add3A_607, %scan3A_414 : i32
        %get3A_609 = arith.index_cast %add3A_608 : i32 to index
        %get3A_610 = arith.constant 32 : index
        %get3A_611 = tpu.vector_load %arg14[%get3A_609, %get3A_610] {strides = array<i32>} : memref<40x128xf32, #tpu.memory_space<vmem>>, vector<16xf32>,
        %add3A_612 = arith.addf %get3A_611, %get3A_428 : vector<16xf32>
        %add3A_613 = arith.constant 0 : i32
        %add3A_614 = arith.addi %add3A_613, %scan3A_414 : i32
        %get3A_615 = arith.index_cast %add3A_614 : i32 to index
        %get3A_616 = arith.constant 48 : index
        %get3A_617 = tpu.vector_load %arg14[%get3A_615, %get3A_616] {strides = array<i32>} : memref<40x128xf32, #tpu.memory_space<vmem>>, vector<16xf32>,
        %add3A_618 = arith.addf %get3A_617, %get3A_433 : vector<16xf32>
        %add3A_619 = arith.constant 0 : i32
        %add3A_620 = arith.addi %add3A_619, %scan3A_414 : i32
        %get3A_621 = arith.index_cast %add3A_620 : i32 to index
        %get3A_622 = arith.constant 64 : index
        %get3A_623 = tpu.vector_load %arg14[%get3A_621, %get3A_622] {strides = array<i32>} : memref<40x128xf32, #tpu.memory_space<vmem>>, vector<16xf32>,
        %add3A_624 = arith.addf %get3A_623, %get3A_438 : vector<16xf32>
        %add3A_625 = arith.constant 0 : i32
        %add3A_626 = arith.addi %add3A_625, %scan3A_414 : i32
        %get3A_627 = arith.index_cast %add3A_626 : i32 to index
        %get3A_628 = arith.constant 80 : index
        %get3A_629 = tpu.vector_load %arg14[%get3A_627, %get3A_628] {strides = array<i32>} : memref<40x128xf32, #tpu.memory_space<vmem>>, vector<16xf32>,
        %add3A_630 = arith.addf %get3A_629, %get3A_443 : vector<16xf32>
        %add3A_631 = arith.constant 0 : i32
        %add3A_632 = arith.addi %add3A_631, %scan3A_414 : i32
        %get3A_633 = arith.index_cast %add3A_632 : i32 to index
        %get3A_634 = arith.constant 96 : index
        %get3A_635 = tpu.vector_load %arg14[%get3A_633, %get3A_634] {strides = array<i32>} : memref<40x128xf32, #tpu.memory_space<vmem>>, vector<16xf32>,
        %add3A_636 = arith.addf %get3A_635, %get3A_448 : vector<16xf32>
        %add3A_637 = arith.constant 0 : i32
        %add3A_638 = arith.addi %add3A_637, %scan3A_414 : i32
        %get3A_639 = arith.index_cast %add3A_638 : i32 to index
        %get3A_640 = arith.constant 112 : index
        %get3A_641 = tpu.vector_load %arg14[%get3A_639, %get3A_640] {strides = array<i32>} : memref<40x128xf32, #tpu.memory_space<vmem>>, vector<16xf32>,
        %add3A_642 = arith.addf %get3A_641, %get3A_453 : vector<16xf32>
        %mul3A_643 = arith.mulf %add3A_600, %exp3A : vector<16xf32>
        %add3A_644 = arith.constant 64 : i32
        %add3A_645 = arith.addi %add3A_644, %scan3A_414 : i32
        %swap3A = arith.index_cast %add3A_645 : i32 to index
        %swap3A_646 = arith.constant 0 : index
        %swap3A_647 = tpu.vector_load %arg16[%swap3A, %swap3A_646] {strides = array<i32>} : memref<80x144xf32, #tpu.memory_space<vmem>>, vector<16xf32>,
        tpu.vector_store %arg16[%swap3A, %swap3A_646], %mul3A_643 {strides = array<i32>} : memref<80x144xf32, #tpu.memory_space<vmem>>, vector<16xf32>,
        %eq3A = arith.constant 0 : i32
        %eq3A_648 = vector.broadcast %eq3A : i32 to vector<16xi32>
        %eq3A_649 = arith.cmpi eq, %iota3A, %eq3A_648 : vector<16xi32>
        %jit3A = arith.constant 0.000000e+00 : f32
        %broadcast_in_dim3A_650 = vector.broadcast %jit3A : f32 to vector<16xf32>
        %select_n3A = arith.select %eq3A_649, %exp3A, %broadcast_in_dim3A_650 : vector<16xi1>, vector<16xf32>
        %add3A_651 = arith.addf %broadcast_in_dim3A_3, %select_n3A : vector<16xf32>
        %mul3A_652 = arith.mulf %add3A_606, %exp3A_576 : vector<16xf32>
        %add3A_653 = arith.constant 64 : i32
        %add3A_654 = arith.addi %add3A_653, %scan3A_414 : i32
        %swap3A_655 = arith.index_cast %add3A_654 : i32 to index
        %swap3A_656 = arith.constant 16 : index
        %swap3A_657 = tpu.vector_load %arg16[%swap3A_655, %swap3A_656] {strides = array<i32>} : memref<80x144xf32, #tpu.memory_space<vmem>>, vector<16xf32>,
        tpu.vector_store %arg16[%swap3A_655, %swap3A_656], %mul3A_652 {strides = array<i32>} : memref<80x144xf32, #tpu.memory_space<vmem>>, vector<16xf32>,
        %eq3A_658 = arith.constant 1 : i32
        %eq3A_659 = vector.broadcast %eq3A_658 : i32 to vector<16xi32>
        %eq3A_660 = arith.cmpi eq, %iota3A, %eq3A_659 : vector<16xi32>
        %jit3A_661 = arith.constant 0.000000e+00 : f32
        %broadcast_in_dim3A_662 = vector.broadcast %jit3A_661 : f32 to vector<16xf32>
        %select_n3A_663 = arith.select %eq3A_660, %exp3A_576, %broadcast_in_dim3A_662 : vector<16xi1>, vector<16xf32>
        %add3A_664 = arith.addf %add3A_651, %select_n3A_663 : vector<16xf32>
        %mul3A_665 = arith.mulf %add3A_612, %exp3A_579 : vector<16xf32>
        %add3A_666 = arith.constant 64 : i32
        %add3A_667 = arith.addi %add3A_666, %scan3A_414 : i32
        %swap3A_668 = arith.index_cast %add3A_667 : i32 to index
        %swap3A_669 = arith.constant 32 : index
        %swap3A_670 = tpu.vector_load %arg16[%swap3A_668, %swap3A_669] {strides = array<i32>} : memref<80x144xf32, #tpu.memory_space<vmem>>, vector<16xf32>,
        tpu.vector_store %arg16[%swap3A_668, %swap3A_669], %mul3A_665 {strides = array<i32>} : memref<80x144xf32, #tpu.memory_space<vmem>>, vector<16xf32>,
        %eq3A_671 = arith.constant 2 : i32
        %eq3A_672 = vector.broadcast %eq3A_671 : i32 to vector<16xi32>
        %eq3A_673 = arith.cmpi eq, %iota3A, %eq3A_672 : vector<16xi32>
        %jit3A_674 = arith.constant 0.000000e+00 : f32
        %broadcast_in_dim3A_675 = vector.broadcast %jit3A_674 : f32 to vector<16xf32>
        %select_n3A_676 = arith.select %eq3A_673, %exp3A_579, %broadcast_in_dim3A_675 : vector<16xi1>, vector<16xf32>
        %add3A_677 = arith.addf %add3A_664, %select_n3A_676 : vector<16xf32>
        %mul3A_678 = arith.mulf %add3A_618, %exp3A_582 : vector<16xf32>
        %add3A_679 = arith.constant 64 : i32
        %add3A_680 = arith.addi %add3A_679, %scan3A_414 : i32
        %swap3A_681 = arith.index_cast %add3A_680 : i32 to index
        %swap3A_682 = arith.constant 48 : index
        %swap3A_683 = tpu.vector_load %arg16[%swap3A_681, %swap3A_682] {strides = array<i32>} : memref<80x144xf32, #tpu.memory_space<vmem>>, vector<16xf32>,
        tpu.vector_store %arg16[%swap3A_681, %swap3A_682], %mul3A_678 {strides = array<i32>} : memref<80x144xf32, #tpu.memory_space<vmem>>, vector<16xf32>,
        %eq3A_684 = arith.constant 3 : i32
        %eq3A_685 = vector.broadcast %eq3A_684 : i32 to vector<16xi32>
        %eq3A_686 = arith.cmpi eq, %iota3A, %eq3A_685 : vector<16xi32>
        %jit3A_687 = arith.constant 0.000000e+00 : f32
        %broadcast_in_dim3A_688 = vector.broadcast %jit3A_687 : f32 to vector<16xf32>
        %select_n3A_689 = arith.select %eq3A_686, %exp3A_582, %broadcast_in_dim3A_688 : vector<16xi1>, vector<16xf32>
        %add3A_690 = arith.addf %add3A_677, %select_n3A_689 : vector<16xf32>
        %mul3A_691 = arith.mulf %add3A_624, %exp3A_585 : vector<16xf32>
        %add3A_692 = arith.constant 64 : i32
        %add3A_693 = arith.addi %add3A_692, %scan3A_414 : i32
        %swap3A_694 = arith.index_cast %add3A_693 : i32 to index
        %swap3A_695 = arith.constant 64 : index
        %swap3A_696 = tpu.vector_load %arg16[%swap3A_694, %swap3A_695] {strides = array<i32>} : memref<80x144xf32, #tpu.memory_space<vmem>>, vector<16xf32>,
        tpu.vector_store %arg16[%swap3A_694, %swap3A_695], %mul3A_691 {strides = array<i32>} : memref<80x144xf32, #tpu.memory_space<vmem>>, vector<16xf32>,
        %eq3A_697 = arith.constant 4 : i32
        %eq3A_698 = vector.broadcast %eq3A_697 : i32 to vector<16xi32>
        %eq3A_699 = arith.cmpi eq, %iota3A, %eq3A_698 : vector<16xi32>
        %jit3A_700 = arith.constant 0.000000e+00 : f32
        %broadcast_in_dim3A_701 = vector.broadcast %jit3A_700 : f32 to vector<16xf32>
        %select_n3A_702 = arith.select %eq3A_699, %exp3A_585, %broadcast_in_dim3A_701 : vector<16xi1>, vector<16xf32>
        %add3A_703 = arith.addf %add3A_690, %select_n3A_702 : vector<16xf32>
        %mul3A_704 = arith.mulf %add3A_630, %exp3A_588 : vector<16xf32>
        %add3A_705 = arith.constant 64 : i32
        %add3A_706 = arith.addi %add3A_705, %scan3A_414 : i32
        %swap3A_707 = arith.index_cast %add3A_706 : i32 to index
        %swap3A_708 = arith.constant 80 : index
        %swap3A_709 = tpu.vector_load %arg16[%swap3A_707, %swap3A_708] {strides = array<i32>} : memref<80x144xf32, #tpu.memory_space<vmem>>, vector<16xf32>,
        tpu.vector_store %arg16[%swap3A_707, %swap3A_708], %mul3A_704 {strides = array<i32>} : memref<80x144xf32, #tpu.memory_space<vmem>>, vector<16xf32>,
        %eq3A_710 = arith.constant 5 : i32
        %eq3A_711 = vector.broadcast %eq3A_710 : i32 to vector<16xi32>
        %eq3A_712 = arith.cmpi eq, %iota3A, %eq3A_711 : vector<16xi32>
        %jit3A_713 = arith.constant 0.000000e+00 : f32
        %broadcast_in_dim3A_714 = vector.broadcast %jit3A_713 : f32 to vector<16xf32>
        %select_n3A_715 = arith.select %eq3A_712, %exp3A_588, %broadcast_in_dim3A_714 : vector<16xi1>, vector<16xf32>
        %add3A_716 = arith.addf %add3A_703, %select_n3A_715 : vector<16xf32>
        %mul3A_717 = arith.mulf %add3A_636, %exp3A_591 : vector<16xf32>
        %add3A_718 = arith.constant 64 : i32
        %add3A_719 = arith.addi %add3A_718, %scan3A_414 : i32
        %swap3A_720 = arith.index_cast %add3A_719 : i32 to index
        %swap3A_721 = arith.constant 96 : index
        %swap3A_722 = tpu.vector_load %arg16[%swap3A_720, %swap3A_721] {strides = array<i32>} : memref<80x144xf32, #tpu.memory_space<vmem>>, vector<16xf32>,
        tpu.vector_store %arg16[%swap3A_720, %swap3A_721], %mul3A_717 {strides = array<i32>} : memref<80x144xf32, #tpu.memory_space<vmem>>, vector<16xf32>,
        %eq3A_723 = arith.constant 6 : i32
        %eq3A_724 = vector.broadcast %eq3A_723 : i32 to vector<16xi32>
        %eq3A_725 = arith.cmpi eq, %iota3A, %eq3A_724 : vector<16xi32>
        %jit3A_726 = arith.constant 0.000000e+00 : f32
        %broadcast_in_dim3A_727 = vector.broadcast %jit3A_726 : f32 to vector<16xf32>
        %select_n3A_728 = arith.select %eq3A_725, %exp3A_591, %broadcast_in_dim3A_727 : vector<16xi1>, vector<16xf32>
        %add3A_729 = arith.addf %add3A_716, %select_n3A_728 : vector<16xf32>
        %mul3A_730 = arith.mulf %add3A_642, %exp3A_594 : vector<16xf32>
        %add3A_731 = arith.constant 64 : i32
        %add3A_732 = arith.addi %add3A_731, %scan3A_414 : i32
        %swap3A_733 = arith.index_cast %add3A_732 : i32 to index
        %swap3A_734 = arith.constant 112 : index
        %swap3A_735 = tpu.vector_load %arg16[%swap3A_733, %swap3A_734] {strides = array<i32>} : memref<80x144xf32, #tpu.memory_space<vmem>>, vector<16xf32>,
        tpu.vector_store %arg16[%swap3A_733, %swap3A_734], %mul3A_730 {strides = array<i32>} : memref<80x144xf32, #tpu.memory_space<vmem>>, vector<16xf32>,
        %eq3A_736 = arith.constant 7 : i32
        %eq3A_737 = vector.broadcast %eq3A_736 : i32 to vector<16xi32>
        %eq3A_738 = arith.cmpi eq, %iota3A, %eq3A_737 : vector<16xi32>
        %jit3A_739 = arith.constant 0.000000e+00 : f32
        %broadcast_in_dim3A_740 = vector.broadcast %jit3A_739 : f32 to vector<16xf32>
        %select_n3A_741 = arith.select %eq3A_738, %exp3A_594, %broadcast_in_dim3A_740 : vector<16xi1>, vector<16xf32>
        %add3A_742 = arith.addf %add3A_729, %select_n3A_741 : vector<16xf32>
        %add3A_743 = arith.constant 64 : i32
        %add3A_744 = arith.addi %add3A_743, %scan3A_414 : i32
        %swap3A_745 = arith.index_cast %add3A_744 : i32 to index
        %swap3A_746 = arith.constant 128 : index
        %swap3A_747 = tpu.vector_load %arg16[%swap3A_745, %swap3A_746] {strides = array<i32>} : memref<80x144xf32, #tpu.memory_space<vmem>>, vector<16xf32>,
        tpu.vector_store %arg16[%swap3A_745, %swap3A_746], %add3A_742 {strides = array<i32>} : memref<80x144xf32, #tpu.memory_space<vmem>>, vector<16xf32>,
      }
      %scan3A_413 = arith.constant 16 : i32
      "tpu.region"() ({
        %run_scoped3A = tpu.sem_alloc : memref<!tpu.dma_semaphore, #tpu.memory_space<semaphore_mem>>
        %dma_start3A_414 = arith.constant 0 : i32
        %dma_start3A_415 = arith.constant 0 : i32
        %dma_start3A_416 = tpu.memref_slice %arg18[%dma_start3A_414, %dma_start3A_415] : memref<10240x144xf32, #tpu.memory_space<vmem_shared>> -> memref<10240x144xf32, #tpu.memory_space<vmem_shared>>
        tpu.enqueue_indirect_dma source(%arg16 : memref<80x144xf32, #tpu.memory_space<vmem>>) target(%dma_start3A_416 : memref<10240x144xf32, #tpu.memory_space<vmem_shared>>) offsets(%arg11 : memref<80xi32, #tpu.memory_space<vmem>>) semaphore(%run_scoped3A : memref<!tpu.dma_semaphore, #tpu.memory_space<semaphore_mem>>) {add = true}
        %dma_wait3A_417 = arith.constant 0 : i32
        %dma_wait3A_418 = arith.constant 0 : i32
        %dma_wait3A_419 = tpu.memref_slice %arg18[%dma_wait3A_417, %dma_wait3A_418] : memref<10240x144xf32, #tpu.memory_space<vmem_shared>> -> memref<10240x144xf32, #tpu.memory_space<vmem_shared>>
        tpu.wait_indirect_dma semaphore(%run_scoped3A : memref<!tpu.dma_semaphore, #tpu.memory_space<semaphore_mem>>) src(%arg16 : memref<80x144xf32, #tpu.memory_space<vmem>>) dst(%dma_wait3A_419 : memref<10240x144xf32, #tpu.memory_space<vmem_shared>>)
        tpu.yield
      }) : () -> ()
    }
    %scan3A_24 = arith.constant 125 : i32
    %barrier3A_25 = arith.constant 0 : index
    tpu.barrier barrier_id(%barrier3A_25)
    %scan3A_26 = arith.constant 0 : i32
    %scan3A_27 = arith.constant 0 : i32
    %scan3A_28 = arith.constant 20 : i32
    %scan3A_29 = arith.addi %scan3A_27, %scan3A_28 : i32
    %scan3A_30 = arith.constant 1 : i32
    scf.for %scan3A_32 = %scan3A_27 to %scan3A_29 step %scan3A_30  : i32 {
      %mul3A_33 = arith.constant 32 : i32
      %mul3A_34 = arith.muli %scan3A_32, %mul3A_33 : i32
      %add3A_35 = arith.addi %mul3A_10, %mul3A_34 : i32
      "tpu.region"() ({
        %run_scoped3A = tpu.sem_alloc : memref<!tpu.dma_semaphore, #tpu.memory_space<semaphore_mem>>
        %dma_start3A_46 = tpu.memref_slice %arg8[%add3A_35] : memref<10240xi32, #tpu.memory_space<hbm>> -> memref<32xi32, #tpu.memory_space<hbm>>
        %dma_start3A_47 = tpu.memref_slice %arg8[%add3A_35] : memref<10240xi32, #tpu.memory_space<hbm>> -> memref<32xi32, #tpu.memory_space<hbm>>
        tpu.enqueue_dma source(%dma_start3A_47 : memref<32xi32, #tpu.memory_space<hbm>>) target(%arg17 : memref<32xi32, #tpu.memory_space<vmem>>) target_semaphore(%run_scoped3A : memref<!tpu.dma_semaphore, #tpu.memory_space<semaphore_mem>>)
        %dma_wait3A_48 = tpu.memref_slice %arg8[%add3A_35] : memref<10240xi32, #tpu.memory_space<hbm>> -> memref<32xi32, #tpu.memory_space<hbm>>
        %dma_wait3A_49 = tpu.memref_slice %arg8[%add3A_35] : memref<10240xi32, #tpu.memory_space<hbm>> -> memref<32xi32, #tpu.memory_space<hbm>>
        tpu.wait_dma2 semaphore(%run_scoped3A : memref<!tpu.dma_semaphore, #tpu.memory_space<semaphore_mem>>) src(%dma_wait3A_49 : memref<32xi32, #tpu.memory_space<hbm>>) dst(%arg17 : memref<32xi32, #tpu.memory_space<vmem>>)
        tpu.yield
      }) : () -> ()
      %dma_start3A = arith.constant 0 : i32
      %dma_start3A_36 = arith.constant 0 : i32
      %dma_start3A_37 = tpu.memref_slice %arg16[%dma_start3A, %dma_start3A_36] : memref<80x144xf32, #tpu.memory_space<vmem>> -> memref<32x144xf32, #tpu.memory_space<vmem>>
      %dma_start3A_38 = arith.constant 0 : i32
      %dma_start3A_39 = arith.constant 0 : i32
      %dma_start3A_40 = tpu.memref_slice %arg18[%dma_start3A_38, %dma_start3A_39] : memref<10240x144xf32, #tpu.memory_space<vmem_shared>> -> memref<10240x144xf32, #tpu.memory_space<vmem_shared>>
      tpu.enqueue_indirect_dma source(%dma_start3A_40 : memref<10240x144xf32, #tpu.memory_space<vmem_shared>>) target(%dma_start3A_37 : memref<32x144xf32, #tpu.memory_space<vmem>>) offsets(%arg17 : memref<32xi32, #tpu.memory_space<vmem>>) semaphore(%arg19 : memref<!tpu.dma_semaphore, #tpu.memory_space<semaphore_mem>>)
      %dma_wait3A = arith.constant 0 : i32
      %dma_wait3A_41 = arith.constant 0 : i32
      %dma_wait3A_42 = tpu.memref_slice %arg16[%dma_wait3A, %dma_wait3A_41] : memref<80x144xf32, #tpu.memory_space<vmem>> -> memref<32x144xf32, #tpu.memory_space<vmem>>
      %dma_wait3A_43 = arith.constant 0 : i32
      %dma_wait3A_44 = arith.constant 0 : i32
      %dma_wait3A_45 = tpu.memref_slice %arg18[%dma_wait3A_43, %dma_wait3A_44] : memref<10240x144xf32, #tpu.memory_space<vmem_shared>> -> memref<10240x144xf32, #tpu.memory_space<vmem_shared>>
      tpu.wait_indirect_dma semaphore(%arg19 : memref<!tpu.dma_semaphore, #tpu.memory_space<semaphore_mem>>) src(%dma_wait3A_45 : memref<10240x144xf32, #tpu.memory_space<vmem_shared>>) dst(%dma_wait3A_42 : memref<32x144xf32, #tpu.memory_space<vmem>>)
      "tpu.region"() ({
        %run_scoped3A = tpu.sem_alloc : memref<!tpu.dma_semaphore, #tpu.memory_space<semaphore_mem>>
        %dma_start3A_46 = arith.constant 0 : i32
        %dma_start3A_47 = arith.constant 0 : i32
        %dma_start3A_48 = tpu.memref_slice %arg16[%dma_start3A_46, %dma_start3A_47] : memref<80x144xf32, #tpu.memory_space<vmem>> -> memref<32x144xf32, #tpu.memory_space<vmem>>
        %dma_start3A_49 = arith.constant 0 : i32
        %dma_start3A_50 = tpu.memref_slice %arg9[%arg0, %add3A_35, %dma_start3A_49] : memref<2x10240x144xf32, #tpu.memory_space<hbm>> -> memref<1x32x144xf32, #tpu.memory_space<hbm>>
        %dma_start3A_51 = tpu.memref_squeeze %dma_start3A_50 : memref<1x32x144xf32, #tpu.memory_space<hbm>> -> memref<32x144xf32, #tpu.memory_space<hbm>>
        %dma_start3A_52 = arith.constant 0 : i32
        %dma_start3A_53 = tpu.memref_slice %arg9[%arg0, %add3A_35, %dma_start3A_52] : memref<2x10240x144xf32, #tpu.memory_space<hbm>> -> memref<1x32x144xf32, #tpu.memory_space<hbm>>
        %dma_start3A_54 = tpu.memref_squeeze %dma_start3A_53 : memref<1x32x144xf32, #tpu.memory_space<hbm>> -> memref<32x144xf32, #tpu.memory_space<hbm>>
        %dma_start3A_55 = arith.constant 0 : i32
        %dma_start3A_56 = arith.constant 0 : i32
        %dma_start3A_57 = tpu.memref_slice %arg16[%dma_start3A_55, %dma_start3A_56] : memref<80x144xf32, #tpu.memory_space<vmem>> -> memref<32x144xf32, #tpu.memory_space<vmem>>
        tpu.enqueue_dma source(%dma_start3A_57 : memref<32x144xf32, #tpu.memory_space<vmem>>) target(%dma_start3A_54 : memref<32x144xf32, #tpu.memory_space<hbm>>) target_semaphore(%run_scoped3A : memref<!tpu.dma_semaphore, #tpu.memory_space<semaphore_mem>>)
        %dma_wait3A_58 = arith.constant 0 : i32
        %dma_wait3A_59 = arith.constant 0 : i32
        %dma_wait3A_60 = tpu.memref_slice %arg16[%dma_wait3A_58, %dma_wait3A_59] : memref<80x144xf32, #tpu.memory_space<vmem>> -> memref<32x144xf32, #tpu.memory_space<vmem>>
        %dma_wait3A_61 = arith.constant 0 : i32
        %dma_wait3A_62 = tpu.memref_slice %arg9[%arg0, %add3A_35, %dma_wait3A_61] : memref<2x10240x144xf32, #tpu.memory_space<hbm>> -> memref<1x32x144xf32, #tpu.memory_space<hbm>>
        %dma_wait3A_63 = tpu.memref_squeeze %dma_wait3A_62 : memref<1x32x144xf32, #tpu.memory_space<hbm>> -> memref<32x144xf32, #tpu.memory_space<hbm>>
        %dma_wait3A_64 = arith.constant 0 : i32
        %dma_wait3A_65 = tpu.memref_slice %arg9[%arg0, %add3A_35, %dma_wait3A_64] : memref<2x10240x144xf32, #tpu.memory_space<hbm>> -> memref<1x32x144xf32, #tpu.memory_space<hbm>>
        %dma_wait3A_66 = tpu.memref_squeeze %dma_wait3A_65 : memref<1x32x144xf32, #tpu.memory_space<hbm>> -> memref<32x144xf32, #tpu.memory_space<hbm>>
        %dma_wait3A_67 = arith.constant 0 : i32
        %dma_wait3A_68 = arith.constant 0 : i32
        %dma_wait3A_69 = tpu.memref_slice %arg16[%dma_wait3A_67, %dma_wait3A_68] : memref<80x144xf32, #tpu.memory_space<vmem>> -> memref<32x144xf32, #tpu.memory_space<vmem>>
        tpu.wait_dma2 semaphore(%run_scoped3A : memref<!tpu.dma_semaphore, #tpu.memory_space<semaphore_mem>>) src(%dma_wait3A_69 : memref<32x144xf32, #tpu.memory_space<vmem>>) dst(%dma_wait3A_66 : memref<32x144xf32, #tpu.memory_space<hbm>>)
        tpu.yield
      }) : () -> ()
    }
    %scan3A_31 = arith.constant 20 : i32
    return
  }
}

module attributes {stable_mosaic.version = 14 : i64} {
  func.func @_edge_mm_body(%arg0: i32, %arg1: memref<2000x16xf32, #tpu.memory_space<vmem>>, %arg2: memref<16x128xf32, #tpu.memory_space<vmem>>, %arg3: memref<2000x128xf32, #tpu.memory_space<vmem>>) attributes {dimension_semantics = [#tpu.dimension_semantics<arbitrary>], iteration_bounds = array<i64: 160>, scalar_prefetch = 0 : i64, scratch_operands = 0 : i64, tpu.core_type = #tpu.core_type<tc>, window_params = [{transform_indices = @transform_0, window_bounds = array<i64: 2000, 16>}, {pipeline_mode = #tpu.pipeline_mode<synchronous>, transform_indices = @transform_1, window_bounds = array<i64: 16, 128>}, {transform_indices = @transform_2, window_bounds = array<i64: 2000, 128>}]} {
    %get3A = arith.constant 0 : index
    %get3A_0 = arith.constant 0 : index
    %get3A_1 = vector.load %arg1[%get3A, %get3A_0] : memref<2000x16xf32, #tpu.memory_space<vmem>>, vector<2000x16xf32>
    %get3A_2 = arith.constant 0 : index
    %get3A_3 = arith.constant 0 : index
    %get3A_4 = vector.load %arg2[%get3A_2, %get3A_3] : memref<16x128xf32, #tpu.memory_space<vmem>>, vector<16x128xf32>
    %dot_general3A = arith.constant dense<0.000000e+00> : vector<2000x128xf32>
    %dot_general3A_5 = tpu.matmul %get3A_1, %get3A_4, %dot_general3A {dimension_numbers = #tpu.dot_dimension_numbers<[1], [0], [0], [1], [0, 0, 1, 1], [], []>, precision = #tpu.contract_precision<fp32>, transpose_lhs_hint = false} : vector<2000x16xf32>, vector<16x128xf32>, vector<2000x128xf32> -> vector<2000x128xf32>
    %swap3A = arith.constant 0 : index
    %swap3A_6 = arith.constant 0 : index
    %swap3A_7 = vector.load %arg3[%swap3A, %swap3A_6] : memref<2000x128xf32, #tpu.memory_space<vmem>>, vector<2000x128xf32>
    tpu.vector_store %arg3[%swap3A, %swap3A_6], %dot_general3A_5 {strides = array<i32>} : memref<2000x128xf32, #tpu.memory_space<vmem>>, vector<2000x128xf32>,
    return
  }
  func.func @transform_0(%arg0: i32) -> (i32, i32) {
    %c0_i32 = arith.constant 0 : i32
    %c0_i32_0 = arith.constant 0 : i32
    return %arg0, %c0_i32 : i32, i32
  }
  func.func @transform_1(%arg0: i32) -> (i32, i32) {
    %c0_i32 = arith.constant 0 : i32
    %c0_i32_0 = arith.constant 0 : i32
    %c0_i32_1 = arith.constant 0 : i32
    return %c0_i32, %c0_i32_0 : i32, i32
  }
  func.func @transform_2(%arg0: i32) -> (i32, i32) {
    %c0_i32 = arith.constant 0 : i32
    %c0_i32_0 = arith.constant 0 : i32
    return %arg0, %c0_i32 : i32, i32
  }
}

module attributes {stable_mosaic.version = 14 : i64} {
  func.func @_proj_body(%arg0: i32, %arg1: memref<1000x128xf32, #tpu.memory_space<vmem>>, %arg2: memref<1x128xf32, #tpu.memory_space<vmem>>, %arg3: memref<1x128xf32, #tpu.memory_space<vmem>>, %arg4: memref<128x128xf32, #tpu.memory_space<vmem>>, %arg5: memref<1x128xf32, #tpu.memory_space<vmem>>, %arg6: memref<128x128xf32, #tpu.memory_space<vmem>>, %arg7: memref<1x128xf32, #tpu.memory_space<vmem>>, %arg8: memref<128x128xf32, #tpu.memory_space<vmem>>, %arg9: memref<1x128xf32, #tpu.memory_space<vmem>>, %arg10: memref<128x128xf32, #tpu.memory_space<vmem>>, %arg11: memref<1x128xf32, #tpu.memory_space<vmem>>, %arg12: memref<1000x128xf32, #tpu.memory_space<vmem>>, %arg13: memref<1000x128xf32, #tpu.memory_space<vmem>>, %arg14: memref<1000x128xf32, #tpu.memory_space<vmem>>, %arg15: memref<1000x128xf32, #tpu.memory_space<vmem>>) attributes {dimension_semantics = [#tpu.dimension_semantics<arbitrary>], iteration_bounds = array<i64: 10>, scalar_prefetch = 0 : i64, scratch_operands = 0 : i64, tpu.core_type = #tpu.core_type<tc>, window_params = [{transform_indices = @transform_0, window_bounds = array<i64: 1000, 128>}, {pipeline_mode = #tpu.pipeline_mode<synchronous>, transform_indices = @transform_1, window_bounds = array<i64: 1, 128>}, {pipeline_mode = #tpu.pipeline_mode<synchronous>, transform_indices = @transform_2, window_bounds = array<i64: 1, 128>}, {pipeline_mode = #tpu.pipeline_mode<synchronous>, transform_indices = @transform_3, window_bounds = array<i64: 128, 128>}, {pipeline_mode = #tpu.pipeline_mode<synchronous>, transform_indices = @transform_4, window_bounds = array<i64: 1, 128>}, {pipeline_mode = #tpu.pipeline_mode<synchronous>, transform_indices = @transform_5, window_bounds = array<i64: 128, 128>}, {pipeline_mode = #tpu.pipeline_mode<synchronous>, transform_indices = @transform_6, window_bounds = array<i64: 1, 128>}, {pipeline_mode = #tpu.pipeline_mode<synchronous>, transform_indices = @transform_7, window_bounds = array<i64: 128, 128>}, {pipeline_mode = #tpu.pipeline_mode<synchronous>, transform_indices = @transform_8, window_bounds = array<i64: 1, 128>}, {pipeline_mode = #tpu.pipeline_mode<synchronous>, transform_indices = @transform_9, window_bounds = array<i64: 128, 128>}, {pipeline_mode = #tpu.pipeline_mode<synchronous>, transform_indices = @transform_10, window_bounds = array<i64: 1, 128>}, {transform_indices = @transform_11, window_bounds = array<i64: 1000, 128>}, {transform_indices = @transform_12, window_bounds = array<i64: 1000, 128>}, {transform_indices = @transform_13, window_bounds = array<i64: 1000, 128>}, {transform_indices = @transform_14, window_bounds = array<i64: 1000, 128>}]} {
    %get3A = arith.constant 0 : index
    %get3A_0 = arith.constant 0 : index
    %get3A_1 = vector.load %arg1[%get3A, %get3A_0] : memref<1000x128xf32, #tpu.memory_space<vmem>>, vector<1000x128xf32>
    %get3A_2 = arith.constant 0 : index
    %get3A_3 = arith.constant 0 : index
    %get3A_4 = vector.load %arg2[%get3A_2, %get3A_3] : memref<1x128xf32, #tpu.memory_space<vmem>>, vector<1x128xf32>
    %get3A_5 = arith.constant 0 : index
    %get3A_6 = arith.constant 0 : index
    %get3A_7 = vector.load %arg3[%get3A_5, %get3A_6] : memref<1x128xf32, #tpu.memory_space<vmem>>, vector<1x128xf32>
    %reduce_sum3A = arith.constant dense<0.000000e+00> : vector<1000xf32>
    %reduce_sum3A_8 = vector.multi_reduction <add>, %get3A_1, %reduce_sum3A [1] : vector<1000x128xf32> to vector<1000xf32>
    %broadcast_in_dim3A = vector.shape_cast %reduce_sum3A_8 : vector<1000xf32> to vector<1000x1xf32>
    %div3A = arith.constant 1.280000e+02 : f32
    %div3A_9 = vector.broadcast %div3A : f32 to vector<1000x1xf32>
    %div3A_10 = arith.divf %broadcast_in_dim3A, %div3A_9 : vector<1000x1xf32>
    %sub3A = vector.broadcast %div3A_10 : vector<1000x1xf32> to vector<1000x128xf32>
    %sub3A_11 = arith.subf %get3A_1, %sub3A : vector<1000x128xf32>
    %integer_pow3A = arith.mulf %sub3A_11, %sub3A_11 : vector<1000x128xf32>
    %reduce_sum3A_12 = arith.constant dense<0.000000e+00> : vector<1000xf32>
    %reduce_sum3A_13 = vector.multi_reduction <add>, %integer_pow3A, %reduce_sum3A_12 [1] : vector<1000x128xf32> to vector<1000xf32>
    %broadcast_in_dim3A_14 = vector.shape_cast %reduce_sum3A_13 : vector<1000xf32> to vector<1000x1xf32>
    %div3A_15 = arith.constant 1.280000e+02 : f32
    %div3A_16 = vector.broadcast %div3A_15 : f32 to vector<1000x1xf32>
    %div3A_17 = arith.divf %broadcast_in_dim3A_14, %div3A_16 : vector<1000x1xf32>
    %sub3A_18 = vector.broadcast %div3A_10 : vector<1000x1xf32> to vector<1000x128xf32>
    %sub3A_19 = arith.subf %get3A_1, %sub3A_18 : vector<1000x128xf32>
    %add3A = arith.constant 9.99999974E-6 : f32
    %add3A_20 = vector.broadcast %add3A : f32 to vector<1000x1xf32>
    %add3A_21 = arith.addf %div3A_17, %add3A_20 : vector<1000x1xf32>
    %sqrt3A = math.sqrt %add3A_21 : vector<1000x1xf32>
    %div3A_22 = vector.broadcast %sqrt3A : vector<1000x1xf32> to vector<1000x128xf32>
    %div3A_23 = arith.divf %sub3A_19, %div3A_22 : vector<1000x128xf32>
    %mul3A = vector.broadcast %get3A_4 : vector<1x128xf32> to vector<1000x128xf32>
    %mul3A_24 = arith.mulf %div3A_23, %mul3A : vector<1000x128xf32>
    %add3A_25 = vector.broadcast %get3A_7 : vector<1x128xf32> to vector<1000x128xf32>
    %add3A_26 = arith.addf %mul3A_24, %add3A_25 : vector<1000x128xf32>
    %get3A_27 = arith.constant 0 : index
    %get3A_28 = arith.constant 0 : index
    %get3A_29 = vector.load %arg4[%get3A_27, %get3A_28] : memref<128x128xf32, #tpu.memory_space<vmem>>, vector<128x128xf32>
    %dot_general3A = arith.constant dense<0.000000e+00> : vector<1000x128xf32>
    %dot_general3A_30 = tpu.matmul %add3A_26, %get3A_29, %dot_general3A {dimension_numbers = #tpu.dot_dimension_numbers<[1], [0], [0], [1], [0, 0, 1, 1], [], []>, precision = #tpu.contract_precision<fp32>, transpose_lhs_hint = false} : vector<1000x128xf32>, vector<128x128xf32>, vector<1000x128xf32> -> vector<1000x128xf32>
    %get3A_31 = arith.constant 0 : index
    %get3A_32 = arith.constant 0 : index
    %get3A_33 = vector.load %arg5[%get3A_31, %get3A_32] : memref<1x128xf32, #tpu.memory_space<vmem>>, vector<1x128xf32>
    %add3A_34 = vector.broadcast %get3A_33 : vector<1x128xf32> to vector<1000x128xf32>
    %add3A_35 = arith.addf %dot_general3A_30, %add3A_34 : vector<1000x128xf32>
    %mul3A_36 = arith.constant 2.500000e-01 : f32
    %mul3A_37 = vector.broadcast %mul3A_36 : f32 to vector<1000x128xf32>
    %mul3A_38 = arith.mulf %add3A_35, %mul3A_37 : vector<1000x128xf32>
    %swap3A = arith.constant 0 : index
    %swap3A_39 = arith.constant 0 : index
    %swap3A_40 = vector.load %arg12[%swap3A, %swap3A_39] : memref<1000x128xf32, #tpu.memory_space<vmem>>, vector<1000x128xf32>
    tpu.vector_store %arg12[%swap3A, %swap3A_39], %mul3A_38 {strides = array<i32>} : memref<1000x128xf32, #tpu.memory_space<vmem>>, vector<1000x128xf32>,
    %get3A_41 = arith.constant 0 : index
    %get3A_42 = arith.constant 0 : index
    %get3A_43 = vector.load %arg6[%get3A_41, %get3A_42] : memref<128x128xf32, #tpu.memory_space<vmem>>, vector<128x128xf32>
    %dot_general3A_44 = arith.constant dense<0.000000e+00> : vector<1000x128xf32>
    %dot_general3A_45 = tpu.matmul %add3A_26, %get3A_43, %dot_general3A_44 {dimension_numbers = #tpu.dot_dimension_numbers<[1], [0], [0], [1], [0, 0, 1, 1], [], []>, precision = #tpu.contract_precision<fp32>, transpose_lhs_hint = false} : vector<1000x128xf32>, vector<128x128xf32>, vector<1000x128xf32> -> vector<1000x128xf32>
    %get3A_46 = arith.constant 0 : index
    %get3A_47 = arith.constant 0 : index
    %get3A_48 = vector.load %arg7[%get3A_46, %get3A_47] : memref<1x128xf32, #tpu.memory_space<vmem>>, vector<1x128xf32>
    %add3A_49 = vector.broadcast %get3A_48 : vector<1x128xf32> to vector<1000x128xf32>
    %add3A_50 = arith.addf %dot_general3A_45, %add3A_49 : vector<1000x128xf32>
    %swap3A_51 = arith.constant 0 : index
    %swap3A_52 = arith.constant 0 : index
    %swap3A_53 = vector.load %arg13[%swap3A_51, %swap3A_52] : memref<1000x128xf32, #tpu.memory_space<vmem>>, vector<1000x128xf32>
    tpu.vector_store %arg13[%swap3A_51, %swap3A_52], %add3A_50 {strides = array<i32>} : memref<1000x128xf32, #tpu.memory_space<vmem>>, vector<1000x128xf32>,
    %get3A_54 = arith.constant 0 : index
    %get3A_55 = arith.constant 0 : index
    %get3A_56 = vector.load %arg8[%get3A_54, %get3A_55] : memref<128x128xf32, #tpu.memory_space<vmem>>, vector<128x128xf32>
    %dot_general3A_57 = arith.constant dense<0.000000e+00> : vector<1000x128xf32>
    %dot_general3A_58 = tpu.matmul %add3A_26, %get3A_56, %dot_general3A_57 {dimension_numbers = #tpu.dot_dimension_numbers<[1], [0], [0], [1], [0, 0, 1, 1], [], []>, precision = #tpu.contract_precision<fp32>, transpose_lhs_hint = false} : vector<1000x128xf32>, vector<128x128xf32>, vector<1000x128xf32> -> vector<1000x128xf32>
    %get3A_59 = arith.constant 0 : index
    %get3A_60 = arith.constant 0 : index
    %get3A_61 = vector.load %arg9[%get3A_59, %get3A_60] : memref<1x128xf32, #tpu.memory_space<vmem>>, vector<1x128xf32>
    %add3A_62 = vector.broadcast %get3A_61 : vector<1x128xf32> to vector<1000x128xf32>
    %add3A_63 = arith.addf %dot_general3A_58, %add3A_62 : vector<1000x128xf32>
    %swap3A_64 = arith.constant 0 : index
    %swap3A_65 = arith.constant 0 : index
    %swap3A_66 = vector.load %arg14[%swap3A_64, %swap3A_65] : memref<1000x128xf32, #tpu.memory_space<vmem>>, vector<1000x128xf32>
    tpu.vector_store %arg14[%swap3A_64, %swap3A_65], %add3A_63 {strides = array<i32>} : memref<1000x128xf32, #tpu.memory_space<vmem>>, vector<1000x128xf32>,
    %get3A_67 = arith.constant 0 : index
    %get3A_68 = arith.constant 0 : index
    %get3A_69 = vector.load %arg10[%get3A_67, %get3A_68] : memref<128x128xf32, #tpu.memory_space<vmem>>, vector<128x128xf32>
    %dot_general3A_70 = arith.constant dense<0.000000e+00> : vector<1000x128xf32>
    %dot_general3A_71 = tpu.matmul %add3A_26, %get3A_69, %dot_general3A_70 {dimension_numbers = #tpu.dot_dimension_numbers<[1], [0], [0], [1], [0, 0, 1, 1], [], []>, precision = #tpu.contract_precision<fp32>, transpose_lhs_hint = false} : vector<1000x128xf32>, vector<128x128xf32>, vector<1000x128xf32> -> vector<1000x128xf32>
    %get3A_72 = arith.constant 0 : index
    %get3A_73 = arith.constant 0 : index
    %get3A_74 = vector.load %arg11[%get3A_72, %get3A_73] : memref<1x128xf32, #tpu.memory_space<vmem>>, vector<1x128xf32>
    %add3A_75 = vector.broadcast %get3A_74 : vector<1x128xf32> to vector<1000x128xf32>
    %add3A_76 = arith.addf %dot_general3A_71, %add3A_75 : vector<1000x128xf32>
    %swap3A_77 = arith.constant 0 : index
    %swap3A_78 = arith.constant 0 : index
    %swap3A_79 = vector.load %arg15[%swap3A_77, %swap3A_78] : memref<1000x128xf32, #tpu.memory_space<vmem>>, vector<1000x128xf32>
    tpu.vector_store %arg15[%swap3A_77, %swap3A_78], %add3A_76 {strides = array<i32>} : memref<1000x128xf32, #tpu.memory_space<vmem>>, vector<1000x128xf32>,
    return
  }
  func.func @transform_0(%arg0: i32) -> (i32, i32) {
    %c0_i32 = arith.constant 0 : i32
    %c0_i32_0 = arith.constant 0 : i32
    return %arg0, %c0_i32 : i32, i32
  }
  func.func @transform_1(%arg0: i32) -> (i32, i32) {
    %c0_i32 = arith.constant 0 : i32
    %c0_i32_0 = arith.constant 0 : i32
    %c0_i32_1 = arith.constant 0 : i32
    return %c0_i32, %c0_i32_0 : i32, i32
  }
  func.func @transform_2(%arg0: i32) -> (i32, i32) {
    %c0_i32 = arith.constant 0 : i32
    %c0_i32_0 = arith.constant 0 : i32
    %c0_i32_1 = arith.constant 0 : i32
    return %c0_i32, %c0_i32_0 : i32, i32
  }
  func.func @transform_3(%arg0: i32) -> (i32, i32) {
    %c0_i32 = arith.constant 0 : i32
    %c0_i32_0 = arith.constant 0 : i32
    %c0_i32_1 = arith.constant 0 : i32
    return %c0_i32, %c0_i32_0 : i32, i32
  }
  func.func @transform_4(%arg0: i32) -> (i32, i32) {
    %c0_i32 = arith.constant 0 : i32
    %c0_i32_0 = arith.constant 0 : i32
    %c0_i32_1 = arith.constant 0 : i32
    return %c0_i32, %c0_i32_0 : i32, i32
  }
  func.func @transform_5(%arg0: i32) -> (i32, i32) {
    %c0_i32 = arith.constant 0 : i32
    %c0_i32_0 = arith.constant 0 : i32
    %c0_i32_1 = arith.constant 0 : i32
    return %c0_i32, %c0_i32_0 : i32, i32
  }
  func.func @transform_6(%arg0: i32) -> (i32, i32) {
    %c0_i32 = arith.constant 0 : i32
    %c0_i32_0 = arith.constant 0 : i32
    %c0_i32_1 = arith.constant 0 : i32
    return %c0_i32, %c0_i32_0 : i32, i32
  }
  func.func @transform_7(%arg0: i32) -> (i32, i32) {
    %c0_i32 = arith.constant 0 : i32
    %c0_i32_0 = arith.constant 0 : i32
    %c0_i32_1 = arith.constant 0 : i32
    return %c0_i32, %c0_i32_0 : i32, i32
  }
  func.func @transform_8(%arg0: i32) -> (i32, i32) {
    %c0_i32 = arith.constant 0 : i32
    %c0_i32_0 = arith.constant 0 : i32
    %c0_i32_1 = arith.constant 0 : i32
    return %c0_i32, %c0_i32_0 : i32, i32
  }
  func.func @transform_9(%arg0: i32) -> (i32, i32) {
    %c0_i32 = arith.constant 0 : i32
    %c0_i32_0 = arith.constant 0 : i32
    %c0_i32_1 = arith.constant 0 : i32
    return %c0_i32, %c0_i32_0 : i32, i32
  }
  func.func @transform_10(%arg0: i32) -> (i32, i32) {
    %c0_i32 = arith.constant 0 : i32
    %c0_i32_0 = arith.constant 0 : i32
    %c0_i32_1 = arith.constant 0 : i32
    return %c0_i32, %c0_i32_0 : i32, i32
  }
  func.func @transform_11(%arg0: i32) -> (i32, i32) {
    %c0_i32 = arith.constant 0 : i32
    %c0_i32_0 = arith.constant 0 : i32
    return %arg0, %c0_i32 : i32, i32
  }
  func.func @transform_12(%arg0: i32) -> (i32, i32) {
    %c0_i32 = arith.constant 0 : i32
    %c0_i32_0 = arith.constant 0 : i32
    return %arg0, %c0_i32 : i32, i32
  }
  func.func @transform_13(%arg0: i32) -> (i32, i32) {
    %c0_i32 = arith.constant 0 : i32
    %c0_i32_0 = arith.constant 0 : i32
    return %arg0, %c0_i32 : i32, i32
  }
  func.func @transform_14(%arg0: i32) -> (i32, i32) {
    %c0_i32 = arith.constant 0 : i32
    %c0_i32_0 = arith.constant 0 : i32
    return %arg0, %c0_i32 : i32, i32
  }
}

module attributes {stable_mosaic.version = 14 : i64} {
  func.func @_mlp_body(%arg0: i32, %arg1: memref<1000x128xf32, #tpu.memory_space<vmem>>, %arg2: memref<2x1000x144xf32, #tpu.memory_space<vmem>>, %arg3: memref<1000x128xf32, #tpu.memory_space<vmem>>, %arg4: memref<16x128xf32, #tpu.memory_space<vmem>>, %arg5: memref<1x128xf32, #tpu.memory_space<vmem>>, %arg6: memref<1x128xf32, #tpu.memory_space<vmem>>, %arg7: memref<128x256xf32, #tpu.memory_space<vmem>>, %arg8: memref<1x256xf32, #tpu.memory_space<vmem>>, %arg9: memref<256x128xf32, #tpu.memory_space<vmem>>, %arg10: memref<1x128xf32, #tpu.memory_space<vmem>>, %arg11: memref<1000x128xf32, #tpu.memory_space<vmem>>) attributes {dimension_semantics = [#tpu.dimension_semantics<arbitrary>], iteration_bounds = array<i64: 10>, scalar_prefetch = 0 : i64, scratch_operands = 0 : i64, tpu.core_type = #tpu.core_type<tc>, window_params = [{transform_indices = @transform_0, window_bounds = array<i64: 1000, 128>}, {transform_indices = @transform_1, window_bounds = array<i64: 2, 1000, 144>}, {transform_indices = @transform_2, window_bounds = array<i64: 1000, 128>}, {pipeline_mode = #tpu.pipeline_mode<synchronous>, transform_indices = @transform_3, window_bounds = array<i64: 16, 128>}, {pipeline_mode = #tpu.pipeline_mode<synchronous>, transform_indices = @transform_4, window_bounds = array<i64: 1, 128>}, {pipeline_mode = #tpu.pipeline_mode<synchronous>, transform_indices = @transform_5, window_bounds = array<i64: 1, 128>}, {pipeline_mode = #tpu.pipeline_mode<synchronous>, transform_indices = @transform_6, window_bounds = array<i64: 128, 256>}, {pipeline_mode = #tpu.pipeline_mode<synchronous>, transform_indices = @transform_7, window_bounds = array<i64: 1, 256>}, {pipeline_mode = #tpu.pipeline_mode<synchronous>, transform_indices = @transform_8, window_bounds = array<i64: 256, 128>}, {pipeline_mode = #tpu.pipeline_mode<synchronous>, transform_indices = @transform_9, window_bounds = array<i64: 1, 128>}, {transform_indices = @transform_10, window_bounds = array<i64: 1000, 128>}]} {
    %get3A = arith.constant 0 : index
    %get3A_0 = arith.constant 0 : index
    %get3A_1 = arith.constant 0 : index
    %get3A_2 = vector.load %arg2[%get3A, %get3A_0, %get3A_1] : memref<2x1000x144xf32, #tpu.memory_space<vmem>>, vector<1x1000x144xf32>
    %get3A_3 = vector.shape_cast %get3A_2 : vector<1x1000x144xf32> to vector<1000x144xf32>
    %get3A_4 = arith.constant 1 : index
    %get3A_5 = arith.constant 0 : index
    %get3A_6 = arith.constant 0 : index
    %get3A_7 = vector.load %arg2[%get3A_4, %get3A_5, %get3A_6] : memref<2x1000x144xf32, #tpu.memory_space<vmem>>, vector<1x1000x144xf32>
    %get3A_8 = vector.shape_cast %get3A_7 : vector<1x1000x144xf32> to vector<1000x144xf32>
    %add3A = arith.addf %get3A_3, %get3A_8 : vector<1000x144xf32>
    %slice3A = vector.extract_strided_slice %add3A {offsets = [0, 128], sizes = [1000, 16], strides = [1, 1]} : vector<1000x144xf32> to vector<1000x16xf32>
    %get3A_9 = arith.constant 0 : index
    %get3A_10 = arith.constant 0 : index
    %get3A_11 = vector.load %arg4[%get3A_9, %get3A_10] : memref<16x128xf32, #tpu.memory_space<vmem>>, vector<16x128xf32>
    %dot_general3A = arith.constant dense<0.000000e+00> : vector<1000x128xf32>
    %dot_general3A_12 = tpu.matmul %slice3A, %get3A_11, %dot_general3A {dimension_numbers = #tpu.dot_dimension_numbers<[1], [0], [0], [1], [0, 0, 1, 1], [], []>, precision = #tpu.contract_precision<fp32>, transpose_lhs_hint = false} : vector<1000x16xf32>, vector<16x128xf32>, vector<1000x128xf32> -> vector<1000x128xf32>
    %slice3A_13 = vector.extract_strided_slice %add3A {offsets = [0, 0], sizes = [1000, 128], strides = [1, 1]} : vector<1000x144xf32> to vector<1000x128xf32>
    %add3A_14 = arith.constant 1.000000e-16 : f32
    %add3A_15 = vector.broadcast %add3A_14 : f32 to vector<1000x128xf32>
    %add3A_16 = arith.addf %dot_general3A_12, %add3A_15 : vector<1000x128xf32>
    %div3A = arith.divf %slice3A_13, %add3A_16 : vector<1000x128xf32>
    %get3A_17 = arith.constant 0 : index
    %get3A_18 = arith.constant 0 : index
    %get3A_19 = vector.load %arg1[%get3A_17, %get3A_18] : memref<1000x128xf32, #tpu.memory_space<vmem>>, vector<1000x128xf32>
    %add3A_20 = arith.addf %get3A_19, %div3A : vector<1000x128xf32>
    %get3A_21 = arith.constant 0 : index
    %get3A_22 = arith.constant 0 : index
    %get3A_23 = vector.load %arg3[%get3A_21, %get3A_22] : memref<1000x128xf32, #tpu.memory_space<vmem>>, vector<1000x128xf32>
    %add3A_24 = arith.addf %add3A_20, %get3A_23 : vector<1000x128xf32>
    %get3A_25 = arith.constant 0 : index
    %get3A_26 = arith.constant 0 : index
    %get3A_27 = vector.load %arg5[%get3A_25, %get3A_26] : memref<1x128xf32, #tpu.memory_space<vmem>>, vector<1x128xf32>
    %get3A_28 = arith.constant 0 : index
    %get3A_29 = arith.constant 0 : index
    %get3A_30 = vector.load %arg6[%get3A_28, %get3A_29] : memref<1x128xf32, #tpu.memory_space<vmem>>, vector<1x128xf32>
    %reduce_sum3A = arith.constant dense<0.000000e+00> : vector<1000xf32>
    %reduce_sum3A_31 = vector.multi_reduction <add>, %add3A_24, %reduce_sum3A [1] : vector<1000x128xf32> to vector<1000xf32>
    %broadcast_in_dim3A = vector.shape_cast %reduce_sum3A_31 : vector<1000xf32> to vector<1000x1xf32>
    %div3A_32 = arith.constant 1.280000e+02 : f32
    %div3A_33 = vector.broadcast %div3A_32 : f32 to vector<1000x1xf32>
    %div3A_34 = arith.divf %broadcast_in_dim3A, %div3A_33 : vector<1000x1xf32>
    %sub3A = vector.broadcast %div3A_34 : vector<1000x1xf32> to vector<1000x128xf32>
    %sub3A_35 = arith.subf %add3A_24, %sub3A : vector<1000x128xf32>
    %integer_pow3A = arith.mulf %sub3A_35, %sub3A_35 : vector<1000x128xf32>
    %reduce_sum3A_36 = arith.constant dense<0.000000e+00> : vector<1000xf32>
    %reduce_sum3A_37 = vector.multi_reduction <add>, %integer_pow3A, %reduce_sum3A_36 [1] : vector<1000x128xf32> to vector<1000xf32>
    %broadcast_in_dim3A_38 = vector.shape_cast %reduce_sum3A_37 : vector<1000xf32> to vector<1000x1xf32>
    %div3A_39 = arith.constant 1.280000e+02 : f32
    %div3A_40 = vector.broadcast %div3A_39 : f32 to vector<1000x1xf32>
    %div3A_41 = arith.divf %broadcast_in_dim3A_38, %div3A_40 : vector<1000x1xf32>
    %sub3A_42 = vector.broadcast %div3A_34 : vector<1000x1xf32> to vector<1000x128xf32>
    %sub3A_43 = arith.subf %add3A_24, %sub3A_42 : vector<1000x128xf32>
    %add3A_44 = arith.constant 9.99999974E-6 : f32
    %add3A_45 = vector.broadcast %add3A_44 : f32 to vector<1000x1xf32>
    %add3A_46 = arith.addf %div3A_41, %add3A_45 : vector<1000x1xf32>
    %sqrt3A = math.sqrt %add3A_46 : vector<1000x1xf32>
    %div3A_47 = vector.broadcast %sqrt3A : vector<1000x1xf32> to vector<1000x128xf32>
    %div3A_48 = arith.divf %sub3A_43, %div3A_47 : vector<1000x128xf32>
    %mul3A = vector.broadcast %get3A_27 : vector<1x128xf32> to vector<1000x128xf32>
    %mul3A_49 = arith.mulf %div3A_48, %mul3A : vector<1000x128xf32>
    %add3A_50 = vector.broadcast %get3A_30 : vector<1x128xf32> to vector<1000x128xf32>
    %add3A_51 = arith.addf %mul3A_49, %add3A_50 : vector<1000x128xf32>
    %get3A_52 = arith.constant 0 : index
    %get3A_53 = arith.constant 0 : index
    %get3A_54 = vector.load %arg7[%get3A_52, %get3A_53] : memref<128x256xf32, #tpu.memory_space<vmem>>, vector<128x256xf32>
    %dot_general3A_55 = arith.constant dense<0.000000e+00> : vector<1000x256xf32>
    %dot_general3A_56 = tpu.matmul %add3A_51, %get3A_54, %dot_general3A_55 {dimension_numbers = #tpu.dot_dimension_numbers<[1], [0], [0], [1], [0, 0, 1, 1], [], []>, precision = #tpu.contract_precision<fp32>, transpose_lhs_hint = false} : vector<1000x128xf32>, vector<128x256xf32>, vector<1000x256xf32> -> vector<1000x256xf32>
    %get3A_57 = arith.constant 0 : index
    %get3A_58 = arith.constant 0 : index
    %get3A_59 = vector.load %arg8[%get3A_57, %get3A_58] : memref<1x256xf32, #tpu.memory_space<vmem>>, vector<1x256xf32>
    %add3A_60 = vector.broadcast %get3A_59 : vector<1x256xf32> to vector<1000x256xf32>
    %add3A_61 = arith.addf %dot_general3A_56, %add3A_60 : vector<1000x256xf32>
    %mul3A_62 = arith.constant 5.000000e-01 : f32
    %mul3A_63 = vector.broadcast %mul3A_62 : f32 to vector<1000x256xf32>
    %mul3A_64 = arith.mulf %mul3A_63, %add3A_61 : vector<1000x256xf32>
    %mul3A_65 = arith.constant 0.707106769 : f32
    %mul3A_66 = vector.broadcast %mul3A_65 : f32 to vector<1000x256xf32>
    %mul3A_67 = arith.mulf %add3A_61, %mul3A_66 : vector<1000x256xf32>
    %erf3A = math.erf %mul3A_67 : vector<1000x256xf32>
    %add3A_68 = arith.constant 1.000000e+00 : f32
    %add3A_69 = vector.broadcast %add3A_68 : f32 to vector<1000x256xf32>
    %add3A_70 = arith.addf %add3A_69, %erf3A : vector<1000x256xf32>
    %mul3A_71 = arith.mulf %mul3A_64, %add3A_70 : vector<1000x256xf32>
    %get3A_72 = arith.constant 0 : index
    %get3A_73 = arith.constant 0 : index
    %get3A_74 = vector.load %arg9[%get3A_72, %get3A_73] : memref<256x128xf32, #tpu.memory_space<vmem>>, vector<256x128xf32>
    %dot_general3A_75 = arith.constant dense<0.000000e+00> : vector<1000x128xf32>
    %dot_general3A_76 = tpu.matmul %mul3A_71, %get3A_74, %dot_general3A_75 {dimension_numbers = #tpu.dot_dimension_numbers<[1], [0], [0], [1], [0, 0, 1, 1], [], []>, precision = #tpu.contract_precision<fp32>, transpose_lhs_hint = false} : vector<1000x256xf32>, vector<256x128xf32>, vector<1000x128xf32> -> vector<1000x128xf32>
    %add3A_77 = arith.addf %add3A_24, %dot_general3A_76 : vector<1000x128xf32>
    %get3A_78 = arith.constant 0 : index
    %get3A_79 = arith.constant 0 : index
    %get3A_80 = vector.load %arg10[%get3A_78, %get3A_79] : memref<1x128xf32, #tpu.memory_space<vmem>>, vector<1x128xf32>
    %add3A_81 = vector.broadcast %get3A_80 : vector<1x128xf32> to vector<1000x128xf32>
    %add3A_82 = arith.addf %add3A_77, %add3A_81 : vector<1000x128xf32>
    %swap3A = arith.constant 0 : index
    %swap3A_83 = arith.constant 0 : index
    %swap3A_84 = vector.load %arg11[%swap3A, %swap3A_83] : memref<1000x128xf32, #tpu.memory_space<vmem>>, vector<1000x128xf32>
    tpu.vector_store %arg11[%swap3A, %swap3A_83], %add3A_82 {strides = array<i32>} : memref<1000x128xf32, #tpu.memory_space<vmem>>, vector<1000x128xf32>,
    return
  }
  func.func @transform_0(%arg0: i32) -> (i32, i32) {
    %c0_i32 = arith.constant 0 : i32
    %c0_i32_0 = arith.constant 0 : i32
    return %arg0, %c0_i32 : i32, i32
  }
  func.func @transform_1(%arg0: i32) -> (i32, i32, i32) {
    %c0_i32 = arith.constant 0 : i32
    %c0_i32_0 = arith.constant 0 : i32
    %c0_i32_1 = arith.constant 0 : i32
    return %c0_i32, %arg0, %c0_i32_0 : i32, i32, i32
  }
  func.func @transform_2(%arg0: i32) -> (i32, i32) {
    %c0_i32 = arith.constant 0 : i32
    %c0_i32_0 = arith.constant 0 : i32
    return %arg0, %c0_i32 : i32, i32
  }
  func.func @transform_3(%arg0: i32) -> (i32, i32) {
    %c0_i32 = arith.constant 0 : i32
    %c0_i32_0 = arith.constant 0 : i32
    %c0_i32_1 = arith.constant 0 : i32
    return %c0_i32, %c0_i32_0 : i32, i32
  }
  func.func @transform_4(%arg0: i32) -> (i32, i32) {
    %c0_i32 = arith.constant 0 : i32
    %c0_i32_0 = arith.constant 0 : i32
    %c0_i32_1 = arith.constant 0 : i32
    return %c0_i32, %c0_i32_0 : i32, i32
  }
  func.func @transform_5(%arg0: i32) -> (i32, i32) {
    %c0_i32 = arith.constant 0 : i32
    %c0_i32_0 = arith.constant 0 : i32
    %c0_i32_1 = arith.constant 0 : i32
    return %c0_i32, %c0_i32_0 : i32, i32
  }
  func.func @transform_6(%arg0: i32) -> (i32, i32) {
    %c0_i32 = arith.constant 0 : i32
    %c0_i32_0 = arith.constant 0 : i32
    %c0_i32_1 = arith.constant 0 : i32
    return %c0_i32, %c0_i32_0 : i32, i32
  }
  func.func @transform_7(%arg0: i32) -> (i32, i32) {
    %c0_i32 = arith.constant 0 : i32
    %c0_i32_0 = arith.constant 0 : i32
    %c0_i32_1 = arith.constant 0 : i32
    return %c0_i32, %c0_i32_0 : i32, i32
  }
  func.func @transform_8(%arg0: i32) -> (i32, i32) {
    %c0_i32 = arith.constant 0 : i32
    %c0_i32_0 = arith.constant 0 : i32
    %c0_i32_1 = arith.constant 0 : i32
    return %c0_i32, %c0_i32_0 : i32, i32
  }
  func.func @transform_9(%arg0: i32) -> (i32, i32) {
    %c0_i32 = arith.constant 0 : i32
    %c0_i32_0 = arith.constant 0 : i32
    %c0_i32_1 = arith.constant 0 : i32
    return %c0_i32, %c0_i32_0 : i32, i32
  }
  func.func @transform_10(%arg0: i32) -> (i32, i32) {
    %c0_i32 = arith.constant 0 : i32
    %c0_i32_0 = arith.constant 0 : i32
    return %arg0, %c0_i32 : i32, i32
  }
}

</mosaic_0001>

<sc_bundles>
// kernel: kernel.6.cloned.1.call-start
scs
__scs_entry_jumppad:
0x0: {  	(pc) =	sbr.rel $0x88, $3  }
0x1: {  	(tag) =	ssettag $0x0;
	lr =	simm.s32 $0x1  }
0x2: {  	[smem:$0x3F8D] =	sst lr;
	_ =	strace $0xD0000000  }
0x3: {  	_ = 	snop  }
0x4: {  	_ = 	snop  }
0x5: {  	_ = 	snop  }
0x6: {  	_ = 	snop  }
0x7: {  	_ = 	snop  }
__scs_overlays_trampoline_lowered:
0x8: {  	[smem:$0x3F9C] =	sst s0  }
0x9: {  	[smem:$0x3F9D] =	sst s1  }
0xa: {  	[smem:$0x3F9E] =	sst s2  }
0xb: {  	[smem:$0x3F9F] =	sst s3  }
0xc: {  	[smem:$0x3FA0] =	sst s4  }
0xd: {  	[smem:$0x3FA1] =	sst s5  }
0xe: {  	[smem:$0x3FA2] =	sst s6  }
0xf: {  	[smem:$0x3FA3] =	sst s7  }
0x10: {  	[smem:$0x3FA4] =	sst s8  }
0x11: {  	[smem:$0x3FA5] =	sst s9;
	s0 =	simm.s32 @!p0 $0x0  }
0x12: {  	s1 =	sld [smem:$0x3F8B];
	s0 =	simm.s32 @p0 $0x1  }
0x13: {  	[smem:$0x3FA6] =	sst s0;
	s0 =	simm.s32 @!p1 $0x0  }
0x14: {  	s2 =	sld [smem:$0x3F8A];
	s0 =	simm.s32 @p1 $0x1  }
0x15: {  	[smem:$0x3FA7] =	sst s0;
	s0 =	simm.s32 @!p2 $0x0  }
0x16: {  	s3 =	sld [smem:$0x3FDB];
	s0 =	simm.s32 @p2 $0x1  }
0x17: {  	s4 =	simm.s32 $0x1BF5;
	[smem:$0x3FA9] =	sst s0  }
0x18: {  	s0 =	sld [smem:$0x3F8C];
	_ =	swait.ge [sflag:s4], $0x0  }
0x19: {  	s7 =	sld [smem:$0x3F8D]  }
0x1a: {  	s8 =	sadd.s32 $0xFFFFE003, lr  }
0x1b: {  	s9 =	sadd.s32 $0xFFFFFEF7, lr;
	s5 =	simm.s32 $0xFFFFFFFF;
	p2 =	slt.u32 s8, $0xFFFFF086  }
0x1c: {  	p1 =	slt.u32 s9, $0xF7A;
	s5 =	simm.s32 @!p2 $0x0  }
0x1d: {  	s5 =	simm.s32 @p1 $0x1;
	p0 =	seq.s32 s7, s2  }
0x1e: {  	s7 =	smul.u32 @!p0 $0xF7A, s2;
	p2 =	seq.s32 @!p0 s5, $0x0  }
0x1f: {  	s9 =	smul.u32 $0xF7A, s1;
	s8 =	simm.s32 @!p0 $0x1BF5;
	p2 =	por !p2, p0  }
0x20: {  	[sflag:s8] =	ssyncset.s32 @!p0 $0xFFFFF086;
	s6 =	sadd.s32 @!p0 s3, s7;
	s7 =	simm.s32 @!p0 $0x108  }
0x21: {  	s3 =	sadd.s32 s3, s9;
	s6 =	sadd.s32 @!p0 $0x88, s6;
	s7 =	simm.s32 @p2 $0x1082  }
0x22: {  	[simem:s7], [sflag:s8] =	dma.local @!p0 [hbm:s6], $0xF7A  }
0x23: {  	s9 =	sor.u32 $0xD0000000, s2;
	s6 =	simm.s32 $0x108;
	_ =	swait.ge @!p0 [sflag:s8], $0x0  }
0x24: {  	s3 =	sadd.s32 $0x88, s3;
	s6 =	simm.s32 @!p1 $0x1082;
	[sflag:s4] =	ssyncset.s32 $0xFFFFF086  }
0x25: {  	[simem:s6], [sflag:s4] =	dma.local [hbm:s3], $0xF7A  }
0x26: {  	[smem:$0x3F8D] =	sst s1;
	(tag) =	ssettag s2;
	_ =	strace s9  }
0x27: {  	s1 =	sld [smem:$0x3F9D]  }
0x28: {  	s2 =	sld [smem:$0x3F9E]  }
0x29: {  	s4 =	sld [smem:$0x3FA0]  }
0x2a: {  	p0 =	seq.s32 s5, $0x0;
	s5 =	sld [smem:$0x3FA1]  }
0x2b: {  	s6 =	sld [smem:$0x3FA2]  }
0x2c: {  	s7 =	sld [smem:$0x3FA3]  }
0x2d: {  	s3 =	simm.s32 $0x108;
	s8 =	sld [smem:$0x3FA4]  }
0x2e: {  	s3 =	simm.s32 @!p0 $0x1082;
	s9 =	sld [smem:$0x3FA5]  }
0x2f: {  	lr =	sadd.s32 s0, s3;
	s0 =	sld [smem:$0x3F9C]  }
0x30: {  	s3 =	sld [smem:$0x3F9F]  }
0x31: {  	[smem:$0x3FA8] =	sst s10  }
0x32: {  	s10 =	sld [smem:$0x3FA6];
	_ =	sdelay $0x3  }
0x33: {  	p0 =	seq.s32 s10, $0x1;
	s10 =	sld [smem:$0x3FA8];
	_ =	sdelay $0x3  }
0x34: {  	[smem:$0x3FA8] =	sst s10  }
0x35: {  	s10 =	sld [smem:$0x3FA7];
	_ =	sdelay $0x3  }
0x36: {  	p1 =	seq.s32 s10, $0x1;
	s10 =	sld [smem:$0x3FA8];
	_ =	sdelay $0x3  }
0x37: {  	[smem:$0x3FA8] =	sst s10  }
0x38: {  	s10 =	sld [smem:$0x3FA9]  }
0x39: {  	_ = 	snop;
	(pc) =	sbr.ind lr, $3  }
0x3a: {  	_ = 	snop  }
0x3b: {  	_ = 	snop  }
0x3c: {  	p2 =	seq.s32 s10, $0x1;
	s10 =	sld [smem:$0x3FA8]  }
0x3d: {  	_ =	shalt  }
0x3e: {  	_ =	shalt  }
0x3f: {  	_ =	shalt  }
0x40: {  	_ =	shalt  }
0x41: {  	_ =	shalt  }
0x42: {  	_ =	shalt  }
0x43: {  	_ =	shalt  }
0x44: {  	_ =	shalt  }
0x45: {  	_ =	shalt  }
0x46: {  	_ =	shalt  }
0x47: {  	_ =	shalt  }
0x48: {  	_ =	shalt  }
0x49: {  	_ =	shalt  }
0x4a: {  	_ =	shalt  }
0x4b: {  	_ =	shalt  }
0x4c: {  	_ =	shalt  }
0x4d: {  	_ =	shalt  }
0x4e: {  	_ =	shalt  }
0x4f: {  	_ =	shalt  }
0x50: {  	_ =	shalt  }
0x51: {  	_ =	shalt  }
0x52: {  	_ =	shalt  }
0x53: {  	_ =	shalt  }
0x54: {  	_ =	shalt  }
0x55: {  	_ =	shalt  }
0x56: {  	_ =	shalt  }
0x57: {  	_ =	shalt  }
0x58: {  	_ =	shalt  }
0x59: {  	_ =	shalt  }
0x5a: {  	_ =	shalt  }
0x5b: {  	_ =	shalt  }
0x5c: {  	_ =	shalt  }
0x5d: {  	_ =	shalt  }
0x5e: {  	_ =	shalt  }
0x5f: {  	_ =	shalt  }
0x60: {  	_ =	shalt  }
0x61: {  	_ =	shalt  }
0x62: {  	_ =	shalt  }
0x63: {  	_ =	shalt  }
0x64: {  	_ =	shalt  }
0x65: {  	_ =	shalt  }
0x66: {  	_ =	shalt  }
0x67: {  	_ =	shalt  }
0x68: {  	_ =	shalt  }
0x69: {  	_ =	shalt  }
0x6a: {  	_ =	shalt  }
0x6b: {  	_ =	shalt  }
0x6c: {  	_ =	shalt  }
0x6d: {  	_ =	shalt  }
0x6e: {  	_ =	shalt  }
0x6f: {  	_ =	shalt  }
0x70: {  	_ =	shalt  }
0x71: {  	_ =	shalt  }
0x72: {  	_ =	shalt  }
0x73: {  	_ =	shalt  }
0x74: {  	_ =	shalt  }
0x75: {  	_ =	shalt  }
0x76: {  	_ =	shalt  }
0x77: {  	_ =	shalt  }
0x78: {  	_ =	shalt  }
0x79: {  	_ =	shalt  }
0x7a: {  	_ =	shalt  }
0x7b: {  	_ =	shalt  }
0x7c: {  	_ =	shalt  }
0x7d: {  	_ =	shalt  }
0x7e: {  	_ =	shalt  }
0x7f: {  	_ =	shalt  }
0x80: {  	_ =	shalt  }
0x81: {  	_ =	shalt  }
0x82: {  	_ =	shalt  }
0x83: {  	_ =	shalt  }
0x84: {  	_ =	shalt  }
0x85: {  	_ =	shalt  }
0x86: {  	_ =	shalt  }
0x87: {  	_ =	shalt  }
.Lfunc_end0:
.L_simem_size_0:
called_computation_lowered:
.L_overlay_start_0:
0x88: {  	s2 =	sld [smem:$0x3FD9]  }
0x89: {  	s3 =	sld [smem:$0x3FFE];
	_ =	sdelay $0x1  }
0x8a: {  	s1 =	srdreg.scid  }
0x8b: {  	s0 =	sand.u32 $0x1, s1  }
0x8c: {  	s17 =	sshll.u32 s0, $0xA;
	s2 =	sadd.s32 s3, s2  }
0x8d: {  	s2 =	sadd.s32 s2, s17  }
0x8e: {  	[smem:$0x3FB4] =	sst s2  }
0x8f: {  	_ = 	snop  }
0x90: {  	s2 =	sld [smem:$0x3FD0];
	(tm) =	ssettm $0x1  }
0x91: {  	s18 =	sld [smem:$0x3FFB];
	_ =	sdelay $0x3  }
0x92: {  	_ =	strace s18  }
0x93: {  	s3 =	sld [smem:$0x3FFC];
	_ =	sdelay $0x3  }
0x94: {  	_ =	strace s3  }
0x95: {  	s3 =	sld [smem:$0x3FFD];
	_ =	sdelay $0x3  }
0x96: {  	_ =	strace s3  }
0x97: {  	_ =	strace $0x8FFFFFFF  }
0x98: {  	s19 =	sld [smem:$0x3FDB];
	_ =	sdelay $0x1  }
0x99: {  	s4 =	simm.s32 $_scs_section_size  }
0x9a: {  	s5 =	simm.s32 $_size__tile_overlayer_lowered;
	s6 =	simm.s32 $_tile_overlayer_lowered  }
0x9b: {  	s22 =	simm.s32 $0x1BFF;
	s21 =	sshll.u32 s6, $0x1;
	s3 =	sadd.s32 s4, s19  }
0x9c: {  	s7 =	simm.s32 $0x0;
	s20 =	sshll.u32 s5, $0x1;
	s5 =	sadd.s32 s21, s3  }
0x9d: {  	[timem:s7], [sflag:s22] =	dma.local [hbm:s5], s20  }
0x9e: {  	_ =	swait.ge [sflag:s22], s20  }
0x9f: {  	s4 =	ssub.s32 $0x0, s20;
	[sflag:s22] =	ssyncset.done $0x0  }
0xa0: {  	[sflag:s22] =	ssyncadd.s32 s4;
	_ =	sdelay $0x1  }
0xa1: {  	s23 =	simm.s32 $0x1B8B  }
0xa2: {  	_ =	swait.ge [sflag:s23], $0x1  }
0xa3: {  	[sflag:s23] =	ssyncset.done $0x0  }
0xa4: {  	s25 =	simm.s32 $0x1B8E;
	s24 =	sld [smem:$0x3FFE];
	[sflag:s23] =	ssyncadd.s32 $0xFFFFFFFF  }
0xa5: {  	s26 =	simm.s32 $execute0_lowered;
	[smem:$0x3FD2] =	sst s25  }
0xa6: {  	s5 =	sshll.u32 s26, $0x1;
	_ =	strace $0x80000046;
	[dreg:$0x1] =	wrdreg $0xFFFFFFFF  }
0xa7: {  	s28 =	simm.s32 $_size_execute0_lowered;
	s3 =	sadd.s32 s3, s5;
	[dreg:$0x0] =	wrdreg $0x0  }
0xa8: {  	s5 =	sshll.u32 s28, $0x1;
	[dreg:$0x2] =	wrdreg s3  }
0xa9: {  	[dreg:$0x3] =	wrdreg s5  }
0xaa: {  	[dreg:$0x4] =	wrdreg $0xC0  }
0xab: {  	_ =	task [dreg:s7], $0x5FFFF  }
0xac: {  	[dreg:$0x1] =	wrdreg $0xFFFFFFFF  }
0xad: {  	[dreg:$0x0] =	wrdreg $0x60  }
0xae: {  	[dreg:$0x2] =	wrdreg s2  }
0xaf: {  	[dreg:$0x3] =	wrdreg s24  }
0xb0: {  	[dreg:$0x4] =	wrdreg $0x7DC00  }
0xb1: {  	[dreg:$0x5] =	wrdreg $0x9  }
0xb2: {  	_ =	task.clear_ibuf [dreg:s7], $0x6FFFF;
	_ =	strace $0x90000046  }
0xb3: {  	s29 =	simm.s32 $0x9;
	_ =	strace $0x80000048  }
0xb4: {  	_ =	swait.ge [sflag:s29], $0x1  }
0xb5: {  	[sflag:s29] =	ssyncadd.s32 $0xFFFFFFFF  }
0xb6: {  	_ =	strace $0x90000048  }
0xb7: {  	_ =	sfence  }
0xb8: {  	s30 =	sld [smem:$0x0];
	_ =	sdelay $0x2  }
0xb9: {  	s31 =	sshll.u32 s1, $0xD;
	s1 =	sshrl.u32 s1, $0x2  }
0xba: {  	s3 =	sand.u32 $0x4000, s31;
	s1 =	sadd.s32 s1, s30  }
0xbb: {  	s0 =	sor.u32 s3, s0;
	s1 =	sshll.u32 s1, $0x11  }
0xbc: {  	s0 =	sor.u32 s1, s0  }
0xbd: {  	s0 =	sadd.s32 $0x8F2B, s0  }
0xbe: {  	[sflag:s0] =	ssyncadd.remote.s32 $0x1  }
0xbf: {  	_ =	sfence.sel $0xFFFF  }
0xc0: {  	[dreg:$0x0] =	wrdreg $0xFFFFFFFF;
	(pc) =	sbr.abs _section_cstart, $3  }
0xc1: {  	[dreg:$0x1] =	wrdreg $0xFFFFFFFF  }
0xc2: {  	_ =	task.clear_ibuf [dreg:s7], $0x2FFFF;
	_ =	strace $0x9FFFFFFF  }
0xc3: {  	(tm) =	ssettm $0x7FFFFFFF  }
tec
execute0_lowered:
.L_overlay_start_1:
0x0: {  	(tag) =	ssettag $0x1  }
0x1: {  	s1 =	rddreg [dreg:$0x0]  }
0x2: {  	s0 =	rddreg [dreg:$0x1]  }
0x3: {  	s2 =	rddreg [dreg:$0x2];
	s4 =	simm.s32 $0x0;
	s3 =	srdreg.scid  }
0x4: {  	s10 =	stileid.u32;
	s28 =	simm.s32 $0x3CA0;
	s31 =	simm.s32 $0x1CA0  }
0x5: {  	s15 =	simm.s32 $0x1;
	s30 =	simm.s32 $0x2;
	s17 =	simm.s32 $0x30  }
0x6: {  	[smem:$0x7FF] =	sst s4;
	s3 =	sand.u32 $0x1, s3;
	s5 =	sadd.s32 $0x2E00, s0  }
0x7: {  	s8 =	smul.u32 $0x16800, s10;
	s6 =	sadd.s32 $0x2A000, s0;
	s9 =	sadd.s32 $0x4F8A00, s0  }
0x8: {  	s11 =	sadd.s32 $0x4EEC00, s0;
	_ =	strace $0x80000047;
	[dreg:$0x4] =	wrdreg s9  }
0x9: {  	s18 =	smul.u32 $0x50, s10;
	s19 =	sadd.s32 $0x4E4E00, s0;
	[dreg:$0x5] =	wrdreg s11  }
0xa: {  	s23 =	sadd.s32 $0x4F8B00, s0;
	s24 =	sadd.s32 $0x4F8C00, s0;
	[dreg:$0x6] =	wrdreg s19  }
0xb: {  	s25 =	sadd.s32 $0x4F8D00, s0;
	s7 =	smul.u32 $0x168000, s3;
	[dreg:$0x8] =	wrdreg s23  }
0xc: {  	s21 =	sshll.u32 s3, $0x4;
	s3 =	ssub.s32 $0x2, s3;
	[dreg:$0x9] =	wrdreg s24  }
0xd: {  	[dreg:$0xa] =	wrdreg s25;
	s19 =	simm.s32 $0x3;
	s23 =	simm.s32 $0x10  }
0xe: {  	s24 =	simm.s32 $0xA0;
	s25 =	simm.s32 $0x14A0;
	s20 =	sadd.s32 s18, s0  }
0xf: {  	s9 =	sor.u32 s10, s21;
	s22 =	sshrl.u32 s3, $0x1;
	s18 =	simm.s32 $0x7DA0  }
0x10: {  	s21 =	simm.s32 $0x50A0;
	s7 =	sadd.s32 s8, s7;
	s9 =	smul.u32 $0x2710, s9  }
0x11: {  	s3 =	ssub.s32 s3, s22;
	s16 =	sadd.s32 $0x78400, s20;
	s20 =	simm.s32 $0x20  }
0x12: {  	s22 =	simm.s32 $0x50;
	s7 =	sshrl.u32 s7, $0x3;
	s26 =	smax.u32 s3, $0x1  }
0x13: {  	v0 =	vimm.f32 $0.0e+00;
	s3 =	simm.s32 $0x44A0;
	s7 =	sadd.s32 s7, s0;
	[dreg:$0x7] =	wrdreg s9  }
0x14: {  	v1 =	vimm.s32 $0xF;
	vm0 =	vmmov $0x1;
	vm1 =	vcmask $0x308;
	s0 =	sadd.s32 $0x4F8E00, s0;
	[dreg:$0xc] =	wrdreg s26;
	s26 =	simm.s32 $0x28A0  }
0x15: {  	vm2 =	vcmask $0x70C;
	vm3 =	vcmask $0xB10;
	vm4 =	vcmask $0xF14;
	s9 =	simm.s32 $0x0;
	[dreg:$0xb] =	wrdreg s0;
	s29 =	sadd.s32 $0x78A00, s7  }
0x16: {  	vm5 =	vcmask $0x1318;
	vm6 =	vcmask $0x171C;
	vm7 =	vcmask $0x1B20;
	s0 =	simm.s32 $0x30A0;
	s7 =	simm.s32 $0x40;
	[dreg:$0xd] =	wrdreg s29  }
.LBB2_1:
0x17: {  	[dreg:$0xe] =	wrdreg s9;
	s8 =	simm.s32 $0x0;
	s9 =	simm.s32 $0x240  }
.LBB2_2:
0x18: {  	p0 =	sne.s32 s9, $0x45C0;
	[tilespmem:s8+$0x5120] =	vst v0  }
0x19: {  	[tilespmem:s8+$0x50A0] =	vst v0  }
0x1a: {  	[tilespmem:s8+$0x50B0] =	vst v0  }
0x1b: {  	[tilespmem:s8+$0x50C0] =	vst v0  }
.Ltmp0:
0x1c: {  	[tilespmem:s8+$0x50D0] =	vst v0;
	(pc) =	sbr.rel @p0 .LBB2_2-.Ltmp0, $4  }
0x1d: {  	[tilespmem:s8+$0x50E0] =	vst v0  }
0x1e: {  	[tilespmem:s8+$0x50F0] =	vst v0  }
0x1f: {  	[tilespmem:s8+$0x5100] =	vst v0  }
0x20: {  	[tilespmem:s8+$0x5110] =	vst v0;
	s8 =	sshra.s32 s9, $0x2;
	s9 =	sadd.s32 $0x240, s9  }
0x21: {  	[tilespmem:s8+$0x5120] =	vst v0  }
0x22: {  	[tilespmem:s8+$0x50A0] =	vst v0  }
0x23: {  	[tilespmem:s8+$0x50B0] =	vst v0  }
0x24: {  	[tilespmem:s8+$0x50C0] =	vst v0  }
0x25: {  	[tilespmem:s8+$0x50D0] =	vst v0  }
0x26: {  	[tilespmem:s8+$0x50E0] =	vst v0  }
0x27: {  	[tilespmem:s8+$0x50F0] =	vst v0  }
0x28: {  	[tilespmem:s8+$0x5100] =	vst v0  }
0x29: {  	[tilespmem:s8+$0x5110] =	vst v0;
	s29 =	sadd.s32 $0x0, s16  }
0x2a: {  	[tilespmem:s18], [sflag:$0x3] =	stream.linear.gather [hbm4b:s29+s4], $0x20, $0x38;
	[tilespmem:$0x1E5C0] =	vst v63  }
0x2b: {  	_ =	swait.ge [sflag:s19], $0x20  }
0x2c: {  	[sflag:s19] =	ssyncset.done $0x0  }
0x2d: {  	[sflag:s19] =	ssyncadd.s32 $0xFFFFFFE0  }
0x2e: {  	[spmem:s2] =	stream.indirect.scatter [tilespmem:s21], [sflag:$0x3], $0x90, s18, s20, $0xb8;
	[tilespmem:$0x1E5C0] =	vst v63  }
0x2f: {  	_ =	swait.ge [sflag:s19], $0x1200  }
0x30: {  	s8 =	simm.s32 $0x4;
	s9 =	simm.s32 $0x8;
	[sflag:s19] =	ssyncset.done $0x0  }
.LBB2_4:
0x31: {  	s10 =	sadd.s32 s8, s16  }
0x32: {  	[sflag:s19] =	ssyncadd.s32 $0xFFFFEE00;
	s8 =	smov.u32 s9;
	s11 =	sadd.s32 $0x4, s9  }
0x33: {  	[tilespmem:s18], [sflag:$0x3] =	stream.linear.gather [hbm4b:s10+s4], $0x20, $0x38;
	[tilespmem:$0x1E5C0] =	vst v63  }
0x34: {  	p0 =	sne.s32 s9, $0x4C;
	_ =	swait.ge [sflag:s19], $0x20  }
.Ltmp1:
0x35: {  	[sflag:s19] =	ssyncset.done $0x0;
	(pc) =	sbr.rel @p0 .LBB2_4-.Ltmp1, $4  }
0x36: {  	[sflag:s19] =	ssyncadd.s32 $0xFFFFFFE0  }
0x37: {  	[spmem:s2] =	stream.indirect.scatter [tilespmem:s21], [sflag:$0x3], $0x90, s18, s20, $0xb8;
	[tilespmem:$0x1E5C0] =	vst v63  }
0x38: {  	_ =	swait.ge [sflag:s19], $0x1200  }
0x39: {  	s9 =	smov.u32 s11;
	[sflag:s19] =	ssyncset.done $0x0  }
0x3a: {  	s8 =	sadd.s32 s8, s16;
	[sflag:s19] =	ssyncadd.s32 $0xFFFFEE00  }
0x3b: {  	[tilespmem:s18], [sflag:$0x3] =	stream.linear.gather [hbm4b:s8+s4], $0x20, $0x38;
	[tilespmem:$0x1E5C0] =	vst v63  }
0x3c: {  	_ =	swait.ge [sflag:s19], $0x20  }
0x3d: {  	[sflag:s19] =	ssyncset.done $0x0  }
0x3e: {  	[sflag:s19] =	ssyncadd.s32 $0xFFFFFFE0  }
0x3f: {  	[spmem:s2] =	stream.indirect.scatter [tilespmem:s21], [sflag:$0x3], $0x90, s18, s20, $0xb8;
	[tilespmem:$0x1E5C0] =	vst v63  }
0x40: {  	_ =	swait.ge [sflag:s19], $0x1200  }
0x41: {  	[sflag:s19] =	ssyncset.done $0x0  }
0x42: {  	[sflag:s19] =	ssyncadd.s32 $0xFFFFEE00  }
0x43: {  	s9 =	simm.s32 $0x0;
	s8 =	simm.s32 $0x0;
	[bflag:$0x0] =	sbarrier.arrive $0xFFFF  }
.LBB2_6:
0x44: {  	s10 =	smul.u32 $0x50, s9  }
0x45: {  	s11 =	rddreg [dreg:$0x7]  }
0x46: {  	s10 =	sadd.s32 s11, s10  }
0x47: {  	s12 =	rddreg [dreg:$0x5];
	s11 =	sshrl.u32 s10, $0x3  }
0x48: {  	s12 =	sadd.s32 s12, s11  }
0x49: {  	[tilespmem:s8], [sflag:$0x3] =	stream.linear.gather [hbm4b:s12+s8], $0x50, $0x38;
	[tilespmem:$0x1E5C0] =	vst v63  }
0x4a: {  	_ =	swait.ge [sflag:s19], $0x50  }
0x4b: {  	[sflag:s19] =	ssyncset.done $0x0;
	s29 =	rddreg [dreg:$0x6]  }
0x4c: {  	[sflag:s19] =	ssyncadd.s32 $0xFFFFFFB0;
	s11 =	sadd.s32 s29, s11  }
0x4d: {  	[tilespmem:s22], [sflag:$0x3] =	stream.linear.gather [hbm4b:s11+s8], $0x50, $0x38;
	[tilespmem:$0x1E5C0] =	vst v63  }
0x4e: {  	_ =	swait.ge [sflag:s19], $0x50  }
0x4f: {  	[sflag:s19] =	ssyncset.done $0x0  }
0x50: {  	[sflag:s19] =	ssyncadd.s32 $0xFFFFFFB0  }
0x51: {  	[tilespmem:s24], [sflag:$0x1] =	stream.indirect.gather [hbm4b:s5+s23], $0x80, s8, s23, $0xb8;
	[tilespmem:$0x1E5C0] =	vst v63  }
0x52: {  	_ = 	snop  }
0x53: {  	[tilespmem:s25], [sflag:$0x1] =	stream.indirect.gather [hbm4b:s1+s23], $0x80, s22, s23, $0xb8;
	[tilespmem:$0x1E5C0] =	vst v63  }
0x54: {  	s10 =	sshll.u32 s10, $0x4;
	s12 =	rddreg [dreg:$0x4]  }
0x55: {  	[tilespmem:s26], [sflag:$0x1] =	stream.indirect.gather [hbm4b:s6+s23], $0x80, s8, s23, $0xb8;
	[tilespmem:$0x1E5C0] =	vst v63  }
0x56: {  	s11 =	sadd.s32 s12, s10  }
0x57: {  	[tilespmem:s28], [sflag:$0x1] =	stream.linear.gather [hbm4b:s11+s8], $0x800, $0x38;
	[tilespmem:$0x1E5C0] =	vst v63  }
0x58: {  	s13 =	simm.s32 $0x8A0  }
0x59: {  	[tilespmem:s13], [sflag:$0x2] =	stream.indirect.gather [hbm4b:s5+s23], $0x80, s23, s23, $0xb8;
	[tilespmem:$0x1E5C0] =	vst v63  }
0x5a: {  	s14 =	simm.s32 $0x60  }
0x5b: {  	[tilespmem:s31], [sflag:$0x2] =	stream.indirect.gather [hbm4b:s1+s23], $0x80, s14, s23, $0xb8;
	[tilespmem:$0x1E5C0] =	vst v63  }
0x5c: {  	s29 =	rddreg [dreg:$0x8]  }
0x5d: {  	[tilespmem:s0], [sflag:$0x2] =	stream.indirect.gather [hbm4b:s6+s23], $0x80, s23, s23, $0xb8;
	[tilespmem:$0x1E5C0] =	vst v63  }
0x5e: {  	s11 =	sadd.s32 s10, s29  }
0x5f: {  	[tilespmem:s3], [sflag:$0x2] =	stream.linear.gather [hbm4b:s11+s8], $0x800, $0x38;
	[tilespmem:$0x1E5C0] =	vst v63  }
0x60: {  	_ =	swait.ge [sflag:s15], $0x800  }
0x61: {  	[sflag:s15] =	ssyncset.done $0x0  }
0x62: {  	[sflag:s15] =	ssyncadd.s32 $0xFFFFF800  }
0x63: {  	_ =	swait.ge [sflag:s15], $0x800  }
0x64: {  	[sflag:s15] =	ssyncset.done $0x0  }
0x65: {  	[sflag:s15] =	ssyncadd.s32 $0xFFFFF800  }
0x66: {  	_ =	swait.ge [sflag:s15], $0x800  }
0x67: {  	[sflag:s15] =	ssyncset.done $0x0  }
0x68: {  	[sflag:s15] =	ssyncadd.s32 $0xFFFFF800  }
0x69: {  	_ =	swait.ge [sflag:s15], $0x800  }
0x6a: {  	[sflag:s15] =	ssyncset.done $0x0  }
0x6b: {  	s11 =	simm.s32 $0x0;
	[sflag:s15] =	ssyncadd.s32 $0xFFFFF800  }
0x6c: {  	v2 =	vld [tilespmem:s11+$0xC0]  }
0x6d: {  	v5 =	vld [tilespmem:s11+$0x14D0]  }
0x6e: {  	v8 =	vld [tilespmem:s11+$0x3CD0]  }
0x6f: {  	v11 =	vld [tilespmem:s11+$0x14C0]  }
0x70: {  	v4 =	vld [tilespmem:s11+$0xD0]  }
0x71: {  	v12 =	vld [tilespmem:s11+$0xB0]  }
0x72: {  	v6 =	vld [tilespmem:s11+$0x3CA0]  }
0x73: {  	v7 =	vld [tilespmem:s11+$0x3CC0]  }
0x74: {  	v13 =	vld [tilespmem:s11+$0xA0]  }
0x75: {  	v3 =	vld [tilespmem:s11+$0x3CB0]  }
0x76: {  	v14 =	vld [tilespmem:s11+$0x14A0];
	v10 =	vadd.f32 v4, v8  }
0x77: {  	v15 =	vld [tilespmem:s11+$0x14B0]  }
0x78: {  	v9 =	vld [tilespmem:s11+$0x100];
	v5 =	vmul.f32 v10, v5  }
0x79: {  	v16 =	vld [tilespmem:s11+$0xE0];
	v17 =	vadd.f32 v2, v7  }
0x7a: {  	v4 =	vld [tilespmem:s11+$0x3CE0];
	(xrf2) =	vadd.scan.msk.f32 $0xffff, v5  }
0x7b: {  	v2 =	vld [tilespmem:s11+$0x3CF0];
	v17 =	vmul.f32 v17, v11  }
0x7c: {  	v18 =	vadd.f32 v13, v6;
	v13 =	vld [tilespmem:s11+$0xF0]  }
0x7d: {  	v12 =	vadd.f32 v12, v3;
	v10 =	vld [tilespmem:s11+$0x14E0];
	(xrf2) =	vadd.scan.msk.f32 $0xffff, v17  }
0x7e: {  	v11 =	vld [tilespmem:s11+$0x14F0]  }
0x7f: {  	s12 =	simm.s32 $0x50E0;
	s13 =	simm.s32 $0x50E0;
	s14 =	simm.s32 $0x200;
	v14 =	vmul.f32 v18, v14;
	v12 =	vmul.f32 v12, v15;
	v5 =	vld [tilespmem:s11+$0x3D00];
	v15 =	vadd.f32 v16, v4  }
.LBB2_7:
0x80: {  	p0 =	sne.s32 s14, $0x1E00  }
0x81: {  	s13 =	sadd.s32 $0x90, s13;
	(xrf2) =	vadd.scan.msk.f32 $0xffff, v14;
	s29 =	smov.u32 s14;
	s14 =	sadd.s32 $0x200, s14  }
0x82: {  	v10 =	vmul.f32 v15, v10;
	v14 =	vld [tilespmem:s11+$0x1500]  }
0x83: {  	v13 =	vadd.f32 v13, v2  }
0x84: {  	v15, _, _ =	vpop (xrf2)  }
0x85: {  	v11 =	vmul.f32 v13, v11;
	v9 =	vadd.f32 v9, v5;
	v13 =	vperm.xlane v15, v1;
	(xrf2) =	vadd.scan.msk.f32 $0xffff, v12;
	_ =	sdelay $0x1  }
0x86: {  	v9 =	vmul.f32 v9, v14;
	v12 =	vld [tilespmem:s11+$0x110];
	v13 =	vmul.f32 $1.442695020e+00, v13;
	v14, _, _ =	vpop (xrf2)  }
0x87: {  	v15 =	vld [tilespmem:s11+$0x3D10];
	v14 =	vperm.xlane v14, v1;
	(xrf2) =	vadd.scan.msk.f32 $0xffff, v10;
	_ =	sdelay $0x1  }
0x88: {  	v10 =	vld [tilespmem:s11+$0x1510];
	v14 =	vmul.f32 $1.442695020e+00, v14;
	(erf) = vpow2.f32 v13  }
0x89: {  	v13, _, _ =	vpop (xrf2);
	(xrf2) =	vadd.scan.msk.f32 $0xffff, v11  }
0x8a: {  	v11 =	vperm.xlane v13, v1  }
0x8b: {  	v16 =	vadd.f32 v12, v15;
	v13 =	vld [tilespmem:s11+$0x28D0];
	(erf) = vpow2.f32 v14  }
0x8c: {  	s29 =	sshra.s32 s29, $0x2;
	v11 =	vmul.f32 $1.442695020e+00, v11;
	(xrf2) =	vadd.scan.msk.f32 $0xffff, v9  }
0x8d: {  	v9 =	vmul.f32 v16, v10;
	v10 =	vld [tilespmem:s11+$0x2910];
	v12, _, _ =	vpop (xrf2)  }
0x8e: {  	v12 =	vperm.xlane v12, v1;
	v14 =	vld [tilespmem:s11+$0x28C0];
	(erf) = vpow2.f32 v11  }
0x8f: {  	v11 =	vld [tilespmem:s11+$0x2900];
	(xrf2) =	vadd.scan.msk.f32 $0xffff, v9  }
0x90: {  	v9 =	vmul.f32 $1.442695020e+00, v12;
	v8 =	vadd.f32 v13, v8;
	v12 =	vld [tilespmem:s11+$0x28F0];
	v13, _, _ =	vpop (xrf2)  }
0x91: {  	v13 =	vperm.xlane v13, v1;
	v16 =	vld [tilespmem:s11+$0x28A0];
	v17 =	vpop (erf)  }
0x92: {  	v18 =	vld [tilespmem:s11+$0x28E0];
	v19 =	vmul.f32 v8, v17;
	(erf) = vpow2.f32 v9  }
0x93: {  	v9 =	vmul.f32 $1.442695020e+00, v13;
	v13 =	vld [tilespmem:s11+$0x28B0];
	v7 =	vadd.f32 v14, v7;
	v14, _, _ =	vpop (xrf2);
	s11 =	smov.u32 s29  }
0x94: {  	v20 =	vperm.xlane v14, v1;
	[tilespmem:s12+$0xFFFFFFF0] =	vst v19;
	v8 =	vpop (erf)  }
0x95: {  	v19 =	vmul.f32 v7, v8;
	(erf) = vpow2.f32 v9  }
0x96: {  	v9 =	vmul.f32 $1.442695020e+00, v20;
	v6 =	vadd.f32 v16, v6;
	v14, _, _ =	vpop (xrf2)  }
0x97: {  	v16 =	vperm.xlane v14, v1;
	[tilespmem:s12+$0xFFFFFFE0] =	vst v19;
	v7 =	vpop (erf)  }
0x98: {  	v6 =	vmul.f32 v6, v7;
	v7 =	vnsel vm0, $0x0, v7;
	(erf) = vpow2.f32 v9  }
0x99: {  	v9 =	vmul.f32 $1.442695020e+00, v16;
	v14, _, _ =	vpop (xrf2)  }
0x9a: {  	v3 =	vadd.f32 v13, v3;
	v14 =	vperm.xlane v14, v1;
	[tilespmem:s12+$0xFFFFFFC0] =	vst v6  }
0x9b: {  	v6 =	vadd.f32 $0.0e+00, v7;
	v7 =	vpop (erf);
	(erf) = vpow2.f32 v9  }
0x9c: {  	v9 =	vmul.f32 $1.442695020e+00, v14;
	v3 =	vmul.f32 v3, v7;
	v13 =	vsel vm1, $0x0, v7  }
0x9d: {  	v4 =	vadd.f32 v18, v4;
	v6 =	vadd.f32 v13, v6  }
0x9e: {  	[tilespmem:s12+$0xFFFFFFD0] =	vst v3;
	v3 =	vsel vm2, $0x0, v8;
	v7 =	vpop (erf);
	(erf) = vpow2.f32 v9  }
0x9f: {  	v3 =	vadd.f32 v3, v6;
	v8 =	vmul.f32 v4, v7  }
0xa0: {  	v2 =	vadd.f32 v12, v2;
	v6 =	vsel vm3, $0x0, v17  }
0xa1: {  	v3 =	vadd.f32 v6, v3;
	[tilespmem:s12+$0x0] =	vst v8;
	v4 =	vpop (erf)  }
0xa2: {  	v6 =	vsel vm4, $0x0, v7;
	v2 =	vmul.f32 v2, v4  }
0xa3: {  	v5 =	vadd.f32 v11, v5;
	v3 =	vadd.f32 v6, v3  }
0xa4: {  	[tilespmem:s12+$0x10] =	vst v2;
	v2 =	vsel vm5, $0x0, v4;
	v4 =	vpop (erf)  }
0xa5: {  	v2 =	vadd.f32 v2, v3;
	v6 =	vmul.f32 v5, v4  }
0xa6: {  	v5 =	vadd.f32 v10, v15;
	v4 =	vsel vm6, $0x0, v4  }
0xa7: {  	[tilespmem:s12+$0x20] =	vst v6;
	v2 =	vadd.f32 v4, v2;
	v3 =	vpop (erf)  }
0xa8: {  	v4 =	vmul.f32 v5, v3;
	v3 =	vsel vm7, $0x0, v3  }
0xa9: {  	v2 =	vadd.f32 v3, v2  }
0xaa: {  	[tilespmem:s12+$0x30] =	vst v4  }
0xab: {  	[tilespmem:s12+$0x40] =	vst v2;
	s12 =	smov.u32 s13  }
0xac: {  	v2 =	vld [tilespmem:s11+$0xC0]  }
0xad: {  	v4 =	vld [tilespmem:s11+$0x14D0]  }
0xae: {  	v8 =	vld [tilespmem:s11+$0x3CD0]  }
0xaf: {  	v5 =	vld [tilespmem:s11+$0x14C0]  }
0xb0: {  	v9 =	vld [tilespmem:s11+$0xD0]  }
0xb1: {  	v10 =	vld [tilespmem:s11+$0xB0]  }
0xb2: {  	v6 =	vld [tilespmem:s11+$0x3CA0]  }
0xb3: {  	v7 =	vld [tilespmem:s11+$0x3CC0]  }
0xb4: {  	v11 =	vld [tilespmem:s11+$0xA0]  }
0xb5: {  	v3 =	vld [tilespmem:s11+$0x3CB0];
	v9 =	vadd.f32 v9, v8  }
0xb6: {  	v12 =	vld [tilespmem:s11+$0x14A0]  }
0xb7: {  	v13 =	vld [tilespmem:s11+$0x14B0];
	v4 =	vmul.f32 v9, v4  }
0xb8: {  	v2 =	vadd.f32 v2, v7;
	v9 =	vld [tilespmem:s11+$0x100]  }
0xb9: {  	v11 =	vadd.f32 v11, v6;
	v15 =	vld [tilespmem:s11+$0xE0];
	(xrf2) =	vadd.scan.msk.f32 $0xffff, v4  }
0xba: {  	v4 =	vld [tilespmem:s11+$0x3CE0];
	v10 =	vadd.f32 v10, v3;
	v5 =	vmul.f32 v2, v5  }
.Ltmp2:
0xbb: {  	v2 =	vld [tilespmem:s11+$0x3CF0];
	v14 =	vmul.f32 v11, v12;
	(pc) =	sbr.rel @p0 .LBB2_7-.Ltmp2, $4  }
0xbc: {  	v12 =	vmul.f32 v10, v13;
	v10 =	vld [tilespmem:s11+$0x14E0];
	(xrf2) =	vadd.scan.msk.f32 $0xffff, v5  }
0xbd: {  	v13 =	vld [tilespmem:s11+$0xF0]  }
0xbe: {  	v11 =	vld [tilespmem:s11+$0x14F0]  }
0xbf: {  	v5 =	vld [tilespmem:s11+$0x3D00];
	v15 =	vadd.f32 v15, v4  }
0xc0: {  	(xrf2) =	vadd.scan.msk.f32 $0xffff, v14;
	_ =	sdelay $0x4  }
0xc1: {  	(xrf2) =	vadd.scan.msk.f32 $0xffff, v12;
	v12 =	vld [tilespmem:s11+$0x1500];
	_ =	sdelay $0x1  }
0xc2: {  	v13 =	vadd.f32 v13, v2  }
0xc3: {  	v14 =	vld [tilespmem:s11+$0x110];
	v10 =	vmul.f32 v15, v10;
	v16, _, _ =	vpop (xrf2);
	v9 =	vadd.f32 v9, v5  }
0xc4: {  	v17 =	vld [tilespmem:s11+$0x3D10];
	v15 =	vperm.xlane v16, v1;
	v11 =	vmul.f32 v13, v11;
	v16, _, _ =	vpop (xrf2)  }
0xc5: {  	(xrf2) =	vadd.scan.msk.f32 $0xffff, v10;
	v9 =	vmul.f32 v9, v12;
	v12, _, _ =	vpop (xrf2)  }
0xc6: {  	(xrf2) =	vadd.scan.msk.f32 $0xffff, v11;
	v13 =	vperm.xlane v16, v1;
	v16 =	vld [tilespmem:s11+$0x1510];
	v11 =	vperm.xlane v12, v1  }
0xc7: {  	v15 =	vmul.f32 $1.442695020e+00, v15  }
0xc8: {  	v10 =	vmul.f32 $1.442695020e+00, v13  }
0xc9: {  	(erf) = vpow2.f32 v15;
	v12 =	vadd.f32 v14, v17  }
0xca: {  	(erf) = vpow2.f32 v10;
	v10 =	vmul.f32 $1.442695020e+00, v11;
	v11, _, _ =	vpop (xrf2)  }
0xcb: {  	(xrf2) =	vadd.scan.msk.f32 $0xffff, v9;
	v9 =	vmul.f32 v12, v16;
	v11 =	vperm.xlane v11, v1;
	_ =	sdelay $0x1  }
0xcc: {  	(xrf2) =	vadd.scan.msk.f32 $0xffff, v9;
	v9 =	vmul.f32 $1.442695020e+00, v11;
	_ =	sdelay $0x1  }
0xcd: {  	(erf) = vpow2.f32 v10;
	_ =	sdelay $0x1  }
0xce: {  	(erf) = vpow2.f32 v9;
	v9, _, _ =	vpop (xrf2)  }
0xcf: {  	v10, _, _ =	vpop (xrf2)  }
0xd0: {  	v10 =	vperm.xlane v10, v1  }
0xd1: {  	v9 =	vperm.xlane v9, v1  }
0xd2: {  	v11 =	vpop (erf);
	v10 =	vmul.f32 $1.442695020e+00, v10  }
0xd3: {  	v12 =	vpop (erf);
	v9 =	vmul.f32 $1.442695020e+00, v9  }
0xd4: {  	v13, _, _ =	vpop (xrf2)  }
0xd5: {  	v14 =	vld [tilespmem:s11+$0x28D0];
	(erf) = vpow2.f32 v9;
	v9 =	vperm.xlane v13, v1;
	v13 =	vpop (erf)  }
0xd6: {  	(erf) = vpow2.f32 v10;
	v10, _, _ =	vpop (xrf2)  }
0xd7: {  	v19 =	vld [tilespmem:s11+$0x28A0];
	v15 =	vnsel vm0, $0x0, v13;
	v9 =	vmul.f32 $1.442695020e+00, v9;
	v10 =	vperm.xlane v10, v1  }
0xd8: {  	v16 =	vld [tilespmem:s11+$0x28C0];
	v15 =	vadd.f32 $0.0e+00, v15;
	v18 =	vpop (erf)  }
0xd9: {  	(erf) = vpow2.f32 v9;
	v9 =	vmul.f32 $1.442695020e+00, v10;
	v10 =	vsel vm1, $0x0, v18  }
0xda: {  	v20 =	vld [tilespmem:s11+$0x28B0];
	v8 =	vadd.f32 v14, v8;
	v10 =	vadd.f32 v10, v15  }
0xdb: {  	v21 =	vsel vm2, $0x0, v12;
	v15 =	vld [tilespmem:s11+$0x28E0];
	(erf) = vpow2.f32 v9  }
0xdc: {  	v6 =	vadd.f32 v19, v6;
	v8 =	vmul.f32 v8, v11;
	v9 =	vld [tilespmem:s11+$0x28F0];
	v10 =	vadd.f32 v21, v10  }
0xdd: {  	v14 =	vld [tilespmem:s11+$0x2900];
	v7 =	vadd.f32 v16, v7;
	v16 =	vsel vm3, $0x0, v11  }
0xde: {  	v11 =	vld [tilespmem:s11+$0x2910];
	v6 =	vmul.f32 v6, v13;
	v62 =	vpop (erf);
	v10 =	vadd.f32 v16, v10  }
0xdf: {  	v3 =	vadd.f32 v20, v3;
	v7 =	vmul.f32 v7, v12;
	v12 =	vsel vm4, $0x0, v62  }
0xe0: {  	[tilespmem:s12+$0xFFFFFFF0] =	vst v8;
	v8 =	vpop (erf);
	v4 =	vadd.f32 v15, v4;
	v10 =	vadd.f32 v12, v10  }
0xe1: {  	v3 =	vmul.f32 v3, v18;
	[tilespmem:s12+$0xFFFFFFE0] =	vst v7;
	v7 =	vsel vm5, $0x0, v8;
	v2 =	vadd.f32 v9, v2  }
0xe2: {  	v5 =	vadd.f32 v14, v5;
	[tilespmem:s12+$0xFFFFFFC0] =	vst v6;
	v6 =	vpop (erf);
	v4 =	vmul.f32 v4, v62;
	v7 =	vadd.f32 v7, v10  }
0xe3: {  	[tilespmem:s12+$0xFFFFFFD0] =	vst v3;
	v3 =	vadd.f32 v11, v17;
	v2 =	vmul.f32 v2, v8;
	v8 =	vsel vm6, $0x0, v6  }
0xe4: {  	[tilespmem:s12+$0x0] =	vst v4;
	v4 =	vmul.f32 v5, v6;
	v5 =	vadd.f32 v8, v7;
	v6 =	vpop (erf)  }
0xe5: {  	[tilespmem:s12+$0x10] =	vst v2;
	v2 =	vmul.f32 v3, v6;
	v3 =	vsel vm7, $0x0, v6  }
0xe6: {  	[tilespmem:s12+$0x20] =	vst v4;
	v3 =	vadd.f32 v3, v5  }
0xe7: {  	[tilespmem:s12+$0x30] =	vst v2  }
0xe8: {  	[tilespmem:s12+$0x40] =	vst v3  }
0xe9: {  	[tilespmem:s24], [sflag:$0x1] =	stream.indirect.gather [hbm4b:s5+s23], $0x80, s20, s23, $0xb8;
	[tilespmem:$0x1E5C0] =	vst v63  }
0xea: {  	s13 =	simm.s32 $0x70  }
0xeb: {  	[tilespmem:s25], [sflag:$0x1] =	stream.indirect.gather [hbm4b:s1+s23], $0x80, s13, s23, $0xb8;
	[tilespmem:$0x1E5C0] =	vst v63  }
0xec: {  	s14 =	rddreg [dreg:$0x9]  }
0xed: {  	[tilespmem:s26], [sflag:$0x1] =	stream.indirect.gather [hbm4b:s6+s23], $0x80, s20, s23, $0xb8;
	[tilespmem:$0x1E5C0] =	vst v63  }
0xee: {  	s29 =	simm.s32 $0x0;
	s11 =	sadd.s32 s10, s14  }
0xef: {  	[tilespmem:s28], [sflag:$0x1] =	stream.linear.gather [hbm4b:s11+s29], $0x800, $0x38;
	[tilespmem:$0x1E5C0] =	vst v63  }
0xf0: {  	_ =	swait.ge [sflag:s30], $0x800  }
0xf1: {  	[sflag:s30] =	ssyncset.done $0x0  }
0xf2: {  	[sflag:s30] =	ssyncadd.s32 $0xFFFFF800  }
0xf3: {  	_ =	swait.ge [sflag:s30], $0x800  }
0xf4: {  	[sflag:s30] =	ssyncset.done $0x0  }
0xf5: {  	[sflag:s30] =	ssyncadd.s32 $0xFFFFF800  }
0xf6: {  	_ =	swait.ge [sflag:s30], $0x800  }
0xf7: {  	[sflag:s30] =	ssyncset.done $0x0  }
0xf8: {  	[sflag:s30] =	ssyncadd.s32 $0xFFFFF800  }
0xf9: {  	_ =	swait.ge [sflag:s30], $0x800  }
0xfa: {  	[sflag:s30] =	ssyncset.done $0x0  }
0xfb: {  	s11 =	simm.s32 $0x0;
	[sflag:s30] =	ssyncadd.s32 $0xFFFFF800  }
0xfc: {  	v2 =	vld [tilespmem:s11+$0x8C0]  }
0xfd: {  	v5 =	vld [tilespmem:s11+$0x1CD0]  }
0xfe: {  	v8 =	vld [tilespmem:s11+$0x44D0]  }
0xff: {  	v11 =	vld [tilespmem:s11+$0x1CC0]  }
0x100: {  	v4 =	vld [tilespmem:s11+$0x8D0]  }
0x101: {  	v12 =	vld [tilespmem:s11+$0x8B0]  }
0x102: {  	v6 =	vld [tilespmem:s11+$0x44A0]  }
0x103: {  	v7 =	vld [tilespmem:s11+$0x44C0]  }
0x104: {  	v13 =	vld [tilespmem:s11+$0x8A0]  }
0x105: {  	v3 =	vld [tilespmem:s11+$0x44B0]  }
0x106: {  	v14 =	vld [tilespmem:s11+$0x1CA0];
	v10 =	vadd.f32 v4, v8  }
0x107: {  	v15 =	vld [tilespmem:s11+$0x1CB0]  }
0x108: {  	v9 =	vld [tilespmem:s11+$0x900];
	v5 =	vmul.f32 v10, v5  }
0x109: {  	v16 =	vld [tilespmem:s11+$0x8E0];
	v17 =	vadd.f32 v2, v7  }
0x10a: {  	v4 =	vld [tilespmem:s11+$0x44E0];
	(xrf2) =	vadd.scan.msk.f32 $0xffff, v5  }
0x10b: {  	v2 =	vld [tilespmem:s11+$0x44F0];
	v17 =	vmul.f32 v17, v11  }
0x10c: {  	v63 =	vadd.f32 v13, v6;
	v13 =	vld [tilespmem:s11+$0x8F0]  }
0x10d: {  	v12 =	vadd.f32 v12, v3;
	v10 =	vld [tilespmem:s11+$0x1CE0];
	(xrf2) =	vadd.scan.msk.f32 $0xffff, v17  }
0x10e: {  	v11 =	vld [tilespmem:s11+$0x1CF0]  }
0x10f: {  	s14 =	simm.s32 $0x200;
	s12 =	simm.s32 $0x5A20;
	s13 =	simm.s32 $0x5A20;
	v14 =	vmul.f32 v63, v14;
	v12 =	vmul.f32 v12, v15;
	v5 =	vld [tilespmem:s11+$0x4500];
	v15 =	vadd.f32 v16, v4  }
.LBB2_9:
0x110: {  	p0 =	sne.s32 s14, $0x1E00  }
0x111: {  	s13 =	sadd.s32 $0x90, s13;
	(xrf2) =	vadd.scan.msk.f32 $0xffff, v14;
	s29 =	smov.u32 s14;
	s14 =	sadd.s32 $0x200, s14  }
0x112: {  	v10 =	vmul.f32 v15, v10;
	v14 =	vld [tilespmem:s11+$0x1D00]  }
0x113: {  	v13 =	vadd.f32 v13, v2  }
0x114: {  	v15, _, _ =	vpop (xrf2)  }
0x115: {  	v11 =	vmul.f32 v13, v11;
	v9 =	vadd.f32 v9, v5;
	v13 =	vperm.xlane v15, v1;
	(xrf2) =	vadd.scan.msk.f32 $0xffff, v12;
	_ =	sdelay $0x1  }
0x116: {  	v9 =	vmul.f32 v9, v14;
	v12 =	vld [tilespmem:s11+$0x910];
	v13 =	vmul.f32 $1.442695020e+00, v13;
	v14, _, _ =	vpop (xrf2)  }
0x117: {  	v15 =	vld [tilespmem:s11+$0x4510];
	v14 =	vperm.xlane v14, v1;
	(xrf2) =	vadd.scan.msk.f32 $0xffff, v10;
	_ =	sdelay $0x1  }
0x118: {  	v10 =	vld [tilespmem:s11+$0x1D10];
	v14 =	vmul.f32 $1.442695020e+00, v14;
	(erf) = vpow2.f32 v13  }
0x119: {  	v13, _, _ =	vpop (xrf2);
	(xrf2) =	vadd.scan.msk.f32 $0xffff, v11  }
0x11a: {  	v11 =	vperm.xlane v13, v1  }
0x11b: {  	v16 =	vadd.f32 v12, v15;
	v13 =	vld [tilespmem:s11+$0x30D0];
	(erf) = vpow2.f32 v14  }
0x11c: {  	s29 =	sshra.s32 s29, $0x2;
	v11 =	vmul.f32 $1.442695020e+00, v11;
	(xrf2) =	vadd.scan.msk.f32 $0xffff, v9  }
0x11d: {  	v9 =	vmul.f32 v16, v10;
	v10 =	vld [tilespmem:s11+$0x3110];
	v12, _, _ =	vpop (xrf2)  }
0x11e: {  	v12 =	vperm.xlane v12, v1;
	v14 =	vld [tilespmem:s11+$0x30C0];
	(erf) = vpow2.f32 v11  }
0x11f: {  	v11 =	vld [tilespmem:s11+$0x3100];
	(xrf2) =	vadd.scan.msk.f32 $0xffff, v9  }
0x120: {  	v9 =	vmul.f32 $1.442695020e+00, v12;
	v8 =	vadd.f32 v13, v8;
	v12 =	vld [tilespmem:s11+$0x30F0];
	v13, _, _ =	vpop (xrf2)  }
0x121: {  	v13 =	vperm.xlane v13, v1;
	v16 =	vld [tilespmem:s11+$0x30A0];
	v17 =	vpop (erf)  }
0x122: {  	v18 =	vld [tilespmem:s11+$0x30E0];
	v19 =	vmul.f32 v8, v17;
	(erf) = vpow2.f32 v9  }
0x123: {  	v9 =	vmul.f32 $1.442695020e+00, v13;
	v13 =	vld [tilespmem:s11+$0x30B0];
	v7 =	vadd.f32 v14, v7;
	v14, _, _ =	vpop (xrf2);
	s11 =	smov.u32 s29  }
0x124: {  	v20 =	vperm.xlane v14, v1;
	[tilespmem:s12+$0xFFFFFFB0] =	vst v19;
	v8 =	vpop (erf)  }
0x125: {  	v19 =	vmul.f32 v7, v8;
	(erf) = vpow2.f32 v9  }
0x126: {  	v9 =	vmul.f32 $1.442695020e+00, v20;
	v6 =	vadd.f32 v16, v6;
	v14, _, _ =	vpop (xrf2)  }
0x127: {  	v16 =	vperm.xlane v14, v1;
	[tilespmem:s12+$0xFFFFFFA0] =	vst v19;
	v7 =	vpop (erf)  }
0x128: {  	v6 =	vmul.f32 v6, v7;
	v7 =	vnsel vm0, $0x0, v7;
	(erf) = vpow2.f32 v9  }
0x129: {  	v9 =	vmul.f32 $1.442695020e+00, v16;
	v14, _, _ =	vpop (xrf2)  }
0x12a: {  	v3 =	vadd.f32 v13, v3;
	v14 =	vperm.xlane v14, v1;
	[tilespmem:s12+$0xFFFFFF80] =	vst v6  }
0x12b: {  	v6 =	vadd.f32 $0.0e+00, v7;
	v7 =	vpop (erf);
	(erf) = vpow2.f32 v9  }
0x12c: {  	v9 =	vmul.f32 $1.442695020e+00, v14;
	v3 =	vmul.f32 v3, v7;
	v13 =	vsel vm1, $0x0, v7  }
0x12d: {  	v4 =	vadd.f32 v18, v4;
	v6 =	vadd.f32 v13, v6  }
0x12e: {  	[tilespmem:s12+$0xFFFFFF90] =	vst v3;
	v3 =	vsel vm2, $0x0, v8;
	v7 =	vpop (erf);
	(erf) = vpow2.f32 v9  }
0x12f: {  	v3 =	vadd.f32 v3, v6;
	v8 =	vmul.f32 v4, v7  }
0x130: {  	v2 =	vadd.f32 v12, v2;
	v6 =	vsel vm3, $0x0, v17  }
0x131: {  	v3 =	vadd.f32 v6, v3;
	[tilespmem:s12+$0xFFFFFFC0] =	vst v8;
	v4 =	vpop (erf)  }
0x132: {  	v6 =	vsel vm4, $0x0, v7;
	v2 =	vmul.f32 v2, v4  }
0x133: {  	v5 =	vadd.f32 v11, v5;
	v3 =	vadd.f32 v6, v3  }
0x134: {  	[tilespmem:s12+$0xFFFFFFD0] =	vst v2;
	v2 =	vsel vm5, $0x0, v4;
	v4 =	vpop (erf)  }
0x135: {  	v2 =	vadd.f32 v2, v3;
	v6 =	vmul.f32 v5, v4  }
0x136: {  	v5 =	vadd.f32 v10, v15;
	v4 =	vsel vm6, $0x0, v4  }
0x137: {  	[tilespmem:s12+$0xFFFFFFE0] =	vst v6;
	v2 =	vadd.f32 v4, v2;
	v3 =	vpop (erf)  }
0x138: {  	v4 =	vmul.f32 v5, v3;
	v3 =	vsel vm7, $0x0, v3  }
0x139: {  	v2 =	vadd.f32 v3, v2  }
0x13a: {  	[tilespmem:s12+$0xFFFFFFF0] =	vst v4  }
0x13b: {  	[tilespmem:s12+$0x0] =	vst v2;
	s12 =	smov.u32 s13  }
0x13c: {  	v2 =	vld [tilespmem:s11+$0x8C0]  }
0x13d: {  	v4 =	vld [tilespmem:s11+$0x1CD0]  }
0x13e: {  	v8 =	vld [tilespmem:s11+$0x44D0]  }
0x13f: {  	v5 =	vld [tilespmem:s11+$0x1CC0]  }
0x140: {  	v9 =	vld [tilespmem:s11+$0x8D0]  }
0x141: {  	v10 =	vld [tilespmem:s11+$0x8B0]  }
0x142: {  	v6 =	vld [tilespmem:s11+$0x44A0]  }
0x143: {  	v7 =	vld [tilespmem:s11+$0x44C0]  }
0x144: {  	v11 =	vld [tilespmem:s11+$0x8A0]  }
0x145: {  	v3 =	vld [tilespmem:s11+$0x44B0];
	v9 =	vadd.f32 v9, v8  }
0x146: {  	v12 =	vld [tilespmem:s11+$0x1CA0]  }
0x147: {  	v13 =	vld [tilespmem:s11+$0x1CB0];
	v4 =	vmul.f32 v9, v4  }
0x148: {  	v2 =	vadd.f32 v2, v7;
	v9 =	vld [tilespmem:s11+$0x900]  }
0x149: {  	v11 =	vadd.f32 v11, v6;
	v15 =	vld [tilespmem:s11+$0x8E0];
	(xrf2) =	vadd.scan.msk.f32 $0xffff, v4  }
0x14a: {  	v4 =	vld [tilespmem:s11+$0x44E0];
	v10 =	vadd.f32 v10, v3;
	v5 =	vmul.f32 v2, v5  }
.Ltmp3:
0x14b: {  	v2 =	vld [tilespmem:s11+$0x44F0];
	v14 =	vmul.f32 v11, v12;
	(pc) =	sbr.rel @p0 .LBB2_9-.Ltmp3, $4  }
0x14c: {  	v12 =	vmul.f32 v10, v13;
	v10 =	vld [tilespmem:s11+$0x1CE0];
	(xrf2) =	vadd.scan.msk.f32 $0xffff, v5  }
0x14d: {  	v13 =	vld [tilespmem:s11+$0x8F0]  }
0x14e: {  	v11 =	vld [tilespmem:s11+$0x1CF0]  }
0x14f: {  	v5 =	vld [tilespmem:s11+$0x4500];
	v15 =	vadd.f32 v15, v4  }
0x150: {  	(xrf2) =	vadd.scan.msk.f32 $0xffff, v14;
	_ =	sdelay $0x4  }
0x151: {  	(xrf2) =	vadd.scan.msk.f32 $0xffff, v12;
	v12 =	vld [tilespmem:s11+$0x1D00];
	_ =	sdelay $0x1  }
0x152: {  	v13 =	vadd.f32 v13, v2  }
0x153: {  	v14 =	vld [tilespmem:s11+$0x910];
	v10 =	vmul.f32 v15, v10;
	v16, _, _ =	vpop (xrf2);
	v9 =	vadd.f32 v9, v5  }
0x154: {  	v17 =	vld [tilespmem:s11+$0x4510];
	v15 =	vperm.xlane v16, v1;
	v11 =	vmul.f32 v13, v11;
	v16, _, _ =	vpop (xrf2)  }
0x155: {  	(xrf2) =	vadd.scan.msk.f32 $0xffff, v10;
	v9 =	vmul.f32 v9, v12;
	v12, _, _ =	vpop (xrf2)  }
0x156: {  	(xrf2) =	vadd.scan.msk.f32 $0xffff, v11;
	v13 =	vperm.xlane v16, v1;
	v16 =	vld [tilespmem:s11+$0x1D10];
	v11 =	vperm.xlane v12, v1  }
0x157: {  	v15 =	vmul.f32 $1.442695020e+00, v15  }
0x158: {  	v10 =	vmul.f32 $1.442695020e+00, v13  }
0x159: {  	(erf) = vpow2.f32 v15;
	v12 =	vadd.f32 v14, v17  }
0x15a: {  	(erf) = vpow2.f32 v10;
	v10 =	vmul.f32 $1.442695020e+00, v11;
	v11, _, _ =	vpop (xrf2)  }
0x15b: {  	(xrf2) =	vadd.scan.msk.f32 $0xffff, v9;
	v9 =	vmul.f32 v12, v16;
	v11 =	vperm.xlane v11, v1;
	_ =	sdelay $0x1  }
0x15c: {  	(xrf2) =	vadd.scan.msk.f32 $0xffff, v9;
	v9 =	vmul.f32 $1.442695020e+00, v11;
	_ =	sdelay $0x1  }
0x15d: {  	(erf) = vpow2.f32 v10;
	_ =	sdelay $0x1  }
0x15e: {  	(erf) = vpow2.f32 v9;
	v9, _, _ =	vpop (xrf2)  }
0x15f: {  	v10, _, _ =	vpop (xrf2)  }
0x160: {  	v10 =	vperm.xlane v10, v1  }
0x161: {  	v9 =	vperm.xlane v9, v1  }
0x162: {  	v11 =	vpop (erf);
	v10 =	vmul.f32 $1.442695020e+00, v10  }
0x163: {  	v12 =	vpop (erf);
	v9 =	vmul.f32 $1.442695020e+00, v9  }
0x164: {  	v13, _, _ =	vpop (xrf2)  }
0x165: {  	v14 =	vld [tilespmem:s11+$0x30D0];
	(erf) = vpow2.f32 v9;
	v9 =	vperm.xlane v13, v1;
	v13 =	vpop (erf)  }
0x166: {  	(erf) = vpow2.f32 v10;
	v10, _, _ =	vpop (xrf2)  }
0x167: {  	v19 =	vld [tilespmem:s11+$0x30A0];
	v15 =	vnsel vm0, $0x0, v13;
	v9 =	vmul.f32 $1.442695020e+00, v9;
	v10 =	vperm.xlane v10, v1  }
0x168: {  	v16 =	vld [tilespmem:s11+$0x30C0];
	v15 =	vadd.f32 $0.0e+00, v15;
	v18 =	vpop (erf)  }
0x169: {  	(erf) = vpow2.f32 v9;
	v9 =	vmul.f32 $1.442695020e+00, v10;
	v10 =	vsel vm1, $0x0, v18  }
0x16a: {  	v20 =	vld [tilespmem:s11+$0x30B0];
	v8 =	vadd.f32 v14, v8;
	v10 =	vadd.f32 v10, v15  }
0x16b: {  	v21 =	vsel vm2, $0x0, v12;
	v15 =	vld [tilespmem:s11+$0x30E0];
	(erf) = vpow2.f32 v9  }
0x16c: {  	v6 =	vadd.f32 v19, v6;
	v8 =	vmul.f32 v8, v11;
	v9 =	vld [tilespmem:s11+$0x30F0];
	v10 =	vadd.f32 v21, v10  }
0x16d: {  	v14 =	vld [tilespmem:s11+$0x3100];
	v7 =	vadd.f32 v16, v7;
	v16 =	vsel vm3, $0x0, v11  }
0x16e: {  	v11 =	vld [tilespmem:s11+$0x3110];
	v6 =	vmul.f32 v6, v13;
	v62 =	vpop (erf);
	v10 =	vadd.f32 v16, v10  }
0x16f: {  	v3 =	vadd.f32 v20, v3;
	v7 =	vmul.f32 v7, v12;
	v12 =	vsel vm4, $0x0, v62  }
0x170: {  	[tilespmem:s12+$0xFFFFFFB0] =	vst v8;
	v8 =	vpop (erf);
	v4 =	vadd.f32 v15, v4;
	v10 =	vadd.f32 v12, v10  }
0x171: {  	v3 =	vmul.f32 v3, v18;
	[tilespmem:s12+$0xFFFFFFA0] =	vst v7;
	v7 =	vsel vm5, $0x0, v8;
	v2 =	vadd.f32 v9, v2  }
0x172: {  	v5 =	vadd.f32 v14, v5;
	[tilespmem:s12+$0xFFFFFF80] =	vst v6;
	v6 =	vpop (erf);
	v4 =	vmul.f32 v4, v62;
	v7 =	vadd.f32 v7, v10  }
0x173: {  	[tilespmem:s12+$0xFFFFFF90] =	vst v3;
	v3 =	vadd.f32 v11, v17;
	v2 =	vmul.f32 v2, v8;
	v8 =	vsel vm6, $0x0, v6  }
0x174: {  	[tilespmem:s12+$0xFFFFFFC0] =	vst v4;
	v4 =	vmul.f32 v5, v6;
	v5 =	vadd.f32 v8, v7;
	v6 =	vpop (erf)  }
0x175: {  	[tilespmem:s12+$0xFFFFFFD0] =	vst v2;
	v2 =	vmul.f32 v3, v6;
	v3 =	vsel vm7, $0x0, v6  }
0x176: {  	[tilespmem:s12+$0xFFFFFFE0] =	vst v4;
	v3 =	vadd.f32 v3, v5  }
0x177: {  	[tilespmem:s12+$0xFFFFFFF0] =	vst v2  }
0x178: {  	[tilespmem:s12+$0x0] =	vst v3;
	s12 =	simm.s32 $0x8A0  }
0x179: {  	[tilespmem:s12], [sflag:$0x2] =	stream.indirect.gather [hbm4b:s5+s23], $0x80, s17, s23, $0xb8;
	[tilespmem:$0x1E5C0] =	vst v63  }
0x17a: {  	s13 =	simm.s32 $0x80  }
0x17b: {  	[tilespmem:s31], [sflag:$0x2] =	stream.indirect.gather [hbm4b:s1+s23], $0x80, s13, s23, $0xb8;
	[tilespmem:$0x1E5C0] =	vst v63  }
0x17c: {  	s14 =	rddreg [dreg:$0xa]  }
0x17d: {  	[tilespmem:s0], [sflag:$0x2] =	stream.indirect.gather [hbm4b:s6+s23], $0x80, s17, s23, $0xb8;
	[tilespmem:$0x1E5C0] =	vst v63  }
0x17e: {  	s29 =	simm.s32 $0x0;
	s11 =	sadd.s32 s10, s14  }
0x17f: {  	[tilespmem:s3], [sflag:$0x2] =	stream.linear.gather [hbm4b:s11+s29], $0x800, $0x38;
	[tilespmem:$0x1E5C0] =	vst v63  }
0x180: {  	_ =	swait.ge [sflag:s15], $0x800  }
0x181: {  	[sflag:s15] =	ssyncset.done $0x0  }
0x182: {  	[sflag:s15] =	ssyncadd.s32 $0xFFFFF800  }
0x183: {  	_ =	swait.ge [sflag:s15], $0x800  }
0x184: {  	[sflag:s15] =	ssyncset.done $0x0  }
0x185: {  	[sflag:s15] =	ssyncadd.s32 $0xFFFFF800  }
0x186: {  	_ =	swait.ge [sflag:s15], $0x800  }
0x187: {  	[sflag:s15] =	ssyncset.done $0x0  }
0x188: {  	[sflag:s15] =	ssyncadd.s32 $0xFFFFF800  }
0x189: {  	_ =	swait.ge [sflag:s15], $0x800  }
0x18a: {  	[sflag:s15] =	ssyncset.done $0x0  }
0x18b: {  	s11 =	simm.s32 $0x0;
	[sflag:s15] =	ssyncadd.s32 $0xFFFFF800  }
0x18c: {  	v2 =	vld [tilespmem:s11+$0xC0]  }
0x18d: {  	v5 =	vld [tilespmem:s11+$0x14D0]  }
0x18e: {  	v8 =	vld [tilespmem:s11+$0x3CD0]  }
0x18f: {  	v11 =	vld [tilespmem:s11+$0x14C0]  }
0x190: {  	v4 =	vld [tilespmem:s11+$0xD0]  }
0x191: {  	v12 =	vld [tilespmem:s11+$0xB0]  }
0x192: {  	v6 =	vld [tilespmem:s11+$0x3CA0]  }
0x193: {  	v7 =	vld [tilespmem:s11+$0x3CC0]  }
0x194: {  	v13 =	vld [tilespmem:s11+$0xA0]  }
0x195: {  	v3 =	vld [tilespmem:s11+$0x3CB0]  }
0x196: {  	v14 =	vld [tilespmem:s11+$0x14A0];
	v10 =	vadd.f32 v4, v8  }
0x197: {  	v15 =	vld [tilespmem:s11+$0x14B0]  }
0x198: {  	v9 =	vld [tilespmem:s11+$0x100];
	v5 =	vmul.f32 v10, v5  }
0x199: {  	v16 =	vld [tilespmem:s11+$0xE0];
	v17 =	vadd.f32 v2, v7  }
0x19a: {  	v4 =	vld [tilespmem:s11+$0x3CE0];
	(xrf2) =	vadd.scan.msk.f32 $0xffff, v5  }
0x19b: {  	v2 =	vld [tilespmem:s11+$0x3CF0];
	v17 =	vmul.f32 v17, v11  }
0x19c: {  	v63 =	vadd.f32 v13, v6;
	v13 =	vld [tilespmem:s11+$0xF0]  }
0x19d: {  	v12 =	vadd.f32 v12, v3;
	v10 =	vld [tilespmem:s11+$0x14E0];
	(xrf2) =	vadd.scan.msk.f32 $0xffff, v17  }
0x19e: {  	v11 =	vld [tilespmem:s11+$0x14F0]  }
0x19f: {  	s14 =	simm.s32 $0x200;
	s12 =	simm.s32 $0x6320;
	s13 =	simm.s32 $0x6320;
	v14 =	vmul.f32 v63, v14;
	v12 =	vmul.f32 v12, v15;
	v5 =	vld [tilespmem:s11+$0x3D00];
	v15 =	vadd.f32 v16, v4  }
.LBB2_11:
0x1a0: {  	p0 =	sne.s32 s14, $0x1E00  }
0x1a1: {  	s13 =	sadd.s32 $0x90, s13;
	(xrf2) =	vadd.scan.msk.f32 $0xffff, v14;
	s29 =	smov.u32 s14;
	s14 =	sadd.s32 $0x200, s14  }
0x1a2: {  	v10 =	vmul.f32 v15, v10;
	v14 =	vld [tilespmem:s11+$0x1500]  }
0x1a3: {  	v13 =	vadd.f32 v13, v2  }
0x1a4: {  	v15, _, _ =	vpop (xrf2)  }
0x1a5: {  	v11 =	vmul.f32 v13, v11;
	v9 =	vadd.f32 v9, v5;
	v13 =	vperm.xlane v15, v1;
	(xrf2) =	vadd.scan.msk.f32 $0xffff, v12;
	_ =	sdelay $0x1  }
0x1a6: {  	v9 =	vmul.f32 v9, v14;
	v12 =	vld [tilespmem:s11+$0x110];
	v13 =	vmul.f32 $1.442695020e+00, v13;
	v14, _, _ =	vpop (xrf2)  }
0x1a7: {  	v15 =	vld [tilespmem:s11+$0x3D10];
	v14 =	vperm.xlane v14, v1;
	(xrf2) =	vadd.scan.msk.f32 $0xffff, v10;
	_ =	sdelay $0x1  }
0x1a8: {  	v10 =	vld [tilespmem:s11+$0x1510];
	v14 =	vmul.f32 $1.442695020e+00, v14;
	(erf) = vpow2.f32 v13  }
0x1a9: {  	v13, _, _ =	vpop (xrf2);
	(xrf2) =	vadd.scan.msk.f32 $0xffff, v11  }
0x1aa: {  	v11 =	vperm.xlane v13, v1  }
0x1ab: {  	v16 =	vadd.f32 v12, v15;
	v13 =	vld [tilespmem:s11+$0x28D0];
	(erf) = vpow2.f32 v14  }
0x1ac: {  	s29 =	sshra.s32 s29, $0x2;
	v11 =	vmul.f32 $1.442695020e+00, v11;
	(xrf2) =	vadd.scan.msk.f32 $0xffff, v9  }
0x1ad: {  	v9 =	vmul.f32 v16, v10;
	v10 =	vld [tilespmem:s11+$0x2910];
	v12, _, _ =	vpop (xrf2)  }
0x1ae: {  	v12 =	vperm.xlane v12, v1;
	v14 =	vld [tilespmem:s11+$0x28C0];
	(erf) = vpow2.f32 v11  }
0x1af: {  	v11 =	vld [tilespmem:s11+$0x2900];
	(xrf2) =	vadd.scan.msk.f32 $0xffff, v9  }
0x1b0: {  	v9 =	vmul.f32 $1.442695020e+00, v12;
	v8 =	vadd.f32 v13, v8;
	v12 =	vld [tilespmem:s11+$0x28F0];
	v13, _, _ =	vpop (xrf2)  }
0x1b1: {  	v13 =	vperm.xlane v13, v1;
	v16 =	vld [tilespmem:s11+$0x28A0];
	v17 =	vpop (erf)  }
0x1b2: {  	v18 =	vld [tilespmem:s11+$0x28E0];
	v19 =	vmul.f32 v8, v17;
	(erf) = vpow2.f32 v9  }
0x1b3: {  	v9 =	vmul.f32 $1.442695020e+00, v13;
	v13 =	vld [tilespmem:s11+$0x28B0];
	v7 =	vadd.f32 v14, v7;
	v14, _, _ =	vpop (xrf2);
	s11 =	smov.u32 s29  }
0x1b4: {  	v20 =	vperm.xlane v14, v1;
	[tilespmem:s12+$0xFFFFFFB0] =	vst v19;
	v8 =	vpop (erf)  }
0x1b5: {  	v19 =	vmul.f32 v7, v8;
	(erf) = vpow2.f32 v9  }
0x1b6: {  	v9 =	vmul.f32 $1.442695020e+00, v20;
	v6 =	vadd.f32 v16, v6;
	v14, _, _ =	vpop (xrf2)  }
0x1b7: {  	v16 =	vperm.xlane v14, v1;
	[tilespmem:s12+$0xFFFFFFA0] =	vst v19;
	v7 =	vpop (erf)  }
0x1b8: {  	v6 =	vmul.f32 v6, v7;
	v7 =	vnsel vm0, $0x0, v7;
	(erf) = vpow2.f32 v9  }
0x1b9: {  	v9 =	vmul.f32 $1.442695020e+00, v16;
	v14, _, _ =	vpop (xrf2)  }
0x1ba: {  	v3 =	vadd.f32 v13, v3;
	v14 =	vperm.xlane v14, v1;
	[tilespmem:s12+$0xFFFFFF80] =	vst v6  }
0x1bb: {  	v6 =	vadd.f32 $0.0e+00, v7;
	v7 =	vpop (erf);
	(erf) = vpow2.f32 v9  }
0x1bc: {  	v9 =	vmul.f32 $1.442695020e+00, v14;
	v3 =	vmul.f32 v3, v7;
	v13 =	vsel vm1, $0x0, v7  }
0x1bd: {  	v4 =	vadd.f32 v18, v4;
	v6 =	vadd.f32 v13, v6  }
0x1be: {  	[tilespmem:s12+$0xFFFFFF90] =	vst v3;
	v3 =	vsel vm2, $0x0, v8;
	v7 =	vpop (erf);
	(erf) = vpow2.f32 v9  }
0x1bf: {  	v3 =	vadd.f32 v3, v6;
	v8 =	vmul.f32 v4, v7  }
0x1c0: {  	v2 =	vadd.f32 v12, v2;
	v6 =	vsel vm3, $0x0, v17  }
0x1c1: {  	v3 =	vadd.f32 v6, v3;
	[tilespmem:s12+$0xFFFFFFC0] =	vst v8;
	v4 =	vpop (erf)  }
0x1c2: {  	v6 =	vsel vm4, $0x0, v7;
	v2 =	vmul.f32 v2, v4  }
0x1c3: {  	v5 =	vadd.f32 v11, v5;
	v3 =	vadd.f32 v6, v3  }
0x1c4: {  	[tilespmem:s12+$0xFFFFFFD0] =	vst v2;
	v2 =	vsel vm5, $0x0, v4;
	v4 =	vpop (erf)  }
0x1c5: {  	v2 =	vadd.f32 v2, v3;
	v6 =	vmul.f32 v5, v4  }
0x1c6: {  	v5 =	vadd.f32 v10, v15;
	v4 =	vsel vm6, $0x0, v4  }
0x1c7: {  	[tilespmem:s12+$0xFFFFFFE0] =	vst v6;
	v2 =	vadd.f32 v4, v2;
	v3 =	vpop (erf)  }
0x1c8: {  	v4 =	vmul.f32 v5, v3;
	v3 =	vsel vm7, $0x0, v3  }
0x1c9: {  	v2 =	vadd.f32 v3, v2  }
0x1ca: {  	[tilespmem:s12+$0xFFFFFFF0] =	vst v4  }
0x1cb: {  	[tilespmem:s12+$0x0] =	vst v2;
	s12 =	smov.u32 s13  }
0x1cc: {  	v2 =	vld [tilespmem:s11+$0xC0]  }
0x1cd: {  	v4 =	vld [tilespmem:s11+$0x14D0]  }
0x1ce: {  	v8 =	vld [tilespmem:s11+$0x3CD0]  }
0x1cf: {  	v5 =	vld [tilespmem:s11+$0x14C0]  }
0x1d0: {  	v9 =	vld [tilespmem:s11+$0xD0]  }
0x1d1: {  	v10 =	vld [tilespmem:s11+$0xB0]  }
0x1d2: {  	v6 =	vld [tilespmem:s11+$0x3CA0]  }
0x1d3: {  	v7 =	vld [tilespmem:s11+$0x3CC0]  }
0x1d4: {  	v11 =	vld [tilespmem:s11+$0xA0]  }
0x1d5: {  	v3 =	vld [tilespmem:s11+$0x3CB0];
	v9 =	vadd.f32 v9, v8  }
0x1d6: {  	v12 =	vld [tilespmem:s11+$0x14A0]  }
0x1d7: {  	v13 =	vld [tilespmem:s11+$0x14B0];
	v4 =	vmul.f32 v9, v4  }
0x1d8: {  	v2 =	vadd.f32 v2, v7;
	v9 =	vld [tilespmem:s11+$0x100]  }
0x1d9: {  	v11 =	vadd.f32 v11, v6;
	v15 =	vld [tilespmem:s11+$0xE0];
	(xrf2) =	vadd.scan.msk.f32 $0xffff, v4  }
0x1da: {  	v4 =	vld [tilespmem:s11+$0x3CE0];
	v10 =	vadd.f32 v10, v3;
	v5 =	vmul.f32 v2, v5  }
.Ltmp4:
0x1db: {  	v2 =	vld [tilespmem:s11+$0x3CF0];
	v14 =	vmul.f32 v11, v12;
	(pc) =	sbr.rel @p0 .LBB2_11-.Ltmp4, $4  }
0x1dc: {  	v12 =	vmul.f32 v10, v13;
	v10 =	vld [tilespmem:s11+$0x14E0];
	(xrf2) =	vadd.scan.msk.f32 $0xffff, v5  }
0x1dd: {  	v13 =	vld [tilespmem:s11+$0xF0]  }
0x1de: {  	v11 =	vld [tilespmem:s11+$0x14F0]  }
0x1df: {  	v5 =	vld [tilespmem:s11+$0x3D00];
	v15 =	vadd.f32 v15, v4  }
0x1e0: {  	(xrf2) =	vadd.scan.msk.f32 $0xffff, v14;
	_ =	sdelay $0x4  }
0x1e1: {  	(xrf2) =	vadd.scan.msk.f32 $0xffff, v12;
	v12 =	vld [tilespmem:s11+$0x1500];
	_ =	sdelay $0x1  }
0x1e2: {  	v13 =	vadd.f32 v13, v2  }
0x1e3: {  	v14 =	vld [tilespmem:s11+$0x110];
	v10 =	vmul.f32 v15, v10;
	v16, _, _ =	vpop (xrf2);
	v9 =	vadd.f32 v9, v5  }
0x1e4: {  	v17 =	vld [tilespmem:s11+$0x3D10];
	v15 =	vperm.xlane v16, v1;
	v11 =	vmul.f32 v13, v11;
	v16, _, _ =	vpop (xrf2)  }
0x1e5: {  	(xrf2) =	vadd.scan.msk.f32 $0xffff, v10;
	v9 =	vmul.f32 v9, v12;
	v12, _, _ =	vpop (xrf2)  }
0x1e6: {  	(xrf2) =	vadd.scan.msk.f32 $0xffff, v11;
	v13 =	vperm.xlane v16, v1;
	v16 =	vld [tilespmem:s11+$0x1510];
	v11 =	vperm.xlane v12, v1  }
0x1e7: {  	v15 =	vmul.f32 $1.442695020e+00, v15  }
0x1e8: {  	v10 =	vmul.f32 $1.442695020e+00, v13  }
0x1e9: {  	(erf) = vpow2.f32 v15;
	v12 =	vadd.f32 v14, v17  }
0x1ea: {  	(erf) = vpow2.f32 v10;
	v10 =	vmul.f32 $1.442695020e+00, v11;
	v11, _, _ =	vpop (xrf2)  }
0x1eb: {  	(xrf2) =	vadd.scan.msk.f32 $0xffff, v9;
	v9 =	vmul.f32 v12, v16;
	v11 =	vperm.xlane v11, v1;
	_ =	sdelay $0x1  }
0x1ec: {  	(xrf2) =	vadd.scan.msk.f32 $0xffff, v9;
	v9 =	vmul.f32 $1.442695020e+00, v11;
	_ =	sdelay $0x1  }
0x1ed: {  	(erf) = vpow2.f32 v10;
	_ =	sdelay $0x1  }
0x1ee: {  	(erf) = vpow2.f32 v9;
	v9, _, _ =	vpop (xrf2)  }
0x1ef: {  	v10, _, _ =	vpop (xrf2)  }
0x1f0: {  	v10 =	vperm.xlane v10, v1  }
0x1f1: {  	v9 =	vperm.xlane v9, v1  }
0x1f2: {  	v11 =	vpop (erf);
	v10 =	vmul.f32 $1.442695020e+00, v10  }
0x1f3: {  	v12 =	vpop (erf);
	v9 =	vmul.f32 $1.442695020e+00, v9  }
0x1f4: {  	v13, _, _ =	vpop (xrf2)  }
0x1f5: {  	v14 =	vld [tilespmem:s11+$0x28D0];
	(erf) = vpow2.f32 v9;
	v9 =	vperm.xlane v13, v1;
	v13 =	vpop (erf)  }
0x1f6: {  	(erf) = vpow2.f32 v10;
	v10, _, _ =	vpop (xrf2)  }
0x1f7: {  	v19 =	vld [tilespmem:s11+$0x28A0];
	v15 =	vnsel vm0, $0x0, v13;
	v9 =	vmul.f32 $1.442695020e+00, v9;
	v10 =	vperm.xlane v10, v1  }
0x1f8: {  	v16 =	vld [tilespmem:s11+$0x28C0];
	v15 =	vadd.f32 $0.0e+00, v15;
	v18 =	vpop (erf)  }
0x1f9: {  	(erf) = vpow2.f32 v9;
	v9 =	vmul.f32 $1.442695020e+00, v10;
	v10 =	vsel vm1, $0x0, v18  }
0x1fa: {  	v20 =	vld [tilespmem:s11+$0x28B0];
	v8 =	vadd.f32 v14, v8;
	v10 =	vadd.f32 v10, v15  }
0x1fb: {  	v21 =	vsel vm2, $0x0, v12;
	v15 =	vld [tilespmem:s11+$0x28E0];
	(erf) = vpow2.f32 v9  }
0x1fc: {  	v6 =	vadd.f32 v19, v6;
	v8 =	vmul.f32 v8, v11;
	v9 =	vld [tilespmem:s11+$0x28F0];
	v10 =	vadd.f32 v21, v10  }
0x1fd: {  	v14 =	vld [tilespmem:s11+$0x2900];
	v7 =	vadd.f32 v16, v7;
	v16 =	vsel vm3, $0x0, v11  }
0x1fe: {  	v11 =	vld [tilespmem:s11+$0x2910];
	v6 =	vmul.f32 v6, v13;
	v62 =	vpop (erf);
	v10 =	vadd.f32 v16, v10  }
0x1ff: {  	v3 =	vadd.f32 v20, v3;
	v7 =	vmul.f32 v7, v12;
	v12 =	vsel vm4, $0x0, v62  }
0x200: {  	[tilespmem:s12+$0xFFFFFFB0] =	vst v8;
	v8 =	vpop (erf);
	v4 =	vadd.f32 v15, v4;
	v10 =	vadd.f32 v12, v10  }
0x201: {  	v3 =	vmul.f32 v3, v18;
	[tilespmem:s12+$0xFFFFFFA0] =	vst v7;
	v7 =	vsel vm5, $0x0, v8;
	v2 =	vadd.f32 v9, v2  }
0x202: {  	v5 =	vadd.f32 v14, v5;
	[tilespmem:s12+$0xFFFFFF80] =	vst v6;
	v6 =	vpop (erf);
	v4 =	vmul.f32 v4, v62;
	v7 =	vadd.f32 v7, v10  }
0x203: {  	[tilespmem:s12+$0xFFFFFF90] =	vst v3;
	v3 =	vadd.f32 v11, v17;
	v2 =	vmul.f32 v2, v8;
	v8 =	vsel vm6, $0x0, v6  }
0x204: {  	[tilespmem:s12+$0xFFFFFFC0] =	vst v4;
	v4 =	vmul.f32 v5, v6;
	v5 =	vadd.f32 v8, v7;
	v6 =	vpop (erf)  }
0x205: {  	[tilespmem:s12+$0xFFFFFFD0] =	vst v2;
	v2 =	vmul.f32 v3, v6;
	v3 =	vsel vm7, $0x0, v6  }
0x206: {  	[tilespmem:s12+$0xFFFFFFE0] =	vst v4;
	v3 =	vadd.f32 v3, v5  }
0x207: {  	[tilespmem:s12+$0xFFFFFFF0] =	vst v2  }
0x208: {  	[tilespmem:s12+$0x0] =	vst v3  }
0x209: {  	[tilespmem:s24], [sflag:$0x1] =	stream.indirect.gather [hbm4b:s5+s23], $0x80, s7, s23, $0xb8;
	[tilespmem:$0x1E5C0] =	vst v63  }
0x20a: {  	s13 =	simm.s32 $0x90  }
0x20b: {  	[tilespmem:s25], [sflag:$0x1] =	stream.indirect.gather [hbm4b:s1+s23], $0x80, s13, s23, $0xb8;
	[tilespmem:$0x1E5C0] =	vst v63  }
0x20c: {  	s14 =	rddreg [dreg:$0xb]  }
0x20d: {  	[tilespmem:s26], [sflag:$0x1] =	stream.indirect.gather [hbm4b:s6+s23], $0x80, s7, s23, $0xb8;
	[tilespmem:$0x1E5C0] =	vst v63  }
0x20e: {  	s29 =	simm.s32 $0x0;
	s10 =	sadd.s32 s10, s14  }
0x20f: {  	[tilespmem:s28], [sflag:$0x1] =	stream.linear.gather [hbm4b:s10+s29], $0x800, $0x38;
	[tilespmem:$0x1E5C0] =	vst v63  }
0x210: {  	_ =	swait.ge [sflag:s30], $0x800  }
0x211: {  	[sflag:s30] =	ssyncset.done $0x0  }
0x212: {  	[sflag:s30] =	ssyncadd.s32 $0xFFFFF800  }
0x213: {  	_ =	swait.ge [sflag:s30], $0x800  }
0x214: {  	[sflag:s30] =	ssyncset.done $0x0  }
0x215: {  	[sflag:s30] =	ssyncadd.s32 $0xFFFFF800  }
0x216: {  	_ =	swait.ge [sflag:s30], $0x800  }
0x217: {  	[sflag:s30] =	ssyncset.done $0x0  }
0x218: {  	[sflag:s30] =	ssyncadd.s32 $0xFFFFF800  }
0x219: {  	_ =	swait.ge [sflag:s30], $0x800  }
0x21a: {  	[sflag:s30] =	ssyncset.done $0x0  }
0x21b: {  	s10 =	simm.s32 $0x0;
	[sflag:s30] =	ssyncadd.s32 $0xFFFFF800  }
0x21c: {  	v2 =	vld [tilespmem:s10+$0x8C0]  }
0x21d: {  	v5 =	vld [tilespmem:s10+$0x1CD0]  }
0x21e: {  	v8 =	vld [tilespmem:s10+$0x44D0]  }
0x21f: {  	v11 =	vld [tilespmem:s10+$0x1CC0]  }
0x220: {  	v4 =	vld [tilespmem:s10+$0x8D0]  }
0x221: {  	v12 =	vld [tilespmem:s10+$0x8B0]  }
0x222: {  	v6 =	vld [tilespmem:s10+$0x44A0]  }
0x223: {  	v7 =	vld [tilespmem:s10+$0x44C0]  }
0x224: {  	v13 =	vld [tilespmem:s10+$0x8A0]  }
0x225: {  	v3 =	vld [tilespmem:s10+$0x44B0]  }
0x226: {  	v14 =	vld [tilespmem:s10+$0x1CA0];
	v10 =	vadd.f32 v4, v8  }
0x227: {  	v15 =	vld [tilespmem:s10+$0x1CB0]  }
0x228: {  	v9 =	vld [tilespmem:s10+$0x900];
	v5 =	vmul.f32 v10, v5  }
0x229: {  	v16 =	vld [tilespmem:s10+$0x8E0];
	v17 =	vadd.f32 v2, v7  }
0x22a: {  	v4 =	vld [tilespmem:s10+$0x44E0];
	(xrf2) =	vadd.scan.msk.f32 $0xffff, v5  }
0x22b: {  	v2 =	vld [tilespmem:s10+$0x44F0];
	v17 =	vmul.f32 v17, v11  }
0x22c: {  	v63 =	vadd.f32 v13, v6;
	v13 =	vld [tilespmem:s10+$0x8F0]  }
0x22d: {  	v12 =	vadd.f32 v12, v3;
	v10 =	vld [tilespmem:s10+$0x1CE0];
	(xrf2) =	vadd.scan.msk.f32 $0xffff, v17  }
0x22e: {  	v11 =	vld [tilespmem:s10+$0x1CF0]  }
0x22f: {  	s11 =	simm.s32 $0x6C20;
	s12 =	simm.s32 $0x6C20;
	s13 =	simm.s32 $0x200;
	v14 =	vmul.f32 v63, v14;
	v12 =	vmul.f32 v12, v15;
	v5 =	vld [tilespmem:s10+$0x4500];
	v15 =	vadd.f32 v16, v4  }
.LBB2_13:
0x230: {  	p0 =	sne.s32 s13, $0x1E00  }
0x231: {  	s12 =	sadd.s32 $0x90, s12;
	(xrf2) =	vadd.scan.msk.f32 $0xffff, v14;
	s14 =	smov.u32 s13;
	s13 =	sadd.s32 $0x200, s13  }
0x232: {  	v10 =	vmul.f32 v15, v10;
	v14 =	vld [tilespmem:s10+$0x1D00]  }
0x233: {  	v13 =	vadd.f32 v13, v2  }
0x234: {  	v15, _, _ =	vpop (xrf2)  }
0x235: {  	v11 =	vmul.f32 v13, v11;
	v9 =	vadd.f32 v9, v5;
	v13 =	vperm.xlane v15, v1;
	(xrf2) =	vadd.scan.msk.f32 $0xffff, v12;
	_ =	sdelay $0x1  }
0x236: {  	v9 =	vmul.f32 v9, v14;
	v12 =	vld [tilespmem:s10+$0x910];
	v13 =	vmul.f32 $1.442695020e+00, v13;
	v14, _, _ =	vpop (xrf2)  }
0x237: {  	v15 =	vld [tilespmem:s10+$0x4510];
	v14 =	vperm.xlane v14, v1;
	(xrf2) =	vadd.scan.msk.f32 $0xffff, v10;
	_ =	sdelay $0x1  }
0x238: {  	v10 =	vld [tilespmem:s10+$0x1D10];
	v14 =	vmul.f32 $1.442695020e+00, v14;
	(erf) = vpow2.f32 v13  }
0x239: {  	v13, _, _ =	vpop (xrf2);
	(xrf2) =	vadd.scan.msk.f32 $0xffff, v11  }
0x23a: {  	v11 =	vperm.xlane v13, v1  }
0x23b: {  	v16 =	vadd.f32 v12, v15;
	v13 =	vld [tilespmem:s10+$0x30D0];
	(erf) = vpow2.f32 v14  }
0x23c: {  	s14 =	sshra.s32 s14, $0x2;
	v11 =	vmul.f32 $1.442695020e+00, v11;
	(xrf2) =	vadd.scan.msk.f32 $0xffff, v9  }
0x23d: {  	v9 =	vmul.f32 v16, v10;
	v10 =	vld [tilespmem:s10+$0x3110];
	v12, _, _ =	vpop (xrf2)  }
0x23e: {  	v12 =	vperm.xlane v12, v1;
	v14 =	vld [tilespmem:s10+$0x30C0];
	(erf) = vpow2.f32 v11  }
0x23f: {  	v11 =	vld [tilespmem:s10+$0x3100];
	(xrf2) =	vadd.scan.msk.f32 $0xffff, v9  }
0x240: {  	v9 =	vmul.f32 $1.442695020e+00, v12;
	v8 =	vadd.f32 v13, v8;
	v12 =	vld [tilespmem:s10+$0x30F0];
	v13, _, _ =	vpop (xrf2)  }
0x241: {  	v13 =	vperm.xlane v13, v1;
	v16 =	vld [tilespmem:s10+$0x30A0];
	v17 =	vpop (erf)  }
0x242: {  	v18 =	vld [tilespmem:s10+$0x30E0];
	v19 =	vmul.f32 v8, v17;
	(erf) = vpow2.f32 v9  }
0x243: {  	v9 =	vmul.f32 $1.442695020e+00, v13;
	v13 =	vld [tilespmem:s10+$0x30B0];
	v7 =	vadd.f32 v14, v7;
	v14, _, _ =	vpop (xrf2);
	s10 =	smov.u32 s14  }
0x244: {  	v20 =	vperm.xlane v14, v1;
	[tilespmem:s11+$0xFFFFFFB0] =	vst v19;
	v8 =	vpop (erf)  }
0x245: {  	v19 =	vmul.f32 v7, v8;
	(erf) = vpow2.f32 v9  }
0x246: {  	v9 =	vmul.f32 $1.442695020e+00, v20;
	v6 =	vadd.f32 v16, v6;
	v14, _, _ =	vpop (xrf2)  }
0x247: {  	v16 =	vperm.xlane v14, v1;
	[tilespmem:s11+$0xFFFFFFA0] =	vst v19;
	v7 =	vpop (erf)  }
0x248: {  	v6 =	vmul.f32 v6, v7;
	v7 =	vnsel vm0, $0x0, v7;
	(erf) = vpow2.f32 v9  }
0x249: {  	v9 =	vmul.f32 $1.442695020e+00, v16;
	v14, _, _ =	vpop (xrf2)  }
0x24a: {  	v3 =	vadd.f32 v13, v3;
	v14 =	vperm.xlane v14, v1;
	[tilespmem:s11+$0xFFFFFF80] =	vst v6  }
0x24b: {  	v6 =	vadd.f32 $0.0e+00, v7;
	v7 =	vpop (erf);
	(erf) = vpow2.f32 v9  }
0x24c: {  	v9 =	vmul.f32 $1.442695020e+00, v14;
	v3 =	vmul.f32 v3, v7;
	v13 =	vsel vm1, $0x0, v7  }
0x24d: {  	v4 =	vadd.f32 v18, v4;
	v6 =	vadd.f32 v13, v6  }
0x24e: {  	[tilespmem:s11+$0xFFFFFF90] =	vst v3;
	v3 =	vsel vm2, $0x0, v8;
	v7 =	vpop (erf);
	(erf) = vpow2.f32 v9  }
0x24f: {  	v3 =	vadd.f32 v3, v6;
	v8 =	vmul.f32 v4, v7  }
0x250: {  	v2 =	vadd.f32 v12, v2;
	v6 =	vsel vm3, $0x0, v17  }
0x251: {  	v3 =	vadd.f32 v6, v3;
	[tilespmem:s11+$0xFFFFFFC0] =	vst v8;
	v4 =	vpop (erf)  }
0x252: {  	v6 =	vsel vm4, $0x0, v7;
	v2 =	vmul.f32 v2, v4  }
0x253: {  	v5 =	vadd.f32 v11, v5;
	v3 =	vadd.f32 v6, v3  }
0x254: {  	[tilespmem:s11+$0xFFFFFFD0] =	vst v2;
	v2 =	vsel vm5, $0x0, v4;
	v4 =	vpop (erf)  }
0x255: {  	v2 =	vadd.f32 v2, v3;
	v6 =	vmul.f32 v5, v4  }
0x256: {  	v5 =	vadd.f32 v10, v15;
	v4 =	vsel vm6, $0x0, v4  }
0x257: {  	[tilespmem:s11+$0xFFFFFFE0] =	vst v6;
	v2 =	vadd.f32 v4, v2;
	v3 =	vpop (erf)  }
0x258: {  	v4 =	vmul.f32 v5, v3;
	v3 =	vsel vm7, $0x0, v3  }
0x259: {  	v2 =	vadd.f32 v3, v2  }
0x25a: {  	[tilespmem:s11+$0xFFFFFFF0] =	vst v4  }
0x25b: {  	[tilespmem:s11+$0x0] =	vst v2;
	s11 =	smov.u32 s12  }
0x25c: {  	v2 =	vld [tilespmem:s10+$0x8C0]  }
0x25d: {  	v4 =	vld [tilespmem:s10+$0x1CD0]  }
0x25e: {  	v8 =	vld [tilespmem:s10+$0x44D0]  }
0x25f: {  	v5 =	vld [tilespmem:s10+$0x1CC0]  }
0x260: {  	v9 =	vld [tilespmem:s10+$0x8D0]  }
0x261: {  	v10 =	vld [tilespmem:s10+$0x8B0]  }
0x262: {  	v6 =	vld [tilespmem:s10+$0x44A0]  }
0x263: {  	v7 =	vld [tilespmem:s10+$0x44C0]  }
0x264: {  	v11 =	vld [tilespmem:s10+$0x8A0]  }
0x265: {  	v3 =	vld [tilespmem:s10+$0x44B0];
	v9 =	vadd.f32 v9, v8  }
0x266: {  	v12 =	vld [tilespmem:s10+$0x1CA0]  }
0x267: {  	v13 =	vld [tilespmem:s10+$0x1CB0];
	v4 =	vmul.f32 v9, v4  }
0x268: {  	v2 =	vadd.f32 v2, v7;
	v9 =	vld [tilespmem:s10+$0x900]  }
0x269: {  	v11 =	vadd.f32 v11, v6;
	v15 =	vld [tilespmem:s10+$0x8E0];
	(xrf2) =	vadd.scan.msk.f32 $0xffff, v4  }
0x26a: {  	v4 =	vld [tilespmem:s10+$0x44E0];
	v10 =	vadd.f32 v10, v3;
	v5 =	vmul.f32 v2, v5  }
.Ltmp5:
0x26b: {  	v2 =	vld [tilespmem:s10+$0x44F0];
	v14 =	vmul.f32 v11, v12;
	(pc) =	sbr.rel @p0 .LBB2_13-.Ltmp5, $4  }
0x26c: {  	v12 =	vmul.f32 v10, v13;
	v10 =	vld [tilespmem:s10+$0x1CE0];
	(xrf2) =	vadd.scan.msk.f32 $0xffff, v5  }
0x26d: {  	v13 =	vld [tilespmem:s10+$0x8F0]  }
0x26e: {  	v11 =	vld [tilespmem:s10+$0x1CF0]  }
0x26f: {  	v5 =	vld [tilespmem:s10+$0x4500];
	v15 =	vadd.f32 v15, v4  }
0x270: {  	(xrf2) =	vadd.scan.msk.f32 $0xffff, v14;
	_ =	sdelay $0x4  }
0x271: {  	(xrf2) =	vadd.scan.msk.f32 $0xffff, v12;
	v12 =	vld [tilespmem:s10+$0x1D00];
	_ =	sdelay $0x1  }
0x272: {  	v13 =	vadd.f32 v13, v2  }
0x273: {  	v14 =	vld [tilespmem:s10+$0x910];
	v10 =	vmul.f32 v15, v10;
	v16, _, _ =	vpop (xrf2);
	v9 =	vadd.f32 v9, v5  }
0x274: {  	v17 =	vld [tilespmem:s10+$0x4510];
	v15 =	vperm.xlane v16, v1;
	v11 =	vmul.f32 v13, v11;
	v16, _, _ =	vpop (xrf2)  }
0x275: {  	(xrf2) =	vadd.scan.msk.f32 $0xffff, v10;
	v9 =	vmul.f32 v9, v12;
	v12, _, _ =	vpop (xrf2)  }
0x276: {  	(xrf2) =	vadd.scan.msk.f32 $0xffff, v11;
	v13 =	vperm.xlane v16, v1;
	v16 =	vld [tilespmem:s10+$0x1D10];
	v11 =	vperm.xlane v12, v1  }
0x277: {  	v15 =	vmul.f32 $1.442695020e+00, v15  }
0x278: {  	v10 =	vmul.f32 $1.442695020e+00, v13  }
0x279: {  	(erf) = vpow2.f32 v15;
	v12 =	vadd.f32 v14, v17  }
0x27a: {  	(erf) = vpow2.f32 v10;
	v10 =	vmul.f32 $1.442695020e+00, v11;
	v11, _, _ =	vpop (xrf2)  }
0x27b: {  	(xrf2) =	vadd.scan.msk.f32 $0xffff, v9;
	v9 =	vmul.f32 v12, v16;
	v11 =	vperm.xlane v11, v1;
	_ =	sdelay $0x1  }
0x27c: {  	(xrf2) =	vadd.scan.msk.f32 $0xffff, v9;
	v9 =	vmul.f32 $1.442695020e+00, v11;
	_ =	sdelay $0x1  }
0x27d: {  	(erf) = vpow2.f32 v10;
	_ =	sdelay $0x1  }
0x27e: {  	(erf) = vpow2.f32 v9;
	v9, _, _ =	vpop (xrf2)  }
0x27f: {  	v10, _, _ =	vpop (xrf2)  }
0x280: {  	v10 =	vperm.xlane v10, v1  }
0x281: {  	v9 =	vperm.xlane v9, v1  }
0x282: {  	v11 =	vpop (erf);
	v10 =	vmul.f32 $1.442695020e+00, v10  }
0x283: {  	v12 =	vpop (erf);
	v9 =	vmul.f32 $1.442695020e+00, v9  }
0x284: {  	v13, _, _ =	vpop (xrf2)  }
0x285: {  	v14 =	vld [tilespmem:s10+$0x30D0];
	(erf) = vpow2.f32 v9;
	v9 =	vperm.xlane v13, v1;
	v13 =	vpop (erf)  }
0x286: {  	(erf) = vpow2.f32 v10;
	v10, _, _ =	vpop (xrf2)  }
0x287: {  	v19 =	vld [tilespmem:s10+$0x30A0];
	v15 =	vnsel vm0, $0x0, v13;
	v9 =	vmul.f32 $1.442695020e+00, v9;
	v10 =	vperm.xlane v10, v1  }
0x288: {  	v16 =	vld [tilespmem:s10+$0x30C0];
	v15 =	vadd.f32 $0.0e+00, v15;
	v18 =	vpop (erf)  }
0x289: {  	(erf) = vpow2.f32 v9;
	v9 =	vmul.f32 $1.442695020e+00, v10;
	v10 =	vsel vm1, $0x0, v18  }
0x28a: {  	v20 =	vld [tilespmem:s10+$0x30B0];
	v8 =	vadd.f32 v14, v8;
	v10 =	vadd.f32 v10, v15  }
0x28b: {  	v21 =	vsel vm2, $0x0, v12;
	v15 =	vld [tilespmem:s10+$0x30E0];
	(erf) = vpow2.f32 v9  }
0x28c: {  	v6 =	vadd.f32 v19, v6;
	v8 =	vmul.f32 v8, v11;
	v9 =	vld [tilespmem:s10+$0x30F0];
	v10 =	vadd.f32 v21, v10  }
0x28d: {  	v14 =	vld [tilespmem:s10+$0x3100];
	v7 =	vadd.f32 v16, v7;
	v16 =	vsel vm3, $0x0, v11  }
0x28e: {  	v11 =	vld [tilespmem:s10+$0x3110];
	v6 =	vmul.f32 v6, v13;
	v62 =	vpop (erf);
	v10 =	vadd.f32 v16, v10  }
0x28f: {  	v3 =	vadd.f32 v20, v3;
	v7 =	vmul.f32 v7, v12;
	v12 =	vsel vm4, $0x0, v62  }
0x290: {  	[tilespmem:s11+$0xFFFFFFB0] =	vst v8;
	v8 =	vpop (erf);
	v4 =	vadd.f32 v15, v4;
	v10 =	vadd.f32 v12, v10  }
0x291: {  	v3 =	vmul.f32 v3, v18;
	[tilespmem:s11+$0xFFFFFFA0] =	vst v7;
	v7 =	vsel vm5, $0x0, v8;
	v2 =	vadd.f32 v9, v2  }
0x292: {  	v5 =	vadd.f32 v14, v5;
	[tilespmem:s11+$0xFFFFFF80] =	vst v6;
	v6 =	vpop (erf);
	v4 =	vmul.f32 v4, v62;
	v7 =	vadd.f32 v7, v10  }
0x293: {  	[tilespmem:s11+$0xFFFFFF90] =	vst v3;
	v3 =	vadd.f32 v11, v17;
	v2 =	vmul.f32 v2, v8;
	v8 =	vsel vm6, $0x0, v6  }
0x294: {  	[tilespmem:s11+$0xFFFFFFC0] =	vst v4;
	v4 =	vmul.f32 v5, v6;
	v5 =	vadd.f32 v8, v7;
	v6 =	vpop (erf)  }
0x295: {  	[tilespmem:s11+$0xFFFFFFD0] =	vst v2;
	v2 =	vmul.f32 v3, v6;
	v3 =	vsel vm7, $0x0, v6  }
0x296: {  	[tilespmem:s11+$0xFFFFFFE0] =	vst v4;
	v3 =	vadd.f32 v3, v5  }
0x297: {  	[tilespmem:s11+$0xFFFFFFF0] =	vst v2  }
0x298: {  	[tilespmem:s11+$0x0] =	vst v3  }
0x299: {  	_ =	swait.ge [sflag:s15], $0x800  }
0x29a: {  	[sflag:s15] =	ssyncset.done $0x0  }
0x29b: {  	[sflag:s15] =	ssyncadd.s32 $0xFFFFF800  }
0x29c: {  	_ =	swait.ge [sflag:s15], $0x800  }
0x29d: {  	[sflag:s15] =	ssyncset.done $0x0  }
0x29e: {  	[sflag:s15] =	ssyncadd.s32 $0xFFFFF800  }
0x29f: {  	_ =	swait.ge [sflag:s15], $0x800  }
0x2a0: {  	[sflag:s15] =	ssyncset.done $0x0  }
0x2a1: {  	[sflag:s15] =	ssyncadd.s32 $0xFFFFF800  }
0x2a2: {  	_ =	swait.ge [sflag:s15], $0x800  }
0x2a3: {  	[sflag:s15] =	ssyncset.done $0x0  }
0x2a4: {  	s10 =	simm.s32 $0x0;
	[sflag:s15] =	ssyncadd.s32 $0xFFFFF800  }
0x2a5: {  	v2 =	vld [tilespmem:s10+$0xC0]  }
0x2a6: {  	v5 =	vld [tilespmem:s10+$0x14D0]  }
0x2a7: {  	v8 =	vld [tilespmem:s10+$0x3CD0]  }
0x2a8: {  	v11 =	vld [tilespmem:s10+$0x14C0]  }
0x2a9: {  	v4 =	vld [tilespmem:s10+$0xD0]  }
0x2aa: {  	v12 =	vld [tilespmem:s10+$0xB0]  }
0x2ab: {  	v6 =	vld [tilespmem:s10+$0x3CA0]  }
0x2ac: {  	v7 =	vld [tilespmem:s10+$0x3CC0]  }
0x2ad: {  	v13 =	vld [tilespmem:s10+$0xA0]  }
0x2ae: {  	v3 =	vld [tilespmem:s10+$0x3CB0]  }
0x2af: {  	v14 =	vld [tilespmem:s10+$0x14A0];
	v10 =	vadd.f32 v4, v8  }
0x2b0: {  	v15 =	vld [tilespmem:s10+$0x14B0]  }
0x2b1: {  	v9 =	vld [tilespmem:s10+$0x100];
	v5 =	vmul.f32 v10, v5  }
0x2b2: {  	v16 =	vld [tilespmem:s10+$0xE0];
	v17 =	vadd.f32 v2, v7  }
0x2b3: {  	v4 =	vld [tilespmem:s10+$0x3CE0];
	(xrf2) =	vadd.scan.msk.f32 $0xffff, v5  }
0x2b4: {  	v2 =	vld [tilespmem:s10+$0x3CF0];
	v17 =	vmul.f32 v17, v11  }
0x2b5: {  	v63 =	vadd.f32 v13, v6;
	v13 =	vld [tilespmem:s10+$0xF0]  }
0x2b6: {  	v12 =	vadd.f32 v12, v3;
	v10 =	vld [tilespmem:s10+$0x14E0];
	(xrf2) =	vadd.scan.msk.f32 $0xffff, v17  }
0x2b7: {  	v11 =	vld [tilespmem:s10+$0x14F0]  }
0x2b8: {  	s12 =	simm.s32 $0x7520;
	s13 =	simm.s32 $0x200;
	s11 =	simm.s32 $0x7520;
	v14 =	vmul.f32 v63, v14;
	v12 =	vmul.f32 v12, v15;
	v5 =	vld [tilespmem:s10+$0x3D00];
	v15 =	vadd.f32 v16, v4  }
.LBB2_15:
0x2b9: {  	p0 =	sne.s32 s13, $0x1E00  }
0x2ba: {  	s12 =	sadd.s32 $0x90, s12;
	(xrf2) =	vadd.scan.msk.f32 $0xffff, v14;
	s14 =	smov.u32 s13;
	s13 =	sadd.s32 $0x200, s13  }
0x2bb: {  	v10 =	vmul.f32 v15, v10;
	v14 =	vld [tilespmem:s10+$0x1500]  }
0x2bc: {  	v13 =	vadd.f32 v13, v2  }
0x2bd: {  	v15, _, _ =	vpop (xrf2)  }
0x2be: {  	v11 =	vmul.f32 v13, v11;
	v9 =	vadd.f32 v9, v5;
	v13 =	vperm.xlane v15, v1;
	(xrf2) =	vadd.scan.msk.f32 $0xffff, v12;
	_ =	sdelay $0x1  }
0x2bf: {  	v9 =	vmul.f32 v9, v14;
	v12 =	vld [tilespmem:s10+$0x110];
	v13 =	vmul.f32 $1.442695020e+00, v13;
	v14, _, _ =	vpop (xrf2)  }
0x2c0: {  	v15 =	vld [tilespmem:s10+$0x3D10];
	v14 =	vperm.xlane v14, v1;
	(xrf2) =	vadd.scan.msk.f32 $0xffff, v10;
	_ =	sdelay $0x1  }
0x2c1: {  	v10 =	vld [tilespmem:s10+$0x1510];
	v14 =	vmul.f32 $1.442695020e+00, v14;
	(erf) = vpow2.f32 v13  }
0x2c2: {  	v13, _, _ =	vpop (xrf2);
	(xrf2) =	vadd.scan.msk.f32 $0xffff, v11  }
0x2c3: {  	v11 =	vperm.xlane v13, v1  }
0x2c4: {  	v16 =	vadd.f32 v12, v15;
	v13 =	vld [tilespmem:s10+$0x28D0];
	(erf) = vpow2.f32 v14  }
0x2c5: {  	s14 =	sshra.s32 s14, $0x2;
	v11 =	vmul.f32 $1.442695020e+00, v11;
	(xrf2) =	vadd.scan.msk.f32 $0xffff, v9  }
0x2c6: {  	v9 =	vmul.f32 v16, v10;
	v10 =	vld [tilespmem:s10+$0x2910];
	v12, _, _ =	vpop (xrf2)  }
0x2c7: {  	v12 =	vperm.xlane v12, v1;
	v14 =	vld [tilespmem:s10+$0x28C0];
	(erf) = vpow2.f32 v11  }
0x2c8: {  	v11 =	vld [tilespmem:s10+$0x2900];
	(xrf2) =	vadd.scan.msk.f32 $0xffff, v9  }
0x2c9: {  	v9 =	vmul.f32 $1.442695020e+00, v12;
	v8 =	vadd.f32 v13, v8;
	v12 =	vld [tilespmem:s10+$0x28F0];
	v13, _, _ =	vpop (xrf2)  }
0x2ca: {  	v13 =	vperm.xlane v13, v1;
	v16 =	vld [tilespmem:s10+$0x28A0];
	v17 =	vpop (erf)  }
0x2cb: {  	v18 =	vld [tilespmem:s10+$0x28E0];
	v19 =	vmul.f32 v8, v17;
	(erf) = vpow2.f32 v9  }
0x2cc: {  	v9 =	vmul.f32 $1.442695020e+00, v13;
	v13 =	vld [tilespmem:s10+$0x28B0];
	v7 =	vadd.f32 v14, v7;
	v14, _, _ =	vpop (xrf2);
	s10 =	smov.u32 s14  }
0x2cd: {  	v20 =	vperm.xlane v14, v1;
	[tilespmem:s11+$0xFFFFFFB0] =	vst v19;
	v8 =	vpop (erf)  }
0x2ce: {  	v19 =	vmul.f32 v7, v8;
	(erf) = vpow2.f32 v9  }
0x2cf: {  	v9 =	vmul.f32 $1.442695020e+00, v20;
	v6 =	vadd.f32 v16, v6;
	v14, _, _ =	vpop (xrf2)  }
0x2d0: {  	v16 =	vperm.xlane v14, v1;
	[tilespmem:s11+$0xFFFFFFA0] =	vst v19;
	v7 =	vpop (erf)  }
0x2d1: {  	v6 =	vmul.f32 v6, v7;
	v7 =	vnsel vm0, $0x0, v7;
	(erf) = vpow2.f32 v9  }
0x2d2: {  	v9 =	vmul.f32 $1.442695020e+00, v16;
	v14, _, _ =	vpop (xrf2)  }
0x2d3: {  	v3 =	vadd.f32 v13, v3;
	v14 =	vperm.xlane v14, v1;
	[tilespmem:s11+$0xFFFFFF80] =	vst v6  }
0x2d4: {  	v6 =	vadd.f32 $0.0e+00, v7;
	v7 =	vpop (erf);
	(erf) = vpow2.f32 v9  }
0x2d5: {  	v9 =	vmul.f32 $1.442695020e+00, v14;
	v3 =	vmul.f32 v3, v7;
	v13 =	vsel vm1, $0x0, v7  }
0x2d6: {  	v4 =	vadd.f32 v18, v4;
	v6 =	vadd.f32 v13, v6  }
0x2d7: {  	[tilespmem:s11+$0xFFFFFF90] =	vst v3;
	v3 =	vsel vm2, $0x0, v8;
	v7 =	vpop (erf);
	(erf) = vpow2.f32 v9  }
0x2d8: {  	v3 =	vadd.f32 v3, v6;
	v8 =	vmul.f32 v4, v7  }
0x2d9: {  	v2 =	vadd.f32 v12, v2;
	v6 =	vsel vm3, $0x0, v17  }
0x2da: {  	v3 =	vadd.f32 v6, v3;
	[tilespmem:s11+$0xFFFFFFC0] =	vst v8;
	v4 =	vpop (erf)  }
0x2db: {  	v6 =	vsel vm4, $0x0, v7;
	v2 =	vmul.f32 v2, v4  }
0x2dc: {  	v5 =	vadd.f32 v11, v5;
	v3 =	vadd.f32 v6, v3  }
0x2dd: {  	[tilespmem:s11+$0xFFFFFFD0] =	vst v2;
	v2 =	vsel vm5, $0x0, v4;
	v4 =	vpop (erf)  }
0x2de: {  	v2 =	vadd.f32 v2, v3;
	v6 =	vmul.f32 v5, v4  }
0x2df: {  	v5 =	vadd.f32 v10, v15;
	v4 =	vsel vm6, $0x0, v4  }
0x2e0: {  	[tilespmem:s11+$0xFFFFFFE0] =	vst v6;
	v2 =	vadd.f32 v4, v2;
	v3 =	vpop (erf)  }
0x2e1: {  	v4 =	vmul.f32 v5, v3;
	v3 =	vsel vm7, $0x0, v3  }
0x2e2: {  	v2 =	vadd.f32 v3, v2  }
0x2e3: {  	[tilespmem:s11+$0xFFFFFFF0] =	vst v4  }
0x2e4: {  	[tilespmem:s11+$0x0] =	vst v2;
	s11 =	smov.u32 s12  }
0x2e5: {  	v2 =	vld [tilespmem:s10+$0xC0]  }
0x2e6: {  	v4 =	vld [tilespmem:s10+$0x14D0]  }
0x2e7: {  	v8 =	vld [tilespmem:s10+$0x3CD0]  }
0x2e8: {  	v5 =	vld [tilespmem:s10+$0x14C0]  }
0x2e9: {  	v9 =	vld [tilespmem:s10+$0xD0]  }
0x2ea: {  	v10 =	vld [tilespmem:s10+$0xB0]  }
0x2eb: {  	v6 =	vld [tilespmem:s10+$0x3CA0]  }
0x2ec: {  	v7 =	vld [tilespmem:s10+$0x3CC0]  }
0x2ed: {  	v11 =	vld [tilespmem:s10+$0xA0]  }
0x2ee: {  	v3 =	vld [tilespmem:s10+$0x3CB0];
	v9 =	vadd.f32 v9, v8  }
0x2ef: {  	v12 =	vld [tilespmem:s10+$0x14A0]  }
0x2f0: {  	v13 =	vld [tilespmem:s10+$0x14B0];
	v4 =	vmul.f32 v9, v4  }
0x2f1: {  	v2 =	vadd.f32 v2, v7;
	v9 =	vld [tilespmem:s10+$0x100]  }
0x2f2: {  	v11 =	vadd.f32 v11, v6;
	v15 =	vld [tilespmem:s10+$0xE0];
	(xrf2) =	vadd.scan.msk.f32 $0xffff, v4  }
0x2f3: {  	v4 =	vld [tilespmem:s10+$0x3CE0];
	v10 =	vadd.f32 v10, v3;
	v5 =	vmul.f32 v2, v5  }
.Ltmp6:
0x2f4: {  	v2 =	vld [tilespmem:s10+$0x3CF0];
	v14 =	vmul.f32 v11, v12;
	(pc) =	sbr.rel @p0 .LBB2_15-.Ltmp6, $4  }
0x2f5: {  	v12 =	vmul.f32 v10, v13;
	v10 =	vld [tilespmem:s10+$0x14E0];
	(xrf2) =	vadd.scan.msk.f32 $0xffff, v5  }
0x2f6: {  	v13 =	vld [tilespmem:s10+$0xF0]  }
0x2f7: {  	v11 =	vld [tilespmem:s10+$0x14F0]  }
0x2f8: {  	v5 =	vld [tilespmem:s10+$0x3D00];
	v15 =	vadd.f32 v15, v4  }
0x2f9: {  	(xrf2) =	vadd.scan.msk.f32 $0xffff, v14;
	_ =	sdelay $0x1  }
0x2fa: {  	v23 =	vld [tilespmem:s10+$0x110];
	(xrf2) =	vadd.scan.msk.f32 $0xffff, v12  }
0x2fb: {  	v17 =	vld [tilespmem:s10+$0x3D10]  }
0x2fc: {  	v22 =	vld [tilespmem:s10+$0x1500]  }
0x2fd: {  	v27 =	vld [tilespmem:s10+$0x1510];
	v13 =	vadd.f32 v13, v2  }
0x2fe: {  	v10 =	vmul.f32 v15, v10;
	v16, _, _ =	vpop (xrf2)  }
0x2ff: {  	v24 =	vperm.xlane v16, v1;
	v11 =	vmul.f32 v13, v11;
	v9 =	vadd.f32 v9, v5;
	v25, _, _ =	vpop (xrf2)  }
0x300: {  	(xrf2) =	vadd.scan.msk.f32 $0xffff, v10;
	v31 =	vadd.f32 v23, v17;
	v26 =	vperm.xlane v25, v1  }
0x301: {  	v15 =	vmul.f32 $1.442695020e+00, v24;
	v9 =	vmul.f32 v9, v22;
	(xrf2) =	vadd.scan.msk.f32 $0xffff, v11  }
0x302: {  	v33 =	vmul.f32 v31, v27;
	v28 =	vmul.f32 $1.442695020e+00, v26;
	v29, _, _ =	vpop (xrf2)  }
0x303: {  	(erf) = vpow2.f32 v15;
	v30 =	vperm.xlane v29, v1  }
0x304: {  	(xrf2) =	vadd.scan.msk.f32 $0xffff, v9;
	(erf) = vpow2.f32 v28;
	v34, _, _ =	vpop (xrf2)  }
0x305: {  	(xrf2) =	vadd.scan.msk.f32 $0xffff, v33;
	v11 =	vperm.xlane v34, v1;
	v32 =	vmul.f32 $1.442695020e+00, v30;
	_ =	sdelay $0x1  }
0x306: {  	v35 =	vmul.f32 $1.442695020e+00, v11;
	(erf) = vpow2.f32 v32;
	_ =	sdelay $0x1  }
0x307: {  	(erf) = vpow2.f32 v35  }
0x308: {  	v36, _, _ =	vpop (xrf2)  }
0x309: {  	v9 =	vperm.xlane v36, v1;
	v37, _, _ =	vpop (xrf2)  }
0x30a: {  	v38 =	vpop (erf);
	v10 =	vperm.xlane v37, v1  }
0x30b: {  	v9 =	vmul.f32 $1.442695020e+00, v9;
	v39 =	vpop (erf)  }
0x30c: {  	v10 =	vmul.f32 $1.442695020e+00, v10;
	v40, _, _ =	vpop (xrf2)  }
0x30d: {  	(erf) = vpow2.f32 v9;
	v41 =	vperm.xlane v40, v1;
	v43, _, _ =	vpop (xrf2)  }
0x30e: {  	(erf) = vpow2.f32 v10;
	v42 =	vpop (erf)  }
0x30f: {  	v44 =	vld [tilespmem:s10+$0x28D0];
	v10 =	vperm.xlane v43, v1;
	v9 =	vmul.f32 $1.442695020e+00, v41;
	v45 =	vnsel vm0, $0x0, v42  }
0x310: {  	v46 =	vld [tilespmem:s10+$0x28C0];
	v18 =	vpop (erf);
	v15 =	vadd.f32 $0.0e+00, v45  }
0x311: {  	v19 =	vld [tilespmem:s10+$0x28A0];
	v47 =	vmul.f32 $1.442695020e+00, v10;
	(erf) = vpow2.f32 v9;
	v48 =	vsel vm1, $0x0, v18  }
0x312: {  	v20 =	vld [tilespmem:s10+$0x28B0];
	v10 =	vadd.f32 v48, v15  }
0x313: {  	v49 =	vld [tilespmem:s10+$0x28E0];
	v21 =	vsel vm2, $0x0, v39;
	(erf) = vpow2.f32 v47  }
0x314: {  	v50 =	vld [tilespmem:s10+$0x28F0];
	v8 =	vadd.f32 v44, v8;
	v10 =	vadd.f32 v21, v10  }
0x315: {  	v51 =	vld [tilespmem:s10+$0x2900];
	v7 =	vadd.f32 v46, v7;
	v52 =	vsel vm3, $0x0, v38  }
0x316: {  	v54 =	vld [tilespmem:s10+$0x2910];
	v6 =	vadd.f32 v19, v6;
	v8 =	vmul.f32 v8, v38;
	v53 =	vpop (erf);
	v10 =	vadd.f32 v52, v10  }
0x317: {  	v3 =	vadd.f32 v20, v3;
	v7 =	vmul.f32 v7, v39;
	v55 =	vsel vm4, $0x0, v53  }
0x318: {  	v4 =	vadd.f32 v49, v4;
	[tilespmem:s11+$0xFFFFFFB0] =	vst v8;
	v6 =	vmul.f32 v6, v42;
	v56 =	vpop (erf);
	v10 =	vadd.f32 v55, v10  }
0x319: {  	v2 =	vadd.f32 v50, v2;
	[tilespmem:s11+$0xFFFFFFA0] =	vst v7;
	v3 =	vmul.f32 v3, v18;
	v57 =	vsel vm5, $0x0, v56  }
0x31a: {  	v58 =	vadd.f32 v51, v5;
	[tilespmem:s11+$0xFFFFFF80] =	vst v6;
	v4 =	vmul.f32 v4, v53;
	v59 =	vpop (erf);
	v7 =	vadd.f32 v57, v10  }
0x31b: {  	[tilespmem:s11+$0xFFFFFF90] =	vst v3;
	v3 =	vadd.f32 v54, v17;
	v2 =	vmul.f32 v2, v56;
	v60 =	vsel vm6, $0x0, v59  }
0x31c: {  	[tilespmem:s11+$0xFFFFFFC0] =	vst v4;
	v61 =	vmul.f32 v58, v59;
	v63 =	vpop (erf);
	v62 =	vadd.f32 v60, v7  }
0x31d: {  	[tilespmem:s11+$0xFFFFFFD0] =	vst v2;
	v2 =	vmul.f32 v3, v63;
	v3 =	vsel vm7, $0x0, v63  }
0x31e: {  	s9 =	sadd.s32 $0x1, s9;
	[tilespmem:s11+$0xFFFFFFE0] =	vst v61;
	v3 =	vadd.f32 v3, v62  }
0x31f: {  	p0 =	sne.s32 s9, $0x7D;
	[tilespmem:s11+$0xFFFFFFF0] =	vst v2  }
.Ltmp7:
0x320: {  	[tilespmem:s11+$0x0] =	vst v3;
	(pc) =	sbr.rel @p0 .LBB2_6-.Ltmp7, $4  }
0x321: {  	[spmem:s2] =	stream.indirect.scatter.add.f32 [tilespmem:s21], [sflag:$0x3], $0x90, s22, s22, $0xb8;
	[tilespmem:$0x1E5C0] =	vst v63  }
0x322: {  	_ =	swait.ge [sflag:s19], $0x2D00  }
0x323: {  	[sflag:s19] =	ssyncset.done $0x0  }
0x324: {  	[sflag:s19] =	ssyncadd.s32 $0xFFFFD300  }
0x325: {  	[bflag:$0x0] =	sbarrier.arrive $0xFFFF;
	s8 =	sadd.s32 $0x0, s16  }
0x326: {  	[tilespmem:s18], [sflag:$0x3] =	stream.linear.gather [hbm4b:s8+s4], $0x20, $0x38;
	[tilespmem:$0x1E5C0] =	vst v63  }
0x327: {  	_ =	swait.ge [sflag:s19], $0x20  }
0x328: {  	[sflag:s19] =	ssyncset.done $0x0  }
0x329: {  	[sflag:s19] =	ssyncadd.s32 $0xFFFFFFE0  }
0x32a: {  	[tilespmem:s21], [sflag:$0x1] =	stream.indirect.gather [spmem:s2], $0x90, s18, s20, $0xb8;
	[tilespmem:$0x1E5C0] =	vst v63  }
0x32b: {  	_ =	swait.ge [sflag:s15], $0x1200  }
0x32c: {  	[sflag:s15] =	ssyncset.done $0x0  }
0x32d: {  	s29 =	rddreg [dreg:$0xd];
	[sflag:s15] =	ssyncadd.s32 $0xFFFFEE00  }
0x32e: {  	[hbm4b:s29+s4] =	stream.linear.scatter [tilespmem:s21], [sflag:$0x3], $0x1200, $0x38;
	[tilespmem:$0x1E5C0] =	vst v63  }
0x32f: {  	s9 =	simm.s32 $0x4;
	_ =	swait.ge [sflag:s19], $0x1200  }
0x330: {  	s10 =	simm.s32 $0x8;
	s8 =	sadd.s32 $0x240, s29;
	[sflag:s19] =	ssyncset.done $0x0  }
.LBB2_18:
0x331: {  	s11 =	sadd.s32 s9, s16  }
0x332: {  	[sflag:s19] =	ssyncadd.s32 $0xFFFFEE00;
	s9 =	smov.u32 s10;
	s12 =	sadd.s32 $0x4, s10  }
0x333: {  	[tilespmem:s18], [sflag:$0x3] =	stream.linear.gather [hbm4b:s11+s4], $0x20, $0x38;
	[tilespmem:$0x1E5C0] =	vst v63  }
0x334: {  	p0 =	sne.s32 s10, $0x4C;
	_ =	swait.ge [sflag:s19], $0x20  }
0x335: {  	[sflag:s19] =	ssyncset.done $0x0  }
0x336: {  	[sflag:s19] =	ssyncadd.s32 $0xFFFFFFE0  }
0x337: {  	[tilespmem:s21], [sflag:$0x1] =	stream.indirect.gather [spmem:s2], $0x90, s18, s20, $0xb8;
	[tilespmem:$0x1E5C0] =	vst v63  }
0x338: {  	_ =	swait.ge [sflag:s15], $0x1200  }
.Ltmp8:
0x339: {  	[sflag:s15] =	ssyncset.done $0x0;
	(pc) =	sbr.rel @p0 .LBB2_18-.Ltmp8, $4  }
0x33a: {  	[sflag:s15] =	ssyncadd.s32 $0xFFFFEE00  }
0x33b: {  	[hbm4b:s8+s4] =	stream.linear.scatter [tilespmem:s21], [sflag:$0x3], $0x1200, $0x38;
	[tilespmem:$0x1E5C0] =	vst v63  }
0x33c: {  	_ =	swait.ge [sflag:s19], $0x1200  }
0x33d: {  	s10 =	smov.u32 s12;
	s8 =	sadd.s32 $0x240, s8;
	[sflag:s19] =	ssyncset.done $0x0  }
0x33e: {  	s9 =	sadd.s32 s9, s16;
	[sflag:s19] =	ssyncadd.s32 $0xFFFFEE00  }
0x33f: {  	[tilespmem:s18], [sflag:$0x3] =	stream.linear.gather [hbm4b:s9+s4], $0x20, $0x38;
	[tilespmem:$0x1E5C0] =	vst v63  }
0x340: {  	_ =	swait.ge [sflag:s19], $0x20  }
0x341: {  	[sflag:s19] =	ssyncset.done $0x0  }
0x342: {  	[sflag:s19] =	ssyncadd.s32 $0xFFFFFFE0  }
0x343: {  	[tilespmem:s21], [sflag:$0x1] =	stream.indirect.gather [spmem:s2], $0x90, s18, s20, $0xb8;
	[tilespmem:$0x1E5C0] =	vst v63  }
0x344: {  	_ =	swait.ge [sflag:s15], $0x1200  }
0x345: {  	[sflag:s15] =	ssyncset.done $0x0  }
0x346: {  	[sflag:s15] =	ssyncadd.s32 $0xFFFFEE00  }
0x347: {  	[hbm4b:s8+s4] =	stream.linear.scatter [tilespmem:s21], [sflag:$0x3], $0x1200, $0x38;
	[tilespmem:$0x1E5C0] =	vst v63  }
0x348: {  	_ =	swait.ge [sflag:s19], $0x1200  }
0x349: {  	s14 =	rddreg [dreg:$0xe]  }
0x34a: {  	s29 =	rddreg [dreg:$0xc];
	s9 =	sadd.s32 $0x1, s14  }
0x34b: {  	p0 =	sne.s32 s9, s29  }
.Ltmp9:
0x34c: {  	_ = 	snop;
	(pc) =	sbr.rel @p0 .LBB2_1-.Ltmp9, $3  }
0x34d: {  	_ =	sdelay $0x1  }
0x34e: {  	[sflag:s19] =	ssyncset.done $0x0  }
0x34f: {  	[sflag:s19] =	ssyncadd.s32 $0xFFFFEE00  }
0x350: {  	_ =	sfence.sel $0x180000  }
0x351: {  	[bflag:$0x0] =	sbarrier.arrive $0xFFFF  }
0x352: {  	_ =	strace $0x90000047  }
0x353: {  	s0 =	stileid.u32;
	[bflag:$0x2] =	sbarrier.arrive $0xFFFF  }
0x354: {  	p0 =	sne.s32 s0, $0x0;
	s0 =	rddreg [dreg:$0x3]  }
0x355: {  	s0 =	sadd.s32 @!p0 $0x100000, s0  }
0x356: {  	[sflag:s0] =	ssyncadd.tile.s32 @!p0 $0x1;
	_ =	shalt  }
.Lfunc_end2:
_tile_overlayer_lowered:
.L_overlay_start_2:
0x357: {  	(tag) =	ssettag $0x2  }
0x358: {  	s0 =	rddreg [dreg:$0x0];
	s2 =	stileid.u32  }
0x359: {  	s1 =	rddreg [dreg:$0x1];
	p0 =	sne.s32 s2, $0x0  }
0x35a: {  	s3 =	rddreg [dreg:$0x2];
	[bflag:$0x3] =	sbarrier.arrive $0xFFFF;
	s2 =	simm.s32 @!p0 $0x1C03  }
0x35b: {  	[timem:s3], [sflag:s2] =	dma.local @!p0 [hbm:s0], s1  }
0x35c: {  	s0 =	simm.s32 @!p0 $0x3  }
0x35d: {  	_ =	swait.ge @!p0 [sflag:s0], s1  }
0x35e: {  	s1 =	ssub.s32 @!p0 $0x0, s1;
	[sflag:s0] =	ssyncset.done @!p0 $0x0  }
0x35f: {  	[sflag:s0] =	ssyncadd.s32 @!p0 s1  }
0x360: {  	[bflag:$0x3] =	sbarrier.arrive $0xFFFF  }
0x361: {  	_ =	shalt  }

</sc_bundles>
